<compile_context>
chip_gen: v7x
topology: tpu7x:2x2x1
jax: 0.10.2.dev20260603
libtpu: 0.0.44.dev20260713+nightly
codegen_flags: <defaults>
</compile_context>

<pallas_src>
import functools

import jax
import jax.numpy as jnp
from jax import lax
from jax.experimental import pallas as pl
from jax.experimental.pallas import tpu as pltpu
from jax.experimental.pallas import tpu_sc as plsc

D = 32
NC = 2
NS = 16
NW = NC * NS
CHUNK = 512
GATHER_W = 128
NBUF = 4
UNROLL = 8


def _make_kernel(E):
    per_w = E // NW
    n_chunks = per_w // CHUNK
    assert n_chunks % NBUF == 0 and n_chunks >= 2 * NBUF
    mesh = plsc.VectorSubcoreMesh(core_axis_name="c", subcore_axis_name="s")

    @functools.partial(
        pl.kernel,
        out_type=jax.ShapeDtypeStruct((E,), jnp.float32),
        mesh=mesh,
        compiler_params=pltpu.CompilerParams(
            needs_layout_passes=False, use_tc_tiling_on_sc=False),
        scratch_types=[
            [pltpu.VMEM((CHUNK,), jnp.int32)] * NBUF,
            [pltpu.VMEM((CHUNK,), jnp.int32)] * NBUF,
            [pltpu.VMEM((CHUNK, D), jnp.bfloat16)] * NBUF,
            [pltpu.VMEM((CHUNK, D), jnp.bfloat16)] * NBUF,
            [pltpu.VMEM((CHUNK,), jnp.float32)] * NBUF,
            pltpu.VMEM((CHUNK * 16,), jnp.float32),
            [pltpu.SemaphoreType.DMA] * NBUF,
            [pltpu.SemaphoreType.DMA] * NBUF,
            [pltpu.SemaphoreType.DMA] * NBUF,
        ],
    )
    def k(table, src, dst, out, idx_s, idx_d, rows_s, rows_d, scores, csum,
          sem_i, sem_g, sem_o):
        wid = lax.axis_index("s") * NC + lax.axis_index("c")
        w_base = wid * per_w

        def fire_idx(g, b):
            base = w_base + g * CHUNK
            pltpu.async_copy(src.at[pl.ds(base, CHUNK)], idx_s[b], sem_i[b])
            pltpu.async_copy(dst.at[pl.ds(base, CHUNK)], idx_d[b], sem_i[b])

        def wait_idx(b):
            pltpu.make_async_copy(
                src.at[pl.ds(0, CHUNK)], idx_s[b], sem_i[b]).wait()
            pltpu.make_async_copy(
                dst.at[pl.ds(0, CHUNK)], idx_d[b], sem_i[b]).wait()

        def fire_gathers(b):
            for j in range(CHUNK // GATHER_W):
                sl = pl.ds(j * GATHER_W, GATHER_W)
                pltpu.async_copy(
                    table.at[idx_s[b].at[sl]], rows_s[b].at[sl], sem_g[b])
                pltpu.async_copy(
                    table.at[idx_d[b].at[sl]], rows_d[b].at[sl], sem_g[b])

        def wait_gathers(b):
            for j in range(CHUNK // GATHER_W):
                sl = pl.ds(j * GATHER_W, GATHER_W)
                pltpu.make_async_copy(
                    table.at[idx_s[b].at[sl]], rows_s[b].at[sl],
                    sem_g[b]).wait()
                pltpu.make_async_copy(
                    table.at[idx_d[b].at[sl]], rows_d[b].at[sl],
                    sem_g[b]).wait()

        def fire_out(g, b):
            base = w_base + g * CHUNK
            pltpu.async_copy(scores[b], out.at[pl.ds(base, CHUNK)], sem_o[b])

        def wait_out(b):
            pltpu.make_async_copy(
                scores[b], out.at[pl.ds(0, CHUNK)], sem_o[b]).wait()

        last_lane = lax.iota(jnp.int32, 16) * 16 + 15

        def compute(b):
            def edge_body(it, c2):
                e = it * UNROLL
                for u in range(UNROLL):
                    s = rows_s[b][e + u, :]
                    t = rows_d[b][e + u, :]
                    q = s * t
                    qe, qo = plsc.unpack(q, format=plsc.PackFormat.INTERLEAVED)
                    p = qe + qo
                    csum[pl.ds((e + u) * 16, 16)] = jnp.cumsum(p)
                return c2

            lax.fori_loop(0, CHUNK // UNROLL, edge_body, 0)

            def col_body(grp, c2):
                ids = grp * 256 + last_lane
                scores[b][pl.ds(grp * 16, 16)] = plsc.load_gather(csum, [ids])
                return c2

            lax.fori_loop(0, CHUNK // 16, col_body, 0)

        for b in range(NBUF - 1):
            fire_idx(b, b)
        for b in range(NBUF - 1):
            wait_idx(b)
            fire_gathers(b)
        fire_idx(NBUF - 1, NBUF - 1)

        def ring_body(qi, carry):
            for u in range(NBUF):
                b = u
                g = qi * NBUF + u
                wait_gathers(b)
                wait_idx((u + NBUF - 1) % NBUF)
                fire_gathers((u + NBUF - 1) % NBUF)
                fire_idx(g + NBUF, b)

                @pl.when(qi > 0)
                def _():
                    wait_out(b)

                compute(b)
                fire_out(g, b)
            return carry

        lax.fori_loop(0, n_chunks // NBUF - 1, ring_body, 0)

        for u in range(NBUF):
            g = n_chunks - NBUF + u
            b = g % NBUF
            wait_gathers(b)
            if u == 0:
                wait_idx((b + NBUF - 1) % NBUF)
                fire_gathers((b + NBUF - 1) % NBUF)
            wait_out(b)
            compute(b)
            fire_out(g, b)
        for b in range(NBUF):
            wait_out(b)

    return k


def kernel(embedding, edge_index):
    E = edge_index.shape[1]
    edges = edge_index.astype(jnp.int32)
    table = embedding.astype(jnp.bfloat16)
    scores = _make_kernel(E)(table, edges[0], edges[1])
    return scores.reshape(E, 1)

# --- scband reference (transcript-rebuilt; emitter-appended) ---
"""Pipeline reference for scband-base-18081812316991 (READ-ONLY COPY).

The authoritative reference and input builder live on the scoring server;
editing this copy changes nothing except your own understanding.
"""

import jax, jax.numpy as jnp
import numpy as np

NUM_USERS = 200000
NUM_ITEMS = 800000
NUM_NODES = NUM_USERS + NUM_ITEMS
EMBED_DIM = 32
NUM_EDGES = 1048576
SCALE = 0.1


def setup_inputs(seed: int = 0) -> dict:
    key = jax.random.key(seed)
    k1, k2 = jax.random.split(key)
    # Learned parameter: embedding table init uniform(-scale, scale) as in reset_parameters
    embedding = jax.random.uniform(k1, (NUM_NODES, EMBED_DIM), dtype=jnp.float32, minval=-SCALE, maxval=SCALE)
    edge_index = jax.random.randint(k2, (2, NUM_EDGES), 0, NUM_NODES, dtype=jnp.int64 if jax.config.jax_enable_x64 else jnp.int32)
    return {"embedding": embedding, "edge_index": edge_index}


def reference(embedding, edge_index):
    # compute_embedding(): base-class identity lookup of all node embeddings
    out = embedding
    # forward(): gather src/dst node embeddings for each edge
    out_src = jnp.take(out, edge_index[0], axis=0)   # [E, d]
    out_dst = jnp.take(out, edge_index[1], axis=0)   # [E, d]
    # score_function(): dot-product score per edge -> [E, 1]
    scores = jnp.sum(out_src * out_dst, axis=-1, keepdims=True)
    return scores

if __name__ == "__main__":
    import jax
    _d = setup_inputs()
    print(jax.jit(kernel)(*tuple(_d.values())))

</pallas_src>

<mosaic_0001>
#map = affine_map<(d0, d1) -> (0, 0)>
#map1 = affine_map<(d0, d1) -> (0)>
module attributes {stable_mosaic.version = 14 : i64} {
  func.func @k(%arg0: i32, %arg1: i32, %arg2: memref<1000000x32xbf16, #tpu.memory_space<hbm>>, %arg3: memref<1048576xi32, #tpu.memory_space<hbm>>, %arg4: memref<1048576xi32, #tpu.memory_space<hbm>>, %arg5: memref<1048576xf32, #tpu.memory_space<hbm>>, %arg6: memref<512xi32, #tpu.memory_space<vmem>>, %arg7: memref<512xi32, #tpu.memory_space<vmem>>, %arg8: memref<512xi32, #tpu.memory_space<vmem>>, %arg9: memref<512xi32, #tpu.memory_space<vmem>>, %arg10: memref<512xi32, #tpu.memory_space<vmem>>, %arg11: memref<512xi32, #tpu.memory_space<vmem>>, %arg12: memref<512xi32, #tpu.memory_space<vmem>>, %arg13: memref<512xi32, #tpu.memory_space<vmem>>, %arg14: memref<512x32xbf16, #tpu.memory_space<vmem>>, %arg15: memref<512x32xbf16, #tpu.memory_space<vmem>>, %arg16: memref<512x32xbf16, #tpu.memory_space<vmem>>, %arg17: memref<512x32xbf16, #tpu.memory_space<vmem>>, %arg18: memref<512x32xbf16, #tpu.memory_space<vmem>>, %arg19: memref<512x32xbf16, #tpu.memory_space<vmem>>, %arg20: memref<512x32xbf16, #tpu.memory_space<vmem>>, %arg21: memref<512x32xbf16, #tpu.memory_space<vmem>>, %arg22: memref<512xf32, #tpu.memory_space<vmem>>, %arg23: memref<512xf32, #tpu.memory_space<vmem>>, %arg24: memref<512xf32, #tpu.memory_space<vmem>>, %arg25: memref<512xf32, #tpu.memory_space<vmem>>, %arg26: memref<8192xf32, #tpu.memory_space<vmem>>, %arg27: memref<!tpu.dma_semaphore, #tpu.memory_space<semaphore_mem>>, %arg28: memref<!tpu.dma_semaphore, #tpu.memory_space<semaphore_mem>>, %arg29: memref<!tpu.dma_semaphore, #tpu.memory_space<semaphore_mem>>, %arg30: memref<!tpu.dma_semaphore, #tpu.memory_space<semaphore_mem>>, %arg31: memref<!tpu.dma_semaphore, #tpu.memory_space<semaphore_mem>>, %arg32: memref<!tpu.dma_semaphore, #tpu.memory_space<semaphore_mem>>, %arg33: memref<!tpu.dma_semaphore, #tpu.memory_space<semaphore_mem>>, %arg34: memref<!tpu.dma_semaphore, #tpu.memory_space<semaphore_mem>>, %arg35: memref<!tpu.dma_semaphore, #tpu.memory_space<semaphore_mem>>, %arg36: memref<!tpu.dma_semaphore, #tpu.memory_space<semaphore_mem>>, %arg37: memref<!tpu.dma_semaphore, #tpu.memory_space<semaphore_mem>>, %arg38: memref<!tpu.dma_semaphore, #tpu.memory_space<semaphore_mem>>) attributes {dimension_semantics = [#tpu.dimension_semantics<core_parallel>, #tpu.dimension_semantics<subcore_parallel>], iteration_bounds = array<i64: 2, 16>, scalar_prefetch = 0 : i64, scratch_operands = 33 : i64, tpu.core_type = #tpu.core_type<sc_vector_subcore>, window_params = [{transform_indices = #map}, {transform_indices = #map1}, {transform_indices = #map1}, {transform_indices = #map1}]} {
    %mul3A = arith.constant 2 : i32
    %mul3A_0 = arith.muli %arg1, %mul3A : i32
    %add3A = arith.addi %mul3A_0, %arg0 : i32
    %mul3A_1 = arith.constant 32768 : i32
    %mul3A_2 = arith.muli %add3A, %mul3A_1 : i32
    %iota3A = tpu.iota {dimensions = array<i32: 0>} : vector<16xi32>
    %mul3A_3 = arith.constant 16 : i32
    %mul3A_4 = vector.broadcast %mul3A_3 : i32 to vector<16xi32>
    %mul3A_5 = arith.muli %iota3A, %mul3A_4 : vector<16xi32>
    %add3A_6 = arith.constant 15 : i32
    %add3A_7 = vector.broadcast %add3A_6 : i32 to vector<16xi32>
    %add3A_8 = arith.addi %mul3A_5, %add3A_7 : vector<16xi32>
    %add3A_9 = arith.constant 0 : i32
    %add3A_10 = arith.addi %mul3A_2, %add3A_9 : i32
    %dma_start3A = tpu.memref_slice %arg3[%add3A_10] : memref<1048576xi32, #tpu.memory_space<hbm>> -> memref<512xi32, #tpu.memory_space<hbm>>
    %dma_start3A_11 = tpu.memref_slice %arg3[%add3A_10] : memref<1048576xi32, #tpu.memory_space<hbm>> -> memref<512xi32, #tpu.memory_space<hbm>>
    tpu.enqueue_dma source(%dma_start3A_11 : memref<512xi32, #tpu.memory_space<hbm>>) target(%arg6 : memref<512xi32, #tpu.memory_space<vmem>>) target_semaphore(%arg27 : memref<!tpu.dma_semaphore, #tpu.memory_space<semaphore_mem>>)
    %dma_start3A_12 = tpu.memref_slice %arg4[%add3A_10] : memref<1048576xi32, #tpu.memory_space<hbm>> -> memref<512xi32, #tpu.memory_space<hbm>>
    %dma_start3A_13 = tpu.memref_slice %arg4[%add3A_10] : memref<1048576xi32, #tpu.memory_space<hbm>> -> memref<512xi32, #tpu.memory_space<hbm>>
    tpu.enqueue_dma source(%dma_start3A_13 : memref<512xi32, #tpu.memory_space<hbm>>) target(%arg10 : memref<512xi32, #tpu.memory_space<vmem>>) target_semaphore(%arg27 : memref<!tpu.dma_semaphore, #tpu.memory_space<semaphore_mem>>)
    %add3A_14 = arith.constant 512 : i32
    %add3A_15 = arith.addi %mul3A_2, %add3A_14 : i32
    %dma_start3A_16 = tpu.memref_slice %arg3[%add3A_15] : memref<1048576xi32, #tpu.memory_space<hbm>> -> memref<512xi32, #tpu.memory_space<hbm>>
    %dma_start3A_17 = tpu.memref_slice %arg3[%add3A_15] : memref<1048576xi32, #tpu.memory_space<hbm>> -> memref<512xi32, #tpu.memory_space<hbm>>
    tpu.enqueue_dma source(%dma_start3A_17 : memref<512xi32, #tpu.memory_space<hbm>>) target(%arg7 : memref<512xi32, #tpu.memory_space<vmem>>) target_semaphore(%arg28 : memref<!tpu.dma_semaphore, #tpu.memory_space<semaphore_mem>>)
    %dma_start3A_18 = tpu.memref_slice %arg4[%add3A_15] : memref<1048576xi32, #tpu.memory_space<hbm>> -> memref<512xi32, #tpu.memory_space<hbm>>
    %dma_start3A_19 = tpu.memref_slice %arg4[%add3A_15] : memref<1048576xi32, #tpu.memory_space<hbm>> -> memref<512xi32, #tpu.memory_space<hbm>>
    tpu.enqueue_dma source(%dma_start3A_19 : memref<512xi32, #tpu.memory_space<hbm>>) target(%arg11 : memref<512xi32, #tpu.memory_space<vmem>>) target_semaphore(%arg28 : memref<!tpu.dma_semaphore, #tpu.memory_space<semaphore_mem>>)
    %add3A_20 = arith.constant 1024 : i32
    %add3A_21 = arith.addi %mul3A_2, %add3A_20 : i32
    %dma_start3A_22 = tpu.memref_slice %arg3[%add3A_21] : memref<1048576xi32, #tpu.memory_space<hbm>> -> memref<512xi32, #tpu.memory_space<hbm>>
    %dma_start3A_23 = tpu.memref_slice %arg3[%add3A_21] : memref<1048576xi32, #tpu.memory_space<hbm>> -> memref<512xi32, #tpu.memory_space<hbm>>
    tpu.enqueue_dma source(%dma_start3A_23 : memref<512xi32, #tpu.memory_space<hbm>>) target(%arg8 : memref<512xi32, #tpu.memory_space<vmem>>) target_semaphore(%arg29 : memref<!tpu.dma_semaphore, #tpu.memory_space<semaphore_mem>>)
    %dma_start3A_24 = tpu.memref_slice %arg4[%add3A_21] : memref<1048576xi32, #tpu.memory_space<hbm>> -> memref<512xi32, #tpu.memory_space<hbm>>
    %dma_start3A_25 = tpu.memref_slice %arg4[%add3A_21] : memref<1048576xi32, #tpu.memory_space<hbm>> -> memref<512xi32, #tpu.memory_space<hbm>>
    tpu.enqueue_dma source(%dma_start3A_25 : memref<512xi32, #tpu.memory_space<hbm>>) target(%arg12 : memref<512xi32, #tpu.memory_space<vmem>>) target_semaphore(%arg29 : memref<!tpu.dma_semaphore, #tpu.memory_space<semaphore_mem>>)
    %dma_wait3A = arith.constant 0 : i32
    %dma_wait3A_26 = tpu.memref_slice %arg3[%dma_wait3A] : memref<1048576xi32, #tpu.memory_space<hbm>> -> memref<512xi32, #tpu.memory_space<hbm>>
    %dma_wait3A_27 = arith.constant 0 : i32
    %dma_wait3A_28 = tpu.memref_slice %arg3[%dma_wait3A_27] : memref<1048576xi32, #tpu.memory_space<hbm>> -> memref<512xi32, #tpu.memory_space<hbm>>
    tpu.wait_dma2 semaphore(%arg27 : memref<!tpu.dma_semaphore, #tpu.memory_space<semaphore_mem>>) src(%dma_wait3A_28 : memref<512xi32, #tpu.memory_space<hbm>>) dst(%arg6 : memref<512xi32, #tpu.memory_space<vmem>>)
    %dma_wait3A_29 = arith.constant 0 : i32
    %dma_wait3A_30 = tpu.memref_slice %arg4[%dma_wait3A_29] : memref<1048576xi32, #tpu.memory_space<hbm>> -> memref<512xi32, #tpu.memory_space<hbm>>
    %dma_wait3A_31 = arith.constant 0 : i32
    %dma_wait3A_32 = tpu.memref_slice %arg4[%dma_wait3A_31] : memref<1048576xi32, #tpu.memory_space<hbm>> -> memref<512xi32, #tpu.memory_space<hbm>>
    tpu.wait_dma2 semaphore(%arg27 : memref<!tpu.dma_semaphore, #tpu.memory_space<semaphore_mem>>) src(%dma_wait3A_32 : memref<512xi32, #tpu.memory_space<hbm>>) dst(%arg10 : memref<512xi32, #tpu.memory_space<vmem>>)
    %dma_start3A_33 = arith.constant 0 : i32
    %dma_start3A_34 = arith.constant 0 : i32
    %dma_start3A_35 = tpu.memref_slice %arg14[%dma_start3A_33, %dma_start3A_34] : memref<512x32xbf16, #tpu.memory_space<vmem>> -> memref<128x32xbf16, #tpu.memory_space<vmem>>
    %dma_start3A_36 = arith.constant 0 : i32
    %dma_start3A_37 = tpu.memref_slice %arg6[%dma_start3A_36] : memref<512xi32, #tpu.memory_space<vmem>> -> memref<128xi32, #tpu.memory_space<vmem>>
    %dma_start3A_38 = arith.constant 0 : i32
    %dma_start3A_39 = arith.constant 0 : i32
    %dma_start3A_40 = tpu.memref_slice %arg2[%dma_start3A_38, %dma_start3A_39] : memref<1000000x32xbf16, #tpu.memory_space<hbm>> -> memref<1000000x32xbf16, #tpu.memory_space<hbm>>
    tpu.enqueue_indirect_dma source(%dma_start3A_40 : memref<1000000x32xbf16, #tpu.memory_space<hbm>>) target(%dma_start3A_35 : memref<128x32xbf16, #tpu.memory_space<vmem>>) offsets(%dma_start3A_37 : memref<128xi32, #tpu.memory_space<vmem>>) semaphore(%arg31 : memref<!tpu.dma_semaphore, #tpu.memory_space<semaphore_mem>>)
    %dma_start3A_41 = arith.constant 0 : i32
    %dma_start3A_42 = arith.constant 0 : i32
    %dma_start3A_43 = tpu.memref_slice %arg18[%dma_start3A_41, %dma_start3A_42] : memref<512x32xbf16, #tpu.memory_space<vmem>> -> memref<128x32xbf16, #tpu.memory_space<vmem>>
    %dma_start3A_44 = arith.constant 0 : i32
    %dma_start3A_45 = tpu.memref_slice %arg10[%dma_start3A_44] : memref<512xi32, #tpu.memory_space<vmem>> -> memref<128xi32, #tpu.memory_space<vmem>>
    %dma_start3A_46 = arith.constant 0 : i32
    %dma_start3A_47 = arith.constant 0 : i32
    %dma_start3A_48 = tpu.memref_slice %arg2[%dma_start3A_46, %dma_start3A_47] : memref<1000000x32xbf16, #tpu.memory_space<hbm>> -> memref<1000000x32xbf16, #tpu.memory_space<hbm>>
    tpu.enqueue_indirect_dma source(%dma_start3A_48 : memref<1000000x32xbf16, #tpu.memory_space<hbm>>) target(%dma_start3A_43 : memref<128x32xbf16, #tpu.memory_space<vmem>>) offsets(%dma_start3A_45 : memref<128xi32, #tpu.memory_space<vmem>>) semaphore(%arg31 : memref<!tpu.dma_semaphore, #tpu.memory_space<semaphore_mem>>)
    %dma_start3A_49 = arith.constant 128 : i32
    %dma_start3A_50 = arith.constant 0 : i32
    %dma_start3A_51 = tpu.memref_slice %arg14[%dma_start3A_49, %dma_start3A_50] : memref<512x32xbf16, #tpu.memory_space<vmem>> -> memref<128x32xbf16, #tpu.memory_space<vmem>>
    %dma_start3A_52 = arith.constant 128 : i32
    %dma_start3A_53 = tpu.memref_slice %arg6[%dma_start3A_52] : memref<512xi32, #tpu.memory_space<vmem>> -> memref<128xi32, #tpu.memory_space<vmem>>
    %dma_start3A_54 = arith.constant 0 : i32
    %dma_start3A_55 = arith.constant 0 : i32
    %dma_start3A_56 = tpu.memref_slice %arg2[%dma_start3A_54, %dma_start3A_55] : memref<1000000x32xbf16, #tpu.memory_space<hbm>> -> memref<1000000x32xbf16, #tpu.memory_space<hbm>>
    tpu.enqueue_indirect_dma source(%dma_start3A_56 : memref<1000000x32xbf16, #tpu.memory_space<hbm>>) target(%dma_start3A_51 : memref<128x32xbf16, #tpu.memory_space<vmem>>) offsets(%dma_start3A_53 : memref<128xi32, #tpu.memory_space<vmem>>) semaphore(%arg31 : memref<!tpu.dma_semaphore, #tpu.memory_space<semaphore_mem>>)
    %dma_start3A_57 = arith.constant 128 : i32
    %dma_start3A_58 = arith.constant 0 : i32
    %dma_start3A_59 = tpu.memref_slice %arg18[%dma_start3A_57, %dma_start3A_58] : memref<512x32xbf16, #tpu.memory_space<vmem>> -> memref<128x32xbf16, #tpu.memory_space<vmem>>
    %dma_start3A_60 = arith.constant 128 : i32
    %dma_start3A_61 = tpu.memref_slice %arg10[%dma_start3A_60] : memref<512xi32, #tpu.memory_space<vmem>> -> memref<128xi32, #tpu.memory_space<vmem>>
    %dma_start3A_62 = arith.constant 0 : i32
    %dma_start3A_63 = arith.constant 0 : i32
    %dma_start3A_64 = tpu.memref_slice %arg2[%dma_start3A_62, %dma_start3A_63] : memref<1000000x32xbf16, #tpu.memory_space<hbm>> -> memref<1000000x32xbf16, #tpu.memory_space<hbm>>
    tpu.enqueue_indirect_dma source(%dma_start3A_64 : memref<1000000x32xbf16, #tpu.memory_space<hbm>>) target(%dma_start3A_59 : memref<128x32xbf16, #tpu.memory_space<vmem>>) offsets(%dma_start3A_61 : memref<128xi32, #tpu.memory_space<vmem>>) semaphore(%arg31 : memref<!tpu.dma_semaphore, #tpu.memory_space<semaphore_mem>>)
    %dma_start3A_65 = arith.constant 256 : i32
    %dma_start3A_66 = arith.constant 0 : i32
    %dma_start3A_67 = tpu.memref_slice %arg14[%dma_start3A_65, %dma_start3A_66] : memref<512x32xbf16, #tpu.memory_space<vmem>> -> memref<128x32xbf16, #tpu.memory_space<vmem>>
    %dma_start3A_68 = arith.constant 256 : i32
    %dma_start3A_69 = tpu.memref_slice %arg6[%dma_start3A_68] : memref<512xi32, #tpu.memory_space<vmem>> -> memref<128xi32, #tpu.memory_space<vmem>>
    %dma_start3A_70 = arith.constant 0 : i32
    %dma_start3A_71 = arith.constant 0 : i32
    %dma_start3A_72 = tpu.memref_slice %arg2[%dma_start3A_70, %dma_start3A_71] : memref<1000000x32xbf16, #tpu.memory_space<hbm>> -> memref<1000000x32xbf16, #tpu.memory_space<hbm>>
    tpu.enqueue_indirect_dma source(%dma_start3A_72 : memref<1000000x32xbf16, #tpu.memory_space<hbm>>) target(%dma_start3A_67 : memref<128x32xbf16, #tpu.memory_space<vmem>>) offsets(%dma_start3A_69 : memref<128xi32, #tpu.memory_space<vmem>>) semaphore(%arg31 : memref<!tpu.dma_semaphore, #tpu.memory_space<semaphore_mem>>)
    %dma_start3A_73 = arith.constant 256 : i32
    %dma_start3A_74 = arith.constant 0 : i32
    %dma_start3A_75 = tpu.memref_slice %arg18[%dma_start3A_73, %dma_start3A_74] : memref<512x32xbf16, #tpu.memory_space<vmem>> -> memref<128x32xbf16, #tpu.memory_space<vmem>>
    %dma_start3A_76 = arith.constant 256 : i32
    %dma_start3A_77 = tpu.memref_slice %arg10[%dma_start3A_76] : memref<512xi32, #tpu.memory_space<vmem>> -> memref<128xi32, #tpu.memory_space<vmem>>
    %dma_start3A_78 = arith.constant 0 : i32
    %dma_start3A_79 = arith.constant 0 : i32
    %dma_start3A_80 = tpu.memref_slice %arg2[%dma_start3A_78, %dma_start3A_79] : memref<1000000x32xbf16, #tpu.memory_space<hbm>> -> memref<1000000x32xbf16, #tpu.memory_space<hbm>>
    tpu.enqueue_indirect_dma source(%dma_start3A_80 : memref<1000000x32xbf16, #tpu.memory_space<hbm>>) target(%dma_start3A_75 : memref<128x32xbf16, #tpu.memory_space<vmem>>) offsets(%dma_start3A_77 : memref<128xi32, #tpu.memory_space<vmem>>) semaphore(%arg31 : memref<!tpu.dma_semaphore, #tpu.memory_space<semaphore_mem>>)
    %dma_start3A_81 = arith.constant 384 : i32
    %dma_start3A_82 = arith.constant 0 : i32
    %dma_start3A_83 = tpu.memref_slice %arg14[%dma_start3A_81, %dma_start3A_82] : memref<512x32xbf16, #tpu.memory_space<vmem>> -> memref<128x32xbf16, #tpu.memory_space<vmem>>
    %dma_start3A_84 = arith.constant 384 : i32
    %dma_start3A_85 = tpu.memref_slice %arg6[%dma_start3A_84] : memref<512xi32, #tpu.memory_space<vmem>> -> memref<128xi32, #tpu.memory_space<vmem>>
    %dma_start3A_86 = arith.constant 0 : i32
    %dma_start3A_87 = arith.constant 0 : i32
    %dma_start3A_88 = tpu.memref_slice %arg2[%dma_start3A_86, %dma_start3A_87] : memref<1000000x32xbf16, #tpu.memory_space<hbm>> -> memref<1000000x32xbf16, #tpu.memory_space<hbm>>
    tpu.enqueue_indirect_dma source(%dma_start3A_88 : memref<1000000x32xbf16, #tpu.memory_space<hbm>>) target(%dma_start3A_83 : memref<128x32xbf16, #tpu.memory_space<vmem>>) offsets(%dma_start3A_85 : memref<128xi32, #tpu.memory_space<vmem>>) semaphore(%arg31 : memref<!tpu.dma_semaphore, #tpu.memory_space<semaphore_mem>>)
    %dma_start3A_89 = arith.constant 384 : i32
    %dma_start3A_90 = arith.constant 0 : i32
    %dma_start3A_91 = tpu.memref_slice %arg18[%dma_start3A_89, %dma_start3A_90] : memref<512x32xbf16, #tpu.memory_space<vmem>> -> memref<128x32xbf16, #tpu.memory_space<vmem>>
    %dma_start3A_92 = arith.constant 384 : i32
    %dma_start3A_93 = tpu.memref_slice %arg10[%dma_start3A_92] : memref<512xi32, #tpu.memory_space<vmem>> -> memref<128xi32, #tpu.memory_space<vmem>>
    %dma_start3A_94 = arith.constant 0 : i32
    %dma_start3A_95 = arith.constant 0 : i32
    %dma_start3A_96 = tpu.memref_slice %arg2[%dma_start3A_94, %dma_start3A_95] : memref<1000000x32xbf16, #tpu.memory_space<hbm>> -> memref<1000000x32xbf16, #tpu.memory_space<hbm>>
    tpu.enqueue_indirect_dma source(%dma_start3A_96 : memref<1000000x32xbf16, #tpu.memory_space<hbm>>) target(%dma_start3A_91 : memref<128x32xbf16, #tpu.memory_space<vmem>>) offsets(%dma_start3A_93 : memref<128xi32, #tpu.memory_space<vmem>>) semaphore(%arg31 : memref<!tpu.dma_semaphore, #tpu.memory_space<semaphore_mem>>)
    %dma_wait3A_97 = arith.constant 0 : i32
    %dma_wait3A_98 = tpu.memref_slice %arg3[%dma_wait3A_97] : memref<1048576xi32, #tpu.memory_space<hbm>> -> memref<512xi32, #tpu.memory_space<hbm>>
    %dma_wait3A_99 = arith.constant 0 : i32
    %dma_wait3A_100 = tpu.memref_slice %arg3[%dma_wait3A_99] : memref<1048576xi32, #tpu.memory_space<hbm>> -> memref<512xi32, #tpu.memory_space<hbm>>
    tpu.wait_dma2 semaphore(%arg28 : memref<!tpu.dma_semaphore, #tpu.memory_space<semaphore_mem>>) src(%dma_wait3A_100 : memref<512xi32, #tpu.memory_space<hbm>>) dst(%arg7 : memref<512xi32, #tpu.memory_space<vmem>>)
    %dma_wait3A_101 = arith.constant 0 : i32
    %dma_wait3A_102 = tpu.memref_slice %arg4[%dma_wait3A_101] : memref<1048576xi32, #tpu.memory_space<hbm>> -> memref<512xi32, #tpu.memory_space<hbm>>
    %dma_wait3A_103 = arith.constant 0 : i32
    %dma_wait3A_104 = tpu.memref_slice %arg4[%dma_wait3A_103] : memref<1048576xi32, #tpu.memory_space<hbm>> -> memref<512xi32, #tpu.memory_space<hbm>>
    tpu.wait_dma2 semaphore(%arg28 : memref<!tpu.dma_semaphore, #tpu.memory_space<semaphore_mem>>) src(%dma_wait3A_104 : memref<512xi32, #tpu.memory_space<hbm>>) dst(%arg11 : memref<512xi32, #tpu.memory_space<vmem>>)
    %dma_start3A_105 = arith.constant 0 : i32
    %dma_start3A_106 = arith.constant 0 : i32
    %dma_start3A_107 = tpu.memref_slice %arg15[%dma_start3A_105, %dma_start3A_106] : memref<512x32xbf16, #tpu.memory_space<vmem>> -> memref<128x32xbf16, #tpu.memory_space<vmem>>
    %dma_start3A_108 = arith.constant 0 : i32
    %dma_start3A_109 = tpu.memref_slice %arg7[%dma_start3A_108] : memref<512xi32, #tpu.memory_space<vmem>> -> memref<128xi32, #tpu.memory_space<vmem>>
    %dma_start3A_110 = arith.constant 0 : i32
    %dma_start3A_111 = arith.constant 0 : i32
    %dma_start3A_112 = tpu.memref_slice %arg2[%dma_start3A_110, %dma_start3A_111] : memref<1000000x32xbf16, #tpu.memory_space<hbm>> -> memref<1000000x32xbf16, #tpu.memory_space<hbm>>
    tpu.enqueue_indirect_dma source(%dma_start3A_112 : memref<1000000x32xbf16, #tpu.memory_space<hbm>>) target(%dma_start3A_107 : memref<128x32xbf16, #tpu.memory_space<vmem>>) offsets(%dma_start3A_109 : memref<128xi32, #tpu.memory_space<vmem>>) semaphore(%arg32 : memref<!tpu.dma_semaphore, #tpu.memory_space<semaphore_mem>>)
    %dma_start3A_113 = arith.constant 0 : i32
    %dma_start3A_114 = arith.constant 0 : i32
    %dma_start3A_115 = tpu.memref_slice %arg19[%dma_start3A_113, %dma_start3A_114] : memref<512x32xbf16, #tpu.memory_space<vmem>> -> memref<128x32xbf16, #tpu.memory_space<vmem>>
    %dma_start3A_116 = arith.constant 0 : i32
    %dma_start3A_117 = tpu.memref_slice %arg11[%dma_start3A_116] : memref<512xi32, #tpu.memory_space<vmem>> -> memref<128xi32, #tpu.memory_space<vmem>>
    %dma_start3A_118 = arith.constant 0 : i32
    %dma_start3A_119 = arith.constant 0 : i32
    %dma_start3A_120 = tpu.memref_slice %arg2[%dma_start3A_118, %dma_start3A_119] : memref<1000000x32xbf16, #tpu.memory_space<hbm>> -> memref<1000000x32xbf16, #tpu.memory_space<hbm>>
    tpu.enqueue_indirect_dma source(%dma_start3A_120 : memref<1000000x32xbf16, #tpu.memory_space<hbm>>) target(%dma_start3A_115 : memref<128x32xbf16, #tpu.memory_space<vmem>>) offsets(%dma_start3A_117 : memref<128xi32, #tpu.memory_space<vmem>>) semaphore(%arg32 : memref<!tpu.dma_semaphore, #tpu.memory_space<semaphore_mem>>)
    %dma_start3A_121 = arith.constant 128 : i32
    %dma_start3A_122 = arith.constant 0 : i32
    %dma_start3A_123 = tpu.memref_slice %arg15[%dma_start3A_121, %dma_start3A_122] : memref<512x32xbf16, #tpu.memory_space<vmem>> -> memref<128x32xbf16, #tpu.memory_space<vmem>>
    %dma_start3A_124 = arith.constant 128 : i32
    %dma_start3A_125 = tpu.memref_slice %arg7[%dma_start3A_124] : memref<512xi32, #tpu.memory_space<vmem>> -> memref<128xi32, #tpu.memory_space<vmem>>
    %dma_start3A_126 = arith.constant 0 : i32
    %dma_start3A_127 = arith.constant 0 : i32
    %dma_start3A_128 = tpu.memref_slice %arg2[%dma_start3A_126, %dma_start3A_127] : memref<1000000x32xbf16, #tpu.memory_space<hbm>> -> memref<1000000x32xbf16, #tpu.memory_space<hbm>>
    tpu.enqueue_indirect_dma source(%dma_start3A_128 : memref<1000000x32xbf16, #tpu.memory_space<hbm>>) target(%dma_start3A_123 : memref<128x32xbf16, #tpu.memory_space<vmem>>) offsets(%dma_start3A_125 : memref<128xi32, #tpu.memory_space<vmem>>) semaphore(%arg32 : memref<!tpu.dma_semaphore, #tpu.memory_space<semaphore_mem>>)
    %dma_start3A_129 = arith.constant 128 : i32
    %dma_start3A_130 = arith.constant 0 : i32
    %dma_start3A_131 = tpu.memref_slice %arg19[%dma_start3A_129, %dma_start3A_130] : memref<512x32xbf16, #tpu.memory_space<vmem>> -> memref<128x32xbf16, #tpu.memory_space<vmem>>
    %dma_start3A_132 = arith.constant 128 : i32
    %dma_start3A_133 = tpu.memref_slice %arg11[%dma_start3A_132] : memref<512xi32, #tpu.memory_space<vmem>> -> memref<128xi32, #tpu.memory_space<vmem>>
    %dma_start3A_134 = arith.constant 0 : i32
    %dma_start3A_135 = arith.constant 0 : i32
    %dma_start3A_136 = tpu.memref_slice %arg2[%dma_start3A_134, %dma_start3A_135] : memref<1000000x32xbf16, #tpu.memory_space<hbm>> -> memref<1000000x32xbf16, #tpu.memory_space<hbm>>
    tpu.enqueue_indirect_dma source(%dma_start3A_136 : memref<1000000x32xbf16, #tpu.memory_space<hbm>>) target(%dma_start3A_131 : memref<128x32xbf16, #tpu.memory_space<vmem>>) offsets(%dma_start3A_133 : memref<128xi32, #tpu.memory_space<vmem>>) semaphore(%arg32 : memref<!tpu.dma_semaphore, #tpu.memory_space<semaphore_mem>>)
    %dma_start3A_137 = arith.constant 256 : i32
    %dma_start3A_138 = arith.constant 0 : i32
    %dma_start3A_139 = tpu.memref_slice %arg15[%dma_start3A_137, %dma_start3A_138] : memref<512x32xbf16, #tpu.memory_space<vmem>> -> memref<128x32xbf16, #tpu.memory_space<vmem>>
    %dma_start3A_140 = arith.constant 256 : i32
    %dma_start3A_141 = tpu.memref_slice %arg7[%dma_start3A_140] : memref<512xi32, #tpu.memory_space<vmem>> -> memref<128xi32, #tpu.memory_space<vmem>>
    %dma_start3A_142 = arith.constant 0 : i32
    %dma_start3A_143 = arith.constant 0 : i32
    %dma_start3A_144 = tpu.memref_slice %arg2[%dma_start3A_142, %dma_start3A_143] : memref<1000000x32xbf16, #tpu.memory_space<hbm>> -> memref<1000000x32xbf16, #tpu.memory_space<hbm>>
    tpu.enqueue_indirect_dma source(%dma_start3A_144 : memref<1000000x32xbf16, #tpu.memory_space<hbm>>) target(%dma_start3A_139 : memref<128x32xbf16, #tpu.memory_space<vmem>>) offsets(%dma_start3A_141 : memref<128xi32, #tpu.memory_space<vmem>>) semaphore(%arg32 : memref<!tpu.dma_semaphore, #tpu.memory_space<semaphore_mem>>)
    %dma_start3A_145 = arith.constant 256 : i32
    %dma_start3A_146 = arith.constant 0 : i32
    %dma_start3A_147 = tpu.memref_slice %arg19[%dma_start3A_145, %dma_start3A_146] : memref<512x32xbf16, #tpu.memory_space<vmem>> -> memref<128x32xbf16, #tpu.memory_space<vmem>>
    %dma_start3A_148 = arith.constant 256 : i32
    %dma_start3A_149 = tpu.memref_slice %arg11[%dma_start3A_148] : memref<512xi32, #tpu.memory_space<vmem>> -> memref<128xi32, #tpu.memory_space<vmem>>
    %dma_start3A_150 = arith.constant 0 : i32
    %dma_start3A_151 = arith.constant 0 : i32
    %dma_start3A_152 = tpu.memref_slice %arg2[%dma_start3A_150, %dma_start3A_151] : memref<1000000x32xbf16, #tpu.memory_space<hbm>> -> memref<1000000x32xbf16, #tpu.memory_space<hbm>>
    tpu.enqueue_indirect_dma source(%dma_start3A_152 : memref<1000000x32xbf16, #tpu.memory_space<hbm>>) target(%dma_start3A_147 : memref<128x32xbf16, #tpu.memory_space<vmem>>) offsets(%dma_start3A_149 : memref<128xi32, #tpu.memory_space<vmem>>) semaphore(%arg32 : memref<!tpu.dma_semaphore, #tpu.memory_space<semaphore_mem>>)
    %dma_start3A_153 = arith.constant 384 : i32
    %dma_start3A_154 = arith.constant 0 : i32
    %dma_start3A_155 = tpu.memref_slice %arg15[%dma_start3A_153, %dma_start3A_154] : memref<512x32xbf16, #tpu.memory_space<vmem>> -> memref<128x32xbf16, #tpu.memory_space<vmem>>
    %dma_start3A_156 = arith.constant 384 : i32
    %dma_start3A_157 = tpu.memref_slice %arg7[%dma_start3A_156] : memref<512xi32, #tpu.memory_space<vmem>> -> memref<128xi32, #tpu.memory_space<vmem>>
    %dma_start3A_158 = arith.constant 0 : i32
    %dma_start3A_159 = arith.constant 0 : i32
    %dma_start3A_160 = tpu.memref_slice %arg2[%dma_start3A_158, %dma_start3A_159] : memref<1000000x32xbf16, #tpu.memory_space<hbm>> -> memref<1000000x32xbf16, #tpu.memory_space<hbm>>
    tpu.enqueue_indirect_dma source(%dma_start3A_160 : memref<1000000x32xbf16, #tpu.memory_space<hbm>>) target(%dma_start3A_155 : memref<128x32xbf16, #tpu.memory_space<vmem>>) offsets(%dma_start3A_157 : memref<128xi32, #tpu.memory_space<vmem>>) semaphore(%arg32 : memref<!tpu.dma_semaphore, #tpu.memory_space<semaphore_mem>>)
    %dma_start3A_161 = arith.constant 384 : i32
    %dma_start3A_162 = arith.constant 0 : i32
    %dma_start3A_163 = tpu.memref_slice %arg19[%dma_start3A_161, %dma_start3A_162] : memref<512x32xbf16, #tpu.memory_space<vmem>> -> memref<128x32xbf16, #tpu.memory_space<vmem>>
    %dma_start3A_164 = arith.constant 384 : i32
    %dma_start3A_165 = tpu.memref_slice %arg11[%dma_start3A_164] : memref<512xi32, #tpu.memory_space<vmem>> -> memref<128xi32, #tpu.memory_space<vmem>>
    %dma_start3A_166 = arith.constant 0 : i32
    %dma_start3A_167 = arith.constant 0 : i32
    %dma_start3A_168 = tpu.memref_slice %arg2[%dma_start3A_166, %dma_start3A_167] : memref<1000000x32xbf16, #tpu.memory_space<hbm>> -> memref<1000000x32xbf16, #tpu.memory_space<hbm>>
    tpu.enqueue_indirect_dma source(%dma_start3A_168 : memref<1000000x32xbf16, #tpu.memory_space<hbm>>) target(%dma_start3A_163 : memref<128x32xbf16, #tpu.memory_space<vmem>>) offsets(%dma_start3A_165 : memref<128xi32, #tpu.memory_space<vmem>>) semaphore(%arg32 : memref<!tpu.dma_semaphore, #tpu.memory_space<semaphore_mem>>)
    %dma_wait3A_169 = arith.constant 0 : i32
    %dma_wait3A_170 = tpu.memref_slice %arg3[%dma_wait3A_169] : memref<1048576xi32, #tpu.memory_space<hbm>> -> memref<512xi32, #tpu.memory_space<hbm>>
    %dma_wait3A_171 = arith.constant 0 : i32
    %dma_wait3A_172 = tpu.memref_slice %arg3[%dma_wait3A_171] : memref<1048576xi32, #tpu.memory_space<hbm>> -> memref<512xi32, #tpu.memory_space<hbm>>
    tpu.wait_dma2 semaphore(%arg29 : memref<!tpu.dma_semaphore, #tpu.memory_space<semaphore_mem>>) src(%dma_wait3A_172 : memref<512xi32, #tpu.memory_space<hbm>>) dst(%arg8 : memref<512xi32, #tpu.memory_space<vmem>>)
    %dma_wait3A_173 = arith.constant 0 : i32
    %dma_wait3A_174 = tpu.memref_slice %arg4[%dma_wait3A_173] : memref<1048576xi32, #tpu.memory_space<hbm>> -> memref<512xi32, #tpu.memory_space<hbm>>
    %dma_wait3A_175 = arith.constant 0 : i32
    %dma_wait3A_176 = tpu.memref_slice %arg4[%dma_wait3A_175] : memref<1048576xi32, #tpu.memory_space<hbm>> -> memref<512xi32, #tpu.memory_space<hbm>>
    tpu.wait_dma2 semaphore(%arg29 : memref<!tpu.dma_semaphore, #tpu.memory_space<semaphore_mem>>) src(%dma_wait3A_176 : memref<512xi32, #tpu.memory_space<hbm>>) dst(%arg12 : memref<512xi32, #tpu.memory_space<vmem>>)
    %dma_start3A_177 = arith.constant 0 : i32
    %dma_start3A_178 = arith.constant 0 : i32
    %dma_start3A_179 = tpu.memref_slice %arg16[%dma_start3A_177, %dma_start3A_178] : memref<512x32xbf16, #tpu.memory_space<vmem>> -> memref<128x32xbf16, #tpu.memory_space<vmem>>
    %dma_start3A_180 = arith.constant 0 : i32
    %dma_start3A_181 = tpu.memref_slice %arg8[%dma_start3A_180] : memref<512xi32, #tpu.memory_space<vmem>> -> memref<128xi32, #tpu.memory_space<vmem>>
    %dma_start3A_182 = arith.constant 0 : i32
    %dma_start3A_183 = arith.constant 0 : i32
    %dma_start3A_184 = tpu.memref_slice %arg2[%dma_start3A_182, %dma_start3A_183] : memref<1000000x32xbf16, #tpu.memory_space<hbm>> -> memref<1000000x32xbf16, #tpu.memory_space<hbm>>
    tpu.enqueue_indirect_dma source(%dma_start3A_184 : memref<1000000x32xbf16, #tpu.memory_space<hbm>>) target(%dma_start3A_179 : memref<128x32xbf16, #tpu.memory_space<vmem>>) offsets(%dma_start3A_181 : memref<128xi32, #tpu.memory_space<vmem>>) semaphore(%arg33 : memref<!tpu.dma_semaphore, #tpu.memory_space<semaphore_mem>>)
    %dma_start3A_185 = arith.constant 0 : i32
    %dma_start3A_186 = arith.constant 0 : i32
    %dma_start3A_187 = tpu.memref_slice %arg20[%dma_start3A_185, %dma_start3A_186] : memref<512x32xbf16, #tpu.memory_space<vmem>> -> memref<128x32xbf16, #tpu.memory_space<vmem>>
    %dma_start3A_188 = arith.constant 0 : i32
    %dma_start3A_189 = tpu.memref_slice %arg12[%dma_start3A_188] : memref<512xi32, #tpu.memory_space<vmem>> -> memref<128xi32, #tpu.memory_space<vmem>>
    %dma_start3A_190 = arith.constant 0 : i32
    %dma_start3A_191 = arith.constant 0 : i32
    %dma_start3A_192 = tpu.memref_slice %arg2[%dma_start3A_190, %dma_start3A_191] : memref<1000000x32xbf16, #tpu.memory_space<hbm>> -> memref<1000000x32xbf16, #tpu.memory_space<hbm>>
    tpu.enqueue_indirect_dma source(%dma_start3A_192 : memref<1000000x32xbf16, #tpu.memory_space<hbm>>) target(%dma_start3A_187 : memref<128x32xbf16, #tpu.memory_space<vmem>>) offsets(%dma_start3A_189 : memref<128xi32, #tpu.memory_space<vmem>>) semaphore(%arg33 : memref<!tpu.dma_semaphore, #tpu.memory_space<semaphore_mem>>)
    %dma_start3A_193 = arith.constant 128 : i32
    %dma_start3A_194 = arith.constant 0 : i32
    %dma_start3A_195 = tpu.memref_slice %arg16[%dma_start3A_193, %dma_start3A_194] : memref<512x32xbf16, #tpu.memory_space<vmem>> -> memref<128x32xbf16, #tpu.memory_space<vmem>>
    %dma_start3A_196 = arith.constant 128 : i32
    %dma_start3A_197 = tpu.memref_slice %arg8[%dma_start3A_196] : memref<512xi32, #tpu.memory_space<vmem>> -> memref<128xi32, #tpu.memory_space<vmem>>
    %dma_start3A_198 = arith.constant 0 : i32
    %dma_start3A_199 = arith.constant 0 : i32
    %dma_start3A_200 = tpu.memref_slice %arg2[%dma_start3A_198, %dma_start3A_199] : memref<1000000x32xbf16, #tpu.memory_space<hbm>> -> memref<1000000x32xbf16, #tpu.memory_space<hbm>>
    tpu.enqueue_indirect_dma source(%dma_start3A_200 : memref<1000000x32xbf16, #tpu.memory_space<hbm>>) target(%dma_start3A_195 : memref<128x32xbf16, #tpu.memory_space<vmem>>) offsets(%dma_start3A_197 : memref<128xi32, #tpu.memory_space<vmem>>) semaphore(%arg33 : memref<!tpu.dma_semaphore, #tpu.memory_space<semaphore_mem>>)
    %dma_start3A_201 = arith.constant 128 : i32
    %dma_start3A_202 = arith.constant 0 : i32
    %dma_start3A_203 = tpu.memref_slice %arg20[%dma_start3A_201, %dma_start3A_202] : memref<512x32xbf16, #tpu.memory_space<vmem>> -> memref<128x32xbf16, #tpu.memory_space<vmem>>
    %dma_start3A_204 = arith.constant 128 : i32
    %dma_start3A_205 = tpu.memref_slice %arg12[%dma_start3A_204] : memref<512xi32, #tpu.memory_space<vmem>> -> memref<128xi32, #tpu.memory_space<vmem>>
    %dma_start3A_206 = arith.constant 0 : i32
    %dma_start3A_207 = arith.constant 0 : i32
    %dma_start3A_208 = tpu.memref_slice %arg2[%dma_start3A_206, %dma_start3A_207] : memref<1000000x32xbf16, #tpu.memory_space<hbm>> -> memref<1000000x32xbf16, #tpu.memory_space<hbm>>
    tpu.enqueue_indirect_dma source(%dma_start3A_208 : memref<1000000x32xbf16, #tpu.memory_space<hbm>>) target(%dma_start3A_203 : memref<128x32xbf16, #tpu.memory_space<vmem>>) offsets(%dma_start3A_205 : memref<128xi32, #tpu.memory_space<vmem>>) semaphore(%arg33 : memref<!tpu.dma_semaphore, #tpu.memory_space<semaphore_mem>>)
    %dma_start3A_209 = arith.constant 256 : i32
    %dma_start3A_210 = arith.constant 0 : i32
    %dma_start3A_211 = tpu.memref_slice %arg16[%dma_start3A_209, %dma_start3A_210] : memref<512x32xbf16, #tpu.memory_space<vmem>> -> memref<128x32xbf16, #tpu.memory_space<vmem>>
    %dma_start3A_212 = arith.constant 256 : i32
    %dma_start3A_213 = tpu.memref_slice %arg8[%dma_start3A_212] : memref<512xi32, #tpu.memory_space<vmem>> -> memref<128xi32, #tpu.memory_space<vmem>>
    %dma_start3A_214 = arith.constant 0 : i32
    %dma_start3A_215 = arith.constant 0 : i32
    %dma_start3A_216 = tpu.memref_slice %arg2[%dma_start3A_214, %dma_start3A_215] : memref<1000000x32xbf16, #tpu.memory_space<hbm>> -> memref<1000000x32xbf16, #tpu.memory_space<hbm>>
    tpu.enqueue_indirect_dma source(%dma_start3A_216 : memref<1000000x32xbf16, #tpu.memory_space<hbm>>) target(%dma_start3A_211 : memref<128x32xbf16, #tpu.memory_space<vmem>>) offsets(%dma_start3A_213 : memref<128xi32, #tpu.memory_space<vmem>>) semaphore(%arg33 : memref<!tpu.dma_semaphore, #tpu.memory_space<semaphore_mem>>)
    %dma_start3A_217 = arith.constant 256 : i32
    %dma_start3A_218 = arith.constant 0 : i32
    %dma_start3A_219 = tpu.memref_slice %arg20[%dma_start3A_217, %dma_start3A_218] : memref<512x32xbf16, #tpu.memory_space<vmem>> -> memref<128x32xbf16, #tpu.memory_space<vmem>>
    %dma_start3A_220 = arith.constant 256 : i32
    %dma_start3A_221 = tpu.memref_slice %arg12[%dma_start3A_220] : memref<512xi32, #tpu.memory_space<vmem>> -> memref<128xi32, #tpu.memory_space<vmem>>
    %dma_start3A_222 = arith.constant 0 : i32
    %dma_start3A_223 = arith.constant 0 : i32
    %dma_start3A_224 = tpu.memref_slice %arg2[%dma_start3A_222, %dma_start3A_223] : memref<1000000x32xbf16, #tpu.memory_space<hbm>> -> memref<1000000x32xbf16, #tpu.memory_space<hbm>>
    tpu.enqueue_indirect_dma source(%dma_start3A_224 : memref<1000000x32xbf16, #tpu.memory_space<hbm>>) target(%dma_start3A_219 : memref<128x32xbf16, #tpu.memory_space<vmem>>) offsets(%dma_start3A_221 : memref<128xi32, #tpu.memory_space<vmem>>) semaphore(%arg33 : memref<!tpu.dma_semaphore, #tpu.memory_space<semaphore_mem>>)
    %dma_start3A_225 = arith.constant 384 : i32
    %dma_start3A_226 = arith.constant 0 : i32
    %dma_start3A_227 = tpu.memref_slice %arg16[%dma_start3A_225, %dma_start3A_226] : memref<512x32xbf16, #tpu.memory_space<vmem>> -> memref<128x32xbf16, #tpu.memory_space<vmem>>
    %dma_start3A_228 = arith.constant 384 : i32
    %dma_start3A_229 = tpu.memref_slice %arg8[%dma_start3A_228] : memref<512xi32, #tpu.memory_space<vmem>> -> memref<128xi32, #tpu.memory_space<vmem>>
    %dma_start3A_230 = arith.constant 0 : i32
    %dma_start3A_231 = arith.constant 0 : i32
    %dma_start3A_232 = tpu.memref_slice %arg2[%dma_start3A_230, %dma_start3A_231] : memref<1000000x32xbf16, #tpu.memory_space<hbm>> -> memref<1000000x32xbf16, #tpu.memory_space<hbm>>
    tpu.enqueue_indirect_dma source(%dma_start3A_232 : memref<1000000x32xbf16, #tpu.memory_space<hbm>>) target(%dma_start3A_227 : memref<128x32xbf16, #tpu.memory_space<vmem>>) offsets(%dma_start3A_229 : memref<128xi32, #tpu.memory_space<vmem>>) semaphore(%arg33 : memref<!tpu.dma_semaphore, #tpu.memory_space<semaphore_mem>>)
    %dma_start3A_233 = arith.constant 384 : i32
    %dma_start3A_234 = arith.constant 0 : i32
    %dma_start3A_235 = tpu.memref_slice %arg20[%dma_start3A_233, %dma_start3A_234] : memref<512x32xbf16, #tpu.memory_space<vmem>> -> memref<128x32xbf16, #tpu.memory_space<vmem>>
    %dma_start3A_236 = arith.constant 384 : i32
    %dma_start3A_237 = tpu.memref_slice %arg12[%dma_start3A_236] : memref<512xi32, #tpu.memory_space<vmem>> -> memref<128xi32, #tpu.memory_space<vmem>>
    %dma_start3A_238 = arith.constant 0 : i32
    %dma_start3A_239 = arith.constant 0 : i32
    %dma_start3A_240 = tpu.memref_slice %arg2[%dma_start3A_238, %dma_start3A_239] : memref<1000000x32xbf16, #tpu.memory_space<hbm>> -> memref<1000000x32xbf16, #tpu.memory_space<hbm>>
    tpu.enqueue_indirect_dma source(%dma_start3A_240 : memref<1000000x32xbf16, #tpu.memory_space<hbm>>) target(%dma_start3A_235 : memref<128x32xbf16, #tpu.memory_space<vmem>>) offsets(%dma_start3A_237 : memref<128xi32, #tpu.memory_space<vmem>>) semaphore(%arg33 : memref<!tpu.dma_semaphore, #tpu.memory_space<semaphore_mem>>)
    %add3A_241 = arith.constant 1536 : i32
    %add3A_242 = arith.addi %mul3A_2, %add3A_241 : i32
    %dma_start3A_243 = tpu.memref_slice %arg3[%add3A_242] : memref<1048576xi32, #tpu.memory_space<hbm>> -> memref<512xi32, #tpu.memory_space<hbm>>
    %dma_start3A_244 = tpu.memref_slice %arg3[%add3A_242] : memref<1048576xi32, #tpu.memory_space<hbm>> -> memref<512xi32, #tpu.memory_space<hbm>>
    tpu.enqueue_dma source(%dma_start3A_244 : memref<512xi32, #tpu.memory_space<hbm>>) target(%arg9 : memref<512xi32, #tpu.memory_space<vmem>>) target_semaphore(%arg30 : memref<!tpu.dma_semaphore, #tpu.memory_space<semaphore_mem>>)
    %dma_start3A_245 = tpu.memref_slice %arg4[%add3A_242] : memref<1048576xi32, #tpu.memory_space<hbm>> -> memref<512xi32, #tpu.memory_space<hbm>>
    %dma_start3A_246 = tpu.memref_slice %arg4[%add3A_242] : memref<1048576xi32, #tpu.memory_space<hbm>> -> memref<512xi32, #tpu.memory_space<hbm>>
    tpu.enqueue_dma source(%dma_start3A_246 : memref<512xi32, #tpu.memory_space<hbm>>) target(%arg13 : memref<512xi32, #tpu.memory_space<vmem>>) target_semaphore(%arg30 : memref<!tpu.dma_semaphore, #tpu.memory_space<semaphore_mem>>)
    %scan3A = arith.constant 0 : i32
    %scan3A_247 = arith.constant 0 : i32
    %scan3A_248 = arith.constant 15 : i32
    %scan3A_249 = arith.addi %scan3A_247, %scan3A_248 : i32
    %scan3A_250 = arith.constant 1 : i32
    scf.for %scan3A_676 = %scan3A_247 to %scan3A_249 step %scan3A_250  : i32 {
      %mul3A_677 = arith.constant 4 : i32
      %mul3A_678 = arith.muli %scan3A_676, %mul3A_677 : i32
      %add3A_679 = arith.constant 0 : i32
      %add3A_680 = arith.addi %mul3A_678, %add3A_679 : i32
      %dma_wait3A_681 = arith.constant 0 : i32
      %dma_wait3A_682 = arith.constant 0 : i32
      %dma_wait3A_683 = tpu.memref_slice %arg14[%dma_wait3A_681, %dma_wait3A_682] : memref<512x32xbf16, #tpu.memory_space<vmem>> -> memref<128x32xbf16, #tpu.memory_space<vmem>>
      %dma_wait3A_684 = arith.constant 0 : i32
      %dma_wait3A_685 = tpu.memref_slice %arg6[%dma_wait3A_684] : memref<512xi32, #tpu.memory_space<vmem>> -> memref<128xi32, #tpu.memory_space<vmem>>
      %dma_wait3A_686 = arith.constant 0 : i32
      %dma_wait3A_687 = arith.constant 0 : i32
      %dma_wait3A_688 = tpu.memref_slice %arg2[%dma_wait3A_686, %dma_wait3A_687] : memref<1000000x32xbf16, #tpu.memory_space<hbm>> -> memref<1000000x32xbf16, #tpu.memory_space<hbm>>
      tpu.wait_indirect_dma semaphore(%arg31 : memref<!tpu.dma_semaphore, #tpu.memory_space<semaphore_mem>>) src(%dma_wait3A_688 : memref<1000000x32xbf16, #tpu.memory_space<hbm>>) dst(%dma_wait3A_683 : memref<128x32xbf16, #tpu.memory_space<vmem>>)
      %dma_wait3A_689 = arith.constant 0 : i32
      %dma_wait3A_690 = arith.constant 0 : i32
      %dma_wait3A_691 = tpu.memref_slice %arg18[%dma_wait3A_689, %dma_wait3A_690] : memref<512x32xbf16, #tpu.memory_space<vmem>> -> memref<128x32xbf16, #tpu.memory_space<vmem>>
      %dma_wait3A_692 = arith.constant 0 : i32
      %dma_wait3A_693 = tpu.memref_slice %arg10[%dma_wait3A_692] : memref<512xi32, #tpu.memory_space<vmem>> -> memref<128xi32, #tpu.memory_space<vmem>>
      %dma_wait3A_694 = arith.constant 0 : i32
      %dma_wait3A_695 = arith.constant 0 : i32
      %dma_wait3A_696 = tpu.memref_slice %arg2[%dma_wait3A_694, %dma_wait3A_695] : memref<1000000x32xbf16, #tpu.memory_space<hbm>> -> memref<1000000x32xbf16, #tpu.memory_space<hbm>>
      tpu.wait_indirect_dma semaphore(%arg31 : memref<!tpu.dma_semaphore, #tpu.memory_space<semaphore_mem>>) src(%dma_wait3A_696 : memref<1000000x32xbf16, #tpu.memory_space<hbm>>) dst(%dma_wait3A_691 : memref<128x32xbf16, #tpu.memory_space<vmem>>)
      %dma_wait3A_697 = arith.constant 128 : i32
      %dma_wait3A_698 = arith.constant 0 : i32
      %dma_wait3A_699 = tpu.memref_slice %arg14[%dma_wait3A_697, %dma_wait3A_698] : memref<512x32xbf16, #tpu.memory_space<vmem>> -> memref<128x32xbf16, #tpu.memory_space<vmem>>
      %dma_wait3A_700 = arith.constant 128 : i32
      %dma_wait3A_701 = tpu.memref_slice %arg6[%dma_wait3A_700] : memref<512xi32, #tpu.memory_space<vmem>> -> memref<128xi32, #tpu.memory_space<vmem>>
      %dma_wait3A_702 = arith.constant 0 : i32
      %dma_wait3A_703 = arith.constant 0 : i32
      %dma_wait3A_704 = tpu.memref_slice %arg2[%dma_wait3A_702, %dma_wait3A_703] : memref<1000000x32xbf16, #tpu.memory_space<hbm>> -> memref<1000000x32xbf16, #tpu.memory_space<hbm>>
      tpu.wait_indirect_dma semaphore(%arg31 : memref<!tpu.dma_semaphore, #tpu.memory_space<semaphore_mem>>) src(%dma_wait3A_704 : memref<1000000x32xbf16, #tpu.memory_space<hbm>>) dst(%dma_wait3A_699 : memref<128x32xbf16, #tpu.memory_space<vmem>>)
      %dma_wait3A_705 = arith.constant 128 : i32
      %dma_wait3A_706 = arith.constant 0 : i32
      %dma_wait3A_707 = tpu.memref_slice %arg18[%dma_wait3A_705, %dma_wait3A_706] : memref<512x32xbf16, #tpu.memory_space<vmem>> -> memref<128x32xbf16, #tpu.memory_space<vmem>>
      %dma_wait3A_708 = arith.constant 128 : i32
      %dma_wait3A_709 = tpu.memref_slice %arg10[%dma_wait3A_708] : memref<512xi32, #tpu.memory_space<vmem>> -> memref<128xi32, #tpu.memory_space<vmem>>
      %dma_wait3A_710 = arith.constant 0 : i32
      %dma_wait3A_711 = arith.constant 0 : i32
      %dma_wait3A_712 = tpu.memref_slice %arg2[%dma_wait3A_710, %dma_wait3A_711] : memref<1000000x32xbf16, #tpu.memory_space<hbm>> -> memref<1000000x32xbf16, #tpu.memory_space<hbm>>
      tpu.wait_indirect_dma semaphore(%arg31 : memref<!tpu.dma_semaphore, #tpu.memory_space<semaphore_mem>>) src(%dma_wait3A_712 : memref<1000000x32xbf16, #tpu.memory_space<hbm>>) dst(%dma_wait3A_707 : memref<128x32xbf16, #tpu.memory_space<vmem>>)
      %dma_wait3A_713 = arith.constant 256 : i32
      %dma_wait3A_714 = arith.constant 0 : i32
      %dma_wait3A_715 = tpu.memref_slice %arg14[%dma_wait3A_713, %dma_wait3A_714] : memref<512x32xbf16, #tpu.memory_space<vmem>> -> memref<128x32xbf16, #tpu.memory_space<vmem>>
      %dma_wait3A_716 = arith.constant 256 : i32
      %dma_wait3A_717 = tpu.memref_slice %arg6[%dma_wait3A_716] : memref<512xi32, #tpu.memory_space<vmem>> -> memref<128xi32, #tpu.memory_space<vmem>>
      %dma_wait3A_718 = arith.constant 0 : i32
      %dma_wait3A_719 = arith.constant 0 : i32
      %dma_wait3A_720 = tpu.memref_slice %arg2[%dma_wait3A_718, %dma_wait3A_719] : memref<1000000x32xbf16, #tpu.memory_space<hbm>> -> memref<1000000x32xbf16, #tpu.memory_space<hbm>>
      tpu.wait_indirect_dma semaphore(%arg31 : memref<!tpu.dma_semaphore, #tpu.memory_space<semaphore_mem>>) src(%dma_wait3A_720 : memref<1000000x32xbf16, #tpu.memory_space<hbm>>) dst(%dma_wait3A_715 : memref<128x32xbf16, #tpu.memory_space<vmem>>)
      %dma_wait3A_721 = arith.constant 256 : i32
      %dma_wait3A_722 = arith.constant 0 : i32
      %dma_wait3A_723 = tpu.memref_slice %arg18[%dma_wait3A_721, %dma_wait3A_722] : memref<512x32xbf16, #tpu.memory_space<vmem>> -> memref<128x32xbf16, #tpu.memory_space<vmem>>
      %dma_wait3A_724 = arith.constant 256 : i32
      %dma_wait3A_725 = tpu.memref_slice %arg10[%dma_wait3A_724] : memref<512xi32, #tpu.memory_space<vmem>> -> memref<128xi32, #tpu.memory_space<vmem>>
      %dma_wait3A_726 = arith.constant 0 : i32
      %dma_wait3A_727 = arith.constant 0 : i32
      %dma_wait3A_728 = tpu.memref_slice %arg2[%dma_wait3A_726, %dma_wait3A_727] : memref<1000000x32xbf16, #tpu.memory_space<hbm>> -> memref<1000000x32xbf16, #tpu.memory_space<hbm>>
      tpu.wait_indirect_dma semaphore(%arg31 : memref<!tpu.dma_semaphore, #tpu.memory_space<semaphore_mem>>) src(%dma_wait3A_728 : memref<1000000x32xbf16, #tpu.memory_space<hbm>>) dst(%dma_wait3A_723 : memref<128x32xbf16, #tpu.memory_space<vmem>>)
      %dma_wait3A_729 = arith.constant 384 : i32
      %dma_wait3A_730 = arith.constant 0 : i32
      %dma_wait3A_731 = tpu.memref_slice %arg14[%dma_wait3A_729, %dma_wait3A_730] : memref<512x32xbf16, #tpu.memory_space<vmem>> -> memref<128x32xbf16, #tpu.memory_space<vmem>>
      %dma_wait3A_732 = arith.constant 384 : i32
      %dma_wait3A_733 = tpu.memref_slice %arg6[%dma_wait3A_732] : memref<512xi32, #tpu.memory_space<vmem>> -> memref<128xi32, #tpu.memory_space<vmem>>
      %dma_wait3A_734 = arith.constant 0 : i32
      %dma_wait3A_735 = arith.constant 0 : i32
      %dma_wait3A_736 = tpu.memref_slice %arg2[%dma_wait3A_734, %dma_wait3A_735] : memref<1000000x32xbf16, #tpu.memory_space<hbm>> -> memref<1000000x32xbf16, #tpu.memory_space<hbm>>
      tpu.wait_indirect_dma semaphore(%arg31 : memref<!tpu.dma_semaphore, #tpu.memory_space<semaphore_mem>>) src(%dma_wait3A_736 : memref<1000000x32xbf16, #tpu.memory_space<hbm>>) dst(%dma_wait3A_731 : memref<128x32xbf16, #tpu.memory_space<vmem>>)
      %dma_wait3A_737 = arith.constant 384 : i32
      %dma_wait3A_738 = arith.constant 0 : i32
      %dma_wait3A_739 = tpu.memref_slice %arg18[%dma_wait3A_737, %dma_wait3A_738] : memref<512x32xbf16, #tpu.memory_space<vmem>> -> memref<128x32xbf16, #tpu.memory_space<vmem>>
      %dma_wait3A_740 = arith.constant 384 : i32
      %dma_wait3A_741 = tpu.memref_slice %arg10[%dma_wait3A_740] : memref<512xi32, #tpu.memory_space<vmem>> -> memref<128xi32, #tpu.memory_space<vmem>>
      %dma_wait3A_742 = arith.constant 0 : i32
      %dma_wait3A_743 = arith.constant 0 : i32
      %dma_wait3A_744 = tpu.memref_slice %arg2[%dma_wait3A_742, %dma_wait3A_743] : memref<1000000x32xbf16, #tpu.memory_space<hbm>> -> memref<1000000x32xbf16, #tpu.memory_space<hbm>>
      tpu.wait_indirect_dma semaphore(%arg31 : memref<!tpu.dma_semaphore, #tpu.memory_space<semaphore_mem>>) src(%dma_wait3A_744 : memref<1000000x32xbf16, #tpu.memory_space<hbm>>) dst(%dma_wait3A_739 : memref<128x32xbf16, #tpu.memory_space<vmem>>)
      %dma_wait3A_745 = arith.constant 0 : i32
      %dma_wait3A_746 = tpu.memref_slice %arg3[%dma_wait3A_745] : memref<1048576xi32, #tpu.memory_space<hbm>> -> memref<512xi32, #tpu.memory_space<hbm>>
      %dma_wait3A_747 = arith.constant 0 : i32
      %dma_wait3A_748 = tpu.memref_slice %arg3[%dma_wait3A_747] : memref<1048576xi32, #tpu.memory_space<hbm>> -> memref<512xi32, #tpu.memory_space<hbm>>
      tpu.wait_dma2 semaphore(%arg30 : memref<!tpu.dma_semaphore, #tpu.memory_space<semaphore_mem>>) src(%dma_wait3A_748 : memref<512xi32, #tpu.memory_space<hbm>>) dst(%arg9 : memref<512xi32, #tpu.memory_space<vmem>>)
      %dma_wait3A_749 = arith.constant 0 : i32
      %dma_wait3A_750 = tpu.memref_slice %arg4[%dma_wait3A_749] : memref<1048576xi32, #tpu.memory_space<hbm>> -> memref<512xi32, #tpu.memory_space<hbm>>
      %dma_wait3A_751 = arith.constant 0 : i32
      %dma_wait3A_752 = tpu.memref_slice %arg4[%dma_wait3A_751] : memref<1048576xi32, #tpu.memory_space<hbm>> -> memref<512xi32, #tpu.memory_space<hbm>>
      tpu.wait_dma2 semaphore(%arg30 : memref<!tpu.dma_semaphore, #tpu.memory_space<semaphore_mem>>) src(%dma_wait3A_752 : memref<512xi32, #tpu.memory_space<hbm>>) dst(%arg13 : memref<512xi32, #tpu.memory_space<vmem>>)
      %dma_start3A_753 = arith.constant 0 : i32
      %dma_start3A_754 = arith.constant 0 : i32
      %dma_start3A_755 = tpu.memref_slice %arg17[%dma_start3A_753, %dma_start3A_754] : memref<512x32xbf16, #tpu.memory_space<vmem>> -> memref<128x32xbf16, #tpu.memory_space<vmem>>
      %dma_start3A_756 = arith.constant 0 : i32
      %dma_start3A_757 = tpu.memref_slice %arg9[%dma_start3A_756] : memref<512xi32, #tpu.memory_space<vmem>> -> memref<128xi32, #tpu.memory_space<vmem>>
      %dma_start3A_758 = arith.constant 0 : i32
      %dma_start3A_759 = arith.constant 0 : i32
      %dma_start3A_760 = tpu.memref_slice %arg2[%dma_start3A_758, %dma_start3A_759] : memref<1000000x32xbf16, #tpu.memory_space<hbm>> -> memref<1000000x32xbf16, #tpu.memory_space<hbm>>
      tpu.enqueue_indirect_dma source(%dma_start3A_760 : memref<1000000x32xbf16, #tpu.memory_space<hbm>>) target(%dma_start3A_755 : memref<128x32xbf16, #tpu.memory_space<vmem>>) offsets(%dma_start3A_757 : memref<128xi32, #tpu.memory_space<vmem>>) semaphore(%arg34 : memref<!tpu.dma_semaphore, #tpu.memory_space<semaphore_mem>>)
      %dma_start3A_761 = arith.constant 0 : i32
      %dma_start3A_762 = arith.constant 0 : i32
      %dma_start3A_763 = tpu.memref_slice %arg21[%dma_start3A_761, %dma_start3A_762] : memref<512x32xbf16, #tpu.memory_space<vmem>> -> memref<128x32xbf16, #tpu.memory_space<vmem>>
      %dma_start3A_764 = arith.constant 0 : i32
      %dma_start3A_765 = tpu.memref_slice %arg13[%dma_start3A_764] : memref<512xi32, #tpu.memory_space<vmem>> -> memref<128xi32, #tpu.memory_space<vmem>>
      %dma_start3A_766 = arith.constant 0 : i32
      %dma_start3A_767 = arith.constant 0 : i32
      %dma_start3A_768 = tpu.memref_slice %arg2[%dma_start3A_766, %dma_start3A_767] : memref<1000000x32xbf16, #tpu.memory_space<hbm>> -> memref<1000000x32xbf16, #tpu.memory_space<hbm>>
      tpu.enqueue_indirect_dma source(%dma_start3A_768 : memref<1000000x32xbf16, #tpu.memory_space<hbm>>) target(%dma_start3A_763 : memref<128x32xbf16, #tpu.memory_space<vmem>>) offsets(%dma_start3A_765 : memref<128xi32, #tpu.memory_space<vmem>>) semaphore(%arg34 : memref<!tpu.dma_semaphore, #tpu.memory_space<semaphore_mem>>)
      %dma_start3A_769 = arith.constant 128 : i32
      %dma_start3A_770 = arith.constant 0 : i32
      %dma_start3A_771 = tpu.memref_slice %arg17[%dma_start3A_769, %dma_start3A_770] : memref<512x32xbf16, #tpu.memory_space<vmem>> -> memref<128x32xbf16, #tpu.memory_space<vmem>>
      %dma_start3A_772 = arith.constant 128 : i32
      %dma_start3A_773 = tpu.memref_slice %arg9[%dma_start3A_772] : memref<512xi32, #tpu.memory_space<vmem>> -> memref<128xi32, #tpu.memory_space<vmem>>
      %dma_start3A_774 = arith.constant 0 : i32
      %dma_start3A_775 = arith.constant 0 : i32
      %dma_start3A_776 = tpu.memref_slice %arg2[%dma_start3A_774, %dma_start3A_775] : memref<1000000x32xbf16, #tpu.memory_space<hbm>> -> memref<1000000x32xbf16, #tpu.memory_space<hbm>>
      tpu.enqueue_indirect_dma source(%dma_start3A_776 : memref<1000000x32xbf16, #tpu.memory_space<hbm>>) target(%dma_start3A_771 : memref<128x32xbf16, #tpu.memory_space<vmem>>) offsets(%dma_start3A_773 : memref<128xi32, #tpu.memory_space<vmem>>) semaphore(%arg34 : memref<!tpu.dma_semaphore, #tpu.memory_space<semaphore_mem>>)
      %dma_start3A_777 = arith.constant 128 : i32
      %dma_start3A_778 = arith.constant 0 : i32
      %dma_start3A_779 = tpu.memref_slice %arg21[%dma_start3A_777, %dma_start3A_778] : memref<512x32xbf16, #tpu.memory_space<vmem>> -> memref<128x32xbf16, #tpu.memory_space<vmem>>
      %dma_start3A_780 = arith.constant 128 : i32
      %dma_start3A_781 = tpu.memref_slice %arg13[%dma_start3A_780] : memref<512xi32, #tpu.memory_space<vmem>> -> memref<128xi32, #tpu.memory_space<vmem>>
      %dma_start3A_782 = arith.constant 0 : i32
      %dma_start3A_783 = arith.constant 0 : i32
      %dma_start3A_784 = tpu.memref_slice %arg2[%dma_start3A_782, %dma_start3A_783] : memref<1000000x32xbf16, #tpu.memory_space<hbm>> -> memref<1000000x32xbf16, #tpu.memory_space<hbm>>
      tpu.enqueue_indirect_dma source(%dma_start3A_784 : memref<1000000x32xbf16, #tpu.memory_space<hbm>>) target(%dma_start3A_779 : memref<128x32xbf16, #tpu.memory_space<vmem>>) offsets(%dma_start3A_781 : memref<128xi32, #tpu.memory_space<vmem>>) semaphore(%arg34 : memref<!tpu.dma_semaphore, #tpu.memory_space<semaphore_mem>>)
      %dma_start3A_785 = arith.constant 256 : i32
      %dma_start3A_786 = arith.constant 0 : i32
      %dma_start3A_787 = tpu.memref_slice %arg17[%dma_start3A_785, %dma_start3A_786] : memref<512x32xbf16, #tpu.memory_space<vmem>> -> memref<128x32xbf16, #tpu.memory_space<vmem>>
      %dma_start3A_788 = arith.constant 256 : i32
      %dma_start3A_789 = tpu.memref_slice %arg9[%dma_start3A_788] : memref<512xi32, #tpu.memory_space<vmem>> -> memref<128xi32, #tpu.memory_space<vmem>>
      %dma_start3A_790 = arith.constant 0 : i32
      %dma_start3A_791 = arith.constant 0 : i32
      %dma_start3A_792 = tpu.memref_slice %arg2[%dma_start3A_790, %dma_start3A_791] : memref<1000000x32xbf16, #tpu.memory_space<hbm>> -> memref<1000000x32xbf16, #tpu.memory_space<hbm>>
      tpu.enqueue_indirect_dma source(%dma_start3A_792 : memref<1000000x32xbf16, #tpu.memory_space<hbm>>) target(%dma_start3A_787 : memref<128x32xbf16, #tpu.memory_space<vmem>>) offsets(%dma_start3A_789 : memref<128xi32, #tpu.memory_space<vmem>>) semaphore(%arg34 : memref<!tpu.dma_semaphore, #tpu.memory_space<semaphore_mem>>)
      %dma_start3A_793 = arith.constant 256 : i32
      %dma_start3A_794 = arith.constant 0 : i32
      %dma_start3A_795 = tpu.memref_slice %arg21[%dma_start3A_793, %dma_start3A_794] : memref<512x32xbf16, #tpu.memory_space<vmem>> -> memref<128x32xbf16, #tpu.memory_space<vmem>>
      %dma_start3A_796 = arith.constant 256 : i32
      %dma_start3A_797 = tpu.memref_slice %arg13[%dma_start3A_796] : memref<512xi32, #tpu.memory_space<vmem>> -> memref<128xi32, #tpu.memory_space<vmem>>
      %dma_start3A_798 = arith.constant 0 : i32
      %dma_start3A_799 = arith.constant 0 : i32
      %dma_start3A_800 = tpu.memref_slice %arg2[%dma_start3A_798, %dma_start3A_799] : memref<1000000x32xbf16, #tpu.memory_space<hbm>> -> memref<1000000x32xbf16, #tpu.memory_space<hbm>>
      tpu.enqueue_indirect_dma source(%dma_start3A_800 : memref<1000000x32xbf16, #tpu.memory_space<hbm>>) target(%dma_start3A_795 : memref<128x32xbf16, #tpu.memory_space<vmem>>) offsets(%dma_start3A_797 : memref<128xi32, #tpu.memory_space<vmem>>) semaphore(%arg34 : memref<!tpu.dma_semaphore, #tpu.memory_space<semaphore_mem>>)
      %dma_start3A_801 = arith.constant 384 : i32
      %dma_start3A_802 = arith.constant 0 : i32
      %dma_start3A_803 = tpu.memref_slice %arg17[%dma_start3A_801, %dma_start3A_802] : memref<512x32xbf16, #tpu.memory_space<vmem>> -> memref<128x32xbf16, #tpu.memory_space<vmem>>
      %dma_start3A_804 = arith.constant 384 : i32
      %dma_start3A_805 = tpu.memref_slice %arg9[%dma_start3A_804] : memref<512xi32, #tpu.memory_space<vmem>> -> memref<128xi32, #tpu.memory_space<vmem>>
      %dma_start3A_806 = arith.constant 0 : i32
      %dma_start3A_807 = arith.constant 0 : i32
      %dma_start3A_808 = tpu.memref_slice %arg2[%dma_start3A_806, %dma_start3A_807] : memref<1000000x32xbf16, #tpu.memory_space<hbm>> -> memref<1000000x32xbf16, #tpu.memory_space<hbm>>
      tpu.enqueue_indirect_dma source(%dma_start3A_808 : memref<1000000x32xbf16, #tpu.memory_space<hbm>>) target(%dma_start3A_803 : memref<128x32xbf16, #tpu.memory_space<vmem>>) offsets(%dma_start3A_805 : memref<128xi32, #tpu.memory_space<vmem>>) semaphore(%arg34 : memref<!tpu.dma_semaphore, #tpu.memory_space<semaphore_mem>>)
      %dma_start3A_809 = arith.constant 384 : i32
      %dma_start3A_810 = arith.constant 0 : i32
      %dma_start3A_811 = tpu.memref_slice %arg21[%dma_start3A_809, %dma_start3A_810] : memref<512x32xbf16, #tpu.memory_space<vmem>> -> memref<128x32xbf16, #tpu.memory_space<vmem>>
      %dma_start3A_812 = arith.constant 384 : i32
      %dma_start3A_813 = tpu.memref_slice %arg13[%dma_start3A_812] : memref<512xi32, #tpu.memory_space<vmem>> -> memref<128xi32, #tpu.memory_space<vmem>>
      %dma_start3A_814 = arith.constant 0 : i32
      %dma_start3A_815 = arith.constant 0 : i32
      %dma_start3A_816 = tpu.memref_slice %arg2[%dma_start3A_814, %dma_start3A_815] : memref<1000000x32xbf16, #tpu.memory_space<hbm>> -> memref<1000000x32xbf16, #tpu.memory_space<hbm>>
      tpu.enqueue_indirect_dma source(%dma_start3A_816 : memref<1000000x32xbf16, #tpu.memory_space<hbm>>) target(%dma_start3A_811 : memref<128x32xbf16, #tpu.memory_space<vmem>>) offsets(%dma_start3A_813 : memref<128xi32, #tpu.memory_space<vmem>>) semaphore(%arg34 : memref<!tpu.dma_semaphore, #tpu.memory_space<semaphore_mem>>)
      %add3A_817 = arith.constant 4 : i32
      %add3A_818 = arith.addi %add3A_680, %add3A_817 : i32
      %mul3A_819 = arith.constant 512 : i32
      %mul3A_820 = arith.muli %add3A_818, %mul3A_819 : i32
      %add3A_821 = arith.addi %mul3A_2, %mul3A_820 : i32
      %dma_start3A_822 = tpu.memref_slice %arg3[%add3A_821] : memref<1048576xi32, #tpu.memory_space<hbm>> -> memref<512xi32, #tpu.memory_space<hbm>>
      %dma_start3A_823 = tpu.memref_slice %arg3[%add3A_821] : memref<1048576xi32, #tpu.memory_space<hbm>> -> memref<512xi32, #tpu.memory_space<hbm>>
      tpu.enqueue_dma source(%dma_start3A_823 : memref<512xi32, #tpu.memory_space<hbm>>) target(%arg6 : memref<512xi32, #tpu.memory_space<vmem>>) target_semaphore(%arg27 : memref<!tpu.dma_semaphore, #tpu.memory_space<semaphore_mem>>)
      %dma_start3A_824 = tpu.memref_slice %arg4[%add3A_821] : memref<1048576xi32, #tpu.memory_space<hbm>> -> memref<512xi32, #tpu.memory_space<hbm>>
      %dma_start3A_825 = tpu.memref_slice %arg4[%add3A_821] : memref<1048576xi32, #tpu.memory_space<hbm>> -> memref<512xi32, #tpu.memory_space<hbm>>
      tpu.enqueue_dma source(%dma_start3A_825 : memref<512xi32, #tpu.memory_space<hbm>>) target(%arg10 : memref<512xi32, #tpu.memory_space<vmem>>) target_semaphore(%arg27 : memref<!tpu.dma_semaphore, #tpu.memory_space<semaphore_mem>>)
      %gt3A = arith.constant 0 : i32
      %gt3A_826 = arith.cmpi sgt, %scan3A_676, %gt3A : i32
      %convert_element_type3A = arith.extui %gt3A_826 : i1 to i32
      %cond3A = arith.constant 0 : i32
      %cond3A_827 = arith.cmpi ne, %convert_element_type3A, %cond3A : i32
      scf.if %cond3A_827 {
        %dma_wait3A_1358 = arith.constant 0 : i32
        %dma_wait3A_1359 = tpu.memref_slice %arg5[%dma_wait3A_1358] : memref<1048576xf32, #tpu.memory_space<hbm>> -> memref<512xf32, #tpu.memory_space<hbm>>
        %dma_wait3A_1360 = arith.constant 0 : i32
        %dma_wait3A_1361 = tpu.memref_slice %arg5[%dma_wait3A_1360] : memref<1048576xf32, #tpu.memory_space<hbm>> -> memref<512xf32, #tpu.memory_space<hbm>>
        tpu.wait_dma2 semaphore(%arg35 : memref<!tpu.dma_semaphore, #tpu.memory_space<semaphore_mem>>) src(%arg22 : memref<512xf32, #tpu.memory_space<vmem>>) dst(%dma_wait3A_1361 : memref<512xf32, #tpu.memory_space<hbm>>)
      } else {
      }
      %scan3A_828 = arith.constant 0 : i32
      %scan3A_829 = arith.constant 0 : i32
      %scan3A_830 = arith.constant 64 : i32
      %scan3A_831 = arith.addi %scan3A_829, %scan3A_830 : i32
      %scan3A_832 = arith.constant 1 : i32
      scf.for %scan3A_1358 = %scan3A_829 to %scan3A_831 step %scan3A_832  : i32 {
        %mul3A_1359 = arith.constant 8 : i32
        %mul3A_1360 = arith.muli %scan3A_1358, %mul3A_1359 : i32
        %add3A_1361 = arith.constant 0 : i32
        %add3A_1362 = arith.addi %mul3A_1360, %add3A_1361 : i32
        %get3A = arith.index_cast %add3A_1362 : i32 to index
        %get3A_1363 = arith.constant 0 : index
        %get3A_1364 = tpu.vector_load %arg14[%get3A, %get3A_1363] {strides = array<i32>} : memref<512x32xbf16, #tpu.memory_space<vmem>>, vector<32xbf16>,
        %add3A_1365 = arith.constant 0 : i32
        %add3A_1366 = arith.addi %mul3A_1360, %add3A_1365 : i32
        %get3A_1367 = arith.index_cast %add3A_1366 : i32 to index
        %get3A_1368 = arith.constant 0 : index
        %get3A_1369 = tpu.vector_load %arg18[%get3A_1367, %get3A_1368] {strides = array<i32>} : memref<512x32xbf16, #tpu.memory_space<vmem>>, vector<32xbf16>,
        %mul3A_1370 = arith.mulf %get3A_1364, %get3A_1369 : vector<32xbf16>
        %unpack3A = tpu.unpack_subelements %mul3A_1370, 0 {pack_format = #tpu.pack_format<interleaved>} : vector<32xbf16> -> vector<16xf32>
        %unpack3A_1371 = tpu.unpack_subelements %mul3A_1370, 1 {pack_format = #tpu.pack_format<interleaved>} : vector<32xbf16> -> vector<16xf32>
        %add3A_1372 = arith.addf %unpack3A, %unpack3A_1371 : vector<16xf32>
        %cumsum3A = arith.constant true
        %cumsum3A_1373 = vector.broadcast %cumsum3A : i1 to vector<16xi1>
        %cumsum3A_1374 = tpu.scan <sum>, %add3A_1372 masked %cumsum3A_1373 : vector<16xf32>, vector<16xi1> -> vector<16xf32>
        %add3A_1375 = arith.constant 0 : i32
        %add3A_1376 = arith.addi %mul3A_1360, %add3A_1375 : i32
        %mul3A_1377 = arith.constant 16 : i32
        %mul3A_1378 = arith.muli %add3A_1376, %mul3A_1377 : i32
        %swap3A = arith.index_cast %mul3A_1378 : i32 to index
        %swap3A_1379 = tpu.vector_load %arg26[%swap3A] {strides = array<i32>} : memref<8192xf32, #tpu.memory_space<vmem>>, vector<16xf32>,
        tpu.vector_store %arg26[%swap3A], %cumsum3A_1374 {strides = array<i32>} : memref<8192xf32, #tpu.memory_space<vmem>>, vector<16xf32>,
        %add3A_1380 = arith.constant 1 : i32
        %add3A_1381 = arith.addi %mul3A_1360, %add3A_1380 : i32
        %get3A_1382 = arith.index_cast %add3A_1381 : i32 to index
        %get3A_1383 = arith.constant 0 : index
        %get3A_1384 = tpu.vector_load %arg14[%get3A_1382, %get3A_1383] {strides = array<i32>} : memref<512x32xbf16, #tpu.memory_space<vmem>>, vector<32xbf16>,
        %add3A_1385 = arith.constant 1 : i32
        %add3A_1386 = arith.addi %mul3A_1360, %add3A_1385 : i32
        %get3A_1387 = arith.index_cast %add3A_1386 : i32 to index
        %get3A_1388 = arith.constant 0 : index
        %get3A_1389 = tpu.vector_load %arg18[%get3A_1387, %get3A_1388] {strides = array<i32>} : memref<512x32xbf16, #tpu.memory_space<vmem>>, vector<32xbf16>,
        %mul3A_1390 = arith.mulf %get3A_1384, %get3A_1389 : vector<32xbf16>
        %unpack3A_1391 = tpu.unpack_subelements %mul3A_1390, 0 {pack_format = #tpu.pack_format<interleaved>} : vector<32xbf16> -> vector<16xf32>
        %unpack3A_1392 = tpu.unpack_subelements %mul3A_1390, 1 {pack_format = #tpu.pack_format<interleaved>} : vector<32xbf16> -> vector<16xf32>
        %add3A_1393 = arith.addf %unpack3A_1391, %unpack3A_1392 : vector<16xf32>
        %cumsum3A_1394 = arith.constant true
        %cumsum3A_1395 = vector.broadcast %cumsum3A_1394 : i1 to vector<16xi1>
        %cumsum3A_1396 = tpu.scan <sum>, %add3A_1393 masked %cumsum3A_1395 : vector<16xf32>, vector<16xi1> -> vector<16xf32>
        %add3A_1397 = arith.constant 1 : i32
        %add3A_1398 = arith.addi %mul3A_1360, %add3A_1397 : i32
        %mul3A_1399 = arith.constant 16 : i32
        %mul3A_1400 = arith.muli %add3A_1398, %mul3A_1399 : i32
        %swap3A_1401 = arith.index_cast %mul3A_1400 : i32 to index
        %swap3A_1402 = tpu.vector_load %arg26[%swap3A_1401] {strides = array<i32>} : memref<8192xf32, #tpu.memory_space<vmem>>, vector<16xf32>,
        tpu.vector_store %arg26[%swap3A_1401], %cumsum3A_1396 {strides = array<i32>} : memref<8192xf32, #tpu.memory_space<vmem>>, vector<16xf32>,
        %add3A_1403 = arith.constant 2 : i32
        %add3A_1404 = arith.addi %mul3A_1360, %add3A_1403 : i32
        %get3A_1405 = arith.index_cast %add3A_1404 : i32 to index
        %get3A_1406 = arith.constant 0 : index
        %get3A_1407 = tpu.vector_load %arg14[%get3A_1405, %get3A_1406] {strides = array<i32>} : memref<512x32xbf16, #tpu.memory_space<vmem>>, vector<32xbf16>,
        %add3A_1408 = arith.constant 2 : i32
        %add3A_1409 = arith.addi %mul3A_1360, %add3A_1408 : i32
        %get3A_1410 = arith.index_cast %add3A_1409 : i32 to index
        %get3A_1411 = arith.constant 0 : index
        %get3A_1412 = tpu.vector_load %arg18[%get3A_1410, %get3A_1411] {strides = array<i32>} : memref<512x32xbf16, #tpu.memory_space<vmem>>, vector<32xbf16>,
        %mul3A_1413 = arith.mulf %get3A_1407, %get3A_1412 : vector<32xbf16>
        %unpack3A_1414 = tpu.unpack_subelements %mul3A_1413, 0 {pack_format = #tpu.pack_format<interleaved>} : vector<32xbf16> -> vector<16xf32>
        %unpack3A_1415 = tpu.unpack_subelements %mul3A_1413, 1 {pack_format = #tpu.pack_format<interleaved>} : vector<32xbf16> -> vector<16xf32>
        %add3A_1416 = arith.addf %unpack3A_1414, %unpack3A_1415 : vector<16xf32>
        %cumsum3A_1417 = arith.constant true
        %cumsum3A_1418 = vector.broadcast %cumsum3A_1417 : i1 to vector<16xi1>
        %cumsum3A_1419 = tpu.scan <sum>, %add3A_1416 masked %cumsum3A_1418 : vector<16xf32>, vector<16xi1> -> vector<16xf32>
        %add3A_1420 = arith.constant 2 : i32
        %add3A_1421 = arith.addi %mul3A_1360, %add3A_1420 : i32
        %mul3A_1422 = arith.constant 16 : i32
        %mul3A_1423 = arith.muli %add3A_1421, %mul3A_1422 : i32
        %swap3A_1424 = arith.index_cast %mul3A_1423 : i32 to index
        %swap3A_1425 = tpu.vector_load %arg26[%swap3A_1424] {strides = array<i32>} : memref<8192xf32, #tpu.memory_space<vmem>>, vector<16xf32>,
        tpu.vector_store %arg26[%swap3A_1424], %cumsum3A_1419 {strides = array<i32>} : memref<8192xf32, #tpu.memory_space<vmem>>, vector<16xf32>,
        %add3A_1426 = arith.constant 3 : i32
        %add3A_1427 = arith.addi %mul3A_1360, %add3A_1426 : i32
        %get3A_1428 = arith.index_cast %add3A_1427 : i32 to index
        %get3A_1429 = arith.constant 0 : index
        %get3A_1430 = tpu.vector_load %arg14[%get3A_1428, %get3A_1429] {strides = array<i32>} : memref<512x32xbf16, #tpu.memory_space<vmem>>, vector<32xbf16>,
        %add3A_1431 = arith.constant 3 : i32
        %add3A_1432 = arith.addi %mul3A_1360, %add3A_1431 : i32
        %get3A_1433 = arith.index_cast %add3A_1432 : i32 to index
        %get3A_1434 = arith.constant 0 : index
        %get3A_1435 = tpu.vector_load %arg18[%get3A_1433, %get3A_1434] {strides = array<i32>} : memref<512x32xbf16, #tpu.memory_space<vmem>>, vector<32xbf16>,
        %mul3A_1436 = arith.mulf %get3A_1430, %get3A_1435 : vector<32xbf16>
        %unpack3A_1437 = tpu.unpack_subelements %mul3A_1436, 0 {pack_format = #tpu.pack_format<interleaved>} : vector<32xbf16> -> vector<16xf32>
        %unpack3A_1438 = tpu.unpack_subelements %mul3A_1436, 1 {pack_format = #tpu.pack_format<interleaved>} : vector<32xbf16> -> vector<16xf32>
        %add3A_1439 = arith.addf %unpack3A_1437, %unpack3A_1438 : vector<16xf32>
        %cumsum3A_1440 = arith.constant true
        %cumsum3A_1441 = vector.broadcast %cumsum3A_1440 : i1 to vector<16xi1>
        %cumsum3A_1442 = tpu.scan <sum>, %add3A_1439 masked %cumsum3A_1441 : vector<16xf32>, vector<16xi1> -> vector<16xf32>
        %add3A_1443 = arith.constant 3 : i32
        %add3A_1444 = arith.addi %mul3A_1360, %add3A_1443 : i32
        %mul3A_1445 = arith.constant 16 : i32
        %mul3A_1446 = arith.muli %add3A_1444, %mul3A_1445 : i32
        %swap3A_1447 = arith.index_cast %mul3A_1446 : i32 to index
        %swap3A_1448 = tpu.vector_load %arg26[%swap3A_1447] {strides = array<i32>} : memref<8192xf32, #tpu.memory_space<vmem>>, vector<16xf32>,
        tpu.vector_store %arg26[%swap3A_1447], %cumsum3A_1442 {strides = array<i32>} : memref<8192xf32, #tpu.memory_space<vmem>>, vector<16xf32>,
        %add3A_1449 = arith.constant 4 : i32
        %add3A_1450 = arith.addi %mul3A_1360, %add3A_1449 : i32
        %get3A_1451 = arith.index_cast %add3A_1450 : i32 to index
        %get3A_1452 = arith.constant 0 : index
        %get3A_1453 = tpu.vector_load %arg14[%get3A_1451, %get3A_1452] {strides = array<i32>} : memref<512x32xbf16, #tpu.memory_space<vmem>>, vector<32xbf16>,
        %add3A_1454 = arith.constant 4 : i32
        %add3A_1455 = arith.addi %mul3A_1360, %add3A_1454 : i32
        %get3A_1456 = arith.index_cast %add3A_1455 : i32 to index
        %get3A_1457 = arith.constant 0 : index
        %get3A_1458 = tpu.vector_load %arg18[%get3A_1456, %get3A_1457] {strides = array<i32>} : memref<512x32xbf16, #tpu.memory_space<vmem>>, vector<32xbf16>,
        %mul3A_1459 = arith.mulf %get3A_1453, %get3A_1458 : vector<32xbf16>
        %unpack3A_1460 = tpu.unpack_subelements %mul3A_1459, 0 {pack_format = #tpu.pack_format<interleaved>} : vector<32xbf16> -> vector<16xf32>
        %unpack3A_1461 = tpu.unpack_subelements %mul3A_1459, 1 {pack_format = #tpu.pack_format<interleaved>} : vector<32xbf16> -> vector<16xf32>
        %add3A_1462 = arith.addf %unpack3A_1460, %unpack3A_1461 : vector<16xf32>
        %cumsum3A_1463 = arith.constant true
        %cumsum3A_1464 = vector.broadcast %cumsum3A_1463 : i1 to vector<16xi1>
        %cumsum3A_1465 = tpu.scan <sum>, %add3A_1462 masked %cumsum3A_1464 : vector<16xf32>, vector<16xi1> -> vector<16xf32>
        %add3A_1466 = arith.constant 4 : i32
        %add3A_1467 = arith.addi %mul3A_1360, %add3A_1466 : i32
        %mul3A_1468 = arith.constant 16 : i32
        %mul3A_1469 = arith.muli %add3A_1467, %mul3A_1468 : i32
        %swap3A_1470 = arith.index_cast %mul3A_1469 : i32 to index
        %swap3A_1471 = tpu.vector_load %arg26[%swap3A_1470] {strides = array<i32>} : memref<8192xf32, #tpu.memory_space<vmem>>, vector<16xf32>,
        tpu.vector_store %arg26[%swap3A_1470], %cumsum3A_1465 {strides = array<i32>} : memref<8192xf32, #tpu.memory_space<vmem>>, vector<16xf32>,
        %add3A_1472 = arith.constant 5 : i32
        %add3A_1473 = arith.addi %mul3A_1360, %add3A_1472 : i32
        %get3A_1474 = arith.index_cast %add3A_1473 : i32 to index
        %get3A_1475 = arith.constant 0 : index
        %get3A_1476 = tpu.vector_load %arg14[%get3A_1474, %get3A_1475] {strides = array<i32>} : memref<512x32xbf16, #tpu.memory_space<vmem>>, vector<32xbf16>,
        %add3A_1477 = arith.constant 5 : i32
        %add3A_1478 = arith.addi %mul3A_1360, %add3A_1477 : i32
        %get3A_1479 = arith.index_cast %add3A_1478 : i32 to index
        %get3A_1480 = arith.constant 0 : index
        %get3A_1481 = tpu.vector_load %arg18[%get3A_1479, %get3A_1480] {strides = array<i32>} : memref<512x32xbf16, #tpu.memory_space<vmem>>, vector<32xbf16>,
        %mul3A_1482 = arith.mulf %get3A_1476, %get3A_1481 : vector<32xbf16>
        %unpack3A_1483 = tpu.unpack_subelements %mul3A_1482, 0 {pack_format = #tpu.pack_format<interleaved>} : vector<32xbf16> -> vector<16xf32>
        %unpack3A_1484 = tpu.unpack_subelements %mul3A_1482, 1 {pack_format = #tpu.pack_format<interleaved>} : vector<32xbf16> -> vector<16xf32>
        %add3A_1485 = arith.addf %unpack3A_1483, %unpack3A_1484 : vector<16xf32>
        %cumsum3A_1486 = arith.constant true
        %cumsum3A_1487 = vector.broadcast %cumsum3A_1486 : i1 to vector<16xi1>
        %cumsum3A_1488 = tpu.scan <sum>, %add3A_1485 masked %cumsum3A_1487 : vector<16xf32>, vector<16xi1> -> vector<16xf32>
        %add3A_1489 = arith.constant 5 : i32
        %add3A_1490 = arith.addi %mul3A_1360, %add3A_1489 : i32
        %mul3A_1491 = arith.constant 16 : i32
        %mul3A_1492 = arith.muli %add3A_1490, %mul3A_1491 : i32
        %swap3A_1493 = arith.index_cast %mul3A_1492 : i32 to index
        %swap3A_1494 = tpu.vector_load %arg26[%swap3A_1493] {strides = array<i32>} : memref<8192xf32, #tpu.memory_space<vmem>>, vector<16xf32>,
        tpu.vector_store %arg26[%swap3A_1493], %cumsum3A_1488 {strides = array<i32>} : memref<8192xf32, #tpu.memory_space<vmem>>, vector<16xf32>,
        %add3A_1495 = arith.constant 6 : i32
        %add3A_1496 = arith.addi %mul3A_1360, %add3A_1495 : i32
        %get3A_1497 = arith.index_cast %add3A_1496 : i32 to index
        %get3A_1498 = arith.constant 0 : index
        %get3A_1499 = tpu.vector_load %arg14[%get3A_1497, %get3A_1498] {strides = array<i32>} : memref<512x32xbf16, #tpu.memory_space<vmem>>, vector<32xbf16>,
        %add3A_1500 = arith.constant 6 : i32
        %add3A_1501 = arith.addi %mul3A_1360, %add3A_1500 : i32
        %get3A_1502 = arith.index_cast %add3A_1501 : i32 to index
        %get3A_1503 = arith.constant 0 : index
        %get3A_1504 = tpu.vector_load %arg18[%get3A_1502, %get3A_1503] {strides = array<i32>} : memref<512x32xbf16, #tpu.memory_space<vmem>>, vector<32xbf16>,
        %mul3A_1505 = arith.mulf %get3A_1499, %get3A_1504 : vector<32xbf16>
        %unpack3A_1506 = tpu.unpack_subelements %mul3A_1505, 0 {pack_format = #tpu.pack_format<interleaved>} : vector<32xbf16> -> vector<16xf32>
        %unpack3A_1507 = tpu.unpack_subelements %mul3A_1505, 1 {pack_format = #tpu.pack_format<interleaved>} : vector<32xbf16> -> vector<16xf32>
        %add3A_1508 = arith.addf %unpack3A_1506, %unpack3A_1507 : vector<16xf32>
        %cumsum3A_1509 = arith.constant true
        %cumsum3A_1510 = vector.broadcast %cumsum3A_1509 : i1 to vector<16xi1>
        %cumsum3A_1511 = tpu.scan <sum>, %add3A_1508 masked %cumsum3A_1510 : vector<16xf32>, vector<16xi1> -> vector<16xf32>
        %add3A_1512 = arith.constant 6 : i32
        %add3A_1513 = arith.addi %mul3A_1360, %add3A_1512 : i32
        %mul3A_1514 = arith.constant 16 : i32
        %mul3A_1515 = arith.muli %add3A_1513, %mul3A_1514 : i32
        %swap3A_1516 = arith.index_cast %mul3A_1515 : i32 to index
        %swap3A_1517 = tpu.vector_load %arg26[%swap3A_1516] {strides = array<i32>} : memref<8192xf32, #tpu.memory_space<vmem>>, vector<16xf32>,
        tpu.vector_store %arg26[%swap3A_1516], %cumsum3A_1511 {strides = array<i32>} : memref<8192xf32, #tpu.memory_space<vmem>>, vector<16xf32>,
        %add3A_1518 = arith.constant 7 : i32
        %add3A_1519 = arith.addi %mul3A_1360, %add3A_1518 : i32
        %get3A_1520 = arith.index_cast %add3A_1519 : i32 to index
        %get3A_1521 = arith.constant 0 : index
        %get3A_1522 = tpu.vector_load %arg14[%get3A_1520, %get3A_1521] {strides = array<i32>} : memref<512x32xbf16, #tpu.memory_space<vmem>>, vector<32xbf16>,
        %add3A_1523 = arith.constant 7 : i32
        %add3A_1524 = arith.addi %mul3A_1360, %add3A_1523 : i32
        %get3A_1525 = arith.index_cast %add3A_1524 : i32 to index
        %get3A_1526 = arith.constant 0 : index
        %get3A_1527 = tpu.vector_load %arg18[%get3A_1525, %get3A_1526] {strides = array<i32>} : memref<512x32xbf16, #tpu.memory_space<vmem>>, vector<32xbf16>,
        %mul3A_1528 = arith.mulf %get3A_1522, %get3A_1527 : vector<32xbf16>
        %unpack3A_1529 = tpu.unpack_subelements %mul3A_1528, 0 {pack_format = #tpu.pack_format<interleaved>} : vector<32xbf16> -> vector<16xf32>
        %unpack3A_1530 = tpu.unpack_subelements %mul3A_1528, 1 {pack_format = #tpu.pack_format<interleaved>} : vector<32xbf16> -> vector<16xf32>
        %add3A_1531 = arith.addf %unpack3A_1529, %unpack3A_1530 : vector<16xf32>
        %cumsum3A_1532 = arith.constant true
        %cumsum3A_1533 = vector.broadcast %cumsum3A_1532 : i1 to vector<16xi1>
        %cumsum3A_1534 = tpu.scan <sum>, %add3A_1531 masked %cumsum3A_1533 : vector<16xf32>, vector<16xi1> -> vector<16xf32>
        %add3A_1535 = arith.constant 7 : i32
        %add3A_1536 = arith.addi %mul3A_1360, %add3A_1535 : i32
        %mul3A_1537 = arith.constant 16 : i32
        %mul3A_1538 = arith.muli %add3A_1536, %mul3A_1537 : i32
        %swap3A_1539 = arith.index_cast %mul3A_1538 : i32 to index
        %swap3A_1540 = tpu.vector_load %arg26[%swap3A_1539] {strides = array<i32>} : memref<8192xf32, #tpu.memory_space<vmem>>, vector<16xf32>,
        tpu.vector_store %arg26[%swap3A_1539], %cumsum3A_1534 {strides = array<i32>} : memref<8192xf32, #tpu.memory_space<vmem>>, vector<16xf32>,
      }
      %scan3A_833 = arith.constant 64 : i32
      %scan3A_834 = arith.constant 0 : i32
      %scan3A_835 = arith.constant 0 : i32
      %scan3A_836 = arith.constant 32 : i32
      %scan3A_837 = arith.addi %scan3A_835, %scan3A_836 : i32
      %scan3A_838 = arith.constant 1 : i32
      scf.for %scan3A_1358 = %scan3A_835 to %scan3A_837 step %scan3A_838  : i32 {
        %mul3A_1359 = arith.constant 256 : i32
        %mul3A_1360 = arith.muli %scan3A_1358, %mul3A_1359 : i32
        %add3A_1361 = vector.broadcast %mul3A_1360 : i32 to vector<16xi32>
        %add3A_1362 = arith.addi %add3A_1361, %add3A_8 : vector<16xi32>
        %gather3A = tpu.vector_load_idx %arg26[%add3A_1362] : memref<8192xf32, #tpu.memory_space<vmem>>[vector<16xi32>], vector<16xf32>,
        %mul3A_1363 = arith.constant 16 : i32
        %mul3A_1364 = arith.muli %scan3A_1358, %mul3A_1363 : i32
        %swap3A = arith.index_cast %mul3A_1364 : i32 to index
        %swap3A_1365 = tpu.vector_load %arg22[%swap3A] {strides = array<i32>} : memref<512xf32, #tpu.memory_space<vmem>>, vector<16xf32>,
        tpu.vector_store %arg22[%swap3A], %gather3A {strides = array<i32>} : memref<512xf32, #tpu.memory_space<vmem>>, vector<16xf32>,
      }
      %scan3A_839 = arith.constant 32 : i32
      %mul3A_840 = arith.constant 512 : i32
      %mul3A_841 = arith.muli %add3A_680, %mul3A_840 : i32
      %add3A_842 = arith.addi %mul3A_2, %mul3A_841 : i32
      %dma_start3A_843 = tpu.memref_slice %arg5[%add3A_842] : memref<1048576xf32, #tpu.memory_space<hbm>> -> memref<512xf32, #tpu.memory_space<hbm>>
      %dma_start3A_844 = tpu.memref_slice %arg5[%add3A_842] : memref<1048576xf32, #tpu.memory_space<hbm>> -> memref<512xf32, #tpu.memory_space<hbm>>
      tpu.enqueue_dma source(%arg22 : memref<512xf32, #tpu.memory_space<vmem>>) target(%dma_start3A_844 : memref<512xf32, #tpu.memory_space<hbm>>) target_semaphore(%arg35 : memref<!tpu.dma_semaphore, #tpu.memory_space<semaphore_mem>>)
      %mul3A_845 = arith.constant 4 : i32
      %mul3A_846 = arith.muli %scan3A_676, %mul3A_845 : i32
      %add3A_847 = arith.constant 1 : i32
      %add3A_848 = arith.addi %mul3A_846, %add3A_847 : i32
      %dma_wait3A_849 = arith.constant 0 : i32
      %dma_wait3A_850 = arith.constant 0 : i32
      %dma_wait3A_851 = tpu.memref_slice %arg15[%dma_wait3A_849, %dma_wait3A_850] : memref<512x32xbf16, #tpu.memory_space<vmem>> -> memref<128x32xbf16, #tpu.memory_space<vmem>>
      %dma_wait3A_852 = arith.constant 0 : i32
      %dma_wait3A_853 = tpu.memref_slice %arg7[%dma_wait3A_852] : memref<512xi32, #tpu.memory_space<vmem>> -> memref<128xi32, #tpu.memory_space<vmem>>
      %dma_wait3A_854 = arith.constant 0 : i32
      %dma_wait3A_855 = arith.constant 0 : i32
      %dma_wait3A_856 = tpu.memref_slice %arg2[%dma_wait3A_854, %dma_wait3A_855] : memref<1000000x32xbf16, #tpu.memory_space<hbm>> -> memref<1000000x32xbf16, #tpu.memory_space<hbm>>
      tpu.wait_indirect_dma semaphore(%arg32 : memref<!tpu.dma_semaphore, #tpu.memory_space<semaphore_mem>>) src(%dma_wait3A_856 : memref<1000000x32xbf16, #tpu.memory_space<hbm>>) dst(%dma_wait3A_851 : memref<128x32xbf16, #tpu.memory_space<vmem>>)
      %dma_wait3A_857 = arith.constant 0 : i32
      %dma_wait3A_858 = arith.constant 0 : i32
      %dma_wait3A_859 = tpu.memref_slice %arg19[%dma_wait3A_857, %dma_wait3A_858] : memref<512x32xbf16, #tpu.memory_space<vmem>> -> memref<128x32xbf16, #tpu.memory_space<vmem>>
      %dma_wait3A_860 = arith.constant 0 : i32
      %dma_wait3A_861 = tpu.memref_slice %arg11[%dma_wait3A_860] : memref<512xi32, #tpu.memory_space<vmem>> -> memref<128xi32, #tpu.memory_space<vmem>>
      %dma_wait3A_862 = arith.constant 0 : i32
      %dma_wait3A_863 = arith.constant 0 : i32
      %dma_wait3A_864 = tpu.memref_slice %arg2[%dma_wait3A_862, %dma_wait3A_863] : memref<1000000x32xbf16, #tpu.memory_space<hbm>> -> memref<1000000x32xbf16, #tpu.memory_space<hbm>>
      tpu.wait_indirect_dma semaphore(%arg32 : memref<!tpu.dma_semaphore, #tpu.memory_space<semaphore_mem>>) src(%dma_wait3A_864 : memref<1000000x32xbf16, #tpu.memory_space<hbm>>) dst(%dma_wait3A_859 : memref<128x32xbf16, #tpu.memory_space<vmem>>)
      %dma_wait3A_865 = arith.constant 128 : i32
      %dma_wait3A_866 = arith.constant 0 : i32
      %dma_wait3A_867 = tpu.memref_slice %arg15[%dma_wait3A_865, %dma_wait3A_866] : memref<512x32xbf16, #tpu.memory_space<vmem>> -> memref<128x32xbf16, #tpu.memory_space<vmem>>
      %dma_wait3A_868 = arith.constant 128 : i32
      %dma_wait3A_869 = tpu.memref_slice %arg7[%dma_wait3A_868] : memref<512xi32, #tpu.memory_space<vmem>> -> memref<128xi32, #tpu.memory_space<vmem>>
      %dma_wait3A_870 = arith.constant 0 : i32
      %dma_wait3A_871 = arith.constant 0 : i32
      %dma_wait3A_872 = tpu.memref_slice %arg2[%dma_wait3A_870, %dma_wait3A_871] : memref<1000000x32xbf16, #tpu.memory_space<hbm>> -> memref<1000000x32xbf16, #tpu.memory_space<hbm>>
      tpu.wait_indirect_dma semaphore(%arg32 : memref<!tpu.dma_semaphore, #tpu.memory_space<semaphore_mem>>) src(%dma_wait3A_872 : memref<1000000x32xbf16, #tpu.memory_space<hbm>>) dst(%dma_wait3A_867 : memref<128x32xbf16, #tpu.memory_space<vmem>>)
      %dma_wait3A_873 = arith.constant 128 : i32
      %dma_wait3A_874 = arith.constant 0 : i32
      %dma_wait3A_875 = tpu.memref_slice %arg19[%dma_wait3A_873, %dma_wait3A_874] : memref<512x32xbf16, #tpu.memory_space<vmem>> -> memref<128x32xbf16, #tpu.memory_space<vmem>>
      %dma_wait3A_876 = arith.constant 128 : i32
      %dma_wait3A_877 = tpu.memref_slice %arg11[%dma_wait3A_876] : memref<512xi32, #tpu.memory_space<vmem>> -> memref<128xi32, #tpu.memory_space<vmem>>
      %dma_wait3A_878 = arith.constant 0 : i32
      %dma_wait3A_879 = arith.constant 0 : i32
      %dma_wait3A_880 = tpu.memref_slice %arg2[%dma_wait3A_878, %dma_wait3A_879] : memref<1000000x32xbf16, #tpu.memory_space<hbm>> -> memref<1000000x32xbf16, #tpu.memory_space<hbm>>
      tpu.wait_indirect_dma semaphore(%arg32 : memref<!tpu.dma_semaphore, #tpu.memory_space<semaphore_mem>>) src(%dma_wait3A_880 : memref<1000000x32xbf16, #tpu.memory_space<hbm>>) dst(%dma_wait3A_875 : memref<128x32xbf16, #tpu.memory_space<vmem>>)
      %dma_wait3A_881 = arith.constant 256 : i32
      %dma_wait3A_882 = arith.constant 0 : i32
      %dma_wait3A_883 = tpu.memref_slice %arg15[%dma_wait3A_881, %dma_wait3A_882] : memref<512x32xbf16, #tpu.memory_space<vmem>> -> memref<128x32xbf16, #tpu.memory_space<vmem>>
      %dma_wait3A_884 = arith.constant 256 : i32
      %dma_wait3A_885 = tpu.memref_slice %arg7[%dma_wait3A_884] : memref<512xi32, #tpu.memory_space<vmem>> -> memref<128xi32, #tpu.memory_space<vmem>>
      %dma_wait3A_886 = arith.constant 0 : i32
      %dma_wait3A_887 = arith.constant 0 : i32
      %dma_wait3A_888 = tpu.memref_slice %arg2[%dma_wait3A_886, %dma_wait3A_887] : memref<1000000x32xbf16, #tpu.memory_space<hbm>> -> memref<1000000x32xbf16, #tpu.memory_space<hbm>>
      tpu.wait_indirect_dma semaphore(%arg32 : memref<!tpu.dma_semaphore, #tpu.memory_space<semaphore_mem>>) src(%dma_wait3A_888 : memref<1000000x32xbf16, #tpu.memory_space<hbm>>) dst(%dma_wait3A_883 : memref<128x32xbf16, #tpu.memory_space<vmem>>)
      %dma_wait3A_889 = arith.constant 256 : i32
      %dma_wait3A_890 = arith.constant 0 : i32
      %dma_wait3A_891 = tpu.memref_slice %arg19[%dma_wait3A_889, %dma_wait3A_890] : memref<512x32xbf16, #tpu.memory_space<vmem>> -> memref<128x32xbf16, #tpu.memory_space<vmem>>
      %dma_wait3A_892 = arith.constant 256 : i32
      %dma_wait3A_893 = tpu.memref_slice %arg11[%dma_wait3A_892] : memref<512xi32, #tpu.memory_space<vmem>> -> memref<128xi32, #tpu.memory_space<vmem>>
      %dma_wait3A_894 = arith.constant 0 : i32
      %dma_wait3A_895 = arith.constant 0 : i32
      %dma_wait3A_896 = tpu.memref_slice %arg2[%dma_wait3A_894, %dma_wait3A_895] : memref<1000000x32xbf16, #tpu.memory_space<hbm>> -> memref<1000000x32xbf16, #tpu.memory_space<hbm>>
      tpu.wait_indirect_dma semaphore(%arg32 : memref<!tpu.dma_semaphore, #tpu.memory_space<semaphore_mem>>) src(%dma_wait3A_896 : memref<1000000x32xbf16, #tpu.memory_space<hbm>>) dst(%dma_wait3A_891 : memref<128x32xbf16, #tpu.memory_space<vmem>>)
      %dma_wait3A_897 = arith.constant 384 : i32
      %dma_wait3A_898 = arith.constant 0 : i32
      %dma_wait3A_899 = tpu.memref_slice %arg15[%dma_wait3A_897, %dma_wait3A_898] : memref<512x32xbf16, #tpu.memory_space<vmem>> -> memref<128x32xbf16, #tpu.memory_space<vmem>>
      %dma_wait3A_900 = arith.constant 384 : i32
      %dma_wait3A_901 = tpu.memref_slice %arg7[%dma_wait3A_900] : memref<512xi32, #tpu.memory_space<vmem>> -> memref<128xi32, #tpu.memory_space<vmem>>
      %dma_wait3A_902 = arith.constant 0 : i32
      %dma_wait3A_903 = arith.constant 0 : i32
      %dma_wait3A_904 = tpu.memref_slice %arg2[%dma_wait3A_902, %dma_wait3A_903] : memref<1000000x32xbf16, #tpu.memory_space<hbm>> -> memref<1000000x32xbf16, #tpu.memory_space<hbm>>
      tpu.wait_indirect_dma semaphore(%arg32 : memref<!tpu.dma_semaphore, #tpu.memory_space<semaphore_mem>>) src(%dma_wait3A_904 : memref<1000000x32xbf16, #tpu.memory_space<hbm>>) dst(%dma_wait3A_899 : memref<128x32xbf16, #tpu.memory_space<vmem>>)
      %dma_wait3A_905 = arith.constant 384 : i32
      %dma_wait3A_906 = arith.constant 0 : i32
      %dma_wait3A_907 = tpu.memref_slice %arg19[%dma_wait3A_905, %dma_wait3A_906] : memref<512x32xbf16, #tpu.memory_space<vmem>> -> memref<128x32xbf16, #tpu.memory_space<vmem>>
      %dma_wait3A_908 = arith.constant 384 : i32
      %dma_wait3A_909 = tpu.memref_slice %arg11[%dma_wait3A_908] : memref<512xi32, #tpu.memory_space<vmem>> -> memref<128xi32, #tpu.memory_space<vmem>>
      %dma_wait3A_910 = arith.constant 0 : i32
      %dma_wait3A_911 = arith.constant 0 : i32
      %dma_wait3A_912 = tpu.memref_slice %arg2[%dma_wait3A_910, %dma_wait3A_911] : memref<1000000x32xbf16, #tpu.memory_space<hbm>> -> memref<1000000x32xbf16, #tpu.memory_space<hbm>>
      tpu.wait_indirect_dma semaphore(%arg32 : memref<!tpu.dma_semaphore, #tpu.memory_space<semaphore_mem>>) src(%dma_wait3A_912 : memref<1000000x32xbf16, #tpu.memory_space<hbm>>) dst(%dma_wait3A_907 : memref<128x32xbf16, #tpu.memory_space<vmem>>)
      %dma_wait3A_913 = arith.constant 0 : i32
      %dma_wait3A_914 = tpu.memref_slice %arg3[%dma_wait3A_913] : memref<1048576xi32, #tpu.memory_space<hbm>> -> memref<512xi32, #tpu.memory_space<hbm>>
      %dma_wait3A_915 = arith.constant 0 : i32
      %dma_wait3A_916 = tpu.memref_slice %arg3[%dma_wait3A_915] : memref<1048576xi32, #tpu.memory_space<hbm>> -> memref<512xi32, #tpu.memory_space<hbm>>
      tpu.wait_dma2 semaphore(%arg27 : memref<!tpu.dma_semaphore, #tpu.memory_space<semaphore_mem>>) src(%dma_wait3A_916 : memref<512xi32, #tpu.memory_space<hbm>>) dst(%arg6 : memref<512xi32, #tpu.memory_space<vmem>>)
      %dma_wait3A_917 = arith.constant 0 : i32
      %dma_wait3A_918 = tpu.memref_slice %arg4[%dma_wait3A_917] : memref<1048576xi32, #tpu.memory_space<hbm>> -> memref<512xi32, #tpu.memory_space<hbm>>
      %dma_wait3A_919 = arith.constant 0 : i32
      %dma_wait3A_920 = tpu.memref_slice %arg4[%dma_wait3A_919] : memref<1048576xi32, #tpu.memory_space<hbm>> -> memref<512xi32, #tpu.memory_space<hbm>>
      tpu.wait_dma2 semaphore(%arg27 : memref<!tpu.dma_semaphore, #tpu.memory_space<semaphore_mem>>) src(%dma_wait3A_920 : memref<512xi32, #tpu.memory_space<hbm>>) dst(%arg10 : memref<512xi32, #tpu.memory_space<vmem>>)
      %dma_start3A_921 = arith.constant 0 : i32
      %dma_start3A_922 = arith.constant 0 : i32
      %dma_start3A_923 = tpu.memref_slice %arg14[%dma_start3A_921, %dma_start3A_922] : memref<512x32xbf16, #tpu.memory_space<vmem>> -> memref<128x32xbf16, #tpu.memory_space<vmem>>
      %dma_start3A_924 = arith.constant 0 : i32
      %dma_start3A_925 = tpu.memref_slice %arg6[%dma_start3A_924] : memref<512xi32, #tpu.memory_space<vmem>> -> memref<128xi32, #tpu.memory_space<vmem>>
      %dma_start3A_926 = arith.constant 0 : i32
      %dma_start3A_927 = arith.constant 0 : i32
      %dma_start3A_928 = tpu.memref_slice %arg2[%dma_start3A_926, %dma_start3A_927] : memref<1000000x32xbf16, #tpu.memory_space<hbm>> -> memref<1000000x32xbf16, #tpu.memory_space<hbm>>
      tpu.enqueue_indirect_dma source(%dma_start3A_928 : memref<1000000x32xbf16, #tpu.memory_space<hbm>>) target(%dma_start3A_923 : memref<128x32xbf16, #tpu.memory_space<vmem>>) offsets(%dma_start3A_925 : memref<128xi32, #tpu.memory_space<vmem>>) semaphore(%arg31 : memref<!tpu.dma_semaphore, #tpu.memory_space<semaphore_mem>>)
      %dma_start3A_929 = arith.constant 0 : i32
      %dma_start3A_930 = arith.constant 0 : i32
      %dma_start3A_931 = tpu.memref_slice %arg18[%dma_start3A_929, %dma_start3A_930] : memref<512x32xbf16, #tpu.memory_space<vmem>> -> memref<128x32xbf16, #tpu.memory_space<vmem>>
      %dma_start3A_932 = arith.constant 0 : i32
      %dma_start3A_933 = tpu.memref_slice %arg10[%dma_start3A_932] : memref<512xi32, #tpu.memory_space<vmem>> -> memref<128xi32, #tpu.memory_space<vmem>>
      %dma_start3A_934 = arith.constant 0 : i32
      %dma_start3A_935 = arith.constant 0 : i32
      %dma_start3A_936 = tpu.memref_slice %arg2[%dma_start3A_934, %dma_start3A_935] : memref<1000000x32xbf16, #tpu.memory_space<hbm>> -> memref<1000000x32xbf16, #tpu.memory_space<hbm>>
      tpu.enqueue_indirect_dma source(%dma_start3A_936 : memref<1000000x32xbf16, #tpu.memory_space<hbm>>) target(%dma_start3A_931 : memref<128x32xbf16, #tpu.memory_space<vmem>>) offsets(%dma_start3A_933 : memref<128xi32, #tpu.memory_space<vmem>>) semaphore(%arg31 : memref<!tpu.dma_semaphore, #tpu.memory_space<semaphore_mem>>)
      %dma_start3A_937 = arith.constant 128 : i32
      %dma_start3A_938 = arith.constant 0 : i32
      %dma_start3A_939 = tpu.memref_slice %arg14[%dma_start3A_937, %dma_start3A_938] : memref<512x32xbf16, #tpu.memory_space<vmem>> -> memref<128x32xbf16, #tpu.memory_space<vmem>>
      %dma_start3A_940 = arith.constant 128 : i32
      %dma_start3A_941 = tpu.memref_slice %arg6[%dma_start3A_940] : memref<512xi32, #tpu.memory_space<vmem>> -> memref<128xi32, #tpu.memory_space<vmem>>
      %dma_start3A_942 = arith.constant 0 : i32
      %dma_start3A_943 = arith.constant 0 : i32
      %dma_start3A_944 = tpu.memref_slice %arg2[%dma_start3A_942, %dma_start3A_943] : memref<1000000x32xbf16, #tpu.memory_space<hbm>> -> memref<1000000x32xbf16, #tpu.memory_space<hbm>>
      tpu.enqueue_indirect_dma source(%dma_start3A_944 : memref<1000000x32xbf16, #tpu.memory_space<hbm>>) target(%dma_start3A_939 : memref<128x32xbf16, #tpu.memory_space<vmem>>) offsets(%dma_start3A_941 : memref<128xi32, #tpu.memory_space<vmem>>) semaphore(%arg31 : memref<!tpu.dma_semaphore, #tpu.memory_space<semaphore_mem>>)
      %dma_start3A_945 = arith.constant 128 : i32
      %dma_start3A_946 = arith.constant 0 : i32
      %dma_start3A_947 = tpu.memref_slice %arg18[%dma_start3A_945, %dma_start3A_946] : memref<512x32xbf16, #tpu.memory_space<vmem>> -> memref<128x32xbf16, #tpu.memory_space<vmem>>
      %dma_start3A_948 = arith.constant 128 : i32
      %dma_start3A_949 = tpu.memref_slice %arg10[%dma_start3A_948] : memref<512xi32, #tpu.memory_space<vmem>> -> memref<128xi32, #tpu.memory_space<vmem>>
      %dma_start3A_950 = arith.constant 0 : i32
      %dma_start3A_951 = arith.constant 0 : i32
      %dma_start3A_952 = tpu.memref_slice %arg2[%dma_start3A_950, %dma_start3A_951] : memref<1000000x32xbf16, #tpu.memory_space<hbm>> -> memref<1000000x32xbf16, #tpu.memory_space<hbm>>
      tpu.enqueue_indirect_dma source(%dma_start3A_952 : memref<1000000x32xbf16, #tpu.memory_space<hbm>>) target(%dma_start3A_947 : memref<128x32xbf16, #tpu.memory_space<vmem>>) offsets(%dma_start3A_949 : memref<128xi32, #tpu.memory_space<vmem>>) semaphore(%arg31 : memref<!tpu.dma_semaphore, #tpu.memory_space<semaphore_mem>>)
      %dma_start3A_953 = arith.constant 256 : i32
      %dma_start3A_954 = arith.constant 0 : i32
      %dma_start3A_955 = tpu.memref_slice %arg14[%dma_start3A_953, %dma_start3A_954] : memref<512x32xbf16, #tpu.memory_space<vmem>> -> memref<128x32xbf16, #tpu.memory_space<vmem>>
      %dma_start3A_956 = arith.constant 256 : i32
      %dma_start3A_957 = tpu.memref_slice %arg6[%dma_start3A_956] : memref<512xi32, #tpu.memory_space<vmem>> -> memref<128xi32, #tpu.memory_space<vmem>>
      %dma_start3A_958 = arith.constant 0 : i32
      %dma_start3A_959 = arith.constant 0 : i32
      %dma_start3A_960 = tpu.memref_slice %arg2[%dma_start3A_958, %dma_start3A_959] : memref<1000000x32xbf16, #tpu.memory_space<hbm>> -> memref<1000000x32xbf16, #tpu.memory_space<hbm>>
      tpu.enqueue_indirect_dma source(%dma_start3A_960 : memref<1000000x32xbf16, #tpu.memory_space<hbm>>) target(%dma_start3A_955 : memref<128x32xbf16, #tpu.memory_space<vmem>>) offsets(%dma_start3A_957 : memref<128xi32, #tpu.memory_space<vmem>>) semaphore(%arg31 : memref<!tpu.dma_semaphore, #tpu.memory_space<semaphore_mem>>)
      %dma_start3A_961 = arith.constant 256 : i32
      %dma_start3A_962 = arith.constant 0 : i32
      %dma_start3A_963 = tpu.memref_slice %arg18[%dma_start3A_961, %dma_start3A_962] : memref<512x32xbf16, #tpu.memory_space<vmem>> -> memref<128x32xbf16, #tpu.memory_space<vmem>>
      %dma_start3A_964 = arith.constant 256 : i32
      %dma_start3A_965 = tpu.memref_slice %arg10[%dma_start3A_964] : memref<512xi32, #tpu.memory_space<vmem>> -> memref<128xi32, #tpu.memory_space<vmem>>
      %dma_start3A_966 = arith.constant 0 : i32
      %dma_start3A_967 = arith.constant 0 : i32
      %dma_start3A_968 = tpu.memref_slice %arg2[%dma_start3A_966, %dma_start3A_967] : memref<1000000x32xbf16, #tpu.memory_space<hbm>> -> memref<1000000x32xbf16, #tpu.memory_space<hbm>>
      tpu.enqueue_indirect_dma source(%dma_start3A_968 : memref<1000000x32xbf16, #tpu.memory_space<hbm>>) target(%dma_start3A_963 : memref<128x32xbf16, #tpu.memory_space<vmem>>) offsets(%dma_start3A_965 : memref<128xi32, #tpu.memory_space<vmem>>) semaphore(%arg31 : memref<!tpu.dma_semaphore, #tpu.memory_space<semaphore_mem>>)
      %dma_start3A_969 = arith.constant 384 : i32
      %dma_start3A_970 = arith.constant 0 : i32
      %dma_start3A_971 = tpu.memref_slice %arg14[%dma_start3A_969, %dma_start3A_970] : memref<512x32xbf16, #tpu.memory_space<vmem>> -> memref<128x32xbf16, #tpu.memory_space<vmem>>
      %dma_start3A_972 = arith.constant 384 : i32
      %dma_start3A_973 = tpu.memref_slice %arg6[%dma_start3A_972] : memref<512xi32, #tpu.memory_space<vmem>> -> memref<128xi32, #tpu.memory_space<vmem>>
      %dma_start3A_974 = arith.constant 0 : i32
      %dma_start3A_975 = arith.constant 0 : i32
      %dma_start3A_976 = tpu.memref_slice %arg2[%dma_start3A_974, %dma_start3A_975] : memref<1000000x32xbf16, #tpu.memory_space<hbm>> -> memref<1000000x32xbf16, #tpu.memory_space<hbm>>
      tpu.enqueue_indirect_dma source(%dma_start3A_976 : memref<1000000x32xbf16, #tpu.memory_space<hbm>>) target(%dma_start3A_971 : memref<128x32xbf16, #tpu.memory_space<vmem>>) offsets(%dma_start3A_973 : memref<128xi32, #tpu.memory_space<vmem>>) semaphore(%arg31 : memref<!tpu.dma_semaphore, #tpu.memory_space<semaphore_mem>>)
      %dma_start3A_977 = arith.constant 384 : i32
      %dma_start3A_978 = arith.constant 0 : i32
      %dma_start3A_979 = tpu.memref_slice %arg18[%dma_start3A_977, %dma_start3A_978] : memref<512x32xbf16, #tpu.memory_space<vmem>> -> memref<128x32xbf16, #tpu.memory_space<vmem>>
      %dma_start3A_980 = arith.constant 384 : i32
      %dma_start3A_981 = tpu.memref_slice %arg10[%dma_start3A_980] : memref<512xi32, #tpu.memory_space<vmem>> -> memref<128xi32, #tpu.memory_space<vmem>>
      %dma_start3A_982 = arith.constant 0 : i32
      %dma_start3A_983 = arith.constant 0 : i32
      %dma_start3A_984 = tpu.memref_slice %arg2[%dma_start3A_982, %dma_start3A_983] : memref<1000000x32xbf16, #tpu.memory_space<hbm>> -> memref<1000000x32xbf16, #tpu.memory_space<hbm>>
      tpu.enqueue_indirect_dma source(%dma_start3A_984 : memref<1000000x32xbf16, #tpu.memory_space<hbm>>) target(%dma_start3A_979 : memref<128x32xbf16, #tpu.memory_space<vmem>>) offsets(%dma_start3A_981 : memref<128xi32, #tpu.memory_space<vmem>>) semaphore(%arg31 : memref<!tpu.dma_semaphore, #tpu.memory_space<semaphore_mem>>)
      %add3A_985 = arith.constant 4 : i32
      %add3A_986 = arith.addi %add3A_848, %add3A_985 : i32
      %mul3A_987 = arith.constant 512 : i32
      %mul3A_988 = arith.muli %add3A_986, %mul3A_987 : i32
      %add3A_989 = arith.addi %mul3A_2, %mul3A_988 : i32
      %dma_start3A_990 = tpu.memref_slice %arg3[%add3A_989] : memref<1048576xi32, #tpu.memory_space<hbm>> -> memref<512xi32, #tpu.memory_space<hbm>>
      %dma_start3A_991 = tpu.memref_slice %arg3[%add3A_989] : memref<1048576xi32, #tpu.memory_space<hbm>> -> memref<512xi32, #tpu.memory_space<hbm>>
      tpu.enqueue_dma source(%dma_start3A_991 : memref<512xi32, #tpu.memory_space<hbm>>) target(%arg7 : memref<512xi32, #tpu.memory_space<vmem>>) target_semaphore(%arg28 : memref<!tpu.dma_semaphore, #tpu.memory_space<semaphore_mem>>)
      %dma_start3A_992 = tpu.memref_slice %arg4[%add3A_989] : memref<1048576xi32, #tpu.memory_space<hbm>> -> memref<512xi32, #tpu.memory_space<hbm>>
      %dma_start3A_993 = tpu.memref_slice %arg4[%add3A_989] : memref<1048576xi32, #tpu.memory_space<hbm>> -> memref<512xi32, #tpu.memory_space<hbm>>
      tpu.enqueue_dma source(%dma_start3A_993 : memref<512xi32, #tpu.memory_space<hbm>>) target(%arg11 : memref<512xi32, #tpu.memory_space<vmem>>) target_semaphore(%arg28 : memref<!tpu.dma_semaphore, #tpu.memory_space<semaphore_mem>>)
      %gt3A_994 = arith.constant 0 : i32
      %gt3A_995 = arith.cmpi sgt, %scan3A_676, %gt3A_994 : i32
      %convert_element_type3A_996 = arith.extui %gt3A_995 : i1 to i32
      %cond3A_997 = arith.constant 0 : i32
      %cond3A_998 = arith.cmpi ne, %convert_element_type3A_996, %cond3A_997 : i32
      scf.if %cond3A_998 {
        %dma_wait3A_1358 = arith.constant 0 : i32
        %dma_wait3A_1359 = tpu.memref_slice %arg5[%dma_wait3A_1358] : memref<1048576xf32, #tpu.memory_space<hbm>> -> memref<512xf32, #tpu.memory_space<hbm>>
        %dma_wait3A_1360 = arith.constant 0 : i32
        %dma_wait3A_1361 = tpu.memref_slice %arg5[%dma_wait3A_1360] : memref<1048576xf32, #tpu.memory_space<hbm>> -> memref<512xf32, #tpu.memory_space<hbm>>
        tpu.wait_dma2 semaphore(%arg36 : memref<!tpu.dma_semaphore, #tpu.memory_space<semaphore_mem>>) src(%arg23 : memref<512xf32, #tpu.memory_space<vmem>>) dst(%dma_wait3A_1361 : memref<512xf32, #tpu.memory_space<hbm>>)
      } else {
      }
      %scan3A_999 = arith.constant 0 : i32
      %scan3A_1000 = arith.constant 0 : i32
      %scan3A_1001 = arith.constant 64 : i32
      %scan3A_1002 = arith.addi %scan3A_1000, %scan3A_1001 : i32
      %scan3A_1003 = arith.constant 1 : i32
      scf.for %scan3A_1358 = %scan3A_1000 to %scan3A_1002 step %scan3A_1003  : i32 {
        %mul3A_1359 = arith.constant 8 : i32
        %mul3A_1360 = arith.muli %scan3A_1358, %mul3A_1359 : i32
        %add3A_1361 = arith.constant 0 : i32
        %add3A_1362 = arith.addi %mul3A_1360, %add3A_1361 : i32
        %get3A = arith.index_cast %add3A_1362 : i32 to index
        %get3A_1363 = arith.constant 0 : index
        %get3A_1364 = tpu.vector_load %arg15[%get3A, %get3A_1363] {strides = array<i32>} : memref<512x32xbf16, #tpu.memory_space<vmem>>, vector<32xbf16>,
        %add3A_1365 = arith.constant 0 : i32
        %add3A_1366 = arith.addi %mul3A_1360, %add3A_1365 : i32
        %get3A_1367 = arith.index_cast %add3A_1366 : i32 to index
        %get3A_1368 = arith.constant 0 : index
        %get3A_1369 = tpu.vector_load %arg19[%get3A_1367, %get3A_1368] {strides = array<i32>} : memref<512x32xbf16, #tpu.memory_space<vmem>>, vector<32xbf16>,
        %mul3A_1370 = arith.mulf %get3A_1364, %get3A_1369 : vector<32xbf16>
        %unpack3A = tpu.unpack_subelements %mul3A_1370, 0 {pack_format = #tpu.pack_format<interleaved>} : vector<32xbf16> -> vector<16xf32>
        %unpack3A_1371 = tpu.unpack_subelements %mul3A_1370, 1 {pack_format = #tpu.pack_format<interleaved>} : vector<32xbf16> -> vector<16xf32>
        %add3A_1372 = arith.addf %unpack3A, %unpack3A_1371 : vector<16xf32>
        %cumsum3A = arith.constant true
        %cumsum3A_1373 = vector.broadcast %cumsum3A : i1 to vector<16xi1>
        %cumsum3A_1374 = tpu.scan <sum>, %add3A_1372 masked %cumsum3A_1373 : vector<16xf32>, vector<16xi1> -> vector<16xf32>
        %add3A_1375 = arith.constant 0 : i32
        %add3A_1376 = arith.addi %mul3A_1360, %add3A_1375 : i32
        %mul3A_1377 = arith.constant 16 : i32
        %mul3A_1378 = arith.muli %add3A_1376, %mul3A_1377 : i32
        %swap3A = arith.index_cast %mul3A_1378 : i32 to index
        %swap3A_1379 = tpu.vector_load %arg26[%swap3A] {strides = array<i32>} : memref<8192xf32, #tpu.memory_space<vmem>>, vector<16xf32>,
        tpu.vector_store %arg26[%swap3A], %cumsum3A_1374 {strides = array<i32>} : memref<8192xf32, #tpu.memory_space<vmem>>, vector<16xf32>,
        %add3A_1380 = arith.constant 1 : i32
        %add3A_1381 = arith.addi %mul3A_1360, %add3A_1380 : i32
        %get3A_1382 = arith.index_cast %add3A_1381 : i32 to index
        %get3A_1383 = arith.constant 0 : index
        %get3A_1384 = tpu.vector_load %arg15[%get3A_1382, %get3A_1383] {strides = array<i32>} : memref<512x32xbf16, #tpu.memory_space<vmem>>, vector<32xbf16>,
        %add3A_1385 = arith.constant 1 : i32
        %add3A_1386 = arith.addi %mul3A_1360, %add3A_1385 : i32
        %get3A_1387 = arith.index_cast %add3A_1386 : i32 to index
        %get3A_1388 = arith.constant 0 : index
        %get3A_1389 = tpu.vector_load %arg19[%get3A_1387, %get3A_1388] {strides = array<i32>} : memref<512x32xbf16, #tpu.memory_space<vmem>>, vector<32xbf16>,
        %mul3A_1390 = arith.mulf %get3A_1384, %get3A_1389 : vector<32xbf16>
        %unpack3A_1391 = tpu.unpack_subelements %mul3A_1390, 0 {pack_format = #tpu.pack_format<interleaved>} : vector<32xbf16> -> vector<16xf32>
        %unpack3A_1392 = tpu.unpack_subelements %mul3A_1390, 1 {pack_format = #tpu.pack_format<interleaved>} : vector<32xbf16> -> vector<16xf32>
        %add3A_1393 = arith.addf %unpack3A_1391, %unpack3A_1392 : vector<16xf32>
        %cumsum3A_1394 = arith.constant true
        %cumsum3A_1395 = vector.broadcast %cumsum3A_1394 : i1 to vector<16xi1>
        %cumsum3A_1396 = tpu.scan <sum>, %add3A_1393 masked %cumsum3A_1395 : vector<16xf32>, vector<16xi1> -> vector<16xf32>
        %add3A_1397 = arith.constant 1 : i32
        %add3A_1398 = arith.addi %mul3A_1360, %add3A_1397 : i32
        %mul3A_1399 = arith.constant 16 : i32
        %mul3A_1400 = arith.muli %add3A_1398, %mul3A_1399 : i32
        %swap3A_1401 = arith.index_cast %mul3A_1400 : i32 to index
        %swap3A_1402 = tpu.vector_load %arg26[%swap3A_1401] {strides = array<i32>} : memref<8192xf32, #tpu.memory_space<vmem>>, vector<16xf32>,
        tpu.vector_store %arg26[%swap3A_1401], %cumsum3A_1396 {strides = array<i32>} : memref<8192xf32, #tpu.memory_space<vmem>>, vector<16xf32>,
        %add3A_1403 = arith.constant 2 : i32
        %add3A_1404 = arith.addi %mul3A_1360, %add3A_1403 : i32
        %get3A_1405 = arith.index_cast %add3A_1404 : i32 to index
        %get3A_1406 = arith.constant 0 : index
        %get3A_1407 = tpu.vector_load %arg15[%get3A_1405, %get3A_1406] {strides = array<i32>} : memref<512x32xbf16, #tpu.memory_space<vmem>>, vector<32xbf16>,
        %add3A_1408 = arith.constant 2 : i32
        %add3A_1409 = arith.addi %mul3A_1360, %add3A_1408 : i32
        %get3A_1410 = arith.index_cast %add3A_1409 : i32 to index
        %get3A_1411 = arith.constant 0 : index
        %get3A_1412 = tpu.vector_load %arg19[%get3A_1410, %get3A_1411] {strides = array<i32>} : memref<512x32xbf16, #tpu.memory_space<vmem>>, vector<32xbf16>,
        %mul3A_1413 = arith.mulf %get3A_1407, %get3A_1412 : vector<32xbf16>
        %unpack3A_1414 = tpu.unpack_subelements %mul3A_1413, 0 {pack_format = #tpu.pack_format<interleaved>} : vector<32xbf16> -> vector<16xf32>
        %unpack3A_1415 = tpu.unpack_subelements %mul3A_1413, 1 {pack_format = #tpu.pack_format<interleaved>} : vector<32xbf16> -> vector<16xf32>
        %add3A_1416 = arith.addf %unpack3A_1414, %unpack3A_1415 : vector<16xf32>
        %cumsum3A_1417 = arith.constant true
        %cumsum3A_1418 = vector.broadcast %cumsum3A_1417 : i1 to vector<16xi1>
        %cumsum3A_1419 = tpu.scan <sum>, %add3A_1416 masked %cumsum3A_1418 : vector<16xf32>, vector<16xi1> -> vector<16xf32>
        %add3A_1420 = arith.constant 2 : i32
        %add3A_1421 = arith.addi %mul3A_1360, %add3A_1420 : i32
        %mul3A_1422 = arith.constant 16 : i32
        %mul3A_1423 = arith.muli %add3A_1421, %mul3A_1422 : i32
        %swap3A_1424 = arith.index_cast %mul3A_1423 : i32 to index
        %swap3A_1425 = tpu.vector_load %arg26[%swap3A_1424] {strides = array<i32>} : memref<8192xf32, #tpu.memory_space<vmem>>, vector<16xf32>,
        tpu.vector_store %arg26[%swap3A_1424], %cumsum3A_1419 {strides = array<i32>} : memref<8192xf32, #tpu.memory_space<vmem>>, vector<16xf32>,
        %add3A_1426 = arith.constant 3 : i32
        %add3A_1427 = arith.addi %mul3A_1360, %add3A_1426 : i32
        %get3A_1428 = arith.index_cast %add3A_1427 : i32 to index
        %get3A_1429 = arith.constant 0 : index
        %get3A_1430 = tpu.vector_load %arg15[%get3A_1428, %get3A_1429] {strides = array<i32>} : memref<512x32xbf16, #tpu.memory_space<vmem>>, vector<32xbf16>,
        %add3A_1431 = arith.constant 3 : i32
        %add3A_1432 = arith.addi %mul3A_1360, %add3A_1431 : i32
        %get3A_1433 = arith.index_cast %add3A_1432 : i32 to index
        %get3A_1434 = arith.constant 0 : index
        %get3A_1435 = tpu.vector_load %arg19[%get3A_1433, %get3A_1434] {strides = array<i32>} : memref<512x32xbf16, #tpu.memory_space<vmem>>, vector<32xbf16>,
        %mul3A_1436 = arith.mulf %get3A_1430, %get3A_1435 : vector<32xbf16>
        %unpack3A_1437 = tpu.unpack_subelements %mul3A_1436, 0 {pack_format = #tpu.pack_format<interleaved>} : vector<32xbf16> -> vector<16xf32>
        %unpack3A_1438 = tpu.unpack_subelements %mul3A_1436, 1 {pack_format = #tpu.pack_format<interleaved>} : vector<32xbf16> -> vector<16xf32>
        %add3A_1439 = arith.addf %unpack3A_1437, %unpack3A_1438 : vector<16xf32>
        %cumsum3A_1440 = arith.constant true
        %cumsum3A_1441 = vector.broadcast %cumsum3A_1440 : i1 to vector<16xi1>
        %cumsum3A_1442 = tpu.scan <sum>, %add3A_1439 masked %cumsum3A_1441 : vector<16xf32>, vector<16xi1> -> vector<16xf32>
        %add3A_1443 = arith.constant 3 : i32
        %add3A_1444 = arith.addi %mul3A_1360, %add3A_1443 : i32
        %mul3A_1445 = arith.constant 16 : i32
        %mul3A_1446 = arith.muli %add3A_1444, %mul3A_1445 : i32
        %swap3A_1447 = arith.index_cast %mul3A_1446 : i32 to index
        %swap3A_1448 = tpu.vector_load %arg26[%swap3A_1447] {strides = array<i32>} : memref<8192xf32, #tpu.memory_space<vmem>>, vector<16xf32>,
        tpu.vector_store %arg26[%swap3A_1447], %cumsum3A_1442 {strides = array<i32>} : memref<8192xf32, #tpu.memory_space<vmem>>, vector<16xf32>,
        %add3A_1449 = arith.constant 4 : i32
        %add3A_1450 = arith.addi %mul3A_1360, %add3A_1449 : i32
        %get3A_1451 = arith.index_cast %add3A_1450 : i32 to index
        %get3A_1452 = arith.constant 0 : index
        %get3A_1453 = tpu.vector_load %arg15[%get3A_1451, %get3A_1452] {strides = array<i32>} : memref<512x32xbf16, #tpu.memory_space<vmem>>, vector<32xbf16>,
        %add3A_1454 = arith.constant 4 : i32
        %add3A_1455 = arith.addi %mul3A_1360, %add3A_1454 : i32
        %get3A_1456 = arith.index_cast %add3A_1455 : i32 to index
        %get3A_1457 = arith.constant 0 : index
        %get3A_1458 = tpu.vector_load %arg19[%get3A_1456, %get3A_1457] {strides = array<i32>} : memref<512x32xbf16, #tpu.memory_space<vmem>>, vector<32xbf16>,
        %mul3A_1459 = arith.mulf %get3A_1453, %get3A_1458 : vector<32xbf16>
        %unpack3A_1460 = tpu.unpack_subelements %mul3A_1459, 0 {pack_format = #tpu.pack_format<interleaved>} : vector<32xbf16> -> vector<16xf32>
        %unpack3A_1461 = tpu.unpack_subelements %mul3A_1459, 1 {pack_format = #tpu.pack_format<interleaved>} : vector<32xbf16> -> vector<16xf32>
        %add3A_1462 = arith.addf %unpack3A_1460, %unpack3A_1461 : vector<16xf32>
        %cumsum3A_1463 = arith.constant true
        %cumsum3A_1464 = vector.broadcast %cumsum3A_1463 : i1 to vector<16xi1>
        %cumsum3A_1465 = tpu.scan <sum>, %add3A_1462 masked %cumsum3A_1464 : vector<16xf32>, vector<16xi1> -> vector<16xf32>
        %add3A_1466 = arith.constant 4 : i32
        %add3A_1467 = arith.addi %mul3A_1360, %add3A_1466 : i32
        %mul3A_1468 = arith.constant 16 : i32
        %mul3A_1469 = arith.muli %add3A_1467, %mul3A_1468 : i32
        %swap3A_1470 = arith.index_cast %mul3A_1469 : i32 to index
        %swap3A_1471 = tpu.vector_load %arg26[%swap3A_1470] {strides = array<i32>} : memref<8192xf32, #tpu.memory_space<vmem>>, vector<16xf32>,
        tpu.vector_store %arg26[%swap3A_1470], %cumsum3A_1465 {strides = array<i32>} : memref<8192xf32, #tpu.memory_space<vmem>>, vector<16xf32>,
        %add3A_1472 = arith.constant 5 : i32
        %add3A_1473 = arith.addi %mul3A_1360, %add3A_1472 : i32
        %get3A_1474 = arith.index_cast %add3A_1473 : i32 to index
        %get3A_1475 = arith.constant 0 : index
        %get3A_1476 = tpu.vector_load %arg15[%get3A_1474, %get3A_1475] {strides = array<i32>} : memref<512x32xbf16, #tpu.memory_space<vmem>>, vector<32xbf16>,
        %add3A_1477 = arith.constant 5 : i32
        %add3A_1478 = arith.addi %mul3A_1360, %add3A_1477 : i32
        %get3A_1479 = arith.index_cast %add3A_1478 : i32 to index
        %get3A_1480 = arith.constant 0 : index
        %get3A_1481 = tpu.vector_load %arg19[%get3A_1479, %get3A_1480] {strides = array<i32>} : memref<512x32xbf16, #tpu.memory_space<vmem>>, vector<32xbf16>,
        %mul3A_1482 = arith.mulf %get3A_1476, %get3A_1481 : vector<32xbf16>
        %unpack3A_1483 = tpu.unpack_subelements %mul3A_1482, 0 {pack_format = #tpu.pack_format<interleaved>} : vector<32xbf16> -> vector<16xf32>
        %unpack3A_1484 = tpu.unpack_subelements %mul3A_1482, 1 {pack_format = #tpu.pack_format<interleaved>} : vector<32xbf16> -> vector<16xf32>
        %add3A_1485 = arith.addf %unpack3A_1483, %unpack3A_1484 : vector<16xf32>
        %cumsum3A_1486 = arith.constant true
        %cumsum3A_1487 = vector.broadcast %cumsum3A_1486 : i1 to vector<16xi1>
        %cumsum3A_1488 = tpu.scan <sum>, %add3A_1485 masked %cumsum3A_1487 : vector<16xf32>, vector<16xi1> -> vector<16xf32>
        %add3A_1489 = arith.constant 5 : i32
        %add3A_1490 = arith.addi %mul3A_1360, %add3A_1489 : i32
        %mul3A_1491 = arith.constant 16 : i32
        %mul3A_1492 = arith.muli %add3A_1490, %mul3A_1491 : i32
        %swap3A_1493 = arith.index_cast %mul3A_1492 : i32 to index
        %swap3A_1494 = tpu.vector_load %arg26[%swap3A_1493] {strides = array<i32>} : memref<8192xf32, #tpu.memory_space<vmem>>, vector<16xf32>,
        tpu.vector_store %arg26[%swap3A_1493], %cumsum3A_1488 {strides = array<i32>} : memref<8192xf32, #tpu.memory_space<vmem>>, vector<16xf32>,
        %add3A_1495 = arith.constant 6 : i32
        %add3A_1496 = arith.addi %mul3A_1360, %add3A_1495 : i32
        %get3A_1497 = arith.index_cast %add3A_1496 : i32 to index
        %get3A_1498 = arith.constant 0 : index
        %get3A_1499 = tpu.vector_load %arg15[%get3A_1497, %get3A_1498] {strides = array<i32>} : memref<512x32xbf16, #tpu.memory_space<vmem>>, vector<32xbf16>,
        %add3A_1500 = arith.constant 6 : i32
        %add3A_1501 = arith.addi %mul3A_1360, %add3A_1500 : i32
        %get3A_1502 = arith.index_cast %add3A_1501 : i32 to index
        %get3A_1503 = arith.constant 0 : index
        %get3A_1504 = tpu.vector_load %arg19[%get3A_1502, %get3A_1503] {strides = array<i32>} : memref<512x32xbf16, #tpu.memory_space<vmem>>, vector<32xbf16>,
        %mul3A_1505 = arith.mulf %get3A_1499, %get3A_1504 : vector<32xbf16>
        %unpack3A_1506 = tpu.unpack_subelements %mul3A_1505, 0 {pack_format = #tpu.pack_format<interleaved>} : vector<32xbf16> -> vector<16xf32>
        %unpack3A_1507 = tpu.unpack_subelements %mul3A_1505, 1 {pack_format = #tpu.pack_format<interleaved>} : vector<32xbf16> -> vector<16xf32>
        %add3A_1508 = arith.addf %unpack3A_1506, %unpack3A_1507 : vector<16xf32>
        %cumsum3A_1509 = arith.constant true
        %cumsum3A_1510 = vector.broadcast %cumsum3A_1509 : i1 to vector<16xi1>
        %cumsum3A_1511 = tpu.scan <sum>, %add3A_1508 masked %cumsum3A_1510 : vector<16xf32>, vector<16xi1> -> vector<16xf32>
        %add3A_1512 = arith.constant 6 : i32
        %add3A_1513 = arith.addi %mul3A_1360, %add3A_1512 : i32
        %mul3A_1514 = arith.constant 16 : i32
        %mul3A_1515 = arith.muli %add3A_1513, %mul3A_1514 : i32
        %swap3A_1516 = arith.index_cast %mul3A_1515 : i32 to index
        %swap3A_1517 = tpu.vector_load %arg26[%swap3A_1516] {strides = array<i32>} : memref<8192xf32, #tpu.memory_space<vmem>>, vector<16xf32>,
        tpu.vector_store %arg26[%swap3A_1516], %cumsum3A_1511 {strides = array<i32>} : memref<8192xf32, #tpu.memory_space<vmem>>, vector<16xf32>,
        %add3A_1518 = arith.constant 7 : i32
        %add3A_1519 = arith.addi %mul3A_1360, %add3A_1518 : i32
        %get3A_1520 = arith.index_cast %add3A_1519 : i32 to index
        %get3A_1521 = arith.constant 0 : index
        %get3A_1522 = tpu.vector_load %arg15[%get3A_1520, %get3A_1521] {strides = array<i32>} : memref<512x32xbf16, #tpu.memory_space<vmem>>, vector<32xbf16>,
        %add3A_1523 = arith.constant 7 : i32
        %add3A_1524 = arith.addi %mul3A_1360, %add3A_1523 : i32
        %get3A_1525 = arith.index_cast %add3A_1524 : i32 to index
        %get3A_1526 = arith.constant 0 : index
        %get3A_1527 = tpu.vector_load %arg19[%get3A_1525, %get3A_1526] {strides = array<i32>} : memref<512x32xbf16, #tpu.memory_space<vmem>>, vector<32xbf16>,
        %mul3A_1528 = arith.mulf %get3A_1522, %get3A_1527 : vector<32xbf16>
        %unpack3A_1529 = tpu.unpack_subelements %mul3A_1528, 0 {pack_format = #tpu.pack_format<interleaved>} : vector<32xbf16> -> vector<16xf32>
        %unpack3A_1530 = tpu.unpack_subelements %mul3A_1528, 1 {pack_format = #tpu.pack_format<interleaved>} : vector<32xbf16> -> vector<16xf32>
        %add3A_1531 = arith.addf %unpack3A_1529, %unpack3A_1530 : vector<16xf32>
        %cumsum3A_1532 = arith.constant true
        %cumsum3A_1533 = vector.broadcast %cumsum3A_1532 : i1 to vector<16xi1>
        %cumsum3A_1534 = tpu.scan <sum>, %add3A_1531 masked %cumsum3A_1533 : vector<16xf32>, vector<16xi1> -> vector<16xf32>
        %add3A_1535 = arith.constant 7 : i32
        %add3A_1536 = arith.addi %mul3A_1360, %add3A_1535 : i32
        %mul3A_1537 = arith.constant 16 : i32
        %mul3A_1538 = arith.muli %add3A_1536, %mul3A_1537 : i32
        %swap3A_1539 = arith.index_cast %mul3A_1538 : i32 to index
        %swap3A_1540 = tpu.vector_load %arg26[%swap3A_1539] {strides = array<i32>} : memref<8192xf32, #tpu.memory_space<vmem>>, vector<16xf32>,
        tpu.vector_store %arg26[%swap3A_1539], %cumsum3A_1534 {strides = array<i32>} : memref<8192xf32, #tpu.memory_space<vmem>>, vector<16xf32>,
      }
      %scan3A_1004 = arith.constant 64 : i32
      %scan3A_1005 = arith.constant 0 : i32
      %scan3A_1006 = arith.constant 0 : i32
      %scan3A_1007 = arith.constant 32 : i32
      %scan3A_1008 = arith.addi %scan3A_1006, %scan3A_1007 : i32
      %scan3A_1009 = arith.constant 1 : i32
      scf.for %scan3A_1358 = %scan3A_1006 to %scan3A_1008 step %scan3A_1009  : i32 {
        %mul3A_1359 = arith.constant 256 : i32
        %mul3A_1360 = arith.muli %scan3A_1358, %mul3A_1359 : i32
        %add3A_1361 = vector.broadcast %mul3A_1360 : i32 to vector<16xi32>
        %add3A_1362 = arith.addi %add3A_1361, %add3A_8 : vector<16xi32>
        %gather3A = tpu.vector_load_idx %arg26[%add3A_1362] : memref<8192xf32, #tpu.memory_space<vmem>>[vector<16xi32>], vector<16xf32>,
        %mul3A_1363 = arith.constant 16 : i32
        %mul3A_1364 = arith.muli %scan3A_1358, %mul3A_1363 : i32
        %swap3A = arith.index_cast %mul3A_1364 : i32 to index
        %swap3A_1365 = tpu.vector_load %arg23[%swap3A] {strides = array<i32>} : memref<512xf32, #tpu.memory_space<vmem>>, vector<16xf32>,
        tpu.vector_store %arg23[%swap3A], %gather3A {strides = array<i32>} : memref<512xf32, #tpu.memory_space<vmem>>, vector<16xf32>,
      }
      %scan3A_1010 = arith.constant 32 : i32
      %mul3A_1011 = arith.constant 512 : i32
      %mul3A_1012 = arith.muli %add3A_848, %mul3A_1011 : i32
      %add3A_1013 = arith.addi %mul3A_2, %mul3A_1012 : i32
      %dma_start3A_1014 = tpu.memref_slice %arg5[%add3A_1013] : memref<1048576xf32, #tpu.memory_space<hbm>> -> memref<512xf32, #tpu.memory_space<hbm>>
      %dma_start3A_1015 = tpu.memref_slice %arg5[%add3A_1013] : memref<1048576xf32, #tpu.memory_space<hbm>> -> memref<512xf32, #tpu.memory_space<hbm>>
      tpu.enqueue_dma source(%arg23 : memref<512xf32, #tpu.memory_space<vmem>>) target(%dma_start3A_1015 : memref<512xf32, #tpu.memory_space<hbm>>) target_semaphore(%arg36 : memref<!tpu.dma_semaphore, #tpu.memory_space<semaphore_mem>>)
      %mul3A_1016 = arith.constant 4 : i32
      %mul3A_1017 = arith.muli %scan3A_676, %mul3A_1016 : i32
      %add3A_1018 = arith.constant 2 : i32
      %add3A_1019 = arith.addi %mul3A_1017, %add3A_1018 : i32
      %dma_wait3A_1020 = arith.constant 0 : i32
      %dma_wait3A_1021 = arith.constant 0 : i32
      %dma_wait3A_1022 = tpu.memref_slice %arg16[%dma_wait3A_1020, %dma_wait3A_1021] : memref<512x32xbf16, #tpu.memory_space<vmem>> -> memref<128x32xbf16, #tpu.memory_space<vmem>>
      %dma_wait3A_1023 = arith.constant 0 : i32
      %dma_wait3A_1024 = tpu.memref_slice %arg8[%dma_wait3A_1023] : memref<512xi32, #tpu.memory_space<vmem>> -> memref<128xi32, #tpu.memory_space<vmem>>
      %dma_wait3A_1025 = arith.constant 0 : i32
      %dma_wait3A_1026 = arith.constant 0 : i32
      %dma_wait3A_1027 = tpu.memref_slice %arg2[%dma_wait3A_1025, %dma_wait3A_1026] : memref<1000000x32xbf16, #tpu.memory_space<hbm>> -> memref<1000000x32xbf16, #tpu.memory_space<hbm>>
      tpu.wait_indirect_dma semaphore(%arg33 : memref<!tpu.dma_semaphore, #tpu.memory_space<semaphore_mem>>) src(%dma_wait3A_1027 : memref<1000000x32xbf16, #tpu.memory_space<hbm>>) dst(%dma_wait3A_1022 : memref<128x32xbf16, #tpu.memory_space<vmem>>)
      %dma_wait3A_1028 = arith.constant 0 : i32
      %dma_wait3A_1029 = arith.constant 0 : i32
      %dma_wait3A_1030 = tpu.memref_slice %arg20[%dma_wait3A_1028, %dma_wait3A_1029] : memref<512x32xbf16, #tpu.memory_space<vmem>> -> memref<128x32xbf16, #tpu.memory_space<vmem>>
      %dma_wait3A_1031 = arith.constant 0 : i32
      %dma_wait3A_1032 = tpu.memref_slice %arg12[%dma_wait3A_1031] : memref<512xi32, #tpu.memory_space<vmem>> -> memref<128xi32, #tpu.memory_space<vmem>>
      %dma_wait3A_1033 = arith.constant 0 : i32
      %dma_wait3A_1034 = arith.constant 0 : i32
      %dma_wait3A_1035 = tpu.memref_slice %arg2[%dma_wait3A_1033, %dma_wait3A_1034] : memref<1000000x32xbf16, #tpu.memory_space<hbm>> -> memref<1000000x32xbf16, #tpu.memory_space<hbm>>
      tpu.wait_indirect_dma semaphore(%arg33 : memref<!tpu.dma_semaphore, #tpu.memory_space<semaphore_mem>>) src(%dma_wait3A_1035 : memref<1000000x32xbf16, #tpu.memory_space<hbm>>) dst(%dma_wait3A_1030 : memref<128x32xbf16, #tpu.memory_space<vmem>>)
      %dma_wait3A_1036 = arith.constant 128 : i32
      %dma_wait3A_1037 = arith.constant 0 : i32
      %dma_wait3A_1038 = tpu.memref_slice %arg16[%dma_wait3A_1036, %dma_wait3A_1037] : memref<512x32xbf16, #tpu.memory_space<vmem>> -> memref<128x32xbf16, #tpu.memory_space<vmem>>
      %dma_wait3A_1039 = arith.constant 128 : i32
      %dma_wait3A_1040 = tpu.memref_slice %arg8[%dma_wait3A_1039] : memref<512xi32, #tpu.memory_space<vmem>> -> memref<128xi32, #tpu.memory_space<vmem>>
      %dma_wait3A_1041 = arith.constant 0 : i32
      %dma_wait3A_1042 = arith.constant 0 : i32
      %dma_wait3A_1043 = tpu.memref_slice %arg2[%dma_wait3A_1041, %dma_wait3A_1042] : memref<1000000x32xbf16, #tpu.memory_space<hbm>> -> memref<1000000x32xbf16, #tpu.memory_space<hbm>>
      tpu.wait_indirect_dma semaphore(%arg33 : memref<!tpu.dma_semaphore, #tpu.memory_space<semaphore_mem>>) src(%dma_wait3A_1043 : memref<1000000x32xbf16, #tpu.memory_space<hbm>>) dst(%dma_wait3A_1038 : memref<128x32xbf16, #tpu.memory_space<vmem>>)
      %dma_wait3A_1044 = arith.constant 128 : i32
      %dma_wait3A_1045 = arith.constant 0 : i32
      %dma_wait3A_1046 = tpu.memref_slice %arg20[%dma_wait3A_1044, %dma_wait3A_1045] : memref<512x32xbf16, #tpu.memory_space<vmem>> -> memref<128x32xbf16, #tpu.memory_space<vmem>>
      %dma_wait3A_1047 = arith.constant 128 : i32
      %dma_wait3A_1048 = tpu.memref_slice %arg12[%dma_wait3A_1047] : memref<512xi32, #tpu.memory_space<vmem>> -> memref<128xi32, #tpu.memory_space<vmem>>
      %dma_wait3A_1049 = arith.constant 0 : i32
      %dma_wait3A_1050 = arith.constant 0 : i32
      %dma_wait3A_1051 = tpu.memref_slice %arg2[%dma_wait3A_1049, %dma_wait3A_1050] : memref<1000000x32xbf16, #tpu.memory_space<hbm>> -> memref<1000000x32xbf16, #tpu.memory_space<hbm>>
      tpu.wait_indirect_dma semaphore(%arg33 : memref<!tpu.dma_semaphore, #tpu.memory_space<semaphore_mem>>) src(%dma_wait3A_1051 : memref<1000000x32xbf16, #tpu.memory_space<hbm>>) dst(%dma_wait3A_1046 : memref<128x32xbf16, #tpu.memory_space<vmem>>)
      %dma_wait3A_1052 = arith.constant 256 : i32
      %dma_wait3A_1053 = arith.constant 0 : i32
      %dma_wait3A_1054 = tpu.memref_slice %arg16[%dma_wait3A_1052, %dma_wait3A_1053] : memref<512x32xbf16, #tpu.memory_space<vmem>> -> memref<128x32xbf16, #tpu.memory_space<vmem>>
      %dma_wait3A_1055 = arith.constant 256 : i32
      %dma_wait3A_1056 = tpu.memref_slice %arg8[%dma_wait3A_1055] : memref<512xi32, #tpu.memory_space<vmem>> -> memref<128xi32, #tpu.memory_space<vmem>>
      %dma_wait3A_1057 = arith.constant 0 : i32
      %dma_wait3A_1058 = arith.constant 0 : i32
      %dma_wait3A_1059 = tpu.memref_slice %arg2[%dma_wait3A_1057, %dma_wait3A_1058] : memref<1000000x32xbf16, #tpu.memory_space<hbm>> -> memref<1000000x32xbf16, #tpu.memory_space<hbm>>
      tpu.wait_indirect_dma semaphore(%arg33 : memref<!tpu.dma_semaphore, #tpu.memory_space<semaphore_mem>>) src(%dma_wait3A_1059 : memref<1000000x32xbf16, #tpu.memory_space<hbm>>) dst(%dma_wait3A_1054 : memref<128x32xbf16, #tpu.memory_space<vmem>>)
      %dma_wait3A_1060 = arith.constant 256 : i32
      %dma_wait3A_1061 = arith.constant 0 : i32
      %dma_wait3A_1062 = tpu.memref_slice %arg20[%dma_wait3A_1060, %dma_wait3A_1061] : memref<512x32xbf16, #tpu.memory_space<vmem>> -> memref<128x32xbf16, #tpu.memory_space<vmem>>
      %dma_wait3A_1063 = arith.constant 256 : i32
      %dma_wait3A_1064 = tpu.memref_slice %arg12[%dma_wait3A_1063] : memref<512xi32, #tpu.memory_space<vmem>> -> memref<128xi32, #tpu.memory_space<vmem>>
      %dma_wait3A_1065 = arith.constant 0 : i32
      %dma_wait3A_1066 = arith.constant 0 : i32
      %dma_wait3A_1067 = tpu.memref_slice %arg2[%dma_wait3A_1065, %dma_wait3A_1066] : memref<1000000x32xbf16, #tpu.memory_space<hbm>> -> memref<1000000x32xbf16, #tpu.memory_space<hbm>>
      tpu.wait_indirect_dma semaphore(%arg33 : memref<!tpu.dma_semaphore, #tpu.memory_space<semaphore_mem>>) src(%dma_wait3A_1067 : memref<1000000x32xbf16, #tpu.memory_space<hbm>>) dst(%dma_wait3A_1062 : memref<128x32xbf16, #tpu.memory_space<vmem>>)
      %dma_wait3A_1068 = arith.constant 384 : i32
      %dma_wait3A_1069 = arith.constant 0 : i32
      %dma_wait3A_1070 = tpu.memref_slice %arg16[%dma_wait3A_1068, %dma_wait3A_1069] : memref<512x32xbf16, #tpu.memory_space<vmem>> -> memref<128x32xbf16, #tpu.memory_space<vmem>>
      %dma_wait3A_1071 = arith.constant 384 : i32
      %dma_wait3A_1072 = tpu.memref_slice %arg8[%dma_wait3A_1071] : memref<512xi32, #tpu.memory_space<vmem>> -> memref<128xi32, #tpu.memory_space<vmem>>
      %dma_wait3A_1073 = arith.constant 0 : i32
      %dma_wait3A_1074 = arith.constant 0 : i32
      %dma_wait3A_1075 = tpu.memref_slice %arg2[%dma_wait3A_1073, %dma_wait3A_1074] : memref<1000000x32xbf16, #tpu.memory_space<hbm>> -> memref<1000000x32xbf16, #tpu.memory_space<hbm>>
      tpu.wait_indirect_dma semaphore(%arg33 : memref<!tpu.dma_semaphore, #tpu.memory_space<semaphore_mem>>) src(%dma_wait3A_1075 : memref<1000000x32xbf16, #tpu.memory_space<hbm>>) dst(%dma_wait3A_1070 : memref<128x32xbf16, #tpu.memory_space<vmem>>)
      %dma_wait3A_1076 = arith.constant 384 : i32
      %dma_wait3A_1077 = arith.constant 0 : i32
      %dma_wait3A_1078 = tpu.memref_slice %arg20[%dma_wait3A_1076, %dma_wait3A_1077] : memref<512x32xbf16, #tpu.memory_space<vmem>> -> memref<128x32xbf16, #tpu.memory_space<vmem>>
      %dma_wait3A_1079 = arith.constant 384 : i32
      %dma_wait3A_1080 = tpu.memref_slice %arg12[%dma_wait3A_1079] : memref<512xi32, #tpu.memory_space<vmem>> -> memref<128xi32, #tpu.memory_space<vmem>>
      %dma_wait3A_1081 = arith.constant 0 : i32
      %dma_wait3A_1082 = arith.constant 0 : i32
      %dma_wait3A_1083 = tpu.memref_slice %arg2[%dma_wait3A_1081, %dma_wait3A_1082] : memref<1000000x32xbf16, #tpu.memory_space<hbm>> -> memref<1000000x32xbf16, #tpu.memory_space<hbm>>
      tpu.wait_indirect_dma semaphore(%arg33 : memref<!tpu.dma_semaphore, #tpu.memory_space<semaphore_mem>>) src(%dma_wait3A_1083 : memref<1000000x32xbf16, #tpu.memory_space<hbm>>) dst(%dma_wait3A_1078 : memref<128x32xbf16, #tpu.memory_space<vmem>>)
      %dma_wait3A_1084 = arith.constant 0 : i32
      %dma_wait3A_1085 = tpu.memref_slice %arg3[%dma_wait3A_1084] : memref<1048576xi32, #tpu.memory_space<hbm>> -> memref<512xi32, #tpu.memory_space<hbm>>
      %dma_wait3A_1086 = arith.constant 0 : i32
      %dma_wait3A_1087 = tpu.memref_slice %arg3[%dma_wait3A_1086] : memref<1048576xi32, #tpu.memory_space<hbm>> -> memref<512xi32, #tpu.memory_space<hbm>>
      tpu.wait_dma2 semaphore(%arg28 : memref<!tpu.dma_semaphore, #tpu.memory_space<semaphore_mem>>) src(%dma_wait3A_1087 : memref<512xi32, #tpu.memory_space<hbm>>) dst(%arg7 : memref<512xi32, #tpu.memory_space<vmem>>)
      %dma_wait3A_1088 = arith.constant 0 : i32
      %dma_wait3A_1089 = tpu.memref_slice %arg4[%dma_wait3A_1088] : memref<1048576xi32, #tpu.memory_space<hbm>> -> memref<512xi32, #tpu.memory_space<hbm>>
      %dma_wait3A_1090 = arith.constant 0 : i32
      %dma_wait3A_1091 = tpu.memref_slice %arg4[%dma_wait3A_1090] : memref<1048576xi32, #tpu.memory_space<hbm>> -> memref<512xi32, #tpu.memory_space<hbm>>
      tpu.wait_dma2 semaphore(%arg28 : memref<!tpu.dma_semaphore, #tpu.memory_space<semaphore_mem>>) src(%dma_wait3A_1091 : memref<512xi32, #tpu.memory_space<hbm>>) dst(%arg11 : memref<512xi32, #tpu.memory_space<vmem>>)
      %dma_start3A_1092 = arith.constant 0 : i32
      %dma_start3A_1093 = arith.constant 0 : i32
      %dma_start3A_1094 = tpu.memref_slice %arg15[%dma_start3A_1092, %dma_start3A_1093] : memref<512x32xbf16, #tpu.memory_space<vmem>> -> memref<128x32xbf16, #tpu.memory_space<vmem>>
      %dma_start3A_1095 = arith.constant 0 : i32
      %dma_start3A_1096 = tpu.memref_slice %arg7[%dma_start3A_1095] : memref<512xi32, #tpu.memory_space<vmem>> -> memref<128xi32, #tpu.memory_space<vmem>>
      %dma_start3A_1097 = arith.constant 0 : i32
      %dma_start3A_1098 = arith.constant 0 : i32
      %dma_start3A_1099 = tpu.memref_slice %arg2[%dma_start3A_1097, %dma_start3A_1098] : memref<1000000x32xbf16, #tpu.memory_space<hbm>> -> memref<1000000x32xbf16, #tpu.memory_space<hbm>>
      tpu.enqueue_indirect_dma source(%dma_start3A_1099 : memref<1000000x32xbf16, #tpu.memory_space<hbm>>) target(%dma_start3A_1094 : memref<128x32xbf16, #tpu.memory_space<vmem>>) offsets(%dma_start3A_1096 : memref<128xi32, #tpu.memory_space<vmem>>) semaphore(%arg32 : memref<!tpu.dma_semaphore, #tpu.memory_space<semaphore_mem>>)
      %dma_start3A_1100 = arith.constant 0 : i32
      %dma_start3A_1101 = arith.constant 0 : i32
      %dma_start3A_1102 = tpu.memref_slice %arg19[%dma_start3A_1100, %dma_start3A_1101] : memref<512x32xbf16, #tpu.memory_space<vmem>> -> memref<128x32xbf16, #tpu.memory_space<vmem>>
      %dma_start3A_1103 = arith.constant 0 : i32
      %dma_start3A_1104 = tpu.memref_slice %arg11[%dma_start3A_1103] : memref<512xi32, #tpu.memory_space<vmem>> -> memref<128xi32, #tpu.memory_space<vmem>>
      %dma_start3A_1105 = arith.constant 0 : i32
      %dma_start3A_1106 = arith.constant 0 : i32
      %dma_start3A_1107 = tpu.memref_slice %arg2[%dma_start3A_1105, %dma_start3A_1106] : memref<1000000x32xbf16, #tpu.memory_space<hbm>> -> memref<1000000x32xbf16, #tpu.memory_space<hbm>>
      tpu.enqueue_indirect_dma source(%dma_start3A_1107 : memref<1000000x32xbf16, #tpu.memory_space<hbm>>) target(%dma_start3A_1102 : memref<128x32xbf16, #tpu.memory_space<vmem>>) offsets(%dma_start3A_1104 : memref<128xi32, #tpu.memory_space<vmem>>) semaphore(%arg32 : memref<!tpu.dma_semaphore, #tpu.memory_space<semaphore_mem>>)
      %dma_start3A_1108 = arith.constant 128 : i32
      %dma_start3A_1109 = arith.constant 0 : i32
      %dma_start3A_1110 = tpu.memref_slice %arg15[%dma_start3A_1108, %dma_start3A_1109] : memref<512x32xbf16, #tpu.memory_space<vmem>> -> memref<128x32xbf16, #tpu.memory_space<vmem>>
      %dma_start3A_1111 = arith.constant 128 : i32
      %dma_start3A_1112 = tpu.memref_slice %arg7[%dma_start3A_1111] : memref<512xi32, #tpu.memory_space<vmem>> -> memref<128xi32, #tpu.memory_space<vmem>>
      %dma_start3A_1113 = arith.constant 0 : i32
      %dma_start3A_1114 = arith.constant 0 : i32
      %dma_start3A_1115 = tpu.memref_slice %arg2[%dma_start3A_1113, %dma_start3A_1114] : memref<1000000x32xbf16, #tpu.memory_space<hbm>> -> memref<1000000x32xbf16, #tpu.memory_space<hbm>>
      tpu.enqueue_indirect_dma source(%dma_start3A_1115 : memref<1000000x32xbf16, #tpu.memory_space<hbm>>) target(%dma_start3A_1110 : memref<128x32xbf16, #tpu.memory_space<vmem>>) offsets(%dma_start3A_1112 : memref<128xi32, #tpu.memory_space<vmem>>) semaphore(%arg32 : memref<!tpu.dma_semaphore, #tpu.memory_space<semaphore_mem>>)
      %dma_start3A_1116 = arith.constant 128 : i32
      %dma_start3A_1117 = arith.constant 0 : i32
      %dma_start3A_1118 = tpu.memref_slice %arg19[%dma_start3A_1116, %dma_start3A_1117] : memref<512x32xbf16, #tpu.memory_space<vmem>> -> memref<128x32xbf16, #tpu.memory_space<vmem>>
      %dma_start3A_1119 = arith.constant 128 : i32
      %dma_start3A_1120 = tpu.memref_slice %arg11[%dma_start3A_1119] : memref<512xi32, #tpu.memory_space<vmem>> -> memref<128xi32, #tpu.memory_space<vmem>>
      %dma_start3A_1121 = arith.constant 0 : i32
      %dma_start3A_1122 = arith.constant 0 : i32
      %dma_start3A_1123 = tpu.memref_slice %arg2[%dma_start3A_1121, %dma_start3A_1122] : memref<1000000x32xbf16, #tpu.memory_space<hbm>> -> memref<1000000x32xbf16, #tpu.memory_space<hbm>>
      tpu.enqueue_indirect_dma source(%dma_start3A_1123 : memref<1000000x32xbf16, #tpu.memory_space<hbm>>) target(%dma_start3A_1118 : memref<128x32xbf16, #tpu.memory_space<vmem>>) offsets(%dma_start3A_1120 : memref<128xi32, #tpu.memory_space<vmem>>) semaphore(%arg32 : memref<!tpu.dma_semaphore, #tpu.memory_space<semaphore_mem>>)
      %dma_start3A_1124 = arith.constant 256 : i32
      %dma_start3A_1125 = arith.constant 0 : i32
      %dma_start3A_1126 = tpu.memref_slice %arg15[%dma_start3A_1124, %dma_start3A_1125] : memref<512x32xbf16, #tpu.memory_space<vmem>> -> memref<128x32xbf16, #tpu.memory_space<vmem>>
      %dma_start3A_1127 = arith.constant 256 : i32
      %dma_start3A_1128 = tpu.memref_slice %arg7[%dma_start3A_1127] : memref<512xi32, #tpu.memory_space<vmem>> -> memref<128xi32, #tpu.memory_space<vmem>>
      %dma_start3A_1129 = arith.constant 0 : i32
      %dma_start3A_1130 = arith.constant 0 : i32
      %dma_start3A_1131 = tpu.memref_slice %arg2[%dma_start3A_1129, %dma_start3A_1130] : memref<1000000x32xbf16, #tpu.memory_space<hbm>> -> memref<1000000x32xbf16, #tpu.memory_space<hbm>>
      tpu.enqueue_indirect_dma source(%dma_start3A_1131 : memref<1000000x32xbf16, #tpu.memory_space<hbm>>) target(%dma_start3A_1126 : memref<128x32xbf16, #tpu.memory_space<vmem>>) offsets(%dma_start3A_1128 : memref<128xi32, #tpu.memory_space<vmem>>) semaphore(%arg32 : memref<!tpu.dma_semaphore, #tpu.memory_space<semaphore_mem>>)
      %dma_start3A_1132 = arith.constant 256 : i32
      %dma_start3A_1133 = arith.constant 0 : i32
      %dma_start3A_1134 = tpu.memref_slice %arg19[%dma_start3A_1132, %dma_start3A_1133] : memref<512x32xbf16, #tpu.memory_space<vmem>> -> memref<128x32xbf16, #tpu.memory_space<vmem>>
      %dma_start3A_1135 = arith.constant 256 : i32
      %dma_start3A_1136 = tpu.memref_slice %arg11[%dma_start3A_1135] : memref<512xi32, #tpu.memory_space<vmem>> -> memref<128xi32, #tpu.memory_space<vmem>>
      %dma_start3A_1137 = arith.constant 0 : i32
      %dma_start3A_1138 = arith.constant 0 : i32
      %dma_start3A_1139 = tpu.memref_slice %arg2[%dma_start3A_1137, %dma_start3A_1138] : memref<1000000x32xbf16, #tpu.memory_space<hbm>> -> memref<1000000x32xbf16, #tpu.memory_space<hbm>>
      tpu.enqueue_indirect_dma source(%dma_start3A_1139 : memref<1000000x32xbf16, #tpu.memory_space<hbm>>) target(%dma_start3A_1134 : memref<128x32xbf16, #tpu.memory_space<vmem>>) offsets(%dma_start3A_1136 : memref<128xi32, #tpu.memory_space<vmem>>) semaphore(%arg32 : memref<!tpu.dma_semaphore, #tpu.memory_space<semaphore_mem>>)
      %dma_start3A_1140 = arith.constant 384 : i32
      %dma_start3A_1141 = arith.constant 0 : i32
      %dma_start3A_1142 = tpu.memref_slice %arg15[%dma_start3A_1140, %dma_start3A_1141] : memref<512x32xbf16, #tpu.memory_space<vmem>> -> memref<128x32xbf16, #tpu.memory_space<vmem>>
      %dma_start3A_1143 = arith.constant 384 : i32
      %dma_start3A_1144 = tpu.memref_slice %arg7[%dma_start3A_1143] : memref<512xi32, #tpu.memory_space<vmem>> -> memref<128xi32, #tpu.memory_space<vmem>>
      %dma_start3A_1145 = arith.constant 0 : i32
      %dma_start3A_1146 = arith.constant 0 : i32
      %dma_start3A_1147 = tpu.memref_slice %arg2[%dma_start3A_1145, %dma_start3A_1146] : memref<1000000x32xbf16, #tpu.memory_space<hbm>> -> memref<1000000x32xbf16, #tpu.memory_space<hbm>>
      tpu.enqueue_indirect_dma source(%dma_start3A_1147 : memref<1000000x32xbf16, #tpu.memory_space<hbm>>) target(%dma_start3A_1142 : memref<128x32xbf16, #tpu.memory_space<vmem>>) offsets(%dma_start3A_1144 : memref<128xi32, #tpu.memory_space<vmem>>) semaphore(%arg32 : memref<!tpu.dma_semaphore, #tpu.memory_space<semaphore_mem>>)
      %dma_start3A_1148 = arith.constant 384 : i32
      %dma_start3A_1149 = arith.constant 0 : i32
      %dma_start3A_1150 = tpu.memref_slice %arg19[%dma_start3A_1148, %dma_start3A_1149] : memref<512x32xbf16, #tpu.memory_space<vmem>> -> memref<128x32xbf16, #tpu.memory_space<vmem>>
      %dma_start3A_1151 = arith.constant 384 : i32
      %dma_start3A_1152 = tpu.memref_slice %arg11[%dma_start3A_1151] : memref<512xi32, #tpu.memory_space<vmem>> -> memref<128xi32, #tpu.memory_space<vmem>>
      %dma_start3A_1153 = arith.constant 0 : i32
      %dma_start3A_1154 = arith.constant 0 : i32
      %dma_start3A_1155 = tpu.memref_slice %arg2[%dma_start3A_1153, %dma_start3A_1154] : memref<1000000x32xbf16, #tpu.memory_space<hbm>> -> memref<1000000x32xbf16, #tpu.memory_space<hbm>>
      tpu.enqueue_indirect_dma source(%dma_start3A_1155 : memref<1000000x32xbf16, #tpu.memory_space<hbm>>) target(%dma_start3A_1150 : memref<128x32xbf16, #tpu.memory_space<vmem>>) offsets(%dma_start3A_1152 : memref<128xi32, #tpu.memory_space<vmem>>) semaphore(%arg32 : memref<!tpu.dma_semaphore, #tpu.memory_space<semaphore_mem>>)
      %add3A_1156 = arith.constant 4 : i32
      %add3A_1157 = arith.addi %add3A_1019, %add3A_1156 : i32
      %mul3A_1158 = arith.constant 512 : i32
      %mul3A_1159 = arith.muli %add3A_1157, %mul3A_1158 : i32
      %add3A_1160 = arith.addi %mul3A_2, %mul3A_1159 : i32
      %dma_start3A_1161 = tpu.memref_slice %arg3[%add3A_1160] : memref<1048576xi32, #tpu.memory_space<hbm>> -> memref<512xi32, #tpu.memory_space<hbm>>
      %dma_start3A_1162 = tpu.memref_slice %arg3[%add3A_1160] : memref<1048576xi32, #tpu.memory_space<hbm>> -> memref<512xi32, #tpu.memory_space<hbm>>
      tpu.enqueue_dma source(%dma_start3A_1162 : memref<512xi32, #tpu.memory_space<hbm>>) target(%arg8 : memref<512xi32, #tpu.memory_space<vmem>>) target_semaphore(%arg29 : memref<!tpu.dma_semaphore, #tpu.memory_space<semaphore_mem>>)
      %dma_start3A_1163 = tpu.memref_slice %arg4[%add3A_1160] : memref<1048576xi32, #tpu.memory_space<hbm>> -> memref<512xi32, #tpu.memory_space<hbm>>
      %dma_start3A_1164 = tpu.memref_slice %arg4[%add3A_1160] : memref<1048576xi32, #tpu.memory_space<hbm>> -> memref<512xi32, #tpu.memory_space<hbm>>
      tpu.enqueue_dma source(%dma_start3A_1164 : memref<512xi32, #tpu.memory_space<hbm>>) target(%arg12 : memref<512xi32, #tpu.memory_space<vmem>>) target_semaphore(%arg29 : memref<!tpu.dma_semaphore, #tpu.memory_space<semaphore_mem>>)
      %gt3A_1165 = arith.constant 0 : i32
      %gt3A_1166 = arith.cmpi sgt, %scan3A_676, %gt3A_1165 : i32
      %convert_element_type3A_1167 = arith.extui %gt3A_1166 : i1 to i32
      %cond3A_1168 = arith.constant 0 : i32
      %cond3A_1169 = arith.cmpi ne, %convert_element_type3A_1167, %cond3A_1168 : i32
      scf.if %cond3A_1169 {
        %dma_wait3A_1358 = arith.constant 0 : i32
        %dma_wait3A_1359 = tpu.memref_slice %arg5[%dma_wait3A_1358] : memref<1048576xf32, #tpu.memory_space<hbm>> -> memref<512xf32, #tpu.memory_space<hbm>>
        %dma_wait3A_1360 = arith.constant 0 : i32
        %dma_wait3A_1361 = tpu.memref_slice %arg5[%dma_wait3A_1360] : memref<1048576xf32, #tpu.memory_space<hbm>> -> memref<512xf32, #tpu.memory_space<hbm>>
        tpu.wait_dma2 semaphore(%arg37 : memref<!tpu.dma_semaphore, #tpu.memory_space<semaphore_mem>>) src(%arg24 : memref<512xf32, #tpu.memory_space<vmem>>) dst(%dma_wait3A_1361 : memref<512xf32, #tpu.memory_space<hbm>>)
      } else {
      }
      %scan3A_1170 = arith.constant 0 : i32
      %scan3A_1171 = arith.constant 0 : i32
      %scan3A_1172 = arith.constant 64 : i32
      %scan3A_1173 = arith.addi %scan3A_1171, %scan3A_1172 : i32
      %scan3A_1174 = arith.constant 1 : i32
      scf.for %scan3A_1358 = %scan3A_1171 to %scan3A_1173 step %scan3A_1174  : i32 {
        %mul3A_1359 = arith.constant 8 : i32
        %mul3A_1360 = arith.muli %scan3A_1358, %mul3A_1359 : i32
        %add3A_1361 = arith.constant 0 : i32
        %add3A_1362 = arith.addi %mul3A_1360, %add3A_1361 : i32
        %get3A = arith.index_cast %add3A_1362 : i32 to index
        %get3A_1363 = arith.constant 0 : index
        %get3A_1364 = tpu.vector_load %arg16[%get3A, %get3A_1363] {strides = array<i32>} : memref<512x32xbf16, #tpu.memory_space<vmem>>, vector<32xbf16>,
        %add3A_1365 = arith.constant 0 : i32
        %add3A_1366 = arith.addi %mul3A_1360, %add3A_1365 : i32
        %get3A_1367 = arith.index_cast %add3A_1366 : i32 to index
        %get3A_1368 = arith.constant 0 : index
        %get3A_1369 = tpu.vector_load %arg20[%get3A_1367, %get3A_1368] {strides = array<i32>} : memref<512x32xbf16, #tpu.memory_space<vmem>>, vector<32xbf16>,
        %mul3A_1370 = arith.mulf %get3A_1364, %get3A_1369 : vector<32xbf16>
        %unpack3A = tpu.unpack_subelements %mul3A_1370, 0 {pack_format = #tpu.pack_format<interleaved>} : vector<32xbf16> -> vector<16xf32>
        %unpack3A_1371 = tpu.unpack_subelements %mul3A_1370, 1 {pack_format = #tpu.pack_format<interleaved>} : vector<32xbf16> -> vector<16xf32>
        %add3A_1372 = arith.addf %unpack3A, %unpack3A_1371 : vector<16xf32>
        %cumsum3A = arith.constant true
        %cumsum3A_1373 = vector.broadcast %cumsum3A : i1 to vector<16xi1>
        %cumsum3A_1374 = tpu.scan <sum>, %add3A_1372 masked %cumsum3A_1373 : vector<16xf32>, vector<16xi1> -> vector<16xf32>
        %add3A_1375 = arith.constant 0 : i32
        %add3A_1376 = arith.addi %mul3A_1360, %add3A_1375 : i32
        %mul3A_1377 = arith.constant 16 : i32
        %mul3A_1378 = arith.muli %add3A_1376, %mul3A_1377 : i32
        %swap3A = arith.index_cast %mul3A_1378 : i32 to index
        %swap3A_1379 = tpu.vector_load %arg26[%swap3A] {strides = array<i32>} : memref<8192xf32, #tpu.memory_space<vmem>>, vector<16xf32>,
        tpu.vector_store %arg26[%swap3A], %cumsum3A_1374 {strides = array<i32>} : memref<8192xf32, #tpu.memory_space<vmem>>, vector<16xf32>,
        %add3A_1380 = arith.constant 1 : i32
        %add3A_1381 = arith.addi %mul3A_1360, %add3A_1380 : i32
        %get3A_1382 = arith.index_cast %add3A_1381 : i32 to index
        %get3A_1383 = arith.constant 0 : index
        %get3A_1384 = tpu.vector_load %arg16[%get3A_1382, %get3A_1383] {strides = array<i32>} : memref<512x32xbf16, #tpu.memory_space<vmem>>, vector<32xbf16>,
        %add3A_1385 = arith.constant 1 : i32
        %add3A_1386 = arith.addi %mul3A_1360, %add3A_1385 : i32
        %get3A_1387 = arith.index_cast %add3A_1386 : i32 to index
        %get3A_1388 = arith.constant 0 : index
        %get3A_1389 = tpu.vector_load %arg20[%get3A_1387, %get3A_1388] {strides = array<i32>} : memref<512x32xbf16, #tpu.memory_space<vmem>>, vector<32xbf16>,
        %mul3A_1390 = arith.mulf %get3A_1384, %get3A_1389 : vector<32xbf16>
        %unpack3A_1391 = tpu.unpack_subelements %mul3A_1390, 0 {pack_format = #tpu.pack_format<interleaved>} : vector<32xbf16> -> vector<16xf32>
        %unpack3A_1392 = tpu.unpack_subelements %mul3A_1390, 1 {pack_format = #tpu.pack_format<interleaved>} : vector<32xbf16> -> vector<16xf32>
        %add3A_1393 = arith.addf %unpack3A_1391, %unpack3A_1392 : vector<16xf32>
        %cumsum3A_1394 = arith.constant true
        %cumsum3A_1395 = vector.broadcast %cumsum3A_1394 : i1 to vector<16xi1>
        %cumsum3A_1396 = tpu.scan <sum>, %add3A_1393 masked %cumsum3A_1395 : vector<16xf32>, vector<16xi1> -> vector<16xf32>
        %add3A_1397 = arith.constant 1 : i32
        %add3A_1398 = arith.addi %mul3A_1360, %add3A_1397 : i32
        %mul3A_1399 = arith.constant 16 : i32
        %mul3A_1400 = arith.muli %add3A_1398, %mul3A_1399 : i32
        %swap3A_1401 = arith.index_cast %mul3A_1400 : i32 to index
        %swap3A_1402 = tpu.vector_load %arg26[%swap3A_1401] {strides = array<i32>} : memref<8192xf32, #tpu.memory_space<vmem>>, vector<16xf32>,
        tpu.vector_store %arg26[%swap3A_1401], %cumsum3A_1396 {strides = array<i32>} : memref<8192xf32, #tpu.memory_space<vmem>>, vector<16xf32>,
        %add3A_1403 = arith.constant 2 : i32
        %add3A_1404 = arith.addi %mul3A_1360, %add3A_1403 : i32
        %get3A_1405 = arith.index_cast %add3A_1404 : i32 to index
        %get3A_1406 = arith.constant 0 : index
        %get3A_1407 = tpu.vector_load %arg16[%get3A_1405, %get3A_1406] {strides = array<i32>} : memref<512x32xbf16, #tpu.memory_space<vmem>>, vector<32xbf16>,
        %add3A_1408 = arith.constant 2 : i32
        %add3A_1409 = arith.addi %mul3A_1360, %add3A_1408 : i32
        %get3A_1410 = arith.index_cast %add3A_1409 : i32 to index
        %get3A_1411 = arith.constant 0 : index
        %get3A_1412 = tpu.vector_load %arg20[%get3A_1410, %get3A_1411] {strides = array<i32>} : memref<512x32xbf16, #tpu.memory_space<vmem>>, vector<32xbf16>,
        %mul3A_1413 = arith.mulf %get3A_1407, %get3A_1412 : vector<32xbf16>
        %unpack3A_1414 = tpu.unpack_subelements %mul3A_1413, 0 {pack_format = #tpu.pack_format<interleaved>} : vector<32xbf16> -> vector<16xf32>
        %unpack3A_1415 = tpu.unpack_subelements %mul3A_1413, 1 {pack_format = #tpu.pack_format<interleaved>} : vector<32xbf16> -> vector<16xf32>
        %add3A_1416 = arith.addf %unpack3A_1414, %unpack3A_1415 : vector<16xf32>
        %cumsum3A_1417 = arith.constant true
        %cumsum3A_1418 = vector.broadcast %cumsum3A_1417 : i1 to vector<16xi1>
        %cumsum3A_1419 = tpu.scan <sum>, %add3A_1416 masked %cumsum3A_1418 : vector<16xf32>, vector<16xi1> -> vector<16xf32>
        %add3A_1420 = arith.constant 2 : i32
        %add3A_1421 = arith.addi %mul3A_1360, %add3A_1420 : i32
        %mul3A_1422 = arith.constant 16 : i32
        %mul3A_1423 = arith.muli %add3A_1421, %mul3A_1422 : i32
        %swap3A_1424 = arith.index_cast %mul3A_1423 : i32 to index
        %swap3A_1425 = tpu.vector_load %arg26[%swap3A_1424] {strides = array<i32>} : memref<8192xf32, #tpu.memory_space<vmem>>, vector<16xf32>,
        tpu.vector_store %arg26[%swap3A_1424], %cumsum3A_1419 {strides = array<i32>} : memref<8192xf32, #tpu.memory_space<vmem>>, vector<16xf32>,
        %add3A_1426 = arith.constant 3 : i32
        %add3A_1427 = arith.addi %mul3A_1360, %add3A_1426 : i32
        %get3A_1428 = arith.index_cast %add3A_1427 : i32 to index
        %get3A_1429 = arith.constant 0 : index
        %get3A_1430 = tpu.vector_load %arg16[%get3A_1428, %get3A_1429] {strides = array<i32>} : memref<512x32xbf16, #tpu.memory_space<vmem>>, vector<32xbf16>,
        %add3A_1431 = arith.constant 3 : i32
        %add3A_1432 = arith.addi %mul3A_1360, %add3A_1431 : i32
        %get3A_1433 = arith.index_cast %add3A_1432 : i32 to index
        %get3A_1434 = arith.constant 0 : index
        %get3A_1435 = tpu.vector_load %arg20[%get3A_1433, %get3A_1434] {strides = array<i32>} : memref<512x32xbf16, #tpu.memory_space<vmem>>, vector<32xbf16>,
        %mul3A_1436 = arith.mulf %get3A_1430, %get3A_1435 : vector<32xbf16>
        %unpack3A_1437 = tpu.unpack_subelements %mul3A_1436, 0 {pack_format = #tpu.pack_format<interleaved>} : vector<32xbf16> -> vector<16xf32>
        %unpack3A_1438 = tpu.unpack_subelements %mul3A_1436, 1 {pack_format = #tpu.pack_format<interleaved>} : vector<32xbf16> -> vector<16xf32>
        %add3A_1439 = arith.addf %unpack3A_1437, %unpack3A_1438 : vector<16xf32>
        %cumsum3A_1440 = arith.constant true
        %cumsum3A_1441 = vector.broadcast %cumsum3A_1440 : i1 to vector<16xi1>
        %cumsum3A_1442 = tpu.scan <sum>, %add3A_1439 masked %cumsum3A_1441 : vector<16xf32>, vector<16xi1> -> vector<16xf32>
        %add3A_1443 = arith.constant 3 : i32
        %add3A_1444 = arith.addi %mul3A_1360, %add3A_1443 : i32
        %mul3A_1445 = arith.constant 16 : i32
        %mul3A_1446 = arith.muli %add3A_1444, %mul3A_1445 : i32
        %swap3A_1447 = arith.index_cast %mul3A_1446 : i32 to index
        %swap3A_1448 = tpu.vector_load %arg26[%swap3A_1447] {strides = array<i32>} : memref<8192xf32, #tpu.memory_space<vmem>>, vector<16xf32>,
        tpu.vector_store %arg26[%swap3A_1447], %cumsum3A_1442 {strides = array<i32>} : memref<8192xf32, #tpu.memory_space<vmem>>, vector<16xf32>,
        %add3A_1449 = arith.constant 4 : i32
        %add3A_1450 = arith.addi %mul3A_1360, %add3A_1449 : i32
        %get3A_1451 = arith.index_cast %add3A_1450 : i32 to index
        %get3A_1452 = arith.constant 0 : index
        %get3A_1453 = tpu.vector_load %arg16[%get3A_1451, %get3A_1452] {strides = array<i32>} : memref<512x32xbf16, #tpu.memory_space<vmem>>, vector<32xbf16>,
        %add3A_1454 = arith.constant 4 : i32
        %add3A_1455 = arith.addi %mul3A_1360, %add3A_1454 : i32
        %get3A_1456 = arith.index_cast %add3A_1455 : i32 to index
        %get3A_1457 = arith.constant 0 : index
        %get3A_1458 = tpu.vector_load %arg20[%get3A_1456, %get3A_1457] {strides = array<i32>} : memref<512x32xbf16, #tpu.memory_space<vmem>>, vector<32xbf16>,
        %mul3A_1459 = arith.mulf %get3A_1453, %get3A_1458 : vector<32xbf16>
        %unpack3A_1460 = tpu.unpack_subelements %mul3A_1459, 0 {pack_format = #tpu.pack_format<interleaved>} : vector<32xbf16> -> vector<16xf32>
        %unpack3A_1461 = tpu.unpack_subelements %mul3A_1459, 1 {pack_format = #tpu.pack_format<interleaved>} : vector<32xbf16> -> vector<16xf32>
        %add3A_1462 = arith.addf %unpack3A_1460, %unpack3A_1461 : vector<16xf32>
        %cumsum3A_1463 = arith.constant true
        %cumsum3A_1464 = vector.broadcast %cumsum3A_1463 : i1 to vector<16xi1>
        %cumsum3A_1465 = tpu.scan <sum>, %add3A_1462 masked %cumsum3A_1464 : vector<16xf32>, vector<16xi1> -> vector<16xf32>
        %add3A_1466 = arith.constant 4 : i32
        %add3A_1467 = arith.addi %mul3A_1360, %add3A_1466 : i32
        %mul3A_1468 = arith.constant 16 : i32
        %mul3A_1469 = arith.muli %add3A_1467, %mul3A_1468 : i32
        %swap3A_1470 = arith.index_cast %mul3A_1469 : i32 to index
        %swap3A_1471 = tpu.vector_load %arg26[%swap3A_1470] {strides = array<i32>} : memref<8192xf32, #tpu.memory_space<vmem>>, vector<16xf32>,
        tpu.vector_store %arg26[%swap3A_1470], %cumsum3A_1465 {strides = array<i32>} : memref<8192xf32, #tpu.memory_space<vmem>>, vector<16xf32>,
        %add3A_1472 = arith.constant 5 : i32
        %add3A_1473 = arith.addi %mul3A_1360, %add3A_1472 : i32
        %get3A_1474 = arith.index_cast %add3A_1473 : i32 to index
        %get3A_1475 = arith.constant 0 : index
        %get3A_1476 = tpu.vector_load %arg16[%get3A_1474, %get3A_1475] {strides = array<i32>} : memref<512x32xbf16, #tpu.memory_space<vmem>>, vector<32xbf16>,
        %add3A_1477 = arith.constant 5 : i32
        %add3A_1478 = arith.addi %mul3A_1360, %add3A_1477 : i32
        %get3A_1479 = arith.index_cast %add3A_1478 : i32 to index
        %get3A_1480 = arith.constant 0 : index
        %get3A_1481 = tpu.vector_load %arg20[%get3A_1479, %get3A_1480] {strides = array<i32>} : memref<512x32xbf16, #tpu.memory_space<vmem>>, vector<32xbf16>,
        %mul3A_1482 = arith.mulf %get3A_1476, %get3A_1481 : vector<32xbf16>
        %unpack3A_1483 = tpu.unpack_subelements %mul3A_1482, 0 {pack_format = #tpu.pack_format<interleaved>} : vector<32xbf16> -> vector<16xf32>
        %unpack3A_1484 = tpu.unpack_subelements %mul3A_1482, 1 {pack_format = #tpu.pack_format<interleaved>} : vector<32xbf16> -> vector<16xf32>
        %add3A_1485 = arith.addf %unpack3A_1483, %unpack3A_1484 : vector<16xf32>
        %cumsum3A_1486 = arith.constant true
        %cumsum3A_1487 = vector.broadcast %cumsum3A_1486 : i1 to vector<16xi1>
        %cumsum3A_1488 = tpu.scan <sum>, %add3A_1485 masked %cumsum3A_1487 : vector<16xf32>, vector<16xi1> -> vector<16xf32>
        %add3A_1489 = arith.constant 5 : i32
        %add3A_1490 = arith.addi %mul3A_1360, %add3A_1489 : i32
        %mul3A_1491 = arith.constant 16 : i32
        %mul3A_1492 = arith.muli %add3A_1490, %mul3A_1491 : i32
        %swap3A_1493 = arith.index_cast %mul3A_1492 : i32 to index
        %swap3A_1494 = tpu.vector_load %arg26[%swap3A_1493] {strides = array<i32>} : memref<8192xf32, #tpu.memory_space<vmem>>, vector<16xf32>,
        tpu.vector_store %arg26[%swap3A_1493], %cumsum3A_1488 {strides = array<i32>} : memref<8192xf32, #tpu.memory_space<vmem>>, vector<16xf32>,
        %add3A_1495 = arith.constant 6 : i32
        %add3A_1496 = arith.addi %mul3A_1360, %add3A_1495 : i32
        %get3A_1497 = arith.index_cast %add3A_1496 : i32 to index
        %get3A_1498 = arith.constant 0 : index
        %get3A_1499 = tpu.vector_load %arg16[%get3A_1497, %get3A_1498] {strides = array<i32>} : memref<512x32xbf16, #tpu.memory_space<vmem>>, vector<32xbf16>,
        %add3A_1500 = arith.constant 6 : i32
        %add3A_1501 = arith.addi %mul3A_1360, %add3A_1500 : i32
        %get3A_1502 = arith.index_cast %add3A_1501 : i32 to index
        %get3A_1503 = arith.constant 0 : index
        %get3A_1504 = tpu.vector_load %arg20[%get3A_1502, %get3A_1503] {strides = array<i32>} : memref<512x32xbf16, #tpu.memory_space<vmem>>, vector<32xbf16>,
        %mul3A_1505 = arith.mulf %get3A_1499, %get3A_1504 : vector<32xbf16>
        %unpack3A_1506 = tpu.unpack_subelements %mul3A_1505, 0 {pack_format = #tpu.pack_format<interleaved>} : vector<32xbf16> -> vector<16xf32>
        %unpack3A_1507 = tpu.unpack_subelements %mul3A_1505, 1 {pack_format = #tpu.pack_format<interleaved>} : vector<32xbf16> -> vector<16xf32>
        %add3A_1508 = arith.addf %unpack3A_1506, %unpack3A_1507 : vector<16xf32>
        %cumsum3A_1509 = arith.constant true
        %cumsum3A_1510 = vector.broadcast %cumsum3A_1509 : i1 to vector<16xi1>
        %cumsum3A_1511 = tpu.scan <sum>, %add3A_1508 masked %cumsum3A_1510 : vector<16xf32>, vector<16xi1> -> vector<16xf32>
        %add3A_1512 = arith.constant 6 : i32
        %add3A_1513 = arith.addi %mul3A_1360, %add3A_1512 : i32
        %mul3A_1514 = arith.constant 16 : i32
        %mul3A_1515 = arith.muli %add3A_1513, %mul3A_1514 : i32
        %swap3A_1516 = arith.index_cast %mul3A_1515 : i32 to index
        %swap3A_1517 = tpu.vector_load %arg26[%swap3A_1516] {strides = array<i32>} : memref<8192xf32, #tpu.memory_space<vmem>>, vector<16xf32>,
        tpu.vector_store %arg26[%swap3A_1516], %cumsum3A_1511 {strides = array<i32>} : memref<8192xf32, #tpu.memory_space<vmem>>, vector<16xf32>,
        %add3A_1518 = arith.constant 7 : i32
        %add3A_1519 = arith.addi %mul3A_1360, %add3A_1518 : i32
        %get3A_1520 = arith.index_cast %add3A_1519 : i32 to index
        %get3A_1521 = arith.constant 0 : index
        %get3A_1522 = tpu.vector_load %arg16[%get3A_1520, %get3A_1521] {strides = array<i32>} : memref<512x32xbf16, #tpu.memory_space<vmem>>, vector<32xbf16>,
        %add3A_1523 = arith.constant 7 : i32
        %add3A_1524 = arith.addi %mul3A_1360, %add3A_1523 : i32
        %get3A_1525 = arith.index_cast %add3A_1524 : i32 to index
        %get3A_1526 = arith.constant 0 : index
        %get3A_1527 = tpu.vector_load %arg20[%get3A_1525, %get3A_1526] {strides = array<i32>} : memref<512x32xbf16, #tpu.memory_space<vmem>>, vector<32xbf16>,
        %mul3A_1528 = arith.mulf %get3A_1522, %get3A_1527 : vector<32xbf16>
        %unpack3A_1529 = tpu.unpack_subelements %mul3A_1528, 0 {pack_format = #tpu.pack_format<interleaved>} : vector<32xbf16> -> vector<16xf32>
        %unpack3A_1530 = tpu.unpack_subelements %mul3A_1528, 1 {pack_format = #tpu.pack_format<interleaved>} : vector<32xbf16> -> vector<16xf32>
        %add3A_1531 = arith.addf %unpack3A_1529, %unpack3A_1530 : vector<16xf32>
        %cumsum3A_1532 = arith.constant true
        %cumsum3A_1533 = vector.broadcast %cumsum3A_1532 : i1 to vector<16xi1>
        %cumsum3A_1534 = tpu.scan <sum>, %add3A_1531 masked %cumsum3A_1533 : vector<16xf32>, vector<16xi1> -> vector<16xf32>
        %add3A_1535 = arith.constant 7 : i32
        %add3A_1536 = arith.addi %mul3A_1360, %add3A_1535 : i32
        %mul3A_1537 = arith.constant 16 : i32
        %mul3A_1538 = arith.muli %add3A_1536, %mul3A_1537 : i32
        %swap3A_1539 = arith.index_cast %mul3A_1538 : i32 to index
        %swap3A_1540 = tpu.vector_load %arg26[%swap3A_1539] {strides = array<i32>} : memref<8192xf32, #tpu.memory_space<vmem>>, vector<16xf32>,
        tpu.vector_store %arg26[%swap3A_1539], %cumsum3A_1534 {strides = array<i32>} : memref<8192xf32, #tpu.memory_space<vmem>>, vector<16xf32>,
      }
      %scan3A_1175 = arith.constant 64 : i32
      %scan3A_1176 = arith.constant 0 : i32
      %scan3A_1177 = arith.constant 0 : i32
      %scan3A_1178 = arith.constant 32 : i32
      %scan3A_1179 = arith.addi %scan3A_1177, %scan3A_1178 : i32
      %scan3A_1180 = arith.constant 1 : i32
      scf.for %scan3A_1358 = %scan3A_1177 to %scan3A_1179 step %scan3A_1180  : i32 {
        %mul3A_1359 = arith.constant 256 : i32
        %mul3A_1360 = arith.muli %scan3A_1358, %mul3A_1359 : i32
        %add3A_1361 = vector.broadcast %mul3A_1360 : i32 to vector<16xi32>
        %add3A_1362 = arith.addi %add3A_1361, %add3A_8 : vector<16xi32>
        %gather3A = tpu.vector_load_idx %arg26[%add3A_1362] : memref<8192xf32, #tpu.memory_space<vmem>>[vector<16xi32>], vector<16xf32>,
        %mul3A_1363 = arith.constant 16 : i32
        %mul3A_1364 = arith.muli %scan3A_1358, %mul3A_1363 : i32
        %swap3A = arith.index_cast %mul3A_1364 : i32 to index
        %swap3A_1365 = tpu.vector_load %arg24[%swap3A] {strides = array<i32>} : memref<512xf32, #tpu.memory_space<vmem>>, vector<16xf32>,
        tpu.vector_store %arg24[%swap3A], %gather3A {strides = array<i32>} : memref<512xf32, #tpu.memory_space<vmem>>, vector<16xf32>,
      }
      %scan3A_1181 = arith.constant 32 : i32
      %mul3A_1182 = arith.constant 512 : i32
      %mul3A_1183 = arith.muli %add3A_1019, %mul3A_1182 : i32
      %add3A_1184 = arith.addi %mul3A_2, %mul3A_1183 : i32
      %dma_start3A_1185 = tpu.memref_slice %arg5[%add3A_1184] : memref<1048576xf32, #tpu.memory_space<hbm>> -> memref<512xf32, #tpu.memory_space<hbm>>
      %dma_start3A_1186 = tpu.memref_slice %arg5[%add3A_1184] : memref<1048576xf32, #tpu.memory_space<hbm>> -> memref<512xf32, #tpu.memory_space<hbm>>
      tpu.enqueue_dma source(%arg24 : memref<512xf32, #tpu.memory_space<vmem>>) target(%dma_start3A_1186 : memref<512xf32, #tpu.memory_space<hbm>>) target_semaphore(%arg37 : memref<!tpu.dma_semaphore, #tpu.memory_space<semaphore_mem>>)
      %mul3A_1187 = arith.constant 4 : i32
      %mul3A_1188 = arith.muli %scan3A_676, %mul3A_1187 : i32
      %add3A_1189 = arith.constant 3 : i32
      %add3A_1190 = arith.addi %mul3A_1188, %add3A_1189 : i32
      %dma_wait3A_1191 = arith.constant 0 : i32
      %dma_wait3A_1192 = arith.constant 0 : i32
      %dma_wait3A_1193 = tpu.memref_slice %arg17[%dma_wait3A_1191, %dma_wait3A_1192] : memref<512x32xbf16, #tpu.memory_space<vmem>> -> memref<128x32xbf16, #tpu.memory_space<vmem>>
      %dma_wait3A_1194 = arith.constant 0 : i32
      %dma_wait3A_1195 = tpu.memref_slice %arg9[%dma_wait3A_1194] : memref<512xi32, #tpu.memory_space<vmem>> -> memref<128xi32, #tpu.memory_space<vmem>>
      %dma_wait3A_1196 = arith.constant 0 : i32
      %dma_wait3A_1197 = arith.constant 0 : i32
      %dma_wait3A_1198 = tpu.memref_slice %arg2[%dma_wait3A_1196, %dma_wait3A_1197] : memref<1000000x32xbf16, #tpu.memory_space<hbm>> -> memref<1000000x32xbf16, #tpu.memory_space<hbm>>
      tpu.wait_indirect_dma semaphore(%arg34 : memref<!tpu.dma_semaphore, #tpu.memory_space<semaphore_mem>>) src(%dma_wait3A_1198 : memref<1000000x32xbf16, #tpu.memory_space<hbm>>) dst(%dma_wait3A_1193 : memref<128x32xbf16, #tpu.memory_space<vmem>>)
      %dma_wait3A_1199 = arith.constant 0 : i32
      %dma_wait3A_1200 = arith.constant 0 : i32
      %dma_wait3A_1201 = tpu.memref_slice %arg21[%dma_wait3A_1199, %dma_wait3A_1200] : memref<512x32xbf16, #tpu.memory_space<vmem>> -> memref<128x32xbf16, #tpu.memory_space<vmem>>
      %dma_wait3A_1202 = arith.constant 0 : i32
      %dma_wait3A_1203 = tpu.memref_slice %arg13[%dma_wait3A_1202] : memref<512xi32, #tpu.memory_space<vmem>> -> memref<128xi32, #tpu.memory_space<vmem>>
      %dma_wait3A_1204 = arith.constant 0 : i32
      %dma_wait3A_1205 = arith.constant 0 : i32
      %dma_wait3A_1206 = tpu.memref_slice %arg2[%dma_wait3A_1204, %dma_wait3A_1205] : memref<1000000x32xbf16, #tpu.memory_space<hbm>> -> memref<1000000x32xbf16, #tpu.memory_space<hbm>>
      tpu.wait_indirect_dma semaphore(%arg34 : memref<!tpu.dma_semaphore, #tpu.memory_space<semaphore_mem>>) src(%dma_wait3A_1206 : memref<1000000x32xbf16, #tpu.memory_space<hbm>>) dst(%dma_wait3A_1201 : memref<128x32xbf16, #tpu.memory_space<vmem>>)
      %dma_wait3A_1207 = arith.constant 128 : i32
      %dma_wait3A_1208 = arith.constant 0 : i32
      %dma_wait3A_1209 = tpu.memref_slice %arg17[%dma_wait3A_1207, %dma_wait3A_1208] : memref<512x32xbf16, #tpu.memory_space<vmem>> -> memref<128x32xbf16, #tpu.memory_space<vmem>>
      %dma_wait3A_1210 = arith.constant 128 : i32
      %dma_wait3A_1211 = tpu.memref_slice %arg9[%dma_wait3A_1210] : memref<512xi32, #tpu.memory_space<vmem>> -> memref<128xi32, #tpu.memory_space<vmem>>
      %dma_wait3A_1212 = arith.constant 0 : i32
      %dma_wait3A_1213 = arith.constant 0 : i32
      %dma_wait3A_1214 = tpu.memref_slice %arg2[%dma_wait3A_1212, %dma_wait3A_1213] : memref<1000000x32xbf16, #tpu.memory_space<hbm>> -> memref<1000000x32xbf16, #tpu.memory_space<hbm>>
      tpu.wait_indirect_dma semaphore(%arg34 : memref<!tpu.dma_semaphore, #tpu.memory_space<semaphore_mem>>) src(%dma_wait3A_1214 : memref<1000000x32xbf16, #tpu.memory_space<hbm>>) dst(%dma_wait3A_1209 : memref<128x32xbf16, #tpu.memory_space<vmem>>)
      %dma_wait3A_1215 = arith.constant 128 : i32
      %dma_wait3A_1216 = arith.constant 0 : i32
      %dma_wait3A_1217 = tpu.memref_slice %arg21[%dma_wait3A_1215, %dma_wait3A_1216] : memref<512x32xbf16, #tpu.memory_space<vmem>> -> memref<128x32xbf16, #tpu.memory_space<vmem>>
      %dma_wait3A_1218 = arith.constant 128 : i32
      %dma_wait3A_1219 = tpu.memref_slice %arg13[%dma_wait3A_1218] : memref<512xi32, #tpu.memory_space<vmem>> -> memref<128xi32, #tpu.memory_space<vmem>>
      %dma_wait3A_1220 = arith.constant 0 : i32
      %dma_wait3A_1221 = arith.constant 0 : i32
      %dma_wait3A_1222 = tpu.memref_slice %arg2[%dma_wait3A_1220, %dma_wait3A_1221] : memref<1000000x32xbf16, #tpu.memory_space<hbm>> -> memref<1000000x32xbf16, #tpu.memory_space<hbm>>
      tpu.wait_indirect_dma semaphore(%arg34 : memref<!tpu.dma_semaphore, #tpu.memory_space<semaphore_mem>>) src(%dma_wait3A_1222 : memref<1000000x32xbf16, #tpu.memory_space<hbm>>) dst(%dma_wait3A_1217 : memref<128x32xbf16, #tpu.memory_space<vmem>>)
      %dma_wait3A_1223 = arith.constant 256 : i32
      %dma_wait3A_1224 = arith.constant 0 : i32
      %dma_wait3A_1225 = tpu.memref_slice %arg17[%dma_wait3A_1223, %dma_wait3A_1224] : memref<512x32xbf16, #tpu.memory_space<vmem>> -> memref<128x32xbf16, #tpu.memory_space<vmem>>
      %dma_wait3A_1226 = arith.constant 256 : i32
      %dma_wait3A_1227 = tpu.memref_slice %arg9[%dma_wait3A_1226] : memref<512xi32, #tpu.memory_space<vmem>> -> memref<128xi32, #tpu.memory_space<vmem>>
      %dma_wait3A_1228 = arith.constant 0 : i32
      %dma_wait3A_1229 = arith.constant 0 : i32
      %dma_wait3A_1230 = tpu.memref_slice %arg2[%dma_wait3A_1228, %dma_wait3A_1229] : memref<1000000x32xbf16, #tpu.memory_space<hbm>> -> memref<1000000x32xbf16, #tpu.memory_space<hbm>>
      tpu.wait_indirect_dma semaphore(%arg34 : memref<!tpu.dma_semaphore, #tpu.memory_space<semaphore_mem>>) src(%dma_wait3A_1230 : memref<1000000x32xbf16, #tpu.memory_space<hbm>>) dst(%dma_wait3A_1225 : memref<128x32xbf16, #tpu.memory_space<vmem>>)
      %dma_wait3A_1231 = arith.constant 256 : i32
      %dma_wait3A_1232 = arith.constant 0 : i32
      %dma_wait3A_1233 = tpu.memref_slice %arg21[%dma_wait3A_1231, %dma_wait3A_1232] : memref<512x32xbf16, #tpu.memory_space<vmem>> -> memref<128x32xbf16, #tpu.memory_space<vmem>>
      %dma_wait3A_1234 = arith.constant 256 : i32
      %dma_wait3A_1235 = tpu.memref_slice %arg13[%dma_wait3A_1234] : memref<512xi32, #tpu.memory_space<vmem>> -> memref<128xi32, #tpu.memory_space<vmem>>
      %dma_wait3A_1236 = arith.constant 0 : i32
      %dma_wait3A_1237 = arith.constant 0 : i32
      %dma_wait3A_1238 = tpu.memref_slice %arg2[%dma_wait3A_1236, %dma_wait3A_1237] : memref<1000000x32xbf16, #tpu.memory_space<hbm>> -> memref<1000000x32xbf16, #tpu.memory_space<hbm>>
      tpu.wait_indirect_dma semaphore(%arg34 : memref<!tpu.dma_semaphore, #tpu.memory_space<semaphore_mem>>) src(%dma_wait3A_1238 : memref<1000000x32xbf16, #tpu.memory_space<hbm>>) dst(%dma_wait3A_1233 : memref<128x32xbf16, #tpu.memory_space<vmem>>)
      %dma_wait3A_1239 = arith.constant 384 : i32
      %dma_wait3A_1240 = arith.constant 0 : i32
      %dma_wait3A_1241 = tpu.memref_slice %arg17[%dma_wait3A_1239, %dma_wait3A_1240] : memref<512x32xbf16, #tpu.memory_space<vmem>> -> memref<128x32xbf16, #tpu.memory_space<vmem>>
      %dma_wait3A_1242 = arith.constant 384 : i32
      %dma_wait3A_1243 = tpu.memref_slice %arg9[%dma_wait3A_1242] : memref<512xi32, #tpu.memory_space<vmem>> -> memref<128xi32, #tpu.memory_space<vmem>>
      %dma_wait3A_1244 = arith.constant 0 : i32
      %dma_wait3A_1245 = arith.constant 0 : i32
      %dma_wait3A_1246 = tpu.memref_slice %arg2[%dma_wait3A_1244, %dma_wait3A_1245] : memref<1000000x32xbf16, #tpu.memory_space<hbm>> -> memref<1000000x32xbf16, #tpu.memory_space<hbm>>
      tpu.wait_indirect_dma semaphore(%arg34 : memref<!tpu.dma_semaphore, #tpu.memory_space<semaphore_mem>>) src(%dma_wait3A_1246 : memref<1000000x32xbf16, #tpu.memory_space<hbm>>) dst(%dma_wait3A_1241 : memref<128x32xbf16, #tpu.memory_space<vmem>>)
      %dma_wait3A_1247 = arith.constant 384 : i32
      %dma_wait3A_1248 = arith.constant 0 : i32
      %dma_wait3A_1249 = tpu.memref_slice %arg21[%dma_wait3A_1247, %dma_wait3A_1248] : memref<512x32xbf16, #tpu.memory_space<vmem>> -> memref<128x32xbf16, #tpu.memory_space<vmem>>
      %dma_wait3A_1250 = arith.constant 384 : i32
      %dma_wait3A_1251 = tpu.memref_slice %arg13[%dma_wait3A_1250] : memref<512xi32, #tpu.memory_space<vmem>> -> memref<128xi32, #tpu.memory_space<vmem>>
      %dma_wait3A_1252 = arith.constant 0 : i32
      %dma_wait3A_1253 = arith.constant 0 : i32
      %dma_wait3A_1254 = tpu.memref_slice %arg2[%dma_wait3A_1252, %dma_wait3A_1253] : memref<1000000x32xbf16, #tpu.memory_space<hbm>> -> memref<1000000x32xbf16, #tpu.memory_space<hbm>>
      tpu.wait_indirect_dma semaphore(%arg34 : memref<!tpu.dma_semaphore, #tpu.memory_space<semaphore_mem>>) src(%dma_wait3A_1254 : memref<1000000x32xbf16, #tpu.memory_space<hbm>>) dst(%dma_wait3A_1249 : memref<128x32xbf16, #tpu.memory_space<vmem>>)
      %dma_wait3A_1255 = arith.constant 0 : i32
      %dma_wait3A_1256 = tpu.memref_slice %arg3[%dma_wait3A_1255] : memref<1048576xi32, #tpu.memory_space<hbm>> -> memref<512xi32, #tpu.memory_space<hbm>>
      %dma_wait3A_1257 = arith.constant 0 : i32
      %dma_wait3A_1258 = tpu.memref_slice %arg3[%dma_wait3A_1257] : memref<1048576xi32, #tpu.memory_space<hbm>> -> memref<512xi32, #tpu.memory_space<hbm>>
      tpu.wait_dma2 semaphore(%arg29 : memref<!tpu.dma_semaphore, #tpu.memory_space<semaphore_mem>>) src(%dma_wait3A_1258 : memref<512xi32, #tpu.memory_space<hbm>>) dst(%arg8 : memref<512xi32, #tpu.memory_space<vmem>>)
      %dma_wait3A_1259 = arith.constant 0 : i32
      %dma_wait3A_1260 = tpu.memref_slice %arg4[%dma_wait3A_1259] : memref<1048576xi32, #tpu.memory_space<hbm>> -> memref<512xi32, #tpu.memory_space<hbm>>
      %dma_wait3A_1261 = arith.constant 0 : i32
      %dma_wait3A_1262 = tpu.memref_slice %arg4[%dma_wait3A_1261] : memref<1048576xi32, #tpu.memory_space<hbm>> -> memref<512xi32, #tpu.memory_space<hbm>>
      tpu.wait_dma2 semaphore(%arg29 : memref<!tpu.dma_semaphore, #tpu.memory_space<semaphore_mem>>) src(%dma_wait3A_1262 : memref<512xi32, #tpu.memory_space<hbm>>) dst(%arg12 : memref<512xi32, #tpu.memory_space<vmem>>)
      %dma_start3A_1263 = arith.constant 0 : i32
      %dma_start3A_1264 = arith.constant 0 : i32
      %dma_start3A_1265 = tpu.memref_slice %arg16[%dma_start3A_1263, %dma_start3A_1264] : memref<512x32xbf16, #tpu.memory_space<vmem>> -> memref<128x32xbf16, #tpu.memory_space<vmem>>
      %dma_start3A_1266 = arith.constant 0 : i32
      %dma_start3A_1267 = tpu.memref_slice %arg8[%dma_start3A_1266] : memref<512xi32, #tpu.memory_space<vmem>> -> memref<128xi32, #tpu.memory_space<vmem>>
      %dma_start3A_1268 = arith.constant 0 : i32
      %dma_start3A_1269 = arith.constant 0 : i32
      %dma_start3A_1270 = tpu.memref_slice %arg2[%dma_start3A_1268, %dma_start3A_1269] : memref<1000000x32xbf16, #tpu.memory_space<hbm>> -> memref<1000000x32xbf16, #tpu.memory_space<hbm>>
      tpu.enqueue_indirect_dma source(%dma_start3A_1270 : memref<1000000x32xbf16, #tpu.memory_space<hbm>>) target(%dma_start3A_1265 : memref<128x32xbf16, #tpu.memory_space<vmem>>) offsets(%dma_start3A_1267 : memref<128xi32, #tpu.memory_space<vmem>>) semaphore(%arg33 : memref<!tpu.dma_semaphore, #tpu.memory_space<semaphore_mem>>)
      %dma_start3A_1271 = arith.constant 0 : i32
      %dma_start3A_1272 = arith.constant 0 : i32
      %dma_start3A_1273 = tpu.memref_slice %arg20[%dma_start3A_1271, %dma_start3A_1272] : memref<512x32xbf16, #tpu.memory_space<vmem>> -> memref<128x32xbf16, #tpu.memory_space<vmem>>
      %dma_start3A_1274 = arith.constant 0 : i32
      %dma_start3A_1275 = tpu.memref_slice %arg12[%dma_start3A_1274] : memref<512xi32, #tpu.memory_space<vmem>> -> memref<128xi32, #tpu.memory_space<vmem>>
      %dma_start3A_1276 = arith.constant 0 : i32
      %dma_start3A_1277 = arith.constant 0 : i32
      %dma_start3A_1278 = tpu.memref_slice %arg2[%dma_start3A_1276, %dma_start3A_1277] : memref<1000000x32xbf16, #tpu.memory_space<hbm>> -> memref<1000000x32xbf16, #tpu.memory_space<hbm>>
      tpu.enqueue_indirect_dma source(%dma_start3A_1278 : memref<1000000x32xbf16, #tpu.memory_space<hbm>>) target(%dma_start3A_1273 : memref<128x32xbf16, #tpu.memory_space<vmem>>) offsets(%dma_start3A_1275 : memref<128xi32, #tpu.memory_space<vmem>>) semaphore(%arg33 : memref<!tpu.dma_semaphore, #tpu.memory_space<semaphore_mem>>)
      %dma_start3A_1279 = arith.constant 128 : i32
      %dma_start3A_1280 = arith.constant 0 : i32
      %dma_start3A_1281 = tpu.memref_slice %arg16[%dma_start3A_1279, %dma_start3A_1280] : memref<512x32xbf16, #tpu.memory_space<vmem>> -> memref<128x32xbf16, #tpu.memory_space<vmem>>
      %dma_start3A_1282 = arith.constant 128 : i32
      %dma_start3A_1283 = tpu.memref_slice %arg8[%dma_start3A_1282] : memref<512xi32, #tpu.memory_space<vmem>> -> memref<128xi32, #tpu.memory_space<vmem>>
      %dma_start3A_1284 = arith.constant 0 : i32
      %dma_start3A_1285 = arith.constant 0 : i32
      %dma_start3A_1286 = tpu.memref_slice %arg2[%dma_start3A_1284, %dma_start3A_1285] : memref<1000000x32xbf16, #tpu.memory_space<hbm>> -> memref<1000000x32xbf16, #tpu.memory_space<hbm>>
      tpu.enqueue_indirect_dma source(%dma_start3A_1286 : memref<1000000x32xbf16, #tpu.memory_space<hbm>>) target(%dma_start3A_1281 : memref<128x32xbf16, #tpu.memory_space<vmem>>) offsets(%dma_start3A_1283 : memref<128xi32, #tpu.memory_space<vmem>>) semaphore(%arg33 : memref<!tpu.dma_semaphore, #tpu.memory_space<semaphore_mem>>)
      %dma_start3A_1287 = arith.constant 128 : i32
      %dma_start3A_1288 = arith.constant 0 : i32
      %dma_start3A_1289 = tpu.memref_slice %arg20[%dma_start3A_1287, %dma_start3A_1288] : memref<512x32xbf16, #tpu.memory_space<vmem>> -> memref<128x32xbf16, #tpu.memory_space<vmem>>
      %dma_start3A_1290 = arith.constant 128 : i32
      %dma_start3A_1291 = tpu.memref_slice %arg12[%dma_start3A_1290] : memref<512xi32, #tpu.memory_space<vmem>> -> memref<128xi32, #tpu.memory_space<vmem>>
      %dma_start3A_1292 = arith.constant 0 : i32
      %dma_start3A_1293 = arith.constant 0 : i32
      %dma_start3A_1294 = tpu.memref_slice %arg2[%dma_start3A_1292, %dma_start3A_1293] : memref<1000000x32xbf16, #tpu.memory_space<hbm>> -> memref<1000000x32xbf16, #tpu.memory_space<hbm>>
      tpu.enqueue_indirect_dma source(%dma_start3A_1294 : memref<1000000x32xbf16, #tpu.memory_space<hbm>>) target(%dma_start3A_1289 : memref<128x32xbf16, #tpu.memory_space<vmem>>) offsets(%dma_start3A_1291 : memref<128xi32, #tpu.memory_space<vmem>>) semaphore(%arg33 : memref<!tpu.dma_semaphore, #tpu.memory_space<semaphore_mem>>)
      %dma_start3A_1295 = arith.constant 256 : i32
      %dma_start3A_1296 = arith.constant 0 : i32
      %dma_start3A_1297 = tpu.memref_slice %arg16[%dma_start3A_1295, %dma_start3A_1296] : memref<512x32xbf16, #tpu.memory_space<vmem>> -> memref<128x32xbf16, #tpu.memory_space<vmem>>
      %dma_start3A_1298 = arith.constant 256 : i32
      %dma_start3A_1299 = tpu.memref_slice %arg8[%dma_start3A_1298] : memref<512xi32, #tpu.memory_space<vmem>> -> memref<128xi32, #tpu.memory_space<vmem>>
      %dma_start3A_1300 = arith.constant 0 : i32
      %dma_start3A_1301 = arith.constant 0 : i32
      %dma_start3A_1302 = tpu.memref_slice %arg2[%dma_start3A_1300, %dma_start3A_1301] : memref<1000000x32xbf16, #tpu.memory_space<hbm>> -> memref<1000000x32xbf16, #tpu.memory_space<hbm>>
      tpu.enqueue_indirect_dma source(%dma_start3A_1302 : memref<1000000x32xbf16, #tpu.memory_space<hbm>>) target(%dma_start3A_1297 : memref<128x32xbf16, #tpu.memory_space<vmem>>) offsets(%dma_start3A_1299 : memref<128xi32, #tpu.memory_space<vmem>>) semaphore(%arg33 : memref<!tpu.dma_semaphore, #tpu.memory_space<semaphore_mem>>)
      %dma_start3A_1303 = arith.constant 256 : i32
      %dma_start3A_1304 = arith.constant 0 : i32
      %dma_start3A_1305 = tpu.memref_slice %arg20[%dma_start3A_1303, %dma_start3A_1304] : memref<512x32xbf16, #tpu.memory_space<vmem>> -> memref<128x32xbf16, #tpu.memory_space<vmem>>
      %dma_start3A_1306 = arith.constant 256 : i32
      %dma_start3A_1307 = tpu.memref_slice %arg12[%dma_start3A_1306] : memref<512xi32, #tpu.memory_space<vmem>> -> memref<128xi32, #tpu.memory_space<vmem>>
      %dma_start3A_1308 = arith.constant 0 : i32
      %dma_start3A_1309 = arith.constant 0 : i32
      %dma_start3A_1310 = tpu.memref_slice %arg2[%dma_start3A_1308, %dma_start3A_1309] : memref<1000000x32xbf16, #tpu.memory_space<hbm>> -> memref<1000000x32xbf16, #tpu.memory_space<hbm>>
      tpu.enqueue_indirect_dma source(%dma_start3A_1310 : memref<1000000x32xbf16, #tpu.memory_space<hbm>>) target(%dma_start3A_1305 : memref<128x32xbf16, #tpu.memory_space<vmem>>) offsets(%dma_start3A_1307 : memref<128xi32, #tpu.memory_space<vmem>>) semaphore(%arg33 : memref<!tpu.dma_semaphore, #tpu.memory_space<semaphore_mem>>)
      %dma_start3A_1311 = arith.constant 384 : i32
      %dma_start3A_1312 = arith.constant 0 : i32
      %dma_start3A_1313 = tpu.memref_slice %arg16[%dma_start3A_1311, %dma_start3A_1312] : memref<512x32xbf16, #tpu.memory_space<vmem>> -> memref<128x32xbf16, #tpu.memory_space<vmem>>
      %dma_start3A_1314 = arith.constant 384 : i32
      %dma_start3A_1315 = tpu.memref_slice %arg8[%dma_start3A_1314] : memref<512xi32, #tpu.memory_space<vmem>> -> memref<128xi32, #tpu.memory_space<vmem>>
      %dma_start3A_1316 = arith.constant 0 : i32
      %dma_start3A_1317 = arith.constant 0 : i32
      %dma_start3A_1318 = tpu.memref_slice %arg2[%dma_start3A_1316, %dma_start3A_1317] : memref<1000000x32xbf16, #tpu.memory_space<hbm>> -> memref<1000000x32xbf16, #tpu.memory_space<hbm>>
      tpu.enqueue_indirect_dma source(%dma_start3A_1318 : memref<1000000x32xbf16, #tpu.memory_space<hbm>>) target(%dma_start3A_1313 : memref<128x32xbf16, #tpu.memory_space<vmem>>) offsets(%dma_start3A_1315 : memref<128xi32, #tpu.memory_space<vmem>>) semaphore(%arg33 : memref<!tpu.dma_semaphore, #tpu.memory_space<semaphore_mem>>)
      %dma_start3A_1319 = arith.constant 384 : i32
      %dma_start3A_1320 = arith.constant 0 : i32
      %dma_start3A_1321 = tpu.memref_slice %arg20[%dma_start3A_1319, %dma_start3A_1320] : memref<512x32xbf16, #tpu.memory_space<vmem>> -> memref<128x32xbf16, #tpu.memory_space<vmem>>
      %dma_start3A_1322 = arith.constant 384 : i32
      %dma_start3A_1323 = tpu.memref_slice %arg12[%dma_start3A_1322] : memref<512xi32, #tpu.memory_space<vmem>> -> memref<128xi32, #tpu.memory_space<vmem>>
      %dma_start3A_1324 = arith.constant 0 : i32
      %dma_start3A_1325 = arith.constant 0 : i32
      %dma_start3A_1326 = tpu.memref_slice %arg2[%dma_start3A_1324, %dma_start3A_1325] : memref<1000000x32xbf16, #tpu.memory_space<hbm>> -> memref<1000000x32xbf16, #tpu.memory_space<hbm>>
      tpu.enqueue_indirect_dma source(%dma_start3A_1326 : memref<1000000x32xbf16, #tpu.memory_space<hbm>>) target(%dma_start3A_1321 : memref<128x32xbf16, #tpu.memory_space<vmem>>) offsets(%dma_start3A_1323 : memref<128xi32, #tpu.memory_space<vmem>>) semaphore(%arg33 : memref<!tpu.dma_semaphore, #tpu.memory_space<semaphore_mem>>)
      %add3A_1327 = arith.constant 4 : i32
      %add3A_1328 = arith.addi %add3A_1190, %add3A_1327 : i32
      %mul3A_1329 = arith.constant 512 : i32
      %mul3A_1330 = arith.muli %add3A_1328, %mul3A_1329 : i32
      %add3A_1331 = arith.addi %mul3A_2, %mul3A_1330 : i32
      %dma_start3A_1332 = tpu.memref_slice %arg3[%add3A_1331] : memref<1048576xi32, #tpu.memory_space<hbm>> -> memref<512xi32, #tpu.memory_space<hbm>>
      %dma_start3A_1333 = tpu.memref_slice %arg3[%add3A_1331] : memref<1048576xi32, #tpu.memory_space<hbm>> -> memref<512xi32, #tpu.memory_space<hbm>>
      tpu.enqueue_dma source(%dma_start3A_1333 : memref<512xi32, #tpu.memory_space<hbm>>) target(%arg9 : memref<512xi32, #tpu.memory_space<vmem>>) target_semaphore(%arg30 : memref<!tpu.dma_semaphore, #tpu.memory_space<semaphore_mem>>)
      %dma_start3A_1334 = tpu.memref_slice %arg4[%add3A_1331] : memref<1048576xi32, #tpu.memory_space<hbm>> -> memref<512xi32, #tpu.memory_space<hbm>>
      %dma_start3A_1335 = tpu.memref_slice %arg4[%add3A_1331] : memref<1048576xi32, #tpu.memory_space<hbm>> -> memref<512xi32, #tpu.memory_space<hbm>>
      tpu.enqueue_dma source(%dma_start3A_1335 : memref<512xi32, #tpu.memory_space<hbm>>) target(%arg13 : memref<512xi32, #tpu.memory_space<vmem>>) target_semaphore(%arg30 : memref<!tpu.dma_semaphore, #tpu.memory_space<semaphore_mem>>)
      %gt3A_1336 = arith.constant 0 : i32
      %gt3A_1337 = arith.cmpi sgt, %scan3A_676, %gt3A_1336 : i32
      %convert_element_type3A_1338 = arith.extui %gt3A_1337 : i1 to i32
      %cond3A_1339 = arith.constant 0 : i32
      %cond3A_1340 = arith.cmpi ne, %convert_element_type3A_1338, %cond3A_1339 : i32
      scf.if %cond3A_1340 {
        %dma_wait3A_1358 = arith.constant 0 : i32
        %dma_wait3A_1359 = tpu.memref_slice %arg5[%dma_wait3A_1358] : memref<1048576xf32, #tpu.memory_space<hbm>> -> memref<512xf32, #tpu.memory_space<hbm>>
        %dma_wait3A_1360 = arith.constant 0 : i32
        %dma_wait3A_1361 = tpu.memref_slice %arg5[%dma_wait3A_1360] : memref<1048576xf32, #tpu.memory_space<hbm>> -> memref<512xf32, #tpu.memory_space<hbm>>
        tpu.wait_dma2 semaphore(%arg38 : memref<!tpu.dma_semaphore, #tpu.memory_space<semaphore_mem>>) src(%arg25 : memref<512xf32, #tpu.memory_space<vmem>>) dst(%dma_wait3A_1361 : memref<512xf32, #tpu.memory_space<hbm>>)
      } else {
      }
      %scan3A_1341 = arith.constant 0 : i32
      %scan3A_1342 = arith.constant 0 : i32
      %scan3A_1343 = arith.constant 64 : i32
      %scan3A_1344 = arith.addi %scan3A_1342, %scan3A_1343 : i32
      %scan3A_1345 = arith.constant 1 : i32
      scf.for %scan3A_1358 = %scan3A_1342 to %scan3A_1344 step %scan3A_1345  : i32 {
        %mul3A_1359 = arith.constant 8 : i32
        %mul3A_1360 = arith.muli %scan3A_1358, %mul3A_1359 : i32
        %add3A_1361 = arith.constant 0 : i32
        %add3A_1362 = arith.addi %mul3A_1360, %add3A_1361 : i32
        %get3A = arith.index_cast %add3A_1362 : i32 to index
        %get3A_1363 = arith.constant 0 : index
        %get3A_1364 = tpu.vector_load %arg17[%get3A, %get3A_1363] {strides = array<i32>} : memref<512x32xbf16, #tpu.memory_space<vmem>>, vector<32xbf16>,
        %add3A_1365 = arith.constant 0 : i32
        %add3A_1366 = arith.addi %mul3A_1360, %add3A_1365 : i32
        %get3A_1367 = arith.index_cast %add3A_1366 : i32 to index
        %get3A_1368 = arith.constant 0 : index
        %get3A_1369 = tpu.vector_load %arg21[%get3A_1367, %get3A_1368] {strides = array<i32>} : memref<512x32xbf16, #tpu.memory_space<vmem>>, vector<32xbf16>,
        %mul3A_1370 = arith.mulf %get3A_1364, %get3A_1369 : vector<32xbf16>
        %unpack3A = tpu.unpack_subelements %mul3A_1370, 0 {pack_format = #tpu.pack_format<interleaved>} : vector<32xbf16> -> vector<16xf32>
        %unpack3A_1371 = tpu.unpack_subelements %mul3A_1370, 1 {pack_format = #tpu.pack_format<interleaved>} : vector<32xbf16> -> vector<16xf32>
        %add3A_1372 = arith.addf %unpack3A, %unpack3A_1371 : vector<16xf32>
        %cumsum3A = arith.constant true
        %cumsum3A_1373 = vector.broadcast %cumsum3A : i1 to vector<16xi1>
        %cumsum3A_1374 = tpu.scan <sum>, %add3A_1372 masked %cumsum3A_1373 : vector<16xf32>, vector<16xi1> -> vector<16xf32>
        %add3A_1375 = arith.constant 0 : i32
        %add3A_1376 = arith.addi %mul3A_1360, %add3A_1375 : i32
        %mul3A_1377 = arith.constant 16 : i32
        %mul3A_1378 = arith.muli %add3A_1376, %mul3A_1377 : i32
        %swap3A = arith.index_cast %mul3A_1378 : i32 to index
        %swap3A_1379 = tpu.vector_load %arg26[%swap3A] {strides = array<i32>} : memref<8192xf32, #tpu.memory_space<vmem>>, vector<16xf32>,
        tpu.vector_store %arg26[%swap3A], %cumsum3A_1374 {strides = array<i32>} : memref<8192xf32, #tpu.memory_space<vmem>>, vector<16xf32>,
        %add3A_1380 = arith.constant 1 : i32
        %add3A_1381 = arith.addi %mul3A_1360, %add3A_1380 : i32
        %get3A_1382 = arith.index_cast %add3A_1381 : i32 to index
        %get3A_1383 = arith.constant 0 : index
        %get3A_1384 = tpu.vector_load %arg17[%get3A_1382, %get3A_1383] {strides = array<i32>} : memref<512x32xbf16, #tpu.memory_space<vmem>>, vector<32xbf16>,
        %add3A_1385 = arith.constant 1 : i32
        %add3A_1386 = arith.addi %mul3A_1360, %add3A_1385 : i32
        %get3A_1387 = arith.index_cast %add3A_1386 : i32 to index
        %get3A_1388 = arith.constant 0 : index
        %get3A_1389 = tpu.vector_load %arg21[%get3A_1387, %get3A_1388] {strides = array<i32>} : memref<512x32xbf16, #tpu.memory_space<vmem>>, vector<32xbf16>,
        %mul3A_1390 = arith.mulf %get3A_1384, %get3A_1389 : vector<32xbf16>
        %unpack3A_1391 = tpu.unpack_subelements %mul3A_1390, 0 {pack_format = #tpu.pack_format<interleaved>} : vector<32xbf16> -> vector<16xf32>
        %unpack3A_1392 = tpu.unpack_subelements %mul3A_1390, 1 {pack_format = #tpu.pack_format<interleaved>} : vector<32xbf16> -> vector<16xf32>
        %add3A_1393 = arith.addf %unpack3A_1391, %unpack3A_1392 : vector<16xf32>
        %cumsum3A_1394 = arith.constant true
        %cumsum3A_1395 = vector.broadcast %cumsum3A_1394 : i1 to vector<16xi1>
        %cumsum3A_1396 = tpu.scan <sum>, %add3A_1393 masked %cumsum3A_1395 : vector<16xf32>, vector<16xi1> -> vector<16xf32>
        %add3A_1397 = arith.constant 1 : i32
        %add3A_1398 = arith.addi %mul3A_1360, %add3A_1397 : i32
        %mul3A_1399 = arith.constant 16 : i32
        %mul3A_1400 = arith.muli %add3A_1398, %mul3A_1399 : i32
        %swap3A_1401 = arith.index_cast %mul3A_1400 : i32 to index
        %swap3A_1402 = tpu.vector_load %arg26[%swap3A_1401] {strides = array<i32>} : memref<8192xf32, #tpu.memory_space<vmem>>, vector<16xf32>,
        tpu.vector_store %arg26[%swap3A_1401], %cumsum3A_1396 {strides = array<i32>} : memref<8192xf32, #tpu.memory_space<vmem>>, vector<16xf32>,
        %add3A_1403 = arith.constant 2 : i32
        %add3A_1404 = arith.addi %mul3A_1360, %add3A_1403 : i32
        %get3A_1405 = arith.index_cast %add3A_1404 : i32 to index
        %get3A_1406 = arith.constant 0 : index
        %get3A_1407 = tpu.vector_load %arg17[%get3A_1405, %get3A_1406] {strides = array<i32>} : memref<512x32xbf16, #tpu.memory_space<vmem>>, vector<32xbf16>,
        %add3A_1408 = arith.constant 2 : i32
        %add3A_1409 = arith.addi %mul3A_1360, %add3A_1408 : i32
        %get3A_1410 = arith.index_cast %add3A_1409 : i32 to index
        %get3A_1411 = arith.constant 0 : index
        %get3A_1412 = tpu.vector_load %arg21[%get3A_1410, %get3A_1411] {strides = array<i32>} : memref<512x32xbf16, #tpu.memory_space<vmem>>, vector<32xbf16>,
        %mul3A_1413 = arith.mulf %get3A_1407, %get3A_1412 : vector<32xbf16>
        %unpack3A_1414 = tpu.unpack_subelements %mul3A_1413, 0 {pack_format = #tpu.pack_format<interleaved>} : vector<32xbf16> -> vector<16xf32>
        %unpack3A_1415 = tpu.unpack_subelements %mul3A_1413, 1 {pack_format = #tpu.pack_format<interleaved>} : vector<32xbf16> -> vector<16xf32>
        %add3A_1416 = arith.addf %unpack3A_1414, %unpack3A_1415 : vector<16xf32>
        %cumsum3A_1417 = arith.constant true
        %cumsum3A_1418 = vector.broadcast %cumsum3A_1417 : i1 to vector<16xi1>
        %cumsum3A_1419 = tpu.scan <sum>, %add3A_1416 masked %cumsum3A_1418 : vector<16xf32>, vector<16xi1> -> vector<16xf32>
        %add3A_1420 = arith.constant 2 : i32
        %add3A_1421 = arith.addi %mul3A_1360, %add3A_1420 : i32
        %mul3A_1422 = arith.constant 16 : i32
        %mul3A_1423 = arith.muli %add3A_1421, %mul3A_1422 : i32
        %swap3A_1424 = arith.index_cast %mul3A_1423 : i32 to index
        %swap3A_1425 = tpu.vector_load %arg26[%swap3A_1424] {strides = array<i32>} : memref<8192xf32, #tpu.memory_space<vmem>>, vector<16xf32>,
        tpu.vector_store %arg26[%swap3A_1424], %cumsum3A_1419 {strides = array<i32>} : memref<8192xf32, #tpu.memory_space<vmem>>, vector<16xf32>,
        %add3A_1426 = arith.constant 3 : i32
        %add3A_1427 = arith.addi %mul3A_1360, %add3A_1426 : i32
        %get3A_1428 = arith.index_cast %add3A_1427 : i32 to index
        %get3A_1429 = arith.constant 0 : index
        %get3A_1430 = tpu.vector_load %arg17[%get3A_1428, %get3A_1429] {strides = array<i32>} : memref<512x32xbf16, #tpu.memory_space<vmem>>, vector<32xbf16>,
        %add3A_1431 = arith.constant 3 : i32
        %add3A_1432 = arith.addi %mul3A_1360, %add3A_1431 : i32
        %get3A_1433 = arith.index_cast %add3A_1432 : i32 to index
        %get3A_1434 = arith.constant 0 : index
        %get3A_1435 = tpu.vector_load %arg21[%get3A_1433, %get3A_1434] {strides = array<i32>} : memref<512x32xbf16, #tpu.memory_space<vmem>>, vector<32xbf16>,
        %mul3A_1436 = arith.mulf %get3A_1430, %get3A_1435 : vector<32xbf16>
        %unpack3A_1437 = tpu.unpack_subelements %mul3A_1436, 0 {pack_format = #tpu.pack_format<interleaved>} : vector<32xbf16> -> vector<16xf32>
        %unpack3A_1438 = tpu.unpack_subelements %mul3A_1436, 1 {pack_format = #tpu.pack_format<interleaved>} : vector<32xbf16> -> vector<16xf32>
        %add3A_1439 = arith.addf %unpack3A_1437, %unpack3A_1438 : vector<16xf32>
        %cumsum3A_1440 = arith.constant true
        %cumsum3A_1441 = vector.broadcast %cumsum3A_1440 : i1 to vector<16xi1>
        %cumsum3A_1442 = tpu.scan <sum>, %add3A_1439 masked %cumsum3A_1441 : vector<16xf32>, vector<16xi1> -> vector<16xf32>
        %add3A_1443 = arith.constant 3 : i32
        %add3A_1444 = arith.addi %mul3A_1360, %add3A_1443 : i32
        %mul3A_1445 = arith.constant 16 : i32
        %mul3A_1446 = arith.muli %add3A_1444, %mul3A_1445 : i32
        %swap3A_1447 = arith.index_cast %mul3A_1446 : i32 to index
        %swap3A_1448 = tpu.vector_load %arg26[%swap3A_1447] {strides = array<i32>} : memref<8192xf32, #tpu.memory_space<vmem>>, vector<16xf32>,
        tpu.vector_store %arg26[%swap3A_1447], %cumsum3A_1442 {strides = array<i32>} : memref<8192xf32, #tpu.memory_space<vmem>>, vector<16xf32>,
        %add3A_1449 = arith.constant 4 : i32
        %add3A_1450 = arith.addi %mul3A_1360, %add3A_1449 : i32
        %get3A_1451 = arith.index_cast %add3A_1450 : i32 to index
        %get3A_1452 = arith.constant 0 : index
        %get3A_1453 = tpu.vector_load %arg17[%get3A_1451, %get3A_1452] {strides = array<i32>} : memref<512x32xbf16, #tpu.memory_space<vmem>>, vector<32xbf16>,
        %add3A_1454 = arith.constant 4 : i32
        %add3A_1455 = arith.addi %mul3A_1360, %add3A_1454 : i32
        %get3A_1456 = arith.index_cast %add3A_1455 : i32 to index
        %get3A_1457 = arith.constant 0 : index
        %get3A_1458 = tpu.vector_load %arg21[%get3A_1456, %get3A_1457] {strides = array<i32>} : memref<512x32xbf16, #tpu.memory_space<vmem>>, vector<32xbf16>,
        %mul3A_1459 = arith.mulf %get3A_1453, %get3A_1458 : vector<32xbf16>
        %unpack3A_1460 = tpu.unpack_subelements %mul3A_1459, 0 {pack_format = #tpu.pack_format<interleaved>} : vector<32xbf16> -> vector<16xf32>
        %unpack3A_1461 = tpu.unpack_subelements %mul3A_1459, 1 {pack_format = #tpu.pack_format<interleaved>} : vector<32xbf16> -> vector<16xf32>
        %add3A_1462 = arith.addf %unpack3A_1460, %unpack3A_1461 : vector<16xf32>
        %cumsum3A_1463 = arith.constant true
        %cumsum3A_1464 = vector.broadcast %cumsum3A_1463 : i1 to vector<16xi1>
        %cumsum3A_1465 = tpu.scan <sum>, %add3A_1462 masked %cumsum3A_1464 : vector<16xf32>, vector<16xi1> -> vector<16xf32>
        %add3A_1466 = arith.constant 4 : i32
        %add3A_1467 = arith.addi %mul3A_1360, %add3A_1466 : i32
        %mul3A_1468 = arith.constant 16 : i32
        %mul3A_1469 = arith.muli %add3A_1467, %mul3A_1468 : i32
        %swap3A_1470 = arith.index_cast %mul3A_1469 : i32 to index
        %swap3A_1471 = tpu.vector_load %arg26[%swap3A_1470] {strides = array<i32>} : memref<8192xf32, #tpu.memory_space<vmem>>, vector<16xf32>,
        tpu.vector_store %arg26[%swap3A_1470], %cumsum3A_1465 {strides = array<i32>} : memref<8192xf32, #tpu.memory_space<vmem>>, vector<16xf32>,
        %add3A_1472 = arith.constant 5 : i32
        %add3A_1473 = arith.addi %mul3A_1360, %add3A_1472 : i32
        %get3A_1474 = arith.index_cast %add3A_1473 : i32 to index
        %get3A_1475 = arith.constant 0 : index
        %get3A_1476 = tpu.vector_load %arg17[%get3A_1474, %get3A_1475] {strides = array<i32>} : memref<512x32xbf16, #tpu.memory_space<vmem>>, vector<32xbf16>,
        %add3A_1477 = arith.constant 5 : i32
        %add3A_1478 = arith.addi %mul3A_1360, %add3A_1477 : i32
        %get3A_1479 = arith.index_cast %add3A_1478 : i32 to index
        %get3A_1480 = arith.constant 0 : index
        %get3A_1481 = tpu.vector_load %arg21[%get3A_1479, %get3A_1480] {strides = array<i32>} : memref<512x32xbf16, #tpu.memory_space<vmem>>, vector<32xbf16>,
        %mul3A_1482 = arith.mulf %get3A_1476, %get3A_1481 : vector<32xbf16>
        %unpack3A_1483 = tpu.unpack_subelements %mul3A_1482, 0 {pack_format = #tpu.pack_format<interleaved>} : vector<32xbf16> -> vector<16xf32>
        %unpack3A_1484 = tpu.unpack_subelements %mul3A_1482, 1 {pack_format = #tpu.pack_format<interleaved>} : vector<32xbf16> -> vector<16xf32>
        %add3A_1485 = arith.addf %unpack3A_1483, %unpack3A_1484 : vector<16xf32>
        %cumsum3A_1486 = arith.constant true
        %cumsum3A_1487 = vector.broadcast %cumsum3A_1486 : i1 to vector<16xi1>
        %cumsum3A_1488 = tpu.scan <sum>, %add3A_1485 masked %cumsum3A_1487 : vector<16xf32>, vector<16xi1> -> vector<16xf32>
        %add3A_1489 = arith.constant 5 : i32
        %add3A_1490 = arith.addi %mul3A_1360, %add3A_1489 : i32
        %mul3A_1491 = arith.constant 16 : i32
        %mul3A_1492 = arith.muli %add3A_1490, %mul3A_1491 : i32
        %swap3A_1493 = arith.index_cast %mul3A_1492 : i32 to index
        %swap3A_1494 = tpu.vector_load %arg26[%swap3A_1493] {strides = array<i32>} : memref<8192xf32, #tpu.memory_space<vmem>>, vector<16xf32>,
        tpu.vector_store %arg26[%swap3A_1493], %cumsum3A_1488 {strides = array<i32>} : memref<8192xf32, #tpu.memory_space<vmem>>, vector<16xf32>,
        %add3A_1495 = arith.constant 6 : i32
        %add3A_1496 = arith.addi %mul3A_1360, %add3A_1495 : i32
        %get3A_1497 = arith.index_cast %add3A_1496 : i32 to index
        %get3A_1498 = arith.constant 0 : index
        %get3A_1499 = tpu.vector_load %arg17[%get3A_1497, %get3A_1498] {strides = array<i32>} : memref<512x32xbf16, #tpu.memory_space<vmem>>, vector<32xbf16>,
        %add3A_1500 = arith.constant 6 : i32
        %add3A_1501 = arith.addi %mul3A_1360, %add3A_1500 : i32
        %get3A_1502 = arith.index_cast %add3A_1501 : i32 to index
        %get3A_1503 = arith.constant 0 : index
        %get3A_1504 = tpu.vector_load %arg21[%get3A_1502, %get3A_1503] {strides = array<i32>} : memref<512x32xbf16, #tpu.memory_space<vmem>>, vector<32xbf16>,
        %mul3A_1505 = arith.mulf %get3A_1499, %get3A_1504 : vector<32xbf16>
        %unpack3A_1506 = tpu.unpack_subelements %mul3A_1505, 0 {pack_format = #tpu.pack_format<interleaved>} : vector<32xbf16> -> vector<16xf32>
        %unpack3A_1507 = tpu.unpack_subelements %mul3A_1505, 1 {pack_format = #tpu.pack_format<interleaved>} : vector<32xbf16> -> vector<16xf32>
        %add3A_1508 = arith.addf %unpack3A_1506, %unpack3A_1507 : vector<16xf32>
        %cumsum3A_1509 = arith.constant true
        %cumsum3A_1510 = vector.broadcast %cumsum3A_1509 : i1 to vector<16xi1>
        %cumsum3A_1511 = tpu.scan <sum>, %add3A_1508 masked %cumsum3A_1510 : vector<16xf32>, vector<16xi1> -> vector<16xf32>
        %add3A_1512 = arith.constant 6 : i32
        %add3A_1513 = arith.addi %mul3A_1360, %add3A_1512 : i32
        %mul3A_1514 = arith.constant 16 : i32
        %mul3A_1515 = arith.muli %add3A_1513, %mul3A_1514 : i32
        %swap3A_1516 = arith.index_cast %mul3A_1515 : i32 to index
        %swap3A_1517 = tpu.vector_load %arg26[%swap3A_1516] {strides = array<i32>} : memref<8192xf32, #tpu.memory_space<vmem>>, vector<16xf32>,
        tpu.vector_store %arg26[%swap3A_1516], %cumsum3A_1511 {strides = array<i32>} : memref<8192xf32, #tpu.memory_space<vmem>>, vector<16xf32>,
        %add3A_1518 = arith.constant 7 : i32
        %add3A_1519 = arith.addi %mul3A_1360, %add3A_1518 : i32
        %get3A_1520 = arith.index_cast %add3A_1519 : i32 to index
        %get3A_1521 = arith.constant 0 : index
        %get3A_1522 = tpu.vector_load %arg17[%get3A_1520, %get3A_1521] {strides = array<i32>} : memref<512x32xbf16, #tpu.memory_space<vmem>>, vector<32xbf16>,
        %add3A_1523 = arith.constant 7 : i32
        %add3A_1524 = arith.addi %mul3A_1360, %add3A_1523 : i32
        %get3A_1525 = arith.index_cast %add3A_1524 : i32 to index
        %get3A_1526 = arith.constant 0 : index
        %get3A_1527 = tpu.vector_load %arg21[%get3A_1525, %get3A_1526] {strides = array<i32>} : memref<512x32xbf16, #tpu.memory_space<vmem>>, vector<32xbf16>,
        %mul3A_1528 = arith.mulf %get3A_1522, %get3A_1527 : vector<32xbf16>
        %unpack3A_1529 = tpu.unpack_subelements %mul3A_1528, 0 {pack_format = #tpu.pack_format<interleaved>} : vector<32xbf16> -> vector<16xf32>
        %unpack3A_1530 = tpu.unpack_subelements %mul3A_1528, 1 {pack_format = #tpu.pack_format<interleaved>} : vector<32xbf16> -> vector<16xf32>
        %add3A_1531 = arith.addf %unpack3A_1529, %unpack3A_1530 : vector<16xf32>
        %cumsum3A_1532 = arith.constant true
        %cumsum3A_1533 = vector.broadcast %cumsum3A_1532 : i1 to vector<16xi1>
        %cumsum3A_1534 = tpu.scan <sum>, %add3A_1531 masked %cumsum3A_1533 : vector<16xf32>, vector<16xi1> -> vector<16xf32>
        %add3A_1535 = arith.constant 7 : i32
        %add3A_1536 = arith.addi %mul3A_1360, %add3A_1535 : i32
        %mul3A_1537 = arith.constant 16 : i32
        %mul3A_1538 = arith.muli %add3A_1536, %mul3A_1537 : i32
        %swap3A_1539 = arith.index_cast %mul3A_1538 : i32 to index
        %swap3A_1540 = tpu.vector_load %arg26[%swap3A_1539] {strides = array<i32>} : memref<8192xf32, #tpu.memory_space<vmem>>, vector<16xf32>,
        tpu.vector_store %arg26[%swap3A_1539], %cumsum3A_1534 {strides = array<i32>} : memref<8192xf32, #tpu.memory_space<vmem>>, vector<16xf32>,
      }
      %scan3A_1346 = arith.constant 64 : i32
      %scan3A_1347 = arith.constant 0 : i32
      %scan3A_1348 = arith.constant 0 : i32
      %scan3A_1349 = arith.constant 32 : i32
      %scan3A_1350 = arith.addi %scan3A_1348, %scan3A_1349 : i32
      %scan3A_1351 = arith.constant 1 : i32
      scf.for %scan3A_1358 = %scan3A_1348 to %scan3A_1350 step %scan3A_1351  : i32 {
        %mul3A_1359 = arith.constant 256 : i32
        %mul3A_1360 = arith.muli %scan3A_1358, %mul3A_1359 : i32
        %add3A_1361 = vector.broadcast %mul3A_1360 : i32 to vector<16xi32>
        %add3A_1362 = arith.addi %add3A_1361, %add3A_8 : vector<16xi32>
        %gather3A = tpu.vector_load_idx %arg26[%add3A_1362] : memref<8192xf32, #tpu.memory_space<vmem>>[vector<16xi32>], vector<16xf32>,
        %mul3A_1363 = arith.constant 16 : i32
        %mul3A_1364 = arith.muli %scan3A_1358, %mul3A_1363 : i32
        %swap3A = arith.index_cast %mul3A_1364 : i32 to index
        %swap3A_1365 = tpu.vector_load %arg25[%swap3A] {strides = array<i32>} : memref<512xf32, #tpu.memory_space<vmem>>, vector<16xf32>,
        tpu.vector_store %arg25[%swap3A], %gather3A {strides = array<i32>} : memref<512xf32, #tpu.memory_space<vmem>>, vector<16xf32>,
      }
      %scan3A_1352 = arith.constant 32 : i32
      %mul3A_1353 = arith.constant 512 : i32
      %mul3A_1354 = arith.muli %add3A_1190, %mul3A_1353 : i32
      %add3A_1355 = arith.addi %mul3A_2, %mul3A_1354 : i32
      %dma_start3A_1356 = tpu.memref_slice %arg5[%add3A_1355] : memref<1048576xf32, #tpu.memory_space<hbm>> -> memref<512xf32, #tpu.memory_space<hbm>>
      %dma_start3A_1357 = tpu.memref_slice %arg5[%add3A_1355] : memref<1048576xf32, #tpu.memory_space<hbm>> -> memref<512xf32, #tpu.memory_space<hbm>>
      tpu.enqueue_dma source(%arg25 : memref<512xf32, #tpu.memory_space<vmem>>) target(%dma_start3A_1357 : memref<512xf32, #tpu.memory_space<hbm>>) target_semaphore(%arg38 : memref<!tpu.dma_semaphore, #tpu.memory_space<semaphore_mem>>)
    }
    %scan3A_251 = arith.constant 15 : i32
    %dma_wait3A_252 = arith.constant 0 : i32
    %dma_wait3A_253 = arith.constant 0 : i32
    %dma_wait3A_254 = tpu.memref_slice %arg14[%dma_wait3A_252, %dma_wait3A_253] : memref<512x32xbf16, #tpu.memory_space<vmem>> -> memref<128x32xbf16, #tpu.memory_space<vmem>>
    %dma_wait3A_255 = arith.constant 0 : i32
    %dma_wait3A_256 = tpu.memref_slice %arg6[%dma_wait3A_255] : memref<512xi32, #tpu.memory_space<vmem>> -> memref<128xi32, #tpu.memory_space<vmem>>
    %dma_wait3A_257 = arith.constant 0 : i32
    %dma_wait3A_258 = arith.constant 0 : i32
    %dma_wait3A_259 = tpu.memref_slice %arg2[%dma_wait3A_257, %dma_wait3A_258] : memref<1000000x32xbf16, #tpu.memory_space<hbm>> -> memref<1000000x32xbf16, #tpu.memory_space<hbm>>
    tpu.wait_indirect_dma semaphore(%arg31 : memref<!tpu.dma_semaphore, #tpu.memory_space<semaphore_mem>>) src(%dma_wait3A_259 : memref<1000000x32xbf16, #tpu.memory_space<hbm>>) dst(%dma_wait3A_254 : memref<128x32xbf16, #tpu.memory_space<vmem>>)
    %dma_wait3A_260 = arith.constant 0 : i32
    %dma_wait3A_261 = arith.constant 0 : i32
    %dma_wait3A_262 = tpu.memref_slice %arg18[%dma_wait3A_260, %dma_wait3A_261] : memref<512x32xbf16, #tpu.memory_space<vmem>> -> memref<128x32xbf16, #tpu.memory_space<vmem>>
    %dma_wait3A_263 = arith.constant 0 : i32
    %dma_wait3A_264 = tpu.memref_slice %arg10[%dma_wait3A_263] : memref<512xi32, #tpu.memory_space<vmem>> -> memref<128xi32, #tpu.memory_space<vmem>>
    %dma_wait3A_265 = arith.constant 0 : i32
    %dma_wait3A_266 = arith.constant 0 : i32
    %dma_wait3A_267 = tpu.memref_slice %arg2[%dma_wait3A_265, %dma_wait3A_266] : memref<1000000x32xbf16, #tpu.memory_space<hbm>> -> memref<1000000x32xbf16, #tpu.memory_space<hbm>>
    tpu.wait_indirect_dma semaphore(%arg31 : memref<!tpu.dma_semaphore, #tpu.memory_space<semaphore_mem>>) src(%dma_wait3A_267 : memref<1000000x32xbf16, #tpu.memory_space<hbm>>) dst(%dma_wait3A_262 : memref<128x32xbf16, #tpu.memory_space<vmem>>)
    %dma_wait3A_268 = arith.constant 128 : i32
    %dma_wait3A_269 = arith.constant 0 : i32
    %dma_wait3A_270 = tpu.memref_slice %arg14[%dma_wait3A_268, %dma_wait3A_269] : memref<512x32xbf16, #tpu.memory_space<vmem>> -> memref<128x32xbf16, #tpu.memory_space<vmem>>
    %dma_wait3A_271 = arith.constant 128 : i32
    %dma_wait3A_272 = tpu.memref_slice %arg6[%dma_wait3A_271] : memref<512xi32, #tpu.memory_space<vmem>> -> memref<128xi32, #tpu.memory_space<vmem>>
    %dma_wait3A_273 = arith.constant 0 : i32
    %dma_wait3A_274 = arith.constant 0 : i32
    %dma_wait3A_275 = tpu.memref_slice %arg2[%dma_wait3A_273, %dma_wait3A_274] : memref<1000000x32xbf16, #tpu.memory_space<hbm>> -> memref<1000000x32xbf16, #tpu.memory_space<hbm>>
    tpu.wait_indirect_dma semaphore(%arg31 : memref<!tpu.dma_semaphore, #tpu.memory_space<semaphore_mem>>) src(%dma_wait3A_275 : memref<1000000x32xbf16, #tpu.memory_space<hbm>>) dst(%dma_wait3A_270 : memref<128x32xbf16, #tpu.memory_space<vmem>>)
    %dma_wait3A_276 = arith.constant 128 : i32
    %dma_wait3A_277 = arith.constant 0 : i32
    %dma_wait3A_278 = tpu.memref_slice %arg18[%dma_wait3A_276, %dma_wait3A_277] : memref<512x32xbf16, #tpu.memory_space<vmem>> -> memref<128x32xbf16, #tpu.memory_space<vmem>>
    %dma_wait3A_279 = arith.constant 128 : i32
    %dma_wait3A_280 = tpu.memref_slice %arg10[%dma_wait3A_279] : memref<512xi32, #tpu.memory_space<vmem>> -> memref<128xi32, #tpu.memory_space<vmem>>
    %dma_wait3A_281 = arith.constant 0 : i32
    %dma_wait3A_282 = arith.constant 0 : i32
    %dma_wait3A_283 = tpu.memref_slice %arg2[%dma_wait3A_281, %dma_wait3A_282] : memref<1000000x32xbf16, #tpu.memory_space<hbm>> -> memref<1000000x32xbf16, #tpu.memory_space<hbm>>
    tpu.wait_indirect_dma semaphore(%arg31 : memref<!tpu.dma_semaphore, #tpu.memory_space<semaphore_mem>>) src(%dma_wait3A_283 : memref<1000000x32xbf16, #tpu.memory_space<hbm>>) dst(%dma_wait3A_278 : memref<128x32xbf16, #tpu.memory_space<vmem>>)
    %dma_wait3A_284 = arith.constant 256 : i32
    %dma_wait3A_285 = arith.constant 0 : i32
    %dma_wait3A_286 = tpu.memref_slice %arg14[%dma_wait3A_284, %dma_wait3A_285] : memref<512x32xbf16, #tpu.memory_space<vmem>> -> memref<128x32xbf16, #tpu.memory_space<vmem>>
    %dma_wait3A_287 = arith.constant 256 : i32
    %dma_wait3A_288 = tpu.memref_slice %arg6[%dma_wait3A_287] : memref<512xi32, #tpu.memory_space<vmem>> -> memref<128xi32, #tpu.memory_space<vmem>>
    %dma_wait3A_289 = arith.constant 0 : i32
    %dma_wait3A_290 = arith.constant 0 : i32
    %dma_wait3A_291 = tpu.memref_slice %arg2[%dma_wait3A_289, %dma_wait3A_290] : memref<1000000x32xbf16, #tpu.memory_space<hbm>> -> memref<1000000x32xbf16, #tpu.memory_space<hbm>>
    tpu.wait_indirect_dma semaphore(%arg31 : memref<!tpu.dma_semaphore, #tpu.memory_space<semaphore_mem>>) src(%dma_wait3A_291 : memref<1000000x32xbf16, #tpu.memory_space<hbm>>) dst(%dma_wait3A_286 : memref<128x32xbf16, #tpu.memory_space<vmem>>)
    %dma_wait3A_292 = arith.constant 256 : i32
    %dma_wait3A_293 = arith.constant 0 : i32
    %dma_wait3A_294 = tpu.memref_slice %arg18[%dma_wait3A_292, %dma_wait3A_293] : memref<512x32xbf16, #tpu.memory_space<vmem>> -> memref<128x32xbf16, #tpu.memory_space<vmem>>
    %dma_wait3A_295 = arith.constant 256 : i32
    %dma_wait3A_296 = tpu.memref_slice %arg10[%dma_wait3A_295] : memref<512xi32, #tpu.memory_space<vmem>> -> memref<128xi32, #tpu.memory_space<vmem>>
    %dma_wait3A_297 = arith.constant 0 : i32
    %dma_wait3A_298 = arith.constant 0 : i32
    %dma_wait3A_299 = tpu.memref_slice %arg2[%dma_wait3A_297, %dma_wait3A_298] : memref<1000000x32xbf16, #tpu.memory_space<hbm>> -> memref<1000000x32xbf16, #tpu.memory_space<hbm>>
    tpu.wait_indirect_dma semaphore(%arg31 : memref<!tpu.dma_semaphore, #tpu.memory_space<semaphore_mem>>) src(%dma_wait3A_299 : memref<1000000x32xbf16, #tpu.memory_space<hbm>>) dst(%dma_wait3A_294 : memref<128x32xbf16, #tpu.memory_space<vmem>>)
    %dma_wait3A_300 = arith.constant 384 : i32
    %dma_wait3A_301 = arith.constant 0 : i32
    %dma_wait3A_302 = tpu.memref_slice %arg14[%dma_wait3A_300, %dma_wait3A_301] : memref<512x32xbf16, #tpu.memory_space<vmem>> -> memref<128x32xbf16, #tpu.memory_space<vmem>>
    %dma_wait3A_303 = arith.constant 384 : i32
    %dma_wait3A_304 = tpu.memref_slice %arg6[%dma_wait3A_303] : memref<512xi32, #tpu.memory_space<vmem>> -> memref<128xi32, #tpu.memory_space<vmem>>
    %dma_wait3A_305 = arith.constant 0 : i32
    %dma_wait3A_306 = arith.constant 0 : i32
    %dma_wait3A_307 = tpu.memref_slice %arg2[%dma_wait3A_305, %dma_wait3A_306] : memref<1000000x32xbf16, #tpu.memory_space<hbm>> -> memref<1000000x32xbf16, #tpu.memory_space<hbm>>
    tpu.wait_indirect_dma semaphore(%arg31 : memref<!tpu.dma_semaphore, #tpu.memory_space<semaphore_mem>>) src(%dma_wait3A_307 : memref<1000000x32xbf16, #tpu.memory_space<hbm>>) dst(%dma_wait3A_302 : memref<128x32xbf16, #tpu.memory_space<vmem>>)
    %dma_wait3A_308 = arith.constant 384 : i32
    %dma_wait3A_309 = arith.constant 0 : i32
    %dma_wait3A_310 = tpu.memref_slice %arg18[%dma_wait3A_308, %dma_wait3A_309] : memref<512x32xbf16, #tpu.memory_space<vmem>> -> memref<128x32xbf16, #tpu.memory_space<vmem>>
    %dma_wait3A_311 = arith.constant 384 : i32
    %dma_wait3A_312 = tpu.memref_slice %arg10[%dma_wait3A_311] : memref<512xi32, #tpu.memory_space<vmem>> -> memref<128xi32, #tpu.memory_space<vmem>>
    %dma_wait3A_313 = arith.constant 0 : i32
    %dma_wait3A_314 = arith.constant 0 : i32
    %dma_wait3A_315 = tpu.memref_slice %arg2[%dma_wait3A_313, %dma_wait3A_314] : memref<1000000x32xbf16, #tpu.memory_space<hbm>> -> memref<1000000x32xbf16, #tpu.memory_space<hbm>>
    tpu.wait_indirect_dma semaphore(%arg31 : memref<!tpu.dma_semaphore, #tpu.memory_space<semaphore_mem>>) src(%dma_wait3A_315 : memref<1000000x32xbf16, #tpu.memory_space<hbm>>) dst(%dma_wait3A_310 : memref<128x32xbf16, #tpu.memory_space<vmem>>)
    %dma_wait3A_316 = arith.constant 0 : i32
    %dma_wait3A_317 = tpu.memref_slice %arg3[%dma_wait3A_316] : memref<1048576xi32, #tpu.memory_space<hbm>> -> memref<512xi32, #tpu.memory_space<hbm>>
    %dma_wait3A_318 = arith.constant 0 : i32
    %dma_wait3A_319 = tpu.memref_slice %arg3[%dma_wait3A_318] : memref<1048576xi32, #tpu.memory_space<hbm>> -> memref<512xi32, #tpu.memory_space<hbm>>
    tpu.wait_dma2 semaphore(%arg30 : memref<!tpu.dma_semaphore, #tpu.memory_space<semaphore_mem>>) src(%dma_wait3A_319 : memref<512xi32, #tpu.memory_space<hbm>>) dst(%arg9 : memref<512xi32, #tpu.memory_space<vmem>>)
    %dma_wait3A_320 = arith.constant 0 : i32
    %dma_wait3A_321 = tpu.memref_slice %arg4[%dma_wait3A_320] : memref<1048576xi32, #tpu.memory_space<hbm>> -> memref<512xi32, #tpu.memory_space<hbm>>
    %dma_wait3A_322 = arith.constant 0 : i32
    %dma_wait3A_323 = tpu.memref_slice %arg4[%dma_wait3A_322] : memref<1048576xi32, #tpu.memory_space<hbm>> -> memref<512xi32, #tpu.memory_space<hbm>>
    tpu.wait_dma2 semaphore(%arg30 : memref<!tpu.dma_semaphore, #tpu.memory_space<semaphore_mem>>) src(%dma_wait3A_323 : memref<512xi32, #tpu.memory_space<hbm>>) dst(%arg13 : memref<512xi32, #tpu.memory_space<vmem>>)
    %dma_start3A_324 = arith.constant 0 : i32
    %dma_start3A_325 = arith.constant 0 : i32
    %dma_start3A_326 = tpu.memref_slice %arg17[%dma_start3A_324, %dma_start3A_325] : memref<512x32xbf16, #tpu.memory_space<vmem>> -> memref<128x32xbf16, #tpu.memory_space<vmem>>
    %dma_start3A_327 = arith.constant 0 : i32
    %dma_start3A_328 = tpu.memref_slice %arg9[%dma_start3A_327] : memref<512xi32, #tpu.memory_space<vmem>> -> memref<128xi32, #tpu.memory_space<vmem>>
    %dma_start3A_329 = arith.constant 0 : i32
    %dma_start3A_330 = arith.constant 0 : i32
    %dma_start3A_331 = tpu.memref_slice %arg2[%dma_start3A_329, %dma_start3A_330] : memref<1000000x32xbf16, #tpu.memory_space<hbm>> -> memref<1000000x32xbf16, #tpu.memory_space<hbm>>
    tpu.enqueue_indirect_dma source(%dma_start3A_331 : memref<1000000x32xbf16, #tpu.memory_space<hbm>>) target(%dma_start3A_326 : memref<128x32xbf16, #tpu.memory_space<vmem>>) offsets(%dma_start3A_328 : memref<128xi32, #tpu.memory_space<vmem>>) semaphore(%arg34 : memref<!tpu.dma_semaphore, #tpu.memory_space<semaphore_mem>>)
    %dma_start3A_332 = arith.constant 0 : i32
    %dma_start3A_333 = arith.constant 0 : i32
    %dma_start3A_334 = tpu.memref_slice %arg21[%dma_start3A_332, %dma_start3A_333] : memref<512x32xbf16, #tpu.memory_space<vmem>> -> memref<128x32xbf16, #tpu.memory_space<vmem>>
    %dma_start3A_335 = arith.constant 0 : i32
    %dma_start3A_336 = tpu.memref_slice %arg13[%dma_start3A_335] : memref<512xi32, #tpu.memory_space<vmem>> -> memref<128xi32, #tpu.memory_space<vmem>>
    %dma_start3A_337 = arith.constant 0 : i32
    %dma_start3A_338 = arith.constant 0 : i32
    %dma_start3A_339 = tpu.memref_slice %arg2[%dma_start3A_337, %dma_start3A_338] : memref<1000000x32xbf16, #tpu.memory_space<hbm>> -> memref<1000000x32xbf16, #tpu.memory_space<hbm>>
    tpu.enqueue_indirect_dma source(%dma_start3A_339 : memref<1000000x32xbf16, #tpu.memory_space<hbm>>) target(%dma_start3A_334 : memref<128x32xbf16, #tpu.memory_space<vmem>>) offsets(%dma_start3A_336 : memref<128xi32, #tpu.memory_space<vmem>>) semaphore(%arg34 : memref<!tpu.dma_semaphore, #tpu.memory_space<semaphore_mem>>)
    %dma_start3A_340 = arith.constant 128 : i32
    %dma_start3A_341 = arith.constant 0 : i32
    %dma_start3A_342 = tpu.memref_slice %arg17[%dma_start3A_340, %dma_start3A_341] : memref<512x32xbf16, #tpu.memory_space<vmem>> -> memref<128x32xbf16, #tpu.memory_space<vmem>>
    %dma_start3A_343 = arith.constant 128 : i32
    %dma_start3A_344 = tpu.memref_slice %arg9[%dma_start3A_343] : memref<512xi32, #tpu.memory_space<vmem>> -> memref<128xi32, #tpu.memory_space<vmem>>
    %dma_start3A_345 = arith.constant 0 : i32
    %dma_start3A_346 = arith.constant 0 : i32
    %dma_start3A_347 = tpu.memref_slice %arg2[%dma_start3A_345, %dma_start3A_346] : memref<1000000x32xbf16, #tpu.memory_space<hbm>> -> memref<1000000x32xbf16, #tpu.memory_space<hbm>>
    tpu.enqueue_indirect_dma source(%dma_start3A_347 : memref<1000000x32xbf16, #tpu.memory_space<hbm>>) target(%dma_start3A_342 : memref<128x32xbf16, #tpu.memory_space<vmem>>) offsets(%dma_start3A_344 : memref<128xi32, #tpu.memory_space<vmem>>) semaphore(%arg34 : memref<!tpu.dma_semaphore, #tpu.memory_space<semaphore_mem>>)
    %dma_start3A_348 = arith.constant 128 : i32
    %dma_start3A_349 = arith.constant 0 : i32
    %dma_start3A_350 = tpu.memref_slice %arg21[%dma_start3A_348, %dma_start3A_349] : memref<512x32xbf16, #tpu.memory_space<vmem>> -> memref<128x32xbf16, #tpu.memory_space<vmem>>
    %dma_start3A_351 = arith.constant 128 : i32
    %dma_start3A_352 = tpu.memref_slice %arg13[%dma_start3A_351] : memref<512xi32, #tpu.memory_space<vmem>> -> memref<128xi32, #tpu.memory_space<vmem>>
    %dma_start3A_353 = arith.constant 0 : i32
    %dma_start3A_354 = arith.constant 0 : i32
    %dma_start3A_355 = tpu.memref_slice %arg2[%dma_start3A_353, %dma_start3A_354] : memref<1000000x32xbf16, #tpu.memory_space<hbm>> -> memref<1000000x32xbf16, #tpu.memory_space<hbm>>
    tpu.enqueue_indirect_dma source(%dma_start3A_355 : memref<1000000x32xbf16, #tpu.memory_space<hbm>>) target(%dma_start3A_350 : memref<128x32xbf16, #tpu.memory_space<vmem>>) offsets(%dma_start3A_352 : memref<128xi32, #tpu.memory_space<vmem>>) semaphore(%arg34 : memref<!tpu.dma_semaphore, #tpu.memory_space<semaphore_mem>>)
    %dma_start3A_356 = arith.constant 256 : i32
    %dma_start3A_357 = arith.constant 0 : i32
    %dma_start3A_358 = tpu.memref_slice %arg17[%dma_start3A_356, %dma_start3A_357] : memref<512x32xbf16, #tpu.memory_space<vmem>> -> memref<128x32xbf16, #tpu.memory_space<vmem>>
    %dma_start3A_359 = arith.constant 256 : i32
    %dma_start3A_360 = tpu.memref_slice %arg9[%dma_start3A_359] : memref<512xi32, #tpu.memory_space<vmem>> -> memref<128xi32, #tpu.memory_space<vmem>>
    %dma_start3A_361 = arith.constant 0 : i32
    %dma_start3A_362 = arith.constant 0 : i32
    %dma_start3A_363 = tpu.memref_slice %arg2[%dma_start3A_361, %dma_start3A_362] : memref<1000000x32xbf16, #tpu.memory_space<hbm>> -> memref<1000000x32xbf16, #tpu.memory_space<hbm>>
    tpu.enqueue_indirect_dma source(%dma_start3A_363 : memref<1000000x32xbf16, #tpu.memory_space<hbm>>) target(%dma_start3A_358 : memref<128x32xbf16, #tpu.memory_space<vmem>>) offsets(%dma_start3A_360 : memref<128xi32, #tpu.memory_space<vmem>>) semaphore(%arg34 : memref<!tpu.dma_semaphore, #tpu.memory_space<semaphore_mem>>)
    %dma_start3A_364 = arith.constant 256 : i32
    %dma_start3A_365 = arith.constant 0 : i32
    %dma_start3A_366 = tpu.memref_slice %arg21[%dma_start3A_364, %dma_start3A_365] : memref<512x32xbf16, #tpu.memory_space<vmem>> -> memref<128x32xbf16, #tpu.memory_space<vmem>>
    %dma_start3A_367 = arith.constant 256 : i32
    %dma_start3A_368 = tpu.memref_slice %arg13[%dma_start3A_367] : memref<512xi32, #tpu.memory_space<vmem>> -> memref<128xi32, #tpu.memory_space<vmem>>
    %dma_start3A_369 = arith.constant 0 : i32
    %dma_start3A_370 = arith.constant 0 : i32
    %dma_start3A_371 = tpu.memref_slice %arg2[%dma_start3A_369, %dma_start3A_370] : memref<1000000x32xbf16, #tpu.memory_space<hbm>> -> memref<1000000x32xbf16, #tpu.memory_space<hbm>>
    tpu.enqueue_indirect_dma source(%dma_start3A_371 : memref<1000000x32xbf16, #tpu.memory_space<hbm>>) target(%dma_start3A_366 : memref<128x32xbf16, #tpu.memory_space<vmem>>) offsets(%dma_start3A_368 : memref<128xi32, #tpu.memory_space<vmem>>) semaphore(%arg34 : memref<!tpu.dma_semaphore, #tpu.memory_space<semaphore_mem>>)
    %dma_start3A_372 = arith.constant 384 : i32
    %dma_start3A_373 = arith.constant 0 : i32
    %dma_start3A_374 = tpu.memref_slice %arg17[%dma_start3A_372, %dma_start3A_373] : memref<512x32xbf16, #tpu.memory_space<vmem>> -> memref<128x32xbf16, #tpu.memory_space<vmem>>
    %dma_start3A_375 = arith.constant 384 : i32
    %dma_start3A_376 = tpu.memref_slice %arg9[%dma_start3A_375] : memref<512xi32, #tpu.memory_space<vmem>> -> memref<128xi32, #tpu.memory_space<vmem>>
    %dma_start3A_377 = arith.constant 0 : i32
    %dma_start3A_378 = arith.constant 0 : i32
    %dma_start3A_379 = tpu.memref_slice %arg2[%dma_start3A_377, %dma_start3A_378] : memref<1000000x32xbf16, #tpu.memory_space<hbm>> -> memref<1000000x32xbf16, #tpu.memory_space<hbm>>
    tpu.enqueue_indirect_dma source(%dma_start3A_379 : memref<1000000x32xbf16, #tpu.memory_space<hbm>>) target(%dma_start3A_374 : memref<128x32xbf16, #tpu.memory_space<vmem>>) offsets(%dma_start3A_376 : memref<128xi32, #tpu.memory_space<vmem>>) semaphore(%arg34 : memref<!tpu.dma_semaphore, #tpu.memory_space<semaphore_mem>>)
    %dma_start3A_380 = arith.constant 384 : i32
    %dma_start3A_381 = arith.constant 0 : i32
    %dma_start3A_382 = tpu.memref_slice %arg21[%dma_start3A_380, %dma_start3A_381] : memref<512x32xbf16, #tpu.memory_space<vmem>> -> memref<128x32xbf16, #tpu.memory_space<vmem>>
    %dma_start3A_383 = arith.constant 384 : i32
    %dma_start3A_384 = tpu.memref_slice %arg13[%dma_start3A_383] : memref<512xi32, #tpu.memory_space<vmem>> -> memref<128xi32, #tpu.memory_space<vmem>>
    %dma_start3A_385 = arith.constant 0 : i32
    %dma_start3A_386 = arith.constant 0 : i32
    %dma_start3A_387 = tpu.memref_slice %arg2[%dma_start3A_385, %dma_start3A_386] : memref<1000000x32xbf16, #tpu.memory_space<hbm>> -> memref<1000000x32xbf16, #tpu.memory_space<hbm>>
    tpu.enqueue_indirect_dma source(%dma_start3A_387 : memref<1000000x32xbf16, #tpu.memory_space<hbm>>) target(%dma_start3A_382 : memref<128x32xbf16, #tpu.memory_space<vmem>>) offsets(%dma_start3A_384 : memref<128xi32, #tpu.memory_space<vmem>>) semaphore(%arg34 : memref<!tpu.dma_semaphore, #tpu.memory_space<semaphore_mem>>)
    %dma_wait3A_388 = arith.constant 0 : i32
    %dma_wait3A_389 = tpu.memref_slice %arg5[%dma_wait3A_388] : memref<1048576xf32, #tpu.memory_space<hbm>> -> memref<512xf32, #tpu.memory_space<hbm>>
    %dma_wait3A_390 = arith.constant 0 : i32
    %dma_wait3A_391 = tpu.memref_slice %arg5[%dma_wait3A_390] : memref<1048576xf32, #tpu.memory_space<hbm>> -> memref<512xf32, #tpu.memory_space<hbm>>
    tpu.wait_dma2 semaphore(%arg35 : memref<!tpu.dma_semaphore, #tpu.memory_space<semaphore_mem>>) src(%arg22 : memref<512xf32, #tpu.memory_space<vmem>>) dst(%dma_wait3A_391 : memref<512xf32, #tpu.memory_space<hbm>>)
    %scan3A_392 = arith.constant 0 : i32
    %scan3A_393 = arith.constant 0 : i32
    %scan3A_394 = arith.constant 64 : i32
    %scan3A_395 = arith.addi %scan3A_393, %scan3A_394 : i32
    %scan3A_396 = arith.constant 1 : i32
    scf.for %scan3A_676 = %scan3A_393 to %scan3A_395 step %scan3A_396  : i32 {
      %mul3A_677 = arith.constant 8 : i32
      %mul3A_678 = arith.muli %scan3A_676, %mul3A_677 : i32
      %add3A_679 = arith.constant 0 : i32
      %add3A_680 = arith.addi %mul3A_678, %add3A_679 : i32
      %get3A = arith.index_cast %add3A_680 : i32 to index
      %get3A_681 = arith.constant 0 : index
      %get3A_682 = tpu.vector_load %arg14[%get3A, %get3A_681] {strides = array<i32>} : memref<512x32xbf16, #tpu.memory_space<vmem>>, vector<32xbf16>,
      %add3A_683 = arith.constant 0 : i32
      %add3A_684 = arith.addi %mul3A_678, %add3A_683 : i32
      %get3A_685 = arith.index_cast %add3A_684 : i32 to index
      %get3A_686 = arith.constant 0 : index
      %get3A_687 = tpu.vector_load %arg18[%get3A_685, %get3A_686] {strides = array<i32>} : memref<512x32xbf16, #tpu.memory_space<vmem>>, vector<32xbf16>,
      %mul3A_688 = arith.mulf %get3A_682, %get3A_687 : vector<32xbf16>
      %unpack3A = tpu.unpack_subelements %mul3A_688, 0 {pack_format = #tpu.pack_format<interleaved>} : vector<32xbf16> -> vector<16xf32>
      %unpack3A_689 = tpu.unpack_subelements %mul3A_688, 1 {pack_format = #tpu.pack_format<interleaved>} : vector<32xbf16> -> vector<16xf32>
      %add3A_690 = arith.addf %unpack3A, %unpack3A_689 : vector<16xf32>
      %cumsum3A = arith.constant true
      %cumsum3A_691 = vector.broadcast %cumsum3A : i1 to vector<16xi1>
      %cumsum3A_692 = tpu.scan <sum>, %add3A_690 masked %cumsum3A_691 : vector<16xf32>, vector<16xi1> -> vector<16xf32>
      %add3A_693 = arith.constant 0 : i32
      %add3A_694 = arith.addi %mul3A_678, %add3A_693 : i32
      %mul3A_695 = arith.constant 16 : i32
      %mul3A_696 = arith.muli %add3A_694, %mul3A_695 : i32
      %swap3A = arith.index_cast %mul3A_696 : i32 to index
      %swap3A_697 = tpu.vector_load %arg26[%swap3A] {strides = array<i32>} : memref<8192xf32, #tpu.memory_space<vmem>>, vector<16xf32>,
      tpu.vector_store %arg26[%swap3A], %cumsum3A_692 {strides = array<i32>} : memref<8192xf32, #tpu.memory_space<vmem>>, vector<16xf32>,
      %add3A_698 = arith.constant 1 : i32
      %add3A_699 = arith.addi %mul3A_678, %add3A_698 : i32
      %get3A_700 = arith.index_cast %add3A_699 : i32 to index
      %get3A_701 = arith.constant 0 : index
      %get3A_702 = tpu.vector_load %arg14[%get3A_700, %get3A_701] {strides = array<i32>} : memref<512x32xbf16, #tpu.memory_space<vmem>>, vector<32xbf16>,
      %add3A_703 = arith.constant 1 : i32
      %add3A_704 = arith.addi %mul3A_678, %add3A_703 : i32
      %get3A_705 = arith.index_cast %add3A_704 : i32 to index
      %get3A_706 = arith.constant 0 : index
      %get3A_707 = tpu.vector_load %arg18[%get3A_705, %get3A_706] {strides = array<i32>} : memref<512x32xbf16, #tpu.memory_space<vmem>>, vector<32xbf16>,
      %mul3A_708 = arith.mulf %get3A_702, %get3A_707 : vector<32xbf16>
      %unpack3A_709 = tpu.unpack_subelements %mul3A_708, 0 {pack_format = #tpu.pack_format<interleaved>} : vector<32xbf16> -> vector<16xf32>
      %unpack3A_710 = tpu.unpack_subelements %mul3A_708, 1 {pack_format = #tpu.pack_format<interleaved>} : vector<32xbf16> -> vector<16xf32>
      %add3A_711 = arith.addf %unpack3A_709, %unpack3A_710 : vector<16xf32>
      %cumsum3A_712 = arith.constant true
      %cumsum3A_713 = vector.broadcast %cumsum3A_712 : i1 to vector<16xi1>
      %cumsum3A_714 = tpu.scan <sum>, %add3A_711 masked %cumsum3A_713 : vector<16xf32>, vector<16xi1> -> vector<16xf32>
      %add3A_715 = arith.constant 1 : i32
      %add3A_716 = arith.addi %mul3A_678, %add3A_715 : i32
      %mul3A_717 = arith.constant 16 : i32
      %mul3A_718 = arith.muli %add3A_716, %mul3A_717 : i32
      %swap3A_719 = arith.index_cast %mul3A_718 : i32 to index
      %swap3A_720 = tpu.vector_load %arg26[%swap3A_719] {strides = array<i32>} : memref<8192xf32, #tpu.memory_space<vmem>>, vector<16xf32>,
      tpu.vector_store %arg26[%swap3A_719], %cumsum3A_714 {strides = array<i32>} : memref<8192xf32, #tpu.memory_space<vmem>>, vector<16xf32>,
      %add3A_721 = arith.constant 2 : i32
      %add3A_722 = arith.addi %mul3A_678, %add3A_721 : i32
      %get3A_723 = arith.index_cast %add3A_722 : i32 to index
      %get3A_724 = arith.constant 0 : index
      %get3A_725 = tpu.vector_load %arg14[%get3A_723, %get3A_724] {strides = array<i32>} : memref<512x32xbf16, #tpu.memory_space<vmem>>, vector<32xbf16>,
      %add3A_726 = arith.constant 2 : i32
      %add3A_727 = arith.addi %mul3A_678, %add3A_726 : i32
      %get3A_728 = arith.index_cast %add3A_727 : i32 to index
      %get3A_729 = arith.constant 0 : index
      %get3A_730 = tpu.vector_load %arg18[%get3A_728, %get3A_729] {strides = array<i32>} : memref<512x32xbf16, #tpu.memory_space<vmem>>, vector<32xbf16>,
      %mul3A_731 = arith.mulf %get3A_725, %get3A_730 : vector<32xbf16>
      %unpack3A_732 = tpu.unpack_subelements %mul3A_731, 0 {pack_format = #tpu.pack_format<interleaved>} : vector<32xbf16> -> vector<16xf32>
      %unpack3A_733 = tpu.unpack_subelements %mul3A_731, 1 {pack_format = #tpu.pack_format<interleaved>} : vector<32xbf16> -> vector<16xf32>
      %add3A_734 = arith.addf %unpack3A_732, %unpack3A_733 : vector<16xf32>
      %cumsum3A_735 = arith.constant true
      %cumsum3A_736 = vector.broadcast %cumsum3A_735 : i1 to vector<16xi1>
      %cumsum3A_737 = tpu.scan <sum>, %add3A_734 masked %cumsum3A_736 : vector<16xf32>, vector<16xi1> -> vector<16xf32>
      %add3A_738 = arith.constant 2 : i32
      %add3A_739 = arith.addi %mul3A_678, %add3A_738 : i32
      %mul3A_740 = arith.constant 16 : i32
      %mul3A_741 = arith.muli %add3A_739, %mul3A_740 : i32
      %swap3A_742 = arith.index_cast %mul3A_741 : i32 to index
      %swap3A_743 = tpu.vector_load %arg26[%swap3A_742] {strides = array<i32>} : memref<8192xf32, #tpu.memory_space<vmem>>, vector<16xf32>,
      tpu.vector_store %arg26[%swap3A_742], %cumsum3A_737 {strides = array<i32>} : memref<8192xf32, #tpu.memory_space<vmem>>, vector<16xf32>,
      %add3A_744 = arith.constant 3 : i32
      %add3A_745 = arith.addi %mul3A_678, %add3A_744 : i32
      %get3A_746 = arith.index_cast %add3A_745 : i32 to index
      %get3A_747 = arith.constant 0 : index
      %get3A_748 = tpu.vector_load %arg14[%get3A_746, %get3A_747] {strides = array<i32>} : memref<512x32xbf16, #tpu.memory_space<vmem>>, vector<32xbf16>,
      %add3A_749 = arith.constant 3 : i32
      %add3A_750 = arith.addi %mul3A_678, %add3A_749 : i32
      %get3A_751 = arith.index_cast %add3A_750 : i32 to index
      %get3A_752 = arith.constant 0 : index
      %get3A_753 = tpu.vector_load %arg18[%get3A_751, %get3A_752] {strides = array<i32>} : memref<512x32xbf16, #tpu.memory_space<vmem>>, vector<32xbf16>,
      %mul3A_754 = arith.mulf %get3A_748, %get3A_753 : vector<32xbf16>
      %unpack3A_755 = tpu.unpack_subelements %mul3A_754, 0 {pack_format = #tpu.pack_format<interleaved>} : vector<32xbf16> -> vector<16xf32>
      %unpack3A_756 = tpu.unpack_subelements %mul3A_754, 1 {pack_format = #tpu.pack_format<interleaved>} : vector<32xbf16> -> vector<16xf32>
      %add3A_757 = arith.addf %unpack3A_755, %unpack3A_756 : vector<16xf32>
      %cumsum3A_758 = arith.constant true
      %cumsum3A_759 = vector.broadcast %cumsum3A_758 : i1 to vector<16xi1>
      %cumsum3A_760 = tpu.scan <sum>, %add3A_757 masked %cumsum3A_759 : vector<16xf32>, vector<16xi1> -> vector<16xf32>
      %add3A_761 = arith.constant 3 : i32
      %add3A_762 = arith.addi %mul3A_678, %add3A_761 : i32
      %mul3A_763 = arith.constant 16 : i32
      %mul3A_764 = arith.muli %add3A_762, %mul3A_763 : i32
      %swap3A_765 = arith.index_cast %mul3A_764 : i32 to index
      %swap3A_766 = tpu.vector_load %arg26[%swap3A_765] {strides = array<i32>} : memref<8192xf32, #tpu.memory_space<vmem>>, vector<16xf32>,
      tpu.vector_store %arg26[%swap3A_765], %cumsum3A_760 {strides = array<i32>} : memref<8192xf32, #tpu.memory_space<vmem>>, vector<16xf32>,
      %add3A_767 = arith.constant 4 : i32
      %add3A_768 = arith.addi %mul3A_678, %add3A_767 : i32
      %get3A_769 = arith.index_cast %add3A_768 : i32 to index
      %get3A_770 = arith.constant 0 : index
      %get3A_771 = tpu.vector_load %arg14[%get3A_769, %get3A_770] {strides = array<i32>} : memref<512x32xbf16, #tpu.memory_space<vmem>>, vector<32xbf16>,
      %add3A_772 = arith.constant 4 : i32
      %add3A_773 = arith.addi %mul3A_678, %add3A_772 : i32
      %get3A_774 = arith.index_cast %add3A_773 : i32 to index
      %get3A_775 = arith.constant 0 : index
      %get3A_776 = tpu.vector_load %arg18[%get3A_774, %get3A_775] {strides = array<i32>} : memref<512x32xbf16, #tpu.memory_space<vmem>>, vector<32xbf16>,
      %mul3A_777 = arith.mulf %get3A_771, %get3A_776 : vector<32xbf16>
      %unpack3A_778 = tpu.unpack_subelements %mul3A_777, 0 {pack_format = #tpu.pack_format<interleaved>} : vector<32xbf16> -> vector<16xf32>
      %unpack3A_779 = tpu.unpack_subelements %mul3A_777, 1 {pack_format = #tpu.pack_format<interleaved>} : vector<32xbf16> -> vector<16xf32>
      %add3A_780 = arith.addf %unpack3A_778, %unpack3A_779 : vector<16xf32>
      %cumsum3A_781 = arith.constant true
      %cumsum3A_782 = vector.broadcast %cumsum3A_781 : i1 to vector<16xi1>
      %cumsum3A_783 = tpu.scan <sum>, %add3A_780 masked %cumsum3A_782 : vector<16xf32>, vector<16xi1> -> vector<16xf32>
      %add3A_784 = arith.constant 4 : i32
      %add3A_785 = arith.addi %mul3A_678, %add3A_784 : i32
      %mul3A_786 = arith.constant 16 : i32
      %mul3A_787 = arith.muli %add3A_785, %mul3A_786 : i32
      %swap3A_788 = arith.index_cast %mul3A_787 : i32 to index
      %swap3A_789 = tpu.vector_load %arg26[%swap3A_788] {strides = array<i32>} : memref<8192xf32, #tpu.memory_space<vmem>>, vector<16xf32>,
      tpu.vector_store %arg26[%swap3A_788], %cumsum3A_783 {strides = array<i32>} : memref<8192xf32, #tpu.memory_space<vmem>>, vector<16xf32>,
      %add3A_790 = arith.constant 5 : i32
      %add3A_791 = arith.addi %mul3A_678, %add3A_790 : i32
      %get3A_792 = arith.index_cast %add3A_791 : i32 to index
      %get3A_793 = arith.constant 0 : index
      %get3A_794 = tpu.vector_load %arg14[%get3A_792, %get3A_793] {strides = array<i32>} : memref<512x32xbf16, #tpu.memory_space<vmem>>, vector<32xbf16>,
      %add3A_795 = arith.constant 5 : i32
      %add3A_796 = arith.addi %mul3A_678, %add3A_795 : i32
      %get3A_797 = arith.index_cast %add3A_796 : i32 to index
      %get3A_798 = arith.constant 0 : index
      %get3A_799 = tpu.vector_load %arg18[%get3A_797, %get3A_798] {strides = array<i32>} : memref<512x32xbf16, #tpu.memory_space<vmem>>, vector<32xbf16>,
      %mul3A_800 = arith.mulf %get3A_794, %get3A_799 : vector<32xbf16>
      %unpack3A_801 = tpu.unpack_subelements %mul3A_800, 0 {pack_format = #tpu.pack_format<interleaved>} : vector<32xbf16> -> vector<16xf32>
      %unpack3A_802 = tpu.unpack_subelements %mul3A_800, 1 {pack_format = #tpu.pack_format<interleaved>} : vector<32xbf16> -> vector<16xf32>
      %add3A_803 = arith.addf %unpack3A_801, %unpack3A_802 : vector<16xf32>
      %cumsum3A_804 = arith.constant true
      %cumsum3A_805 = vector.broadcast %cumsum3A_804 : i1 to vector<16xi1>
      %cumsum3A_806 = tpu.scan <sum>, %add3A_803 masked %cumsum3A_805 : vector<16xf32>, vector<16xi1> -> vector<16xf32>
      %add3A_807 = arith.constant 5 : i32
      %add3A_808 = arith.addi %mul3A_678, %add3A_807 : i32
      %mul3A_809 = arith.constant 16 : i32
      %mul3A_810 = arith.muli %add3A_808, %mul3A_809 : i32
      %swap3A_811 = arith.index_cast %mul3A_810 : i32 to index
      %swap3A_812 = tpu.vector_load %arg26[%swap3A_811] {strides = array<i32>} : memref<8192xf32, #tpu.memory_space<vmem>>, vector<16xf32>,
      tpu.vector_store %arg26[%swap3A_811], %cumsum3A_806 {strides = array<i32>} : memref<8192xf32, #tpu.memory_space<vmem>>, vector<16xf32>,
      %add3A_813 = arith.constant 6 : i32
      %add3A_814 = arith.addi %mul3A_678, %add3A_813 : i32
      %get3A_815 = arith.index_cast %add3A_814 : i32 to index
      %get3A_816 = arith.constant 0 : index
      %get3A_817 = tpu.vector_load %arg14[%get3A_815, %get3A_816] {strides = array<i32>} : memref<512x32xbf16, #tpu.memory_space<vmem>>, vector<32xbf16>,
      %add3A_818 = arith.constant 6 : i32
      %add3A_819 = arith.addi %mul3A_678, %add3A_818 : i32
      %get3A_820 = arith.index_cast %add3A_819 : i32 to index
      %get3A_821 = arith.constant 0 : index
      %get3A_822 = tpu.vector_load %arg18[%get3A_820, %get3A_821] {strides = array<i32>} : memref<512x32xbf16, #tpu.memory_space<vmem>>, vector<32xbf16>,
      %mul3A_823 = arith.mulf %get3A_817, %get3A_822 : vector<32xbf16>
      %unpack3A_824 = tpu.unpack_subelements %mul3A_823, 0 {pack_format = #tpu.pack_format<interleaved>} : vector<32xbf16> -> vector<16xf32>
      %unpack3A_825 = tpu.unpack_subelements %mul3A_823, 1 {pack_format = #tpu.pack_format<interleaved>} : vector<32xbf16> -> vector<16xf32>
      %add3A_826 = arith.addf %unpack3A_824, %unpack3A_825 : vector<16xf32>
      %cumsum3A_827 = arith.constant true
      %cumsum3A_828 = vector.broadcast %cumsum3A_827 : i1 to vector<16xi1>
      %cumsum3A_829 = tpu.scan <sum>, %add3A_826 masked %cumsum3A_828 : vector<16xf32>, vector<16xi1> -> vector<16xf32>
      %add3A_830 = arith.constant 6 : i32
      %add3A_831 = arith.addi %mul3A_678, %add3A_830 : i32
      %mul3A_832 = arith.constant 16 : i32
      %mul3A_833 = arith.muli %add3A_831, %mul3A_832 : i32
      %swap3A_834 = arith.index_cast %mul3A_833 : i32 to index
      %swap3A_835 = tpu.vector_load %arg26[%swap3A_834] {strides = array<i32>} : memref<8192xf32, #tpu.memory_space<vmem>>, vector<16xf32>,
      tpu.vector_store %arg26[%swap3A_834], %cumsum3A_829 {strides = array<i32>} : memref<8192xf32, #tpu.memory_space<vmem>>, vector<16xf32>,
      %add3A_836 = arith.constant 7 : i32
      %add3A_837 = arith.addi %mul3A_678, %add3A_836 : i32
      %get3A_838 = arith.index_cast %add3A_837 : i32 to index
      %get3A_839 = arith.constant 0 : index
      %get3A_840 = tpu.vector_load %arg14[%get3A_838, %get3A_839] {strides = array<i32>} : memref<512x32xbf16, #tpu.memory_space<vmem>>, vector<32xbf16>,
      %add3A_841 = arith.constant 7 : i32
      %add3A_842 = arith.addi %mul3A_678, %add3A_841 : i32
      %get3A_843 = arith.index_cast %add3A_842 : i32 to index
      %get3A_844 = arith.constant 0 : index
      %get3A_845 = tpu.vector_load %arg18[%get3A_843, %get3A_844] {strides = array<i32>} : memref<512x32xbf16, #tpu.memory_space<vmem>>, vector<32xbf16>,
      %mul3A_846 = arith.mulf %get3A_840, %get3A_845 : vector<32xbf16>
      %unpack3A_847 = tpu.unpack_subelements %mul3A_846, 0 {pack_format = #tpu.pack_format<interleaved>} : vector<32xbf16> -> vector<16xf32>
      %unpack3A_848 = tpu.unpack_subelements %mul3A_846, 1 {pack_format = #tpu.pack_format<interleaved>} : vector<32xbf16> -> vector<16xf32>
      %add3A_849 = arith.addf %unpack3A_847, %unpack3A_848 : vector<16xf32>
      %cumsum3A_850 = arith.constant true
      %cumsum3A_851 = vector.broadcast %cumsum3A_850 : i1 to vector<16xi1>
      %cumsum3A_852 = tpu.scan <sum>, %add3A_849 masked %cumsum3A_851 : vector<16xf32>, vector<16xi1> -> vector<16xf32>
      %add3A_853 = arith.constant 7 : i32
      %add3A_854 = arith.addi %mul3A_678, %add3A_853 : i32
      %mul3A_855 = arith.constant 16 : i32
      %mul3A_856 = arith.muli %add3A_854, %mul3A_855 : i32
      %swap3A_857 = arith.index_cast %mul3A_856 : i32 to index
      %swap3A_858 = tpu.vector_load %arg26[%swap3A_857] {strides = array<i32>} : memref<8192xf32, #tpu.memory_space<vmem>>, vector<16xf32>,
      tpu.vector_store %arg26[%swap3A_857], %cumsum3A_852 {strides = array<i32>} : memref<8192xf32, #tpu.memory_space<vmem>>, vector<16xf32>,
    }
    %scan3A_397 = arith.constant 64 : i32
    %scan3A_398 = arith.constant 0 : i32
    %scan3A_399 = arith.constant 0 : i32
    %scan3A_400 = arith.constant 32 : i32
    %scan3A_401 = arith.addi %scan3A_399, %scan3A_400 : i32
    %scan3A_402 = arith.constant 1 : i32
    scf.for %scan3A_676 = %scan3A_399 to %scan3A_401 step %scan3A_402  : i32 {
      %mul3A_677 = arith.constant 256 : i32
      %mul3A_678 = arith.muli %scan3A_676, %mul3A_677 : i32
      %add3A_679 = vector.broadcast %mul3A_678 : i32 to vector<16xi32>
      %add3A_680 = arith.addi %add3A_679, %add3A_8 : vector<16xi32>
      %gather3A = tpu.vector_load_idx %arg26[%add3A_680] : memref<8192xf32, #tpu.memory_space<vmem>>[vector<16xi32>], vector<16xf32>,
      %mul3A_681 = arith.constant 16 : i32
      %mul3A_682 = arith.muli %scan3A_676, %mul3A_681 : i32
      %swap3A = arith.index_cast %mul3A_682 : i32 to index
      %swap3A_683 = tpu.vector_load %arg22[%swap3A] {strides = array<i32>} : memref<512xf32, #tpu.memory_space<vmem>>, vector<16xf32>,
      tpu.vector_store %arg22[%swap3A], %gather3A {strides = array<i32>} : memref<512xf32, #tpu.memory_space<vmem>>, vector<16xf32>,
    }
    %scan3A_403 = arith.constant 32 : i32
    %add3A_404 = arith.constant 30720 : i32
    %add3A_405 = arith.addi %mul3A_2, %add3A_404 : i32
    %dma_start3A_406 = tpu.memref_slice %arg5[%add3A_405] : memref<1048576xf32, #tpu.memory_space<hbm>> -> memref<512xf32, #tpu.memory_space<hbm>>
    %dma_start3A_407 = tpu.memref_slice %arg5[%add3A_405] : memref<1048576xf32, #tpu.memory_space<hbm>> -> memref<512xf32, #tpu.memory_space<hbm>>
    tpu.enqueue_dma source(%arg22 : memref<512xf32, #tpu.memory_space<vmem>>) target(%dma_start3A_407 : memref<512xf32, #tpu.memory_space<hbm>>) target_semaphore(%arg35 : memref<!tpu.dma_semaphore, #tpu.memory_space<semaphore_mem>>)
    %dma_wait3A_408 = arith.constant 0 : i32
    %dma_wait3A_409 = arith.constant 0 : i32
    %dma_wait3A_410 = tpu.memref_slice %arg15[%dma_wait3A_408, %dma_wait3A_409] : memref<512x32xbf16, #tpu.memory_space<vmem>> -> memref<128x32xbf16, #tpu.memory_space<vmem>>
    %dma_wait3A_411 = arith.constant 0 : i32
    %dma_wait3A_412 = tpu.memref_slice %arg7[%dma_wait3A_411] : memref<512xi32, #tpu.memory_space<vmem>> -> memref<128xi32, #tpu.memory_space<vmem>>
    %dma_wait3A_413 = arith.constant 0 : i32
    %dma_wait3A_414 = arith.constant 0 : i32
    %dma_wait3A_415 = tpu.memref_slice %arg2[%dma_wait3A_413, %dma_wait3A_414] : memref<1000000x32xbf16, #tpu.memory_space<hbm>> -> memref<1000000x32xbf16, #tpu.memory_space<hbm>>
    tpu.wait_indirect_dma semaphore(%arg32 : memref<!tpu.dma_semaphore, #tpu.memory_space<semaphore_mem>>) src(%dma_wait3A_415 : memref<1000000x32xbf16, #tpu.memory_space<hbm>>) dst(%dma_wait3A_410 : memref<128x32xbf16, #tpu.memory_space<vmem>>)
    %dma_wait3A_416 = arith.constant 0 : i32
    %dma_wait3A_417 = arith.constant 0 : i32
    %dma_wait3A_418 = tpu.memref_slice %arg19[%dma_wait3A_416, %dma_wait3A_417] : memref<512x32xbf16, #tpu.memory_space<vmem>> -> memref<128x32xbf16, #tpu.memory_space<vmem>>
    %dma_wait3A_419 = arith.constant 0 : i32
    %dma_wait3A_420 = tpu.memref_slice %arg11[%dma_wait3A_419] : memref<512xi32, #tpu.memory_space<vmem>> -> memref<128xi32, #tpu.memory_space<vmem>>
    %dma_wait3A_421 = arith.constant 0 : i32
    %dma_wait3A_422 = arith.constant 0 : i32
    %dma_wait3A_423 = tpu.memref_slice %arg2[%dma_wait3A_421, %dma_wait3A_422] : memref<1000000x32xbf16, #tpu.memory_space<hbm>> -> memref<1000000x32xbf16, #tpu.memory_space<hbm>>
    tpu.wait_indirect_dma semaphore(%arg32 : memref<!tpu.dma_semaphore, #tpu.memory_space<semaphore_mem>>) src(%dma_wait3A_423 : memref<1000000x32xbf16, #tpu.memory_space<hbm>>) dst(%dma_wait3A_418 : memref<128x32xbf16, #tpu.memory_space<vmem>>)
    %dma_wait3A_424 = arith.constant 128 : i32
    %dma_wait3A_425 = arith.constant 0 : i32
    %dma_wait3A_426 = tpu.memref_slice %arg15[%dma_wait3A_424, %dma_wait3A_425] : memref<512x32xbf16, #tpu.memory_space<vmem>> -> memref<128x32xbf16, #tpu.memory_space<vmem>>
    %dma_wait3A_427 = arith.constant 128 : i32
    %dma_wait3A_428 = tpu.memref_slice %arg7[%dma_wait3A_427] : memref<512xi32, #tpu.memory_space<vmem>> -> memref<128xi32, #tpu.memory_space<vmem>>
    %dma_wait3A_429 = arith.constant 0 : i32
    %dma_wait3A_430 = arith.constant 0 : i32
    %dma_wait3A_431 = tpu.memref_slice %arg2[%dma_wait3A_429, %dma_wait3A_430] : memref<1000000x32xbf16, #tpu.memory_space<hbm>> -> memref<1000000x32xbf16, #tpu.memory_space<hbm>>
    tpu.wait_indirect_dma semaphore(%arg32 : memref<!tpu.dma_semaphore, #tpu.memory_space<semaphore_mem>>) src(%dma_wait3A_431 : memref<1000000x32xbf16, #tpu.memory_space<hbm>>) dst(%dma_wait3A_426 : memref<128x32xbf16, #tpu.memory_space<vmem>>)
    %dma_wait3A_432 = arith.constant 128 : i32
    %dma_wait3A_433 = arith.constant 0 : i32
    %dma_wait3A_434 = tpu.memref_slice %arg19[%dma_wait3A_432, %dma_wait3A_433] : memref<512x32xbf16, #tpu.memory_space<vmem>> -> memref<128x32xbf16, #tpu.memory_space<vmem>>
    %dma_wait3A_435 = arith.constant 128 : i32
    %dma_wait3A_436 = tpu.memref_slice %arg11[%dma_wait3A_435] : memref<512xi32, #tpu.memory_space<vmem>> -> memref<128xi32, #tpu.memory_space<vmem>>
    %dma_wait3A_437 = arith.constant 0 : i32
    %dma_wait3A_438 = arith.constant 0 : i32
    %dma_wait3A_439 = tpu.memref_slice %arg2[%dma_wait3A_437, %dma_wait3A_438] : memref<1000000x32xbf16, #tpu.memory_space<hbm>> -> memref<1000000x32xbf16, #tpu.memory_space<hbm>>
    tpu.wait_indirect_dma semaphore(%arg32 : memref<!tpu.dma_semaphore, #tpu.memory_space<semaphore_mem>>) src(%dma_wait3A_439 : memref<1000000x32xbf16, #tpu.memory_space<hbm>>) dst(%dma_wait3A_434 : memref<128x32xbf16, #tpu.memory_space<vmem>>)
    %dma_wait3A_440 = arith.constant 256 : i32
    %dma_wait3A_441 = arith.constant 0 : i32
    %dma_wait3A_442 = tpu.memref_slice %arg15[%dma_wait3A_440, %dma_wait3A_441] : memref<512x32xbf16, #tpu.memory_space<vmem>> -> memref<128x32xbf16, #tpu.memory_space<vmem>>
    %dma_wait3A_443 = arith.constant 256 : i32
    %dma_wait3A_444 = tpu.memref_slice %arg7[%dma_wait3A_443] : memref<512xi32, #tpu.memory_space<vmem>> -> memref<128xi32, #tpu.memory_space<vmem>>
    %dma_wait3A_445 = arith.constant 0 : i32
    %dma_wait3A_446 = arith.constant 0 : i32
    %dma_wait3A_447 = tpu.memref_slice %arg2[%dma_wait3A_445, %dma_wait3A_446] : memref<1000000x32xbf16, #tpu.memory_space<hbm>> -> memref<1000000x32xbf16, #tpu.memory_space<hbm>>
    tpu.wait_indirect_dma semaphore(%arg32 : memref<!tpu.dma_semaphore, #tpu.memory_space<semaphore_mem>>) src(%dma_wait3A_447 : memref<1000000x32xbf16, #tpu.memory_space<hbm>>) dst(%dma_wait3A_442 : memref<128x32xbf16, #tpu.memory_space<vmem>>)
    %dma_wait3A_448 = arith.constant 256 : i32
    %dma_wait3A_449 = arith.constant 0 : i32
    %dma_wait3A_450 = tpu.memref_slice %arg19[%dma_wait3A_448, %dma_wait3A_449] : memref<512x32xbf16, #tpu.memory_space<vmem>> -> memref<128x32xbf16, #tpu.memory_space<vmem>>
    %dma_wait3A_451 = arith.constant 256 : i32
    %dma_wait3A_452 = tpu.memref_slice %arg11[%dma_wait3A_451] : memref<512xi32, #tpu.memory_space<vmem>> -> memref<128xi32, #tpu.memory_space<vmem>>
    %dma_wait3A_453 = arith.constant 0 : i32
    %dma_wait3A_454 = arith.constant 0 : i32
    %dma_wait3A_455 = tpu.memref_slice %arg2[%dma_wait3A_453, %dma_wait3A_454] : memref<1000000x32xbf16, #tpu.memory_space<hbm>> -> memref<1000000x32xbf16, #tpu.memory_space<hbm>>
    tpu.wait_indirect_dma semaphore(%arg32 : memref<!tpu.dma_semaphore, #tpu.memory_space<semaphore_mem>>) src(%dma_wait3A_455 : memref<1000000x32xbf16, #tpu.memory_space<hbm>>) dst(%dma_wait3A_450 : memref<128x32xbf16, #tpu.memory_space<vmem>>)
    %dma_wait3A_456 = arith.constant 384 : i32
    %dma_wait3A_457 = arith.constant 0 : i32
    %dma_wait3A_458 = tpu.memref_slice %arg15[%dma_wait3A_456, %dma_wait3A_457] : memref<512x32xbf16, #tpu.memory_space<vmem>> -> memref<128x32xbf16, #tpu.memory_space<vmem>>
    %dma_wait3A_459 = arith.constant 384 : i32
    %dma_wait3A_460 = tpu.memref_slice %arg7[%dma_wait3A_459] : memref<512xi32, #tpu.memory_space<vmem>> -> memref<128xi32, #tpu.memory_space<vmem>>
    %dma_wait3A_461 = arith.constant 0 : i32
    %dma_wait3A_462 = arith.constant 0 : i32
    %dma_wait3A_463 = tpu.memref_slice %arg2[%dma_wait3A_461, %dma_wait3A_462] : memref<1000000x32xbf16, #tpu.memory_space<hbm>> -> memref<1000000x32xbf16, #tpu.memory_space<hbm>>
    tpu.wait_indirect_dma semaphore(%arg32 : memref<!tpu.dma_semaphore, #tpu.memory_space<semaphore_mem>>) src(%dma_wait3A_463 : memref<1000000x32xbf16, #tpu.memory_space<hbm>>) dst(%dma_wait3A_458 : memref<128x32xbf16, #tpu.memory_space<vmem>>)
    %dma_wait3A_464 = arith.constant 384 : i32
    %dma_wait3A_465 = arith.constant 0 : i32
    %dma_wait3A_466 = tpu.memref_slice %arg19[%dma_wait3A_464, %dma_wait3A_465] : memref<512x32xbf16, #tpu.memory_space<vmem>> -> memref<128x32xbf16, #tpu.memory_space<vmem>>
    %dma_wait3A_467 = arith.constant 384 : i32
    %dma_wait3A_468 = tpu.memref_slice %arg11[%dma_wait3A_467] : memref<512xi32, #tpu.memory_space<vmem>> -> memref<128xi32, #tpu.memory_space<vmem>>
    %dma_wait3A_469 = arith.constant 0 : i32
    %dma_wait3A_470 = arith.constant 0 : i32
    %dma_wait3A_471 = tpu.memref_slice %arg2[%dma_wait3A_469, %dma_wait3A_470] : memref<1000000x32xbf16, #tpu.memory_space<hbm>> -> memref<1000000x32xbf16, #tpu.memory_space<hbm>>
    tpu.wait_indirect_dma semaphore(%arg32 : memref<!tpu.dma_semaphore, #tpu.memory_space<semaphore_mem>>) src(%dma_wait3A_471 : memref<1000000x32xbf16, #tpu.memory_space<hbm>>) dst(%dma_wait3A_466 : memref<128x32xbf16, #tpu.memory_space<vmem>>)
    %dma_wait3A_472 = arith.constant 0 : i32
    %dma_wait3A_473 = tpu.memref_slice %arg5[%dma_wait3A_472] : memref<1048576xf32, #tpu.memory_space<hbm>> -> memref<512xf32, #tpu.memory_space<hbm>>
    %dma_wait3A_474 = arith.constant 0 : i32
    %dma_wait3A_475 = tpu.memref_slice %arg5[%dma_wait3A_474] : memref<1048576xf32, #tpu.memory_space<hbm>> -> memref<512xf32, #tpu.memory_space<hbm>>
    tpu.wait_dma2 semaphore(%arg36 : memref<!tpu.dma_semaphore, #tpu.memory_space<semaphore_mem>>) src(%arg23 : memref<512xf32, #tpu.memory_space<vmem>>) dst(%dma_wait3A_475 : memref<512xf32, #tpu.memory_space<hbm>>)
    %scan3A_476 = arith.constant 0 : i32
    %scan3A_477 = arith.constant 0 : i32
    %scan3A_478 = arith.constant 64 : i32
    %scan3A_479 = arith.addi %scan3A_477, %scan3A_478 : i32
    %scan3A_480 = arith.constant 1 : i32
    scf.for %scan3A_676 = %scan3A_477 to %scan3A_479 step %scan3A_480  : i32 {
      %mul3A_677 = arith.constant 8 : i32
      %mul3A_678 = arith.muli %scan3A_676, %mul3A_677 : i32
      %add3A_679 = arith.constant 0 : i32
      %add3A_680 = arith.addi %mul3A_678, %add3A_679 : i32
      %get3A = arith.index_cast %add3A_680 : i32 to index
      %get3A_681 = arith.constant 0 : index
      %get3A_682 = tpu.vector_load %arg15[%get3A, %get3A_681] {strides = array<i32>} : memref<512x32xbf16, #tpu.memory_space<vmem>>, vector<32xbf16>,
      %add3A_683 = arith.constant 0 : i32
      %add3A_684 = arith.addi %mul3A_678, %add3A_683 : i32
      %get3A_685 = arith.index_cast %add3A_684 : i32 to index
      %get3A_686 = arith.constant 0 : index
      %get3A_687 = tpu.vector_load %arg19[%get3A_685, %get3A_686] {strides = array<i32>} : memref<512x32xbf16, #tpu.memory_space<vmem>>, vector<32xbf16>,
      %mul3A_688 = arith.mulf %get3A_682, %get3A_687 : vector<32xbf16>
      %unpack3A = tpu.unpack_subelements %mul3A_688, 0 {pack_format = #tpu.pack_format<interleaved>} : vector<32xbf16> -> vector<16xf32>
      %unpack3A_689 = tpu.unpack_subelements %mul3A_688, 1 {pack_format = #tpu.pack_format<interleaved>} : vector<32xbf16> -> vector<16xf32>
      %add3A_690 = arith.addf %unpack3A, %unpack3A_689 : vector<16xf32>
      %cumsum3A = arith.constant true
      %cumsum3A_691 = vector.broadcast %cumsum3A : i1 to vector<16xi1>
      %cumsum3A_692 = tpu.scan <sum>, %add3A_690 masked %cumsum3A_691 : vector<16xf32>, vector<16xi1> -> vector<16xf32>
      %add3A_693 = arith.constant 0 : i32
      %add3A_694 = arith.addi %mul3A_678, %add3A_693 : i32
      %mul3A_695 = arith.constant 16 : i32
      %mul3A_696 = arith.muli %add3A_694, %mul3A_695 : i32
      %swap3A = arith.index_cast %mul3A_696 : i32 to index
      %swap3A_697 = tpu.vector_load %arg26[%swap3A] {strides = array<i32>} : memref<8192xf32, #tpu.memory_space<vmem>>, vector<16xf32>,
      tpu.vector_store %arg26[%swap3A], %cumsum3A_692 {strides = array<i32>} : memref<8192xf32, #tpu.memory_space<vmem>>, vector<16xf32>,
      %add3A_698 = arith.constant 1 : i32
      %add3A_699 = arith.addi %mul3A_678, %add3A_698 : i32
      %get3A_700 = arith.index_cast %add3A_699 : i32 to index
      %get3A_701 = arith.constant 0 : index
      %get3A_702 = tpu.vector_load %arg15[%get3A_700, %get3A_701] {strides = array<i32>} : memref<512x32xbf16, #tpu.memory_space<vmem>>, vector<32xbf16>,
      %add3A_703 = arith.constant 1 : i32
      %add3A_704 = arith.addi %mul3A_678, %add3A_703 : i32
      %get3A_705 = arith.index_cast %add3A_704 : i32 to index
      %get3A_706 = arith.constant 0 : index
      %get3A_707 = tpu.vector_load %arg19[%get3A_705, %get3A_706] {strides = array<i32>} : memref<512x32xbf16, #tpu.memory_space<vmem>>, vector<32xbf16>,
      %mul3A_708 = arith.mulf %get3A_702, %get3A_707 : vector<32xbf16>
      %unpack3A_709 = tpu.unpack_subelements %mul3A_708, 0 {pack_format = #tpu.pack_format<interleaved>} : vector<32xbf16> -> vector<16xf32>
      %unpack3A_710 = tpu.unpack_subelements %mul3A_708, 1 {pack_format = #tpu.pack_format<interleaved>} : vector<32xbf16> -> vector<16xf32>
      %add3A_711 = arith.addf %unpack3A_709, %unpack3A_710 : vector<16xf32>
      %cumsum3A_712 = arith.constant true
      %cumsum3A_713 = vector.broadcast %cumsum3A_712 : i1 to vector<16xi1>
      %cumsum3A_714 = tpu.scan <sum>, %add3A_711 masked %cumsum3A_713 : vector<16xf32>, vector<16xi1> -> vector<16xf32>
      %add3A_715 = arith.constant 1 : i32
      %add3A_716 = arith.addi %mul3A_678, %add3A_715 : i32
      %mul3A_717 = arith.constant 16 : i32
      %mul3A_718 = arith.muli %add3A_716, %mul3A_717 : i32
      %swap3A_719 = arith.index_cast %mul3A_718 : i32 to index
      %swap3A_720 = tpu.vector_load %arg26[%swap3A_719] {strides = array<i32>} : memref<8192xf32, #tpu.memory_space<vmem>>, vector<16xf32>,
      tpu.vector_store %arg26[%swap3A_719], %cumsum3A_714 {strides = array<i32>} : memref<8192xf32, #tpu.memory_space<vmem>>, vector<16xf32>,
      %add3A_721 = arith.constant 2 : i32
      %add3A_722 = arith.addi %mul3A_678, %add3A_721 : i32
      %get3A_723 = arith.index_cast %add3A_722 : i32 to index
      %get3A_724 = arith.constant 0 : index
      %get3A_725 = tpu.vector_load %arg15[%get3A_723, %get3A_724] {strides = array<i32>} : memref<512x32xbf16, #tpu.memory_space<vmem>>, vector<32xbf16>,
      %add3A_726 = arith.constant 2 : i32
      %add3A_727 = arith.addi %mul3A_678, %add3A_726 : i32
      %get3A_728 = arith.index_cast %add3A_727 : i32 to index
      %get3A_729 = arith.constant 0 : index
      %get3A_730 = tpu.vector_load %arg19[%get3A_728, %get3A_729] {strides = array<i32>} : memref<512x32xbf16, #tpu.memory_space<vmem>>, vector<32xbf16>,
      %mul3A_731 = arith.mulf %get3A_725, %get3A_730 : vector<32xbf16>
      %unpack3A_732 = tpu.unpack_subelements %mul3A_731, 0 {pack_format = #tpu.pack_format<interleaved>} : vector<32xbf16> -> vector<16xf32>
      %unpack3A_733 = tpu.unpack_subelements %mul3A_731, 1 {pack_format = #tpu.pack_format<interleaved>} : vector<32xbf16> -> vector<16xf32>
      %add3A_734 = arith.addf %unpack3A_732, %unpack3A_733 : vector<16xf32>
      %cumsum3A_735 = arith.constant true
      %cumsum3A_736 = vector.broadcast %cumsum3A_735 : i1 to vector<16xi1>
      %cumsum3A_737 = tpu.scan <sum>, %add3A_734 masked %cumsum3A_736 : vector<16xf32>, vector<16xi1> -> vector<16xf32>
      %add3A_738 = arith.constant 2 : i32
      %add3A_739 = arith.addi %mul3A_678, %add3A_738 : i32
      %mul3A_740 = arith.constant 16 : i32
      %mul3A_741 = arith.muli %add3A_739, %mul3A_740 : i32
      %swap3A_742 = arith.index_cast %mul3A_741 : i32 to index
      %swap3A_743 = tpu.vector_load %arg26[%swap3A_742] {strides = array<i32>} : memref<8192xf32, #tpu.memory_space<vmem>>, vector<16xf32>,
      tpu.vector_store %arg26[%swap3A_742], %cumsum3A_737 {strides = array<i32>} : memref<8192xf32, #tpu.memory_space<vmem>>, vector<16xf32>,
      %add3A_744 = arith.constant 3 : i32
      %add3A_745 = arith.addi %mul3A_678, %add3A_744 : i32
      %get3A_746 = arith.index_cast %add3A_745 : i32 to index
      %get3A_747 = arith.constant 0 : index
      %get3A_748 = tpu.vector_load %arg15[%get3A_746, %get3A_747] {strides = array<i32>} : memref<512x32xbf16, #tpu.memory_space<vmem>>, vector<32xbf16>,
      %add3A_749 = arith.constant 3 : i32
      %add3A_750 = arith.addi %mul3A_678, %add3A_749 : i32
      %get3A_751 = arith.index_cast %add3A_750 : i32 to index
      %get3A_752 = arith.constant 0 : index
      %get3A_753 = tpu.vector_load %arg19[%get3A_751, %get3A_752] {strides = array<i32>} : memref<512x32xbf16, #tpu.memory_space<vmem>>, vector<32xbf16>,
      %mul3A_754 = arith.mulf %get3A_748, %get3A_753 : vector<32xbf16>
      %unpack3A_755 = tpu.unpack_subelements %mul3A_754, 0 {pack_format = #tpu.pack_format<interleaved>} : vector<32xbf16> -> vector<16xf32>
      %unpack3A_756 = tpu.unpack_subelements %mul3A_754, 1 {pack_format = #tpu.pack_format<interleaved>} : vector<32xbf16> -> vector<16xf32>
      %add3A_757 = arith.addf %unpack3A_755, %unpack3A_756 : vector<16xf32>
      %cumsum3A_758 = arith.constant true
      %cumsum3A_759 = vector.broadcast %cumsum3A_758 : i1 to vector<16xi1>
      %cumsum3A_760 = tpu.scan <sum>, %add3A_757 masked %cumsum3A_759 : vector<16xf32>, vector<16xi1> -> vector<16xf32>
      %add3A_761 = arith.constant 3 : i32
      %add3A_762 = arith.addi %mul3A_678, %add3A_761 : i32
      %mul3A_763 = arith.constant 16 : i32
      %mul3A_764 = arith.muli %add3A_762, %mul3A_763 : i32
      %swap3A_765 = arith.index_cast %mul3A_764 : i32 to index
      %swap3A_766 = tpu.vector_load %arg26[%swap3A_765] {strides = array<i32>} : memref<8192xf32, #tpu.memory_space<vmem>>, vector<16xf32>,
      tpu.vector_store %arg26[%swap3A_765], %cumsum3A_760 {strides = array<i32>} : memref<8192xf32, #tpu.memory_space<vmem>>, vector<16xf32>,
      %add3A_767 = arith.constant 4 : i32
      %add3A_768 = arith.addi %mul3A_678, %add3A_767 : i32
      %get3A_769 = arith.index_cast %add3A_768 : i32 to index
      %get3A_770 = arith.constant 0 : index
      %get3A_771 = tpu.vector_load %arg15[%get3A_769, %get3A_770] {strides = array<i32>} : memref<512x32xbf16, #tpu.memory_space<vmem>>, vector<32xbf16>,
      %add3A_772 = arith.constant 4 : i32
      %add3A_773 = arith.addi %mul3A_678, %add3A_772 : i32
      %get3A_774 = arith.index_cast %add3A_773 : i32 to index
      %get3A_775 = arith.constant 0 : index
      %get3A_776 = tpu.vector_load %arg19[%get3A_774, %get3A_775] {strides = array<i32>} : memref<512x32xbf16, #tpu.memory_space<vmem>>, vector<32xbf16>,
      %mul3A_777 = arith.mulf %get3A_771, %get3A_776 : vector<32xbf16>
      %unpack3A_778 = tpu.unpack_subelements %mul3A_777, 0 {pack_format = #tpu.pack_format<interleaved>} : vector<32xbf16> -> vector<16xf32>
      %unpack3A_779 = tpu.unpack_subelements %mul3A_777, 1 {pack_format = #tpu.pack_format<interleaved>} : vector<32xbf16> -> vector<16xf32>
      %add3A_780 = arith.addf %unpack3A_778, %unpack3A_779 : vector<16xf32>
      %cumsum3A_781 = arith.constant true
      %cumsum3A_782 = vector.broadcast %cumsum3A_781 : i1 to vector<16xi1>
      %cumsum3A_783 = tpu.scan <sum>, %add3A_780 masked %cumsum3A_782 : vector<16xf32>, vector<16xi1> -> vector<16xf32>
      %add3A_784 = arith.constant 4 : i32
      %add3A_785 = arith.addi %mul3A_678, %add3A_784 : i32
      %mul3A_786 = arith.constant 16 : i32
      %mul3A_787 = arith.muli %add3A_785, %mul3A_786 : i32
      %swap3A_788 = arith.index_cast %mul3A_787 : i32 to index
      %swap3A_789 = tpu.vector_load %arg26[%swap3A_788] {strides = array<i32>} : memref<8192xf32, #tpu.memory_space<vmem>>, vector<16xf32>,
      tpu.vector_store %arg26[%swap3A_788], %cumsum3A_783 {strides = array<i32>} : memref<8192xf32, #tpu.memory_space<vmem>>, vector<16xf32>,
      %add3A_790 = arith.constant 5 : i32
      %add3A_791 = arith.addi %mul3A_678, %add3A_790 : i32
      %get3A_792 = arith.index_cast %add3A_791 : i32 to index
      %get3A_793 = arith.constant 0 : index
      %get3A_794 = tpu.vector_load %arg15[%get3A_792, %get3A_793] {strides = array<i32>} : memref<512x32xbf16, #tpu.memory_space<vmem>>, vector<32xbf16>,
      %add3A_795 = arith.constant 5 : i32
      %add3A_796 = arith.addi %mul3A_678, %add3A_795 : i32
      %get3A_797 = arith.index_cast %add3A_796 : i32 to index
      %get3A_798 = arith.constant 0 : index
      %get3A_799 = tpu.vector_load %arg19[%get3A_797, %get3A_798] {strides = array<i32>} : memref<512x32xbf16, #tpu.memory_space<vmem>>, vector<32xbf16>,
      %mul3A_800 = arith.mulf %get3A_794, %get3A_799 : vector<32xbf16>
      %unpack3A_801 = tpu.unpack_subelements %mul3A_800, 0 {pack_format = #tpu.pack_format<interleaved>} : vector<32xbf16> -> vector<16xf32>
      %unpack3A_802 = tpu.unpack_subelements %mul3A_800, 1 {pack_format = #tpu.pack_format<interleaved>} : vector<32xbf16> -> vector<16xf32>
      %add3A_803 = arith.addf %unpack3A_801, %unpack3A_802 : vector<16xf32>
      %cumsum3A_804 = arith.constant true
      %cumsum3A_805 = vector.broadcast %cumsum3A_804 : i1 to vector<16xi1>
      %cumsum3A_806 = tpu.scan <sum>, %add3A_803 masked %cumsum3A_805 : vector<16xf32>, vector<16xi1> -> vector<16xf32>
      %add3A_807 = arith.constant 5 : i32
      %add3A_808 = arith.addi %mul3A_678, %add3A_807 : i32
      %mul3A_809 = arith.constant 16 : i32
      %mul3A_810 = arith.muli %add3A_808, %mul3A_809 : i32
      %swap3A_811 = arith.index_cast %mul3A_810 : i32 to index
      %swap3A_812 = tpu.vector_load %arg26[%swap3A_811] {strides = array<i32>} : memref<8192xf32, #tpu.memory_space<vmem>>, vector<16xf32>,
      tpu.vector_store %arg26[%swap3A_811], %cumsum3A_806 {strides = array<i32>} : memref<8192xf32, #tpu.memory_space<vmem>>, vector<16xf32>,
      %add3A_813 = arith.constant 6 : i32
      %add3A_814 = arith.addi %mul3A_678, %add3A_813 : i32
      %get3A_815 = arith.index_cast %add3A_814 : i32 to index
      %get3A_816 = arith.constant 0 : index
      %get3A_817 = tpu.vector_load %arg15[%get3A_815, %get3A_816] {strides = array<i32>} : memref<512x32xbf16, #tpu.memory_space<vmem>>, vector<32xbf16>,
      %add3A_818 = arith.constant 6 : i32
      %add3A_819 = arith.addi %mul3A_678, %add3A_818 : i32
      %get3A_820 = arith.index_cast %add3A_819 : i32 to index
      %get3A_821 = arith.constant 0 : index
      %get3A_822 = tpu.vector_load %arg19[%get3A_820, %get3A_821] {strides = array<i32>} : memref<512x32xbf16, #tpu.memory_space<vmem>>, vector<32xbf16>,
      %mul3A_823 = arith.mulf %get3A_817, %get3A_822 : vector<32xbf16>
      %unpack3A_824 = tpu.unpack_subelements %mul3A_823, 0 {pack_format = #tpu.pack_format<interleaved>} : vector<32xbf16> -> vector<16xf32>
      %unpack3A_825 = tpu.unpack_subelements %mul3A_823, 1 {pack_format = #tpu.pack_format<interleaved>} : vector<32xbf16> -> vector<16xf32>
      %add3A_826 = arith.addf %unpack3A_824, %unpack3A_825 : vector<16xf32>
      %cumsum3A_827 = arith.constant true
      %cumsum3A_828 = vector.broadcast %cumsum3A_827 : i1 to vector<16xi1>
      %cumsum3A_829 = tpu.scan <sum>, %add3A_826 masked %cumsum3A_828 : vector<16xf32>, vector<16xi1> -> vector<16xf32>
      %add3A_830 = arith.constant 6 : i32
      %add3A_831 = arith.addi %mul3A_678, %add3A_830 : i32
      %mul3A_832 = arith.constant 16 : i32
      %mul3A_833 = arith.muli %add3A_831, %mul3A_832 : i32
      %swap3A_834 = arith.index_cast %mul3A_833 : i32 to index
      %swap3A_835 = tpu.vector_load %arg26[%swap3A_834] {strides = array<i32>} : memref<8192xf32, #tpu.memory_space<vmem>>, vector<16xf32>,
      tpu.vector_store %arg26[%swap3A_834], %cumsum3A_829 {strides = array<i32>} : memref<8192xf32, #tpu.memory_space<vmem>>, vector<16xf32>,
      %add3A_836 = arith.constant 7 : i32
      %add3A_837 = arith.addi %mul3A_678, %add3A_836 : i32
      %get3A_838 = arith.index_cast %add3A_837 : i32 to index
      %get3A_839 = arith.constant 0 : index
      %get3A_840 = tpu.vector_load %arg15[%get3A_838, %get3A_839] {strides = array<i32>} : memref<512x32xbf16, #tpu.memory_space<vmem>>, vector<32xbf16>,
      %add3A_841 = arith.constant 7 : i32
      %add3A_842 = arith.addi %mul3A_678, %add3A_841 : i32
      %get3A_843 = arith.index_cast %add3A_842 : i32 to index
      %get3A_844 = arith.constant 0 : index
      %get3A_845 = tpu.vector_load %arg19[%get3A_843, %get3A_844] {strides = array<i32>} : memref<512x32xbf16, #tpu.memory_space<vmem>>, vector<32xbf16>,
      %mul3A_846 = arith.mulf %get3A_840, %get3A_845 : vector<32xbf16>
      %unpack3A_847 = tpu.unpack_subelements %mul3A_846, 0 {pack_format = #tpu.pack_format<interleaved>} : vector<32xbf16> -> vector<16xf32>
      %unpack3A_848 = tpu.unpack_subelements %mul3A_846, 1 {pack_format = #tpu.pack_format<interleaved>} : vector<32xbf16> -> vector<16xf32>
      %add3A_849 = arith.addf %unpack3A_847, %unpack3A_848 : vector<16xf32>
      %cumsum3A_850 = arith.constant true
      %cumsum3A_851 = vector.broadcast %cumsum3A_850 : i1 to vector<16xi1>
      %cumsum3A_852 = tpu.scan <sum>, %add3A_849 masked %cumsum3A_851 : vector<16xf32>, vector<16xi1> -> vector<16xf32>
      %add3A_853 = arith.constant 7 : i32
      %add3A_854 = arith.addi %mul3A_678, %add3A_853 : i32
      %mul3A_855 = arith.constant 16 : i32
      %mul3A_856 = arith.muli %add3A_854, %mul3A_855 : i32
      %swap3A_857 = arith.index_cast %mul3A_856 : i32 to index
      %swap3A_858 = tpu.vector_load %arg26[%swap3A_857] {strides = array<i32>} : memref<8192xf32, #tpu.memory_space<vmem>>, vector<16xf32>,
      tpu.vector_store %arg26[%swap3A_857], %cumsum3A_852 {strides = array<i32>} : memref<8192xf32, #tpu.memory_space<vmem>>, vector<16xf32>,
    }
    %scan3A_481 = arith.constant 64 : i32
    %scan3A_482 = arith.constant 0 : i32
    %scan3A_483 = arith.constant 0 : i32
    %scan3A_484 = arith.constant 32 : i32
    %scan3A_485 = arith.addi %scan3A_483, %scan3A_484 : i32
    %scan3A_486 = arith.constant 1 : i32
    scf.for %scan3A_676 = %scan3A_483 to %scan3A_485 step %scan3A_486  : i32 {
      %mul3A_677 = arith.constant 256 : i32
      %mul3A_678 = arith.muli %scan3A_676, %mul3A_677 : i32
      %add3A_679 = vector.broadcast %mul3A_678 : i32 to vector<16xi32>
      %add3A_680 = arith.addi %add3A_679, %add3A_8 : vector<16xi32>
      %gather3A = tpu.vector_load_idx %arg26[%add3A_680] : memref<8192xf32, #tpu.memory_space<vmem>>[vector<16xi32>], vector<16xf32>,
      %mul3A_681 = arith.constant 16 : i32
      %mul3A_682 = arith.muli %scan3A_676, %mul3A_681 : i32
      %swap3A = arith.index_cast %mul3A_682 : i32 to index
      %swap3A_683 = tpu.vector_load %arg23[%swap3A] {strides = array<i32>} : memref<512xf32, #tpu.memory_space<vmem>>, vector<16xf32>,
      tpu.vector_store %arg23[%swap3A], %gather3A {strides = array<i32>} : memref<512xf32, #tpu.memory_space<vmem>>, vector<16xf32>,
    }
    %scan3A_487 = arith.constant 32 : i32
    %add3A_488 = arith.constant 31232 : i32
    %add3A_489 = arith.addi %mul3A_2, %add3A_488 : i32
    %dma_start3A_490 = tpu.memref_slice %arg5[%add3A_489] : memref<1048576xf32, #tpu.memory_space<hbm>> -> memref<512xf32, #tpu.memory_space<hbm>>
    %dma_start3A_491 = tpu.memref_slice %arg5[%add3A_489] : memref<1048576xf32, #tpu.memory_space<hbm>> -> memref<512xf32, #tpu.memory_space<hbm>>
    tpu.enqueue_dma source(%arg23 : memref<512xf32, #tpu.memory_space<vmem>>) target(%dma_start3A_491 : memref<512xf32, #tpu.memory_space<hbm>>) target_semaphore(%arg36 : memref<!tpu.dma_semaphore, #tpu.memory_space<semaphore_mem>>)
    %dma_wait3A_492 = arith.constant 0 : i32
    %dma_wait3A_493 = arith.constant 0 : i32
    %dma_wait3A_494 = tpu.memref_slice %arg16[%dma_wait3A_492, %dma_wait3A_493] : memref<512x32xbf16, #tpu.memory_space<vmem>> -> memref<128x32xbf16, #tpu.memory_space<vmem>>
    %dma_wait3A_495 = arith.constant 0 : i32
    %dma_wait3A_496 = tpu.memref_slice %arg8[%dma_wait3A_495] : memref<512xi32, #tpu.memory_space<vmem>> -> memref<128xi32, #tpu.memory_space<vmem>>
    %dma_wait3A_497 = arith.constant 0 : i32
    %dma_wait3A_498 = arith.constant 0 : i32
    %dma_wait3A_499 = tpu.memref_slice %arg2[%dma_wait3A_497, %dma_wait3A_498] : memref<1000000x32xbf16, #tpu.memory_space<hbm>> -> memref<1000000x32xbf16, #tpu.memory_space<hbm>>
    tpu.wait_indirect_dma semaphore(%arg33 : memref<!tpu.dma_semaphore, #tpu.memory_space<semaphore_mem>>) src(%dma_wait3A_499 : memref<1000000x32xbf16, #tpu.memory_space<hbm>>) dst(%dma_wait3A_494 : memref<128x32xbf16, #tpu.memory_space<vmem>>)
    %dma_wait3A_500 = arith.constant 0 : i32
    %dma_wait3A_501 = arith.constant 0 : i32
    %dma_wait3A_502 = tpu.memref_slice %arg20[%dma_wait3A_500, %dma_wait3A_501] : memref<512x32xbf16, #tpu.memory_space<vmem>> -> memref<128x32xbf16, #tpu.memory_space<vmem>>
    %dma_wait3A_503 = arith.constant 0 : i32
    %dma_wait3A_504 = tpu.memref_slice %arg12[%dma_wait3A_503] : memref<512xi32, #tpu.memory_space<vmem>> -> memref<128xi32, #tpu.memory_space<vmem>>
    %dma_wait3A_505 = arith.constant 0 : i32
    %dma_wait3A_506 = arith.constant 0 : i32
    %dma_wait3A_507 = tpu.memref_slice %arg2[%dma_wait3A_505, %dma_wait3A_506] : memref<1000000x32xbf16, #tpu.memory_space<hbm>> -> memref<1000000x32xbf16, #tpu.memory_space<hbm>>
    tpu.wait_indirect_dma semaphore(%arg33 : memref<!tpu.dma_semaphore, #tpu.memory_space<semaphore_mem>>) src(%dma_wait3A_507 : memref<1000000x32xbf16, #tpu.memory_space<hbm>>) dst(%dma_wait3A_502 : memref<128x32xbf16, #tpu.memory_space<vmem>>)
    %dma_wait3A_508 = arith.constant 128 : i32
    %dma_wait3A_509 = arith.constant 0 : i32
    %dma_wait3A_510 = tpu.memref_slice %arg16[%dma_wait3A_508, %dma_wait3A_509] : memref<512x32xbf16, #tpu.memory_space<vmem>> -> memref<128x32xbf16, #tpu.memory_space<vmem>>
    %dma_wait3A_511 = arith.constant 128 : i32
    %dma_wait3A_512 = tpu.memref_slice %arg8[%dma_wait3A_511] : memref<512xi32, #tpu.memory_space<vmem>> -> memref<128xi32, #tpu.memory_space<vmem>>
    %dma_wait3A_513 = arith.constant 0 : i32
    %dma_wait3A_514 = arith.constant 0 : i32
    %dma_wait3A_515 = tpu.memref_slice %arg2[%dma_wait3A_513, %dma_wait3A_514] : memref<1000000x32xbf16, #tpu.memory_space<hbm>> -> memref<1000000x32xbf16, #tpu.memory_space<hbm>>
    tpu.wait_indirect_dma semaphore(%arg33 : memref<!tpu.dma_semaphore, #tpu.memory_space<semaphore_mem>>) src(%dma_wait3A_515 : memref<1000000x32xbf16, #tpu.memory_space<hbm>>) dst(%dma_wait3A_510 : memref<128x32xbf16, #tpu.memory_space<vmem>>)
    %dma_wait3A_516 = arith.constant 128 : i32
    %dma_wait3A_517 = arith.constant 0 : i32
    %dma_wait3A_518 = tpu.memref_slice %arg20[%dma_wait3A_516, %dma_wait3A_517] : memref<512x32xbf16, #tpu.memory_space<vmem>> -> memref<128x32xbf16, #tpu.memory_space<vmem>>
    %dma_wait3A_519 = arith.constant 128 : i32
    %dma_wait3A_520 = tpu.memref_slice %arg12[%dma_wait3A_519] : memref<512xi32, #tpu.memory_space<vmem>> -> memref<128xi32, #tpu.memory_space<vmem>>
    %dma_wait3A_521 = arith.constant 0 : i32
    %dma_wait3A_522 = arith.constant 0 : i32
    %dma_wait3A_523 = tpu.memref_slice %arg2[%dma_wait3A_521, %dma_wait3A_522] : memref<1000000x32xbf16, #tpu.memory_space<hbm>> -> memref<1000000x32xbf16, #tpu.memory_space<hbm>>
    tpu.wait_indirect_dma semaphore(%arg33 : memref<!tpu.dma_semaphore, #tpu.memory_space<semaphore_mem>>) src(%dma_wait3A_523 : memref<1000000x32xbf16, #tpu.memory_space<hbm>>) dst(%dma_wait3A_518 : memref<128x32xbf16, #tpu.memory_space<vmem>>)
    %dma_wait3A_524 = arith.constant 256 : i32
    %dma_wait3A_525 = arith.constant 0 : i32
    %dma_wait3A_526 = tpu.memref_slice %arg16[%dma_wait3A_524, %dma_wait3A_525] : memref<512x32xbf16, #tpu.memory_space<vmem>> -> memref<128x32xbf16, #tpu.memory_space<vmem>>
    %dma_wait3A_527 = arith.constant 256 : i32
    %dma_wait3A_528 = tpu.memref_slice %arg8[%dma_wait3A_527] : memref<512xi32, #tpu.memory_space<vmem>> -> memref<128xi32, #tpu.memory_space<vmem>>
    %dma_wait3A_529 = arith.constant 0 : i32
    %dma_wait3A_530 = arith.constant 0 : i32
    %dma_wait3A_531 = tpu.memref_slice %arg2[%dma_wait3A_529, %dma_wait3A_530] : memref<1000000x32xbf16, #tpu.memory_space<hbm>> -> memref<1000000x32xbf16, #tpu.memory_space<hbm>>
    tpu.wait_indirect_dma semaphore(%arg33 : memref<!tpu.dma_semaphore, #tpu.memory_space<semaphore_mem>>) src(%dma_wait3A_531 : memref<1000000x32xbf16, #tpu.memory_space<hbm>>) dst(%dma_wait3A_526 : memref<128x32xbf16, #tpu.memory_space<vmem>>)
    %dma_wait3A_532 = arith.constant 256 : i32
    %dma_wait3A_533 = arith.constant 0 : i32
    %dma_wait3A_534 = tpu.memref_slice %arg20[%dma_wait3A_532, %dma_wait3A_533] : memref<512x32xbf16, #tpu.memory_space<vmem>> -> memref<128x32xbf16, #tpu.memory_space<vmem>>
    %dma_wait3A_535 = arith.constant 256 : i32
    %dma_wait3A_536 = tpu.memref_slice %arg12[%dma_wait3A_535] : memref<512xi32, #tpu.memory_space<vmem>> -> memref<128xi32, #tpu.memory_space<vmem>>
    %dma_wait3A_537 = arith.constant 0 : i32
    %dma_wait3A_538 = arith.constant 0 : i32
    %dma_wait3A_539 = tpu.memref_slice %arg2[%dma_wait3A_537, %dma_wait3A_538] : memref<1000000x32xbf16, #tpu.memory_space<hbm>> -> memref<1000000x32xbf16, #tpu.memory_space<hbm>>
    tpu.wait_indirect_dma semaphore(%arg33 : memref<!tpu.dma_semaphore, #tpu.memory_space<semaphore_mem>>) src(%dma_wait3A_539 : memref<1000000x32xbf16, #tpu.memory_space<hbm>>) dst(%dma_wait3A_534 : memref<128x32xbf16, #tpu.memory_space<vmem>>)
    %dma_wait3A_540 = arith.constant 384 : i32
    %dma_wait3A_541 = arith.constant 0 : i32
    %dma_wait3A_542 = tpu.memref_slice %arg16[%dma_wait3A_540, %dma_wait3A_541] : memref<512x32xbf16, #tpu.memory_space<vmem>> -> memref<128x32xbf16, #tpu.memory_space<vmem>>
    %dma_wait3A_543 = arith.constant 384 : i32
    %dma_wait3A_544 = tpu.memref_slice %arg8[%dma_wait3A_543] : memref<512xi32, #tpu.memory_space<vmem>> -> memref<128xi32, #tpu.memory_space<vmem>>
    %dma_wait3A_545 = arith.constant 0 : i32
    %dma_wait3A_546 = arith.constant 0 : i32
    %dma_wait3A_547 = tpu.memref_slice %arg2[%dma_wait3A_545, %dma_wait3A_546] : memref<1000000x32xbf16, #tpu.memory_space<hbm>> -> memref<1000000x32xbf16, #tpu.memory_space<hbm>>
    tpu.wait_indirect_dma semaphore(%arg33 : memref<!tpu.dma_semaphore, #tpu.memory_space<semaphore_mem>>) src(%dma_wait3A_547 : memref<1000000x32xbf16, #tpu.memory_space<hbm>>) dst(%dma_wait3A_542 : memref<128x32xbf16, #tpu.memory_space<vmem>>)
    %dma_wait3A_548 = arith.constant 384 : i32
    %dma_wait3A_549 = arith.constant 0 : i32
    %dma_wait3A_550 = tpu.memref_slice %arg20[%dma_wait3A_548, %dma_wait3A_549] : memref<512x32xbf16, #tpu.memory_space<vmem>> -> memref<128x32xbf16, #tpu.memory_space<vmem>>
    %dma_wait3A_551 = arith.constant 384 : i32
    %dma_wait3A_552 = tpu.memref_slice %arg12[%dma_wait3A_551] : memref<512xi32, #tpu.memory_space<vmem>> -> memref<128xi32, #tpu.memory_space<vmem>>
    %dma_wait3A_553 = arith.constant 0 : i32
    %dma_wait3A_554 = arith.constant 0 : i32
    %dma_wait3A_555 = tpu.memref_slice %arg2[%dma_wait3A_553, %dma_wait3A_554] : memref<1000000x32xbf16, #tpu.memory_space<hbm>> -> memref<1000000x32xbf16, #tpu.memory_space<hbm>>
    tpu.wait_indirect_dma semaphore(%arg33 : memref<!tpu.dma_semaphore, #tpu.memory_space<semaphore_mem>>) src(%dma_wait3A_555 : memref<1000000x32xbf16, #tpu.memory_space<hbm>>) dst(%dma_wait3A_550 : memref<128x32xbf16, #tpu.memory_space<vmem>>)
    %dma_wait3A_556 = arith.constant 0 : i32
    %dma_wait3A_557 = tpu.memref_slice %arg5[%dma_wait3A_556] : memref<1048576xf32, #tpu.memory_space<hbm>> -> memref<512xf32, #tpu.memory_space<hbm>>
    %dma_wait3A_558 = arith.constant 0 : i32
    %dma_wait3A_559 = tpu.memref_slice %arg5[%dma_wait3A_558] : memref<1048576xf32, #tpu.memory_space<hbm>> -> memref<512xf32, #tpu.memory_space<hbm>>
    tpu.wait_dma2 semaphore(%arg37 : memref<!tpu.dma_semaphore, #tpu.memory_space<semaphore_mem>>) src(%arg24 : memref<512xf32, #tpu.memory_space<vmem>>) dst(%dma_wait3A_559 : memref<512xf32, #tpu.memory_space<hbm>>)
    %scan3A_560 = arith.constant 0 : i32
    %scan3A_561 = arith.constant 0 : i32
    %scan3A_562 = arith.constant 64 : i32
    %scan3A_563 = arith.addi %scan3A_561, %scan3A_562 : i32
    %scan3A_564 = arith.constant 1 : i32
    scf.for %scan3A_676 = %scan3A_561 to %scan3A_563 step %scan3A_564  : i32 {
      %mul3A_677 = arith.constant 8 : i32
      %mul3A_678 = arith.muli %scan3A_676, %mul3A_677 : i32
      %add3A_679 = arith.constant 0 : i32
      %add3A_680 = arith.addi %mul3A_678, %add3A_679 : i32
      %get3A = arith.index_cast %add3A_680 : i32 to index
      %get3A_681 = arith.constant 0 : index
      %get3A_682 = tpu.vector_load %arg16[%get3A, %get3A_681] {strides = array<i32>} : memref<512x32xbf16, #tpu.memory_space<vmem>>, vector<32xbf16>,
      %add3A_683 = arith.constant 0 : i32
      %add3A_684 = arith.addi %mul3A_678, %add3A_683 : i32
      %get3A_685 = arith.index_cast %add3A_684 : i32 to index
      %get3A_686 = arith.constant 0 : index
      %get3A_687 = tpu.vector_load %arg20[%get3A_685, %get3A_686] {strides = array<i32>} : memref<512x32xbf16, #tpu.memory_space<vmem>>, vector<32xbf16>,
      %mul3A_688 = arith.mulf %get3A_682, %get3A_687 : vector<32xbf16>
      %unpack3A = tpu.unpack_subelements %mul3A_688, 0 {pack_format = #tpu.pack_format<interleaved>} : vector<32xbf16> -> vector<16xf32>
      %unpack3A_689 = tpu.unpack_subelements %mul3A_688, 1 {pack_format = #tpu.pack_format<interleaved>} : vector<32xbf16> -> vector<16xf32>
      %add3A_690 = arith.addf %unpack3A, %unpack3A_689 : vector<16xf32>
      %cumsum3A = arith.constant true
      %cumsum3A_691 = vector.broadcast %cumsum3A : i1 to vector<16xi1>
      %cumsum3A_692 = tpu.scan <sum>, %add3A_690 masked %cumsum3A_691 : vector<16xf32>, vector<16xi1> -> vector<16xf32>
      %add3A_693 = arith.constant 0 : i32
      %add3A_694 = arith.addi %mul3A_678, %add3A_693 : i32
      %mul3A_695 = arith.constant 16 : i32
      %mul3A_696 = arith.muli %add3A_694, %mul3A_695 : i32
      %swap3A = arith.index_cast %mul3A_696 : i32 to index
      %swap3A_697 = tpu.vector_load %arg26[%swap3A] {strides = array<i32>} : memref<8192xf32, #tpu.memory_space<vmem>>, vector<16xf32>,
      tpu.vector_store %arg26[%swap3A], %cumsum3A_692 {strides = array<i32>} : memref<8192xf32, #tpu.memory_space<vmem>>, vector<16xf32>,
      %add3A_698 = arith.constant 1 : i32
      %add3A_699 = arith.addi %mul3A_678, %add3A_698 : i32
      %get3A_700 = arith.index_cast %add3A_699 : i32 to index
      %get3A_701 = arith.constant 0 : index
      %get3A_702 = tpu.vector_load %arg16[%get3A_700, %get3A_701] {strides = array<i32>} : memref<512x32xbf16, #tpu.memory_space<vmem>>, vector<32xbf16>,
      %add3A_703 = arith.constant 1 : i32
      %add3A_704 = arith.addi %mul3A_678, %add3A_703 : i32
      %get3A_705 = arith.index_cast %add3A_704 : i32 to index
      %get3A_706 = arith.constant 0 : index
      %get3A_707 = tpu.vector_load %arg20[%get3A_705, %get3A_706] {strides = array<i32>} : memref<512x32xbf16, #tpu.memory_space<vmem>>, vector<32xbf16>,
      %mul3A_708 = arith.mulf %get3A_702, %get3A_707 : vector<32xbf16>
      %unpack3A_709 = tpu.unpack_subelements %mul3A_708, 0 {pack_format = #tpu.pack_format<interleaved>} : vector<32xbf16> -> vector<16xf32>
      %unpack3A_710 = tpu.unpack_subelements %mul3A_708, 1 {pack_format = #tpu.pack_format<interleaved>} : vector<32xbf16> -> vector<16xf32>
      %add3A_711 = arith.addf %unpack3A_709, %unpack3A_710 : vector<16xf32>
      %cumsum3A_712 = arith.constant true
      %cumsum3A_713 = vector.broadcast %cumsum3A_712 : i1 to vector<16xi1>
      %cumsum3A_714 = tpu.scan <sum>, %add3A_711 masked %cumsum3A_713 : vector<16xf32>, vector<16xi1> -> vector<16xf32>
      %add3A_715 = arith.constant 1 : i32
      %add3A_716 = arith.addi %mul3A_678, %add3A_715 : i32
      %mul3A_717 = arith.constant 16 : i32
      %mul3A_718 = arith.muli %add3A_716, %mul3A_717 : i32
      %swap3A_719 = arith.index_cast %mul3A_718 : i32 to index
      %swap3A_720 = tpu.vector_load %arg26[%swap3A_719] {strides = array<i32>} : memref<8192xf32, #tpu.memory_space<vmem>>, vector<16xf32>,
      tpu.vector_store %arg26[%swap3A_719], %cumsum3A_714 {strides = array<i32>} : memref<8192xf32, #tpu.memory_space<vmem>>, vector<16xf32>,
      %add3A_721 = arith.constant 2 : i32
      %add3A_722 = arith.addi %mul3A_678, %add3A_721 : i32
      %get3A_723 = arith.index_cast %add3A_722 : i32 to index
      %get3A_724 = arith.constant 0 : index
      %get3A_725 = tpu.vector_load %arg16[%get3A_723, %get3A_724] {strides = array<i32>} : memref<512x32xbf16, #tpu.memory_space<vmem>>, vector<32xbf16>,
      %add3A_726 = arith.constant 2 : i32
      %add3A_727 = arith.addi %mul3A_678, %add3A_726 : i32
      %get3A_728 = arith.index_cast %add3A_727 : i32 to index
      %get3A_729 = arith.constant 0 : index
      %get3A_730 = tpu.vector_load %arg20[%get3A_728, %get3A_729] {strides = array<i32>} : memref<512x32xbf16, #tpu.memory_space<vmem>>, vector<32xbf16>,
      %mul3A_731 = arith.mulf %get3A_725, %get3A_730 : vector<32xbf16>
      %unpack3A_732 = tpu.unpack_subelements %mul3A_731, 0 {pack_format = #tpu.pack_format<interleaved>} : vector<32xbf16> -> vector<16xf32>
      %unpack3A_733 = tpu.unpack_subelements %mul3A_731, 1 {pack_format = #tpu.pack_format<interleaved>} : vector<32xbf16> -> vector<16xf32>
      %add3A_734 = arith.addf %unpack3A_732, %unpack3A_733 : vector<16xf32>
      %cumsum3A_735 = arith.constant true
      %cumsum3A_736 = vector.broadcast %cumsum3A_735 : i1 to vector<16xi1>
      %cumsum3A_737 = tpu.scan <sum>, %add3A_734 masked %cumsum3A_736 : vector<16xf32>, vector<16xi1> -> vector<16xf32>
      %add3A_738 = arith.constant 2 : i32
      %add3A_739 = arith.addi %mul3A_678, %add3A_738 : i32
      %mul3A_740 = arith.constant 16 : i32
      %mul3A_741 = arith.muli %add3A_739, %mul3A_740 : i32
      %swap3A_742 = arith.index_cast %mul3A_741 : i32 to index
      %swap3A_743 = tpu.vector_load %arg26[%swap3A_742] {strides = array<i32>} : memref<8192xf32, #tpu.memory_space<vmem>>, vector<16xf32>,
      tpu.vector_store %arg26[%swap3A_742], %cumsum3A_737 {strides = array<i32>} : memref<8192xf32, #tpu.memory_space<vmem>>, vector<16xf32>,
      %add3A_744 = arith.constant 3 : i32
      %add3A_745 = arith.addi %mul3A_678, %add3A_744 : i32
      %get3A_746 = arith.index_cast %add3A_745 : i32 to index
      %get3A_747 = arith.constant 0 : index
      %get3A_748 = tpu.vector_load %arg16[%get3A_746, %get3A_747] {strides = array<i32>} : memref<512x32xbf16, #tpu.memory_space<vmem>>, vector<32xbf16>,
      %add3A_749 = arith.constant 3 : i32
      %add3A_750 = arith.addi %mul3A_678, %add3A_749 : i32
      %get3A_751 = arith.index_cast %add3A_750 : i32 to index
      %get3A_752 = arith.constant 0 : index
      %get3A_753 = tpu.vector_load %arg20[%get3A_751, %get3A_752] {strides = array<i32>} : memref<512x32xbf16, #tpu.memory_space<vmem>>, vector<32xbf16>,
      %mul3A_754 = arith.mulf %get3A_748, %get3A_753 : vector<32xbf16>
      %unpack3A_755 = tpu.unpack_subelements %mul3A_754, 0 {pack_format = #tpu.pack_format<interleaved>} : vector<32xbf16> -> vector<16xf32>
      %unpack3A_756 = tpu.unpack_subelements %mul3A_754, 1 {pack_format = #tpu.pack_format<interleaved>} : vector<32xbf16> -> vector<16xf32>
      %add3A_757 = arith.addf %unpack3A_755, %unpack3A_756 : vector<16xf32>
      %cumsum3A_758 = arith.constant true
      %cumsum3A_759 = vector.broadcast %cumsum3A_758 : i1 to vector<16xi1>
      %cumsum3A_760 = tpu.scan <sum>, %add3A_757 masked %cumsum3A_759 : vector<16xf32>, vector<16xi1> -> vector<16xf32>
      %add3A_761 = arith.constant 3 : i32
      %add3A_762 = arith.addi %mul3A_678, %add3A_761 : i32
      %mul3A_763 = arith.constant 16 : i32
      %mul3A_764 = arith.muli %add3A_762, %mul3A_763 : i32
      %swap3A_765 = arith.index_cast %mul3A_764 : i32 to index
      %swap3A_766 = tpu.vector_load %arg26[%swap3A_765] {strides = array<i32>} : memref<8192xf32, #tpu.memory_space<vmem>>, vector<16xf32>,
      tpu.vector_store %arg26[%swap3A_765], %cumsum3A_760 {strides = array<i32>} : memref<8192xf32, #tpu.memory_space<vmem>>, vector<16xf32>,
      %add3A_767 = arith.constant 4 : i32
      %add3A_768 = arith.addi %mul3A_678, %add3A_767 : i32
      %get3A_769 = arith.index_cast %add3A_768 : i32 to index
      %get3A_770 = arith.constant 0 : index
      %get3A_771 = tpu.vector_load %arg16[%get3A_769, %get3A_770] {strides = array<i32>} : memref<512x32xbf16, #tpu.memory_space<vmem>>, vector<32xbf16>,
      %add3A_772 = arith.constant 4 : i32
      %add3A_773 = arith.addi %mul3A_678, %add3A_772 : i32
      %get3A_774 = arith.index_cast %add3A_773 : i32 to index
      %get3A_775 = arith.constant 0 : index
      %get3A_776 = tpu.vector_load %arg20[%get3A_774, %get3A_775] {strides = array<i32>} : memref<512x32xbf16, #tpu.memory_space<vmem>>, vector<32xbf16>,
      %mul3A_777 = arith.mulf %get3A_771, %get3A_776 : vector<32xbf16>
      %unpack3A_778 = tpu.unpack_subelements %mul3A_777, 0 {pack_format = #tpu.pack_format<interleaved>} : vector<32xbf16> -> vector<16xf32>
      %unpack3A_779 = tpu.unpack_subelements %mul3A_777, 1 {pack_format = #tpu.pack_format<interleaved>} : vector<32xbf16> -> vector<16xf32>
      %add3A_780 = arith.addf %unpack3A_778, %unpack3A_779 : vector<16xf32>
      %cumsum3A_781 = arith.constant true
      %cumsum3A_782 = vector.broadcast %cumsum3A_781 : i1 to vector<16xi1>
      %cumsum3A_783 = tpu.scan <sum>, %add3A_780 masked %cumsum3A_782 : vector<16xf32>, vector<16xi1> -> vector<16xf32>
      %add3A_784 = arith.constant 4 : i32
      %add3A_785 = arith.addi %mul3A_678, %add3A_784 : i32
      %mul3A_786 = arith.constant 16 : i32
      %mul3A_787 = arith.muli %add3A_785, %mul3A_786 : i32
      %swap3A_788 = arith.index_cast %mul3A_787 : i32 to index
      %swap3A_789 = tpu.vector_load %arg26[%swap3A_788] {strides = array<i32>} : memref<8192xf32, #tpu.memory_space<vmem>>, vector<16xf32>,
      tpu.vector_store %arg26[%swap3A_788], %cumsum3A_783 {strides = array<i32>} : memref<8192xf32, #tpu.memory_space<vmem>>, vector<16xf32>,
      %add3A_790 = arith.constant 5 : i32
      %add3A_791 = arith.addi %mul3A_678, %add3A_790 : i32
      %get3A_792 = arith.index_cast %add3A_791 : i32 to index
      %get3A_793 = arith.constant 0 : index
      %get3A_794 = tpu.vector_load %arg16[%get3A_792, %get3A_793] {strides = array<i32>} : memref<512x32xbf16, #tpu.memory_space<vmem>>, vector<32xbf16>,
      %add3A_795 = arith.constant 5 : i32
      %add3A_796 = arith.addi %mul3A_678, %add3A_795 : i32
      %get3A_797 = arith.index_cast %add3A_796 : i32 to index
      %get3A_798 = arith.constant 0 : index
      %get3A_799 = tpu.vector_load %arg20[%get3A_797, %get3A_798] {strides = array<i32>} : memref<512x32xbf16, #tpu.memory_space<vmem>>, vector<32xbf16>,
      %mul3A_800 = arith.mulf %get3A_794, %get3A_799 : vector<32xbf16>
      %unpack3A_801 = tpu.unpack_subelements %mul3A_800, 0 {pack_format = #tpu.pack_format<interleaved>} : vector<32xbf16> -> vector<16xf32>
      %unpack3A_802 = tpu.unpack_subelements %mul3A_800, 1 {pack_format = #tpu.pack_format<interleaved>} : vector<32xbf16> -> vector<16xf32>
      %add3A_803 = arith.addf %unpack3A_801, %unpack3A_802 : vector<16xf32>
      %cumsum3A_804 = arith.constant true
      %cumsum3A_805 = vector.broadcast %cumsum3A_804 : i1 to vector<16xi1>
      %cumsum3A_806 = tpu.scan <sum>, %add3A_803 masked %cumsum3A_805 : vector<16xf32>, vector<16xi1> -> vector<16xf32>
      %add3A_807 = arith.constant 5 : i32
      %add3A_808 = arith.addi %mul3A_678, %add3A_807 : i32
      %mul3A_809 = arith.constant 16 : i32
      %mul3A_810 = arith.muli %add3A_808, %mul3A_809 : i32
      %swap3A_811 = arith.index_cast %mul3A_810 : i32 to index
      %swap3A_812 = tpu.vector_load %arg26[%swap3A_811] {strides = array<i32>} : memref<8192xf32, #tpu.memory_space<vmem>>, vector<16xf32>,
      tpu.vector_store %arg26[%swap3A_811], %cumsum3A_806 {strides = array<i32>} : memref<8192xf32, #tpu.memory_space<vmem>>, vector<16xf32>,
      %add3A_813 = arith.constant 6 : i32
      %add3A_814 = arith.addi %mul3A_678, %add3A_813 : i32
      %get3A_815 = arith.index_cast %add3A_814 : i32 to index
      %get3A_816 = arith.constant 0 : index
      %get3A_817 = tpu.vector_load %arg16[%get3A_815, %get3A_816] {strides = array<i32>} : memref<512x32xbf16, #tpu.memory_space<vmem>>, vector<32xbf16>,
      %add3A_818 = arith.constant 6 : i32
      %add3A_819 = arith.addi %mul3A_678, %add3A_818 : i32
      %get3A_820 = arith.index_cast %add3A_819 : i32 to index
      %get3A_821 = arith.constant 0 : index
      %get3A_822 = tpu.vector_load %arg20[%get3A_820, %get3A_821] {strides = array<i32>} : memref<512x32xbf16, #tpu.memory_space<vmem>>, vector<32xbf16>,
      %mul3A_823 = arith.mulf %get3A_817, %get3A_822 : vector<32xbf16>
      %unpack3A_824 = tpu.unpack_subelements %mul3A_823, 0 {pack_format = #tpu.pack_format<interleaved>} : vector<32xbf16> -> vector<16xf32>
      %unpack3A_825 = tpu.unpack_subelements %mul3A_823, 1 {pack_format = #tpu.pack_format<interleaved>} : vector<32xbf16> -> vector<16xf32>
      %add3A_826 = arith.addf %unpack3A_824, %unpack3A_825 : vector<16xf32>
      %cumsum3A_827 = arith.constant true
      %cumsum3A_828 = vector.broadcast %cumsum3A_827 : i1 to vector<16xi1>
      %cumsum3A_829 = tpu.scan <sum>, %add3A_826 masked %cumsum3A_828 : vector<16xf32>, vector<16xi1> -> vector<16xf32>
      %add3A_830 = arith.constant 6 : i32
      %add3A_831 = arith.addi %mul3A_678, %add3A_830 : i32
      %mul3A_832 = arith.constant 16 : i32
      %mul3A_833 = arith.muli %add3A_831, %mul3A_832 : i32
      %swap3A_834 = arith.index_cast %mul3A_833 : i32 to index
      %swap3A_835 = tpu.vector_load %arg26[%swap3A_834] {strides = array<i32>} : memref<8192xf32, #tpu.memory_space<vmem>>, vector<16xf32>,
      tpu.vector_store %arg26[%swap3A_834], %cumsum3A_829 {strides = array<i32>} : memref<8192xf32, #tpu.memory_space<vmem>>, vector<16xf32>,
      %add3A_836 = arith.constant 7 : i32
      %add3A_837 = arith.addi %mul3A_678, %add3A_836 : i32
      %get3A_838 = arith.index_cast %add3A_837 : i32 to index
      %get3A_839 = arith.constant 0 : index
      %get3A_840 = tpu.vector_load %arg16[%get3A_838, %get3A_839] {strides = array<i32>} : memref<512x32xbf16, #tpu.memory_space<vmem>>, vector<32xbf16>,
      %add3A_841 = arith.constant 7 : i32
      %add3A_842 = arith.addi %mul3A_678, %add3A_841 : i32
      %get3A_843 = arith.index_cast %add3A_842 : i32 to index
      %get3A_844 = arith.constant 0 : index
      %get3A_845 = tpu.vector_load %arg20[%get3A_843, %get3A_844] {strides = array<i32>} : memref<512x32xbf16, #tpu.memory_space<vmem>>, vector<32xbf16>,
      %mul3A_846 = arith.mulf %get3A_840, %get3A_845 : vector<32xbf16>
      %unpack3A_847 = tpu.unpack_subelements %mul3A_846, 0 {pack_format = #tpu.pack_format<interleaved>} : vector<32xbf16> -> vector<16xf32>
      %unpack3A_848 = tpu.unpack_subelements %mul3A_846, 1 {pack_format = #tpu.pack_format<interleaved>} : vector<32xbf16> -> vector<16xf32>
      %add3A_849 = arith.addf %unpack3A_847, %unpack3A_848 : vector<16xf32>
      %cumsum3A_850 = arith.constant true
      %cumsum3A_851 = vector.broadcast %cumsum3A_850 : i1 to vector<16xi1>
      %cumsum3A_852 = tpu.scan <sum>, %add3A_849 masked %cumsum3A_851 : vector<16xf32>, vector<16xi1> -> vector<16xf32>
      %add3A_853 = arith.constant 7 : i32
      %add3A_854 = arith.addi %mul3A_678, %add3A_853 : i32
      %mul3A_855 = arith.constant 16 : i32
      %mul3A_856 = arith.muli %add3A_854, %mul3A_855 : i32
      %swap3A_857 = arith.index_cast %mul3A_856 : i32 to index
      %swap3A_858 = tpu.vector_load %arg26[%swap3A_857] {strides = array<i32>} : memref<8192xf32, #tpu.memory_space<vmem>>, vector<16xf32>,
      tpu.vector_store %arg26[%swap3A_857], %cumsum3A_852 {strides = array<i32>} : memref<8192xf32, #tpu.memory_space<vmem>>, vector<16xf32>,
    }
    %scan3A_565 = arith.constant 64 : i32
    %scan3A_566 = arith.constant 0 : i32
    %scan3A_567 = arith.constant 0 : i32
    %scan3A_568 = arith.constant 32 : i32
    %scan3A_569 = arith.addi %scan3A_567, %scan3A_568 : i32
    %scan3A_570 = arith.constant 1 : i32
    scf.for %scan3A_676 = %scan3A_567 to %scan3A_569 step %scan3A_570  : i32 {
      %mul3A_677 = arith.constant 256 : i32
      %mul3A_678 = arith.muli %scan3A_676, %mul3A_677 : i32
      %add3A_679 = vector.broadcast %mul3A_678 : i32 to vector<16xi32>
      %add3A_680 = arith.addi %add3A_679, %add3A_8 : vector<16xi32>
      %gather3A = tpu.vector_load_idx %arg26[%add3A_680] : memref<8192xf32, #tpu.memory_space<vmem>>[vector<16xi32>], vector<16xf32>,
      %mul3A_681 = arith.constant 16 : i32
      %mul3A_682 = arith.muli %scan3A_676, %mul3A_681 : i32
      %swap3A = arith.index_cast %mul3A_682 : i32 to index
      %swap3A_683 = tpu.vector_load %arg24[%swap3A] {strides = array<i32>} : memref<512xf32, #tpu.memory_space<vmem>>, vector<16xf32>,
      tpu.vector_store %arg24[%swap3A], %gather3A {strides = array<i32>} : memref<512xf32, #tpu.memory_space<vmem>>, vector<16xf32>,
    }
    %scan3A_571 = arith.constant 32 : i32
    %add3A_572 = arith.constant 31744 : i32
    %add3A_573 = arith.addi %mul3A_2, %add3A_572 : i32
    %dma_start3A_574 = tpu.memref_slice %arg5[%add3A_573] : memref<1048576xf32, #tpu.memory_space<hbm>> -> memref<512xf32, #tpu.memory_space<hbm>>
    %dma_start3A_575 = tpu.memref_slice %arg5[%add3A_573] : memref<1048576xf32, #tpu.memory_space<hbm>> -> memref<512xf32, #tpu.memory_space<hbm>>
    tpu.enqueue_dma source(%arg24 : memref<512xf32, #tpu.memory_space<vmem>>) target(%dma_start3A_575 : memref<512xf32, #tpu.memory_space<hbm>>) target_semaphore(%arg37 : memref<!tpu.dma_semaphore, #tpu.memory_space<semaphore_mem>>)
    %dma_wait3A_576 = arith.constant 0 : i32
    %dma_wait3A_577 = arith.constant 0 : i32
    %dma_wait3A_578 = tpu.memref_slice %arg17[%dma_wait3A_576, %dma_wait3A_577] : memref<512x32xbf16, #tpu.memory_space<vmem>> -> memref<128x32xbf16, #tpu.memory_space<vmem>>
    %dma_wait3A_579 = arith.constant 0 : i32
    %dma_wait3A_580 = tpu.memref_slice %arg9[%dma_wait3A_579] : memref<512xi32, #tpu.memory_space<vmem>> -> memref<128xi32, #tpu.memory_space<vmem>>
    %dma_wait3A_581 = arith.constant 0 : i32
    %dma_wait3A_582 = arith.constant 0 : i32
    %dma_wait3A_583 = tpu.memref_slice %arg2[%dma_wait3A_581, %dma_wait3A_582] : memref<1000000x32xbf16, #tpu.memory_space<hbm>> -> memref<1000000x32xbf16, #tpu.memory_space<hbm>>
    tpu.wait_indirect_dma semaphore(%arg34 : memref<!tpu.dma_semaphore, #tpu.memory_space<semaphore_mem>>) src(%dma_wait3A_583 : memref<1000000x32xbf16, #tpu.memory_space<hbm>>) dst(%dma_wait3A_578 : memref<128x32xbf16, #tpu.memory_space<vmem>>)
    %dma_wait3A_584 = arith.constant 0 : i32
    %dma_wait3A_585 = arith.constant 0 : i32
    %dma_wait3A_586 = tpu.memref_slice %arg21[%dma_wait3A_584, %dma_wait3A_585] : memref<512x32xbf16, #tpu.memory_space<vmem>> -> memref<128x32xbf16, #tpu.memory_space<vmem>>
    %dma_wait3A_587 = arith.constant 0 : i32
    %dma_wait3A_588 = tpu.memref_slice %arg13[%dma_wait3A_587] : memref<512xi32, #tpu.memory_space<vmem>> -> memref<128xi32, #tpu.memory_space<vmem>>
    %dma_wait3A_589 = arith.constant 0 : i32
    %dma_wait3A_590 = arith.constant 0 : i32
    %dma_wait3A_591 = tpu.memref_slice %arg2[%dma_wait3A_589, %dma_wait3A_590] : memref<1000000x32xbf16, #tpu.memory_space<hbm>> -> memref<1000000x32xbf16, #tpu.memory_space<hbm>>
    tpu.wait_indirect_dma semaphore(%arg34 : memref<!tpu.dma_semaphore, #tpu.memory_space<semaphore_mem>>) src(%dma_wait3A_591 : memref<1000000x32xbf16, #tpu.memory_space<hbm>>) dst(%dma_wait3A_586 : memref<128x32xbf16, #tpu.memory_space<vmem>>)
    %dma_wait3A_592 = arith.constant 128 : i32
    %dma_wait3A_593 = arith.constant 0 : i32
    %dma_wait3A_594 = tpu.memref_slice %arg17[%dma_wait3A_592, %dma_wait3A_593] : memref<512x32xbf16, #tpu.memory_space<vmem>> -> memref<128x32xbf16, #tpu.memory_space<vmem>>
    %dma_wait3A_595 = arith.constant 128 : i32
    %dma_wait3A_596 = tpu.memref_slice %arg9[%dma_wait3A_595] : memref<512xi32, #tpu.memory_space<vmem>> -> memref<128xi32, #tpu.memory_space<vmem>>
    %dma_wait3A_597 = arith.constant 0 : i32
    %dma_wait3A_598 = arith.constant 0 : i32
    %dma_wait3A_599 = tpu.memref_slice %arg2[%dma_wait3A_597, %dma_wait3A_598] : memref<1000000x32xbf16, #tpu.memory_space<hbm>> -> memref<1000000x32xbf16, #tpu.memory_space<hbm>>
    tpu.wait_indirect_dma semaphore(%arg34 : memref<!tpu.dma_semaphore, #tpu.memory_space<semaphore_mem>>) src(%dma_wait3A_599 : memref<1000000x32xbf16, #tpu.memory_space<hbm>>) dst(%dma_wait3A_594 : memref<128x32xbf16, #tpu.memory_space<vmem>>)
    %dma_wait3A_600 = arith.constant 128 : i32
    %dma_wait3A_601 = arith.constant 0 : i32
    %dma_wait3A_602 = tpu.memref_slice %arg21[%dma_wait3A_600, %dma_wait3A_601] : memref<512x32xbf16, #tpu.memory_space<vmem>> -> memref<128x32xbf16, #tpu.memory_space<vmem>>
    %dma_wait3A_603 = arith.constant 128 : i32
    %dma_wait3A_604 = tpu.memref_slice %arg13[%dma_wait3A_603] : memref<512xi32, #tpu.memory_space<vmem>> -> memref<128xi32, #tpu.memory_space<vmem>>
    %dma_wait3A_605 = arith.constant 0 : i32
    %dma_wait3A_606 = arith.constant 0 : i32
    %dma_wait3A_607 = tpu.memref_slice %arg2[%dma_wait3A_605, %dma_wait3A_606] : memref<1000000x32xbf16, #tpu.memory_space<hbm>> -> memref<1000000x32xbf16, #tpu.memory_space<hbm>>
    tpu.wait_indirect_dma semaphore(%arg34 : memref<!tpu.dma_semaphore, #tpu.memory_space<semaphore_mem>>) src(%dma_wait3A_607 : memref<1000000x32xbf16, #tpu.memory_space<hbm>>) dst(%dma_wait3A_602 : memref<128x32xbf16, #tpu.memory_space<vmem>>)
    %dma_wait3A_608 = arith.constant 256 : i32
    %dma_wait3A_609 = arith.constant 0 : i32
    %dma_wait3A_610 = tpu.memref_slice %arg17[%dma_wait3A_608, %dma_wait3A_609] : memref<512x32xbf16, #tpu.memory_space<vmem>> -> memref<128x32xbf16, #tpu.memory_space<vmem>>
    %dma_wait3A_611 = arith.constant 256 : i32
    %dma_wait3A_612 = tpu.memref_slice %arg9[%dma_wait3A_611] : memref<512xi32, #tpu.memory_space<vmem>> -> memref<128xi32, #tpu.memory_space<vmem>>
    %dma_wait3A_613 = arith.constant 0 : i32
    %dma_wait3A_614 = arith.constant 0 : i32
    %dma_wait3A_615 = tpu.memref_slice %arg2[%dma_wait3A_613, %dma_wait3A_614] : memref<1000000x32xbf16, #tpu.memory_space<hbm>> -> memref<1000000x32xbf16, #tpu.memory_space<hbm>>
    tpu.wait_indirect_dma semaphore(%arg34 : memref<!tpu.dma_semaphore, #tpu.memory_space<semaphore_mem>>) src(%dma_wait3A_615 : memref<1000000x32xbf16, #tpu.memory_space<hbm>>) dst(%dma_wait3A_610 : memref<128x32xbf16, #tpu.memory_space<vmem>>)
    %dma_wait3A_616 = arith.constant 256 : i32
    %dma_wait3A_617 = arith.constant 0 : i32
    %dma_wait3A_618 = tpu.memref_slice %arg21[%dma_wait3A_616, %dma_wait3A_617] : memref<512x32xbf16, #tpu.memory_space<vmem>> -> memref<128x32xbf16, #tpu.memory_space<vmem>>
    %dma_wait3A_619 = arith.constant 256 : i32
    %dma_wait3A_620 = tpu.memref_slice %arg13[%dma_wait3A_619] : memref<512xi32, #tpu.memory_space<vmem>> -> memref<128xi32, #tpu.memory_space<vmem>>
    %dma_wait3A_621 = arith.constant 0 : i32
    %dma_wait3A_622 = arith.constant 0 : i32
    %dma_wait3A_623 = tpu.memref_slice %arg2[%dma_wait3A_621, %dma_wait3A_622] : memref<1000000x32xbf16, #tpu.memory_space<hbm>> -> memref<1000000x32xbf16, #tpu.memory_space<hbm>>
    tpu.wait_indirect_dma semaphore(%arg34 : memref<!tpu.dma_semaphore, #tpu.memory_space<semaphore_mem>>) src(%dma_wait3A_623 : memref<1000000x32xbf16, #tpu.memory_space<hbm>>) dst(%dma_wait3A_618 : memref<128x32xbf16, #tpu.memory_space<vmem>>)
    %dma_wait3A_624 = arith.constant 384 : i32
    %dma_wait3A_625 = arith.constant 0 : i32
    %dma_wait3A_626 = tpu.memref_slice %arg17[%dma_wait3A_624, %dma_wait3A_625] : memref<512x32xbf16, #tpu.memory_space<vmem>> -> memref<128x32xbf16, #tpu.memory_space<vmem>>
    %dma_wait3A_627 = arith.constant 384 : i32
    %dma_wait3A_628 = tpu.memref_slice %arg9[%dma_wait3A_627] : memref<512xi32, #tpu.memory_space<vmem>> -> memref<128xi32, #tpu.memory_space<vmem>>
    %dma_wait3A_629 = arith.constant 0 : i32
    %dma_wait3A_630 = arith.constant 0 : i32
    %dma_wait3A_631 = tpu.memref_slice %arg2[%dma_wait3A_629, %dma_wait3A_630] : memref<1000000x32xbf16, #tpu.memory_space<hbm>> -> memref<1000000x32xbf16, #tpu.memory_space<hbm>>
    tpu.wait_indirect_dma semaphore(%arg34 : memref<!tpu.dma_semaphore, #tpu.memory_space<semaphore_mem>>) src(%dma_wait3A_631 : memref<1000000x32xbf16, #tpu.memory_space<hbm>>) dst(%dma_wait3A_626 : memref<128x32xbf16, #tpu.memory_space<vmem>>)
    %dma_wait3A_632 = arith.constant 384 : i32
    %dma_wait3A_633 = arith.constant 0 : i32
    %dma_wait3A_634 = tpu.memref_slice %arg21[%dma_wait3A_632, %dma_wait3A_633] : memref<512x32xbf16, #tpu.memory_space<vmem>> -> memref<128x32xbf16, #tpu.memory_space<vmem>>
    %dma_wait3A_635 = arith.constant 384 : i32
    %dma_wait3A_636 = tpu.memref_slice %arg13[%dma_wait3A_635] : memref<512xi32, #tpu.memory_space<vmem>> -> memref<128xi32, #tpu.memory_space<vmem>>
    %dma_wait3A_637 = arith.constant 0 : i32
    %dma_wait3A_638 = arith.constant 0 : i32
    %dma_wait3A_639 = tpu.memref_slice %arg2[%dma_wait3A_637, %dma_wait3A_638] : memref<1000000x32xbf16, #tpu.memory_space<hbm>> -> memref<1000000x32xbf16, #tpu.memory_space<hbm>>
    tpu.wait_indirect_dma semaphore(%arg34 : memref<!tpu.dma_semaphore, #tpu.memory_space<semaphore_mem>>) src(%dma_wait3A_639 : memref<1000000x32xbf16, #tpu.memory_space<hbm>>) dst(%dma_wait3A_634 : memref<128x32xbf16, #tpu.memory_space<vmem>>)
    %dma_wait3A_640 = arith.constant 0 : i32
    %dma_wait3A_641 = tpu.memref_slice %arg5[%dma_wait3A_640] : memref<1048576xf32, #tpu.memory_space<hbm>> -> memref<512xf32, #tpu.memory_space<hbm>>
    %dma_wait3A_642 = arith.constant 0 : i32
    %dma_wait3A_643 = tpu.memref_slice %arg5[%dma_wait3A_642] : memref<1048576xf32, #tpu.memory_space<hbm>> -> memref<512xf32, #tpu.memory_space<hbm>>
    tpu.wait_dma2 semaphore(%arg38 : memref<!tpu.dma_semaphore, #tpu.memory_space<semaphore_mem>>) src(%arg25 : memref<512xf32, #tpu.memory_space<vmem>>) dst(%dma_wait3A_643 : memref<512xf32, #tpu.memory_space<hbm>>)
    %scan3A_644 = arith.constant 0 : i32
    %scan3A_645 = arith.constant 0 : i32
    %scan3A_646 = arith.constant 64 : i32
    %scan3A_647 = arith.addi %scan3A_645, %scan3A_646 : i32
    %scan3A_648 = arith.constant 1 : i32
    scf.for %scan3A_676 = %scan3A_645 to %scan3A_647 step %scan3A_648  : i32 {
      %mul3A_677 = arith.constant 8 : i32
      %mul3A_678 = arith.muli %scan3A_676, %mul3A_677 : i32
      %add3A_679 = arith.constant 0 : i32
      %add3A_680 = arith.addi %mul3A_678, %add3A_679 : i32
      %get3A = arith.index_cast %add3A_680 : i32 to index
      %get3A_681 = arith.constant 0 : index
      %get3A_682 = tpu.vector_load %arg17[%get3A, %get3A_681] {strides = array<i32>} : memref<512x32xbf16, #tpu.memory_space<vmem>>, vector<32xbf16>,
      %add3A_683 = arith.constant 0 : i32
      %add3A_684 = arith.addi %mul3A_678, %add3A_683 : i32
      %get3A_685 = arith.index_cast %add3A_684 : i32 to index
      %get3A_686 = arith.constant 0 : index
      %get3A_687 = tpu.vector_load %arg21[%get3A_685, %get3A_686] {strides = array<i32>} : memref<512x32xbf16, #tpu.memory_space<vmem>>, vector<32xbf16>,
      %mul3A_688 = arith.mulf %get3A_682, %get3A_687 : vector<32xbf16>
      %unpack3A = tpu.unpack_subelements %mul3A_688, 0 {pack_format = #tpu.pack_format<interleaved>} : vector<32xbf16> -> vector<16xf32>
      %unpack3A_689 = tpu.unpack_subelements %mul3A_688, 1 {pack_format = #tpu.pack_format<interleaved>} : vector<32xbf16> -> vector<16xf32>
      %add3A_690 = arith.addf %unpack3A, %unpack3A_689 : vector<16xf32>
      %cumsum3A = arith.constant true
      %cumsum3A_691 = vector.broadcast %cumsum3A : i1 to vector<16xi1>
      %cumsum3A_692 = tpu.scan <sum>, %add3A_690 masked %cumsum3A_691 : vector<16xf32>, vector<16xi1> -> vector<16xf32>
      %add3A_693 = arith.constant 0 : i32
      %add3A_694 = arith.addi %mul3A_678, %add3A_693 : i32
      %mul3A_695 = arith.constant 16 : i32
      %mul3A_696 = arith.muli %add3A_694, %mul3A_695 : i32
      %swap3A = arith.index_cast %mul3A_696 : i32 to index
      %swap3A_697 = tpu.vector_load %arg26[%swap3A] {strides = array<i32>} : memref<8192xf32, #tpu.memory_space<vmem>>, vector<16xf32>,
      tpu.vector_store %arg26[%swap3A], %cumsum3A_692 {strides = array<i32>} : memref<8192xf32, #tpu.memory_space<vmem>>, vector<16xf32>,
      %add3A_698 = arith.constant 1 : i32
      %add3A_699 = arith.addi %mul3A_678, %add3A_698 : i32
      %get3A_700 = arith.index_cast %add3A_699 : i32 to index
      %get3A_701 = arith.constant 0 : index
      %get3A_702 = tpu.vector_load %arg17[%get3A_700, %get3A_701] {strides = array<i32>} : memref<512x32xbf16, #tpu.memory_space<vmem>>, vector<32xbf16>,
      %add3A_703 = arith.constant 1 : i32
      %add3A_704 = arith.addi %mul3A_678, %add3A_703 : i32
      %get3A_705 = arith.index_cast %add3A_704 : i32 to index
      %get3A_706 = arith.constant 0 : index
      %get3A_707 = tpu.vector_load %arg21[%get3A_705, %get3A_706] {strides = array<i32>} : memref<512x32xbf16, #tpu.memory_space<vmem>>, vector<32xbf16>,
      %mul3A_708 = arith.mulf %get3A_702, %get3A_707 : vector<32xbf16>
      %unpack3A_709 = tpu.unpack_subelements %mul3A_708, 0 {pack_format = #tpu.pack_format<interleaved>} : vector<32xbf16> -> vector<16xf32>
      %unpack3A_710 = tpu.unpack_subelements %mul3A_708, 1 {pack_format = #tpu.pack_format<interleaved>} : vector<32xbf16> -> vector<16xf32>
      %add3A_711 = arith.addf %unpack3A_709, %unpack3A_710 : vector<16xf32>
      %cumsum3A_712 = arith.constant true
      %cumsum3A_713 = vector.broadcast %cumsum3A_712 : i1 to vector<16xi1>
      %cumsum3A_714 = tpu.scan <sum>, %add3A_711 masked %cumsum3A_713 : vector<16xf32>, vector<16xi1> -> vector<16xf32>
      %add3A_715 = arith.constant 1 : i32
      %add3A_716 = arith.addi %mul3A_678, %add3A_715 : i32
      %mul3A_717 = arith.constant 16 : i32
      %mul3A_718 = arith.muli %add3A_716, %mul3A_717 : i32
      %swap3A_719 = arith.index_cast %mul3A_718 : i32 to index
      %swap3A_720 = tpu.vector_load %arg26[%swap3A_719] {strides = array<i32>} : memref<8192xf32, #tpu.memory_space<vmem>>, vector<16xf32>,
      tpu.vector_store %arg26[%swap3A_719], %cumsum3A_714 {strides = array<i32>} : memref<8192xf32, #tpu.memory_space<vmem>>, vector<16xf32>,
      %add3A_721 = arith.constant 2 : i32
      %add3A_722 = arith.addi %mul3A_678, %add3A_721 : i32
      %get3A_723 = arith.index_cast %add3A_722 : i32 to index
      %get3A_724 = arith.constant 0 : index
      %get3A_725 = tpu.vector_load %arg17[%get3A_723, %get3A_724] {strides = array<i32>} : memref<512x32xbf16, #tpu.memory_space<vmem>>, vector<32xbf16>,
      %add3A_726 = arith.constant 2 : i32
      %add3A_727 = arith.addi %mul3A_678, %add3A_726 : i32
      %get3A_728 = arith.index_cast %add3A_727 : i32 to index
      %get3A_729 = arith.constant 0 : index
      %get3A_730 = tpu.vector_load %arg21[%get3A_728, %get3A_729] {strides = array<i32>} : memref<512x32xbf16, #tpu.memory_space<vmem>>, vector<32xbf16>,
      %mul3A_731 = arith.mulf %get3A_725, %get3A_730 : vector<32xbf16>
      %unpack3A_732 = tpu.unpack_subelements %mul3A_731, 0 {pack_format = #tpu.pack_format<interleaved>} : vector<32xbf16> -> vector<16xf32>
      %unpack3A_733 = tpu.unpack_subelements %mul3A_731, 1 {pack_format = #tpu.pack_format<interleaved>} : vector<32xbf16> -> vector<16xf32>
      %add3A_734 = arith.addf %unpack3A_732, %unpack3A_733 : vector<16xf32>
      %cumsum3A_735 = arith.constant true
      %cumsum3A_736 = vector.broadcast %cumsum3A_735 : i1 to vector<16xi1>
      %cumsum3A_737 = tpu.scan <sum>, %add3A_734 masked %cumsum3A_736 : vector<16xf32>, vector<16xi1> -> vector<16xf32>
      %add3A_738 = arith.constant 2 : i32
      %add3A_739 = arith.addi %mul3A_678, %add3A_738 : i32
      %mul3A_740 = arith.constant 16 : i32
      %mul3A_741 = arith.muli %add3A_739, %mul3A_740 : i32
      %swap3A_742 = arith.index_cast %mul3A_741 : i32 to index
      %swap3A_743 = tpu.vector_load %arg26[%swap3A_742] {strides = array<i32>} : memref<8192xf32, #tpu.memory_space<vmem>>, vector<16xf32>,
      tpu.vector_store %arg26[%swap3A_742], %cumsum3A_737 {strides = array<i32>} : memref<8192xf32, #tpu.memory_space<vmem>>, vector<16xf32>,
      %add3A_744 = arith.constant 3 : i32
      %add3A_745 = arith.addi %mul3A_678, %add3A_744 : i32
      %get3A_746 = arith.index_cast %add3A_745 : i32 to index
      %get3A_747 = arith.constant 0 : index
      %get3A_748 = tpu.vector_load %arg17[%get3A_746, %get3A_747] {strides = array<i32>} : memref<512x32xbf16, #tpu.memory_space<vmem>>, vector<32xbf16>,
      %add3A_749 = arith.constant 3 : i32
      %add3A_750 = arith.addi %mul3A_678, %add3A_749 : i32
      %get3A_751 = arith.index_cast %add3A_750 : i32 to index
      %get3A_752 = arith.constant 0 : index
      %get3A_753 = tpu.vector_load %arg21[%get3A_751, %get3A_752] {strides = array<i32>} : memref<512x32xbf16, #tpu.memory_space<vmem>>, vector<32xbf16>,
      %mul3A_754 = arith.mulf %get3A_748, %get3A_753 : vector<32xbf16>
      %unpack3A_755 = tpu.unpack_subelements %mul3A_754, 0 {pack_format = #tpu.pack_format<interleaved>} : vector<32xbf16> -> vector<16xf32>
      %unpack3A_756 = tpu.unpack_subelements %mul3A_754, 1 {pack_format = #tpu.pack_format<interleaved>} : vector<32xbf16> -> vector<16xf32>
      %add3A_757 = arith.addf %unpack3A_755, %unpack3A_756 : vector<16xf32>
      %cumsum3A_758 = arith.constant true
      %cumsum3A_759 = vector.broadcast %cumsum3A_758 : i1 to vector<16xi1>
      %cumsum3A_760 = tpu.scan <sum>, %add3A_757 masked %cumsum3A_759 : vector<16xf32>, vector<16xi1> -> vector<16xf32>
      %add3A_761 = arith.constant 3 : i32
      %add3A_762 = arith.addi %mul3A_678, %add3A_761 : i32
      %mul3A_763 = arith.constant 16 : i32
      %mul3A_764 = arith.muli %add3A_762, %mul3A_763 : i32
      %swap3A_765 = arith.index_cast %mul3A_764 : i32 to index
      %swap3A_766 = tpu.vector_load %arg26[%swap3A_765] {strides = array<i32>} : memref<8192xf32, #tpu.memory_space<vmem>>, vector<16xf32>,
      tpu.vector_store %arg26[%swap3A_765], %cumsum3A_760 {strides = array<i32>} : memref<8192xf32, #tpu.memory_space<vmem>>, vector<16xf32>,
      %add3A_767 = arith.constant 4 : i32
      %add3A_768 = arith.addi %mul3A_678, %add3A_767 : i32
      %get3A_769 = arith.index_cast %add3A_768 : i32 to index
      %get3A_770 = arith.constant 0 : index
      %get3A_771 = tpu.vector_load %arg17[%get3A_769, %get3A_770] {strides = array<i32>} : memref<512x32xbf16, #tpu.memory_space<vmem>>, vector<32xbf16>,
      %add3A_772 = arith.constant 4 : i32
      %add3A_773 = arith.addi %mul3A_678, %add3A_772 : i32
      %get3A_774 = arith.index_cast %add3A_773 : i32 to index
      %get3A_775 = arith.constant 0 : index
      %get3A_776 = tpu.vector_load %arg21[%get3A_774, %get3A_775] {strides = array<i32>} : memref<512x32xbf16, #tpu.memory_space<vmem>>, vector<32xbf16>,
      %mul3A_777 = arith.mulf %get3A_771, %get3A_776 : vector<32xbf16>
      %unpack3A_778 = tpu.unpack_subelements %mul3A_777, 0 {pack_format = #tpu.pack_format<interleaved>} : vector<32xbf16> -> vector<16xf32>
      %unpack3A_779 = tpu.unpack_subelements %mul3A_777, 1 {pack_format = #tpu.pack_format<interleaved>} : vector<32xbf16> -> vector<16xf32>
      %add3A_780 = arith.addf %unpack3A_778, %unpack3A_779 : vector<16xf32>
      %cumsum3A_781 = arith.constant true
      %cumsum3A_782 = vector.broadcast %cumsum3A_781 : i1 to vector<16xi1>
      %cumsum3A_783 = tpu.scan <sum>, %add3A_780 masked %cumsum3A_782 : vector<16xf32>, vector<16xi1> -> vector<16xf32>
      %add3A_784 = arith.constant 4 : i32
      %add3A_785 = arith.addi %mul3A_678, %add3A_784 : i32
      %mul3A_786 = arith.constant 16 : i32
      %mul3A_787 = arith.muli %add3A_785, %mul3A_786 : i32
      %swap3A_788 = arith.index_cast %mul3A_787 : i32 to index
      %swap3A_789 = tpu.vector_load %arg26[%swap3A_788] {strides = array<i32>} : memref<8192xf32, #tpu.memory_space<vmem>>, vector<16xf32>,
      tpu.vector_store %arg26[%swap3A_788], %cumsum3A_783 {strides = array<i32>} : memref<8192xf32, #tpu.memory_space<vmem>>, vector<16xf32>,
      %add3A_790 = arith.constant 5 : i32
      %add3A_791 = arith.addi %mul3A_678, %add3A_790 : i32
      %get3A_792 = arith.index_cast %add3A_791 : i32 to index
      %get3A_793 = arith.constant 0 : index
      %get3A_794 = tpu.vector_load %arg17[%get3A_792, %get3A_793] {strides = array<i32>} : memref<512x32xbf16, #tpu.memory_space<vmem>>, vector<32xbf16>,
      %add3A_795 = arith.constant 5 : i32
      %add3A_796 = arith.addi %mul3A_678, %add3A_795 : i32
      %get3A_797 = arith.index_cast %add3A_796 : i32 to index
      %get3A_798 = arith.constant 0 : index
      %get3A_799 = tpu.vector_load %arg21[%get3A_797, %get3A_798] {strides = array<i32>} : memref<512x32xbf16, #tpu.memory_space<vmem>>, vector<32xbf16>,
      %mul3A_800 = arith.mulf %get3A_794, %get3A_799 : vector<32xbf16>
      %unpack3A_801 = tpu.unpack_subelements %mul3A_800, 0 {pack_format = #tpu.pack_format<interleaved>} : vector<32xbf16> -> vector<16xf32>
      %unpack3A_802 = tpu.unpack_subelements %mul3A_800, 1 {pack_format = #tpu.pack_format<interleaved>} : vector<32xbf16> -> vector<16xf32>
      %add3A_803 = arith.addf %unpack3A_801, %unpack3A_802 : vector<16xf32>
      %cumsum3A_804 = arith.constant true
      %cumsum3A_805 = vector.broadcast %cumsum3A_804 : i1 to vector<16xi1>
      %cumsum3A_806 = tpu.scan <sum>, %add3A_803 masked %cumsum3A_805 : vector<16xf32>, vector<16xi1> -> vector<16xf32>
      %add3A_807 = arith.constant 5 : i32
      %add3A_808 = arith.addi %mul3A_678, %add3A_807 : i32
      %mul3A_809 = arith.constant 16 : i32
      %mul3A_810 = arith.muli %add3A_808, %mul3A_809 : i32
      %swap3A_811 = arith.index_cast %mul3A_810 : i32 to index
      %swap3A_812 = tpu.vector_load %arg26[%swap3A_811] {strides = array<i32>} : memref<8192xf32, #tpu.memory_space<vmem>>, vector<16xf32>,
      tpu.vector_store %arg26[%swap3A_811], %cumsum3A_806 {strides = array<i32>} : memref<8192xf32, #tpu.memory_space<vmem>>, vector<16xf32>,
      %add3A_813 = arith.constant 6 : i32
      %add3A_814 = arith.addi %mul3A_678, %add3A_813 : i32
      %get3A_815 = arith.index_cast %add3A_814 : i32 to index
      %get3A_816 = arith.constant 0 : index
      %get3A_817 = tpu.vector_load %arg17[%get3A_815, %get3A_816] {strides = array<i32>} : memref<512x32xbf16, #tpu.memory_space<vmem>>, vector<32xbf16>,
      %add3A_818 = arith.constant 6 : i32
      %add3A_819 = arith.addi %mul3A_678, %add3A_818 : i32
      %get3A_820 = arith.index_cast %add3A_819 : i32 to index
      %get3A_821 = arith.constant 0 : index
      %get3A_822 = tpu.vector_load %arg21[%get3A_820, %get3A_821] {strides = array<i32>} : memref<512x32xbf16, #tpu.memory_space<vmem>>, vector<32xbf16>,
      %mul3A_823 = arith.mulf %get3A_817, %get3A_822 : vector<32xbf16>
      %unpack3A_824 = tpu.unpack_subelements %mul3A_823, 0 {pack_format = #tpu.pack_format<interleaved>} : vector<32xbf16> -> vector<16xf32>
      %unpack3A_825 = tpu.unpack_subelements %mul3A_823, 1 {pack_format = #tpu.pack_format<interleaved>} : vector<32xbf16> -> vector<16xf32>
      %add3A_826 = arith.addf %unpack3A_824, %unpack3A_825 : vector<16xf32>
      %cumsum3A_827 = arith.constant true
      %cumsum3A_828 = vector.broadcast %cumsum3A_827 : i1 to vector<16xi1>
      %cumsum3A_829 = tpu.scan <sum>, %add3A_826 masked %cumsum3A_828 : vector<16xf32>, vector<16xi1> -> vector<16xf32>
      %add3A_830 = arith.constant 6 : i32
      %add3A_831 = arith.addi %mul3A_678, %add3A_830 : i32
      %mul3A_832 = arith.constant 16 : i32
      %mul3A_833 = arith.muli %add3A_831, %mul3A_832 : i32
      %swap3A_834 = arith.index_cast %mul3A_833 : i32 to index
      %swap3A_835 = tpu.vector_load %arg26[%swap3A_834] {strides = array<i32>} : memref<8192xf32, #tpu.memory_space<vmem>>, vector<16xf32>,
      tpu.vector_store %arg26[%swap3A_834], %cumsum3A_829 {strides = array<i32>} : memref<8192xf32, #tpu.memory_space<vmem>>, vector<16xf32>,
      %add3A_836 = arith.constant 7 : i32
      %add3A_837 = arith.addi %mul3A_678, %add3A_836 : i32
      %get3A_838 = arith.index_cast %add3A_837 : i32 to index
      %get3A_839 = arith.constant 0 : index
      %get3A_840 = tpu.vector_load %arg17[%get3A_838, %get3A_839] {strides = array<i32>} : memref<512x32xbf16, #tpu.memory_space<vmem>>, vector<32xbf16>,
      %add3A_841 = arith.constant 7 : i32
      %add3A_842 = arith.addi %mul3A_678, %add3A_841 : i32
      %get3A_843 = arith.index_cast %add3A_842 : i32 to index
      %get3A_844 = arith.constant 0 : index
      %get3A_845 = tpu.vector_load %arg21[%get3A_843, %get3A_844] {strides = array<i32>} : memref<512x32xbf16, #tpu.memory_space<vmem>>, vector<32xbf16>,
      %mul3A_846 = arith.mulf %get3A_840, %get3A_845 : vector<32xbf16>
      %unpack3A_847 = tpu.unpack_subelements %mul3A_846, 0 {pack_format = #tpu.pack_format<interleaved>} : vector<32xbf16> -> vector<16xf32>
      %unpack3A_848 = tpu.unpack_subelements %mul3A_846, 1 {pack_format = #tpu.pack_format<interleaved>} : vector<32xbf16> -> vector<16xf32>
      %add3A_849 = arith.addf %unpack3A_847, %unpack3A_848 : vector<16xf32>
      %cumsum3A_850 = arith.constant true
      %cumsum3A_851 = vector.broadcast %cumsum3A_850 : i1 to vector<16xi1>
      %cumsum3A_852 = tpu.scan <sum>, %add3A_849 masked %cumsum3A_851 : vector<16xf32>, vector<16xi1> -> vector<16xf32>
      %add3A_853 = arith.constant 7 : i32
      %add3A_854 = arith.addi %mul3A_678, %add3A_853 : i32
      %mul3A_855 = arith.constant 16 : i32
      %mul3A_856 = arith.muli %add3A_854, %mul3A_855 : i32
      %swap3A_857 = arith.index_cast %mul3A_856 : i32 to index
      %swap3A_858 = tpu.vector_load %arg26[%swap3A_857] {strides = array<i32>} : memref<8192xf32, #tpu.memory_space<vmem>>, vector<16xf32>,
      tpu.vector_store %arg26[%swap3A_857], %cumsum3A_852 {strides = array<i32>} : memref<8192xf32, #tpu.memory_space<vmem>>, vector<16xf32>,
    }
    %scan3A_649 = arith.constant 64 : i32
    %scan3A_650 = arith.constant 0 : i32
    %scan3A_651 = arith.constant 0 : i32
    %scan3A_652 = arith.constant 32 : i32
    %scan3A_653 = arith.addi %scan3A_651, %scan3A_652 : i32
    %scan3A_654 = arith.constant 1 : i32
    scf.for %scan3A_676 = %scan3A_651 to %scan3A_653 step %scan3A_654  : i32 {
      %mul3A_677 = arith.constant 256 : i32
      %mul3A_678 = arith.muli %scan3A_676, %mul3A_677 : i32
      %add3A_679 = vector.broadcast %mul3A_678 : i32 to vector<16xi32>
      %add3A_680 = arith.addi %add3A_679, %add3A_8 : vector<16xi32>
      %gather3A = tpu.vector_load_idx %arg26[%add3A_680] : memref<8192xf32, #tpu.memory_space<vmem>>[vector<16xi32>], vector<16xf32>,
      %mul3A_681 = arith.constant 16 : i32
      %mul3A_682 = arith.muli %scan3A_676, %mul3A_681 : i32
      %swap3A = arith.index_cast %mul3A_682 : i32 to index
      %swap3A_683 = tpu.vector_load %arg25[%swap3A] {strides = array<i32>} : memref<512xf32, #tpu.memory_space<vmem>>, vector<16xf32>,
      tpu.vector_store %arg25[%swap3A], %gather3A {strides = array<i32>} : memref<512xf32, #tpu.memory_space<vmem>>, vector<16xf32>,
    }
    %scan3A_655 = arith.constant 32 : i32
    %add3A_656 = arith.constant 32256 : i32
    %add3A_657 = arith.addi %mul3A_2, %add3A_656 : i32
    %dma_start3A_658 = tpu.memref_slice %arg5[%add3A_657] : memref<1048576xf32, #tpu.memory_space<hbm>> -> memref<512xf32, #tpu.memory_space<hbm>>
    %dma_start3A_659 = tpu.memref_slice %arg5[%add3A_657] : memref<1048576xf32, #tpu.memory_space<hbm>> -> memref<512xf32, #tpu.memory_space<hbm>>
    tpu.enqueue_dma source(%arg25 : memref<512xf32, #tpu.memory_space<vmem>>) target(%dma_start3A_659 : memref<512xf32, #tpu.memory_space<hbm>>) target_semaphore(%arg38 : memref<!tpu.dma_semaphore, #tpu.memory_space<semaphore_mem>>)
    %dma_wait3A_660 = arith.constant 0 : i32
    %dma_wait3A_661 = tpu.memref_slice %arg5[%dma_wait3A_660] : memref<1048576xf32, #tpu.memory_space<hbm>> -> memref<512xf32, #tpu.memory_space<hbm>>
    %dma_wait3A_662 = arith.constant 0 : i32
    %dma_wait3A_663 = tpu.memref_slice %arg5[%dma_wait3A_662] : memref<1048576xf32, #tpu.memory_space<hbm>> -> memref<512xf32, #tpu.memory_space<hbm>>
    tpu.wait_dma2 semaphore(%arg35 : memref<!tpu.dma_semaphore, #tpu.memory_space<semaphore_mem>>) src(%arg22 : memref<512xf32, #tpu.memory_space<vmem>>) dst(%dma_wait3A_663 : memref<512xf32, #tpu.memory_space<hbm>>)
    %dma_wait3A_664 = arith.constant 0 : i32
    %dma_wait3A_665 = tpu.memref_slice %arg5[%dma_wait3A_664] : memref<1048576xf32, #tpu.memory_space<hbm>> -> memref<512xf32, #tpu.memory_space<hbm>>
    %dma_wait3A_666 = arith.constant 0 : i32
    %dma_wait3A_667 = tpu.memref_slice %arg5[%dma_wait3A_666] : memref<1048576xf32, #tpu.memory_space<hbm>> -> memref<512xf32, #tpu.memory_space<hbm>>
    tpu.wait_dma2 semaphore(%arg36 : memref<!tpu.dma_semaphore, #tpu.memory_space<semaphore_mem>>) src(%arg23 : memref<512xf32, #tpu.memory_space<vmem>>) dst(%dma_wait3A_667 : memref<512xf32, #tpu.memory_space<hbm>>)
    %dma_wait3A_668 = arith.constant 0 : i32
    %dma_wait3A_669 = tpu.memref_slice %arg5[%dma_wait3A_668] : memref<1048576xf32, #tpu.memory_space<hbm>> -> memref<512xf32, #tpu.memory_space<hbm>>
    %dma_wait3A_670 = arith.constant 0 : i32
    %dma_wait3A_671 = tpu.memref_slice %arg5[%dma_wait3A_670] : memref<1048576xf32, #tpu.memory_space<hbm>> -> memref<512xf32, #tpu.memory_space<hbm>>
    tpu.wait_dma2 semaphore(%arg37 : memref<!tpu.dma_semaphore, #tpu.memory_space<semaphore_mem>>) src(%arg24 : memref<512xf32, #tpu.memory_space<vmem>>) dst(%dma_wait3A_671 : memref<512xf32, #tpu.memory_space<hbm>>)
    %dma_wait3A_672 = arith.constant 0 : i32
    %dma_wait3A_673 = tpu.memref_slice %arg5[%dma_wait3A_672] : memref<1048576xf32, #tpu.memory_space<hbm>> -> memref<512xf32, #tpu.memory_space<hbm>>
    %dma_wait3A_674 = arith.constant 0 : i32
    %dma_wait3A_675 = tpu.memref_slice %arg5[%dma_wait3A_674] : memref<1048576xf32, #tpu.memory_space<hbm>> -> memref<512xf32, #tpu.memory_space<hbm>>
    tpu.wait_dma2 semaphore(%arg38 : memref<!tpu.dma_semaphore, #tpu.memory_space<semaphore_mem>>) src(%arg25 : memref<512xf32, #tpu.memory_space<vmem>>) dst(%dma_wait3A_675 : memref<512xf32, #tpu.memory_space<hbm>>)
    return
  }
}

</mosaic_0001>

<sc_bundles>
// kernel: kernel.3.cloned.1.call-start
scs
__scs_entry_jumppad:
0x0: {  	(pc) =	sbr.rel $0x88, $3  }
0x1: {  	(tag) =	ssettag $0x0;
	lr =	simm.s32 $0x1  }
0x2: {  	[smem:$0x3F9F] =	sst lr;
	_ =	strace $0xD0000000  }
0x3: {  	_ = 	snop  }
0x4: {  	_ = 	snop  }
0x5: {  	_ = 	snop  }
0x6: {  	_ = 	snop  }
0x7: {  	_ = 	snop  }
__scs_overlays_trampoline_lowered:
0x8: {  	[smem:$0x3FAE] =	sst s0  }
0x9: {  	[smem:$0x3FAF] =	sst s1  }
0xa: {  	[smem:$0x3FB0] =	sst s2  }
0xb: {  	[smem:$0x3FB1] =	sst s3  }
0xc: {  	[smem:$0x3FB2] =	sst s4  }
0xd: {  	[smem:$0x3FB3] =	sst s5  }
0xe: {  	[smem:$0x3FB4] =	sst s6  }
0xf: {  	[smem:$0x3FB5] =	sst s7  }
0x10: {  	[smem:$0x3FB6] =	sst s8  }
0x11: {  	[smem:$0x3FB7] =	sst s9;
	s0 =	simm.s32 @!p0 $0x0  }
0x12: {  	s1 =	sld [smem:$0x3F9D];
	s0 =	simm.s32 @p0 $0x1  }
0x13: {  	[smem:$0x3FB8] =	sst s0;
	s0 =	simm.s32 @!p1 $0x0  }
0x14: {  	s2 =	sld [smem:$0x3F9C];
	s0 =	simm.s32 @p1 $0x1  }
0x15: {  	[smem:$0x3FB9] =	sst s0;
	s0 =	simm.s32 @!p2 $0x0  }
0x16: {  	s3 =	sld [smem:$0x3FDB];
	s0 =	simm.s32 @p2 $0x1  }
0x17: {  	s4 =	simm.s32 $0x1BF5;
	[smem:$0x3FBB] =	sst s0  }
0x18: {  	s0 =	sld [smem:$0x3F9E];
	_ =	swait.ge [sflag:s4], $0x0  }
0x19: {  	s7 =	sld [smem:$0x3F9F]  }
0x1a: {  	s8 =	sadd.s32 $0xFFFFE003, lr  }
0x1b: {  	s9 =	sadd.s32 $0xFFFFFEF7, lr;
	s5 =	simm.s32 $0xFFFFFFFF;
	p2 =	slt.u32 s8, $0xFFFFF086  }
0x1c: {  	p1 =	slt.u32 s9, $0xF7A;
	s5 =	simm.s32 @!p2 $0x0  }
0x1d: {  	s5 =	simm.s32 @p1 $0x1;
	p0 =	seq.s32 s7, s2  }
0x1e: {  	s7 =	smul.u32 @!p0 $0xF7A, s2;
	p2 =	seq.s32 @!p0 s5, $0x0  }
0x1f: {  	s9 =	smul.u32 $0xF7A, s1;
	s8 =	simm.s32 @!p0 $0x1BF5;
	p2 =	por !p2, p0  }
0x20: {  	[sflag:s8] =	ssyncset.s32 @!p0 $0xFFFFF086;
	s6 =	sadd.s32 @!p0 s3, s7;
	s7 =	simm.s32 @!p0 $0x108  }
0x21: {  	s3 =	sadd.s32 s3, s9;
	s6 =	sadd.s32 @!p0 $0x88, s6;
	s7 =	simm.s32 @p2 $0x1082  }
0x22: {  	[simem:s7], [sflag:s8] =	dma.local @!p0 [hbm:s6], $0xF7A  }
0x23: {  	s9 =	sor.u32 $0xD0000000, s2;
	s6 =	simm.s32 $0x108;
	_ =	swait.ge @!p0 [sflag:s8], $0x0  }
0x24: {  	s3 =	sadd.s32 $0x88, s3;
	s6 =	simm.s32 @!p1 $0x1082;
	[sflag:s4] =	ssyncset.s32 $0xFFFFF086  }
0x25: {  	[simem:s6], [sflag:s4] =	dma.local [hbm:s3], $0xF7A  }
0x26: {  	[smem:$0x3F9F] =	sst s1;
	(tag) =	ssettag s2;
	_ =	strace s9  }
0x27: {  	s1 =	sld [smem:$0x3FAF]  }
0x28: {  	s2 =	sld [smem:$0x3FB0]  }
0x29: {  	s4 =	sld [smem:$0x3FB2]  }
0x2a: {  	p0 =	seq.s32 s5, $0x0;
	s5 =	sld [smem:$0x3FB3]  }
0x2b: {  	s6 =	sld [smem:$0x3FB4]  }
0x2c: {  	s7 =	sld [smem:$0x3FB5]  }
0x2d: {  	s3 =	simm.s32 $0x108;
	s8 =	sld [smem:$0x3FB6]  }
0x2e: {  	s3 =	simm.s32 @!p0 $0x1082;
	s9 =	sld [smem:$0x3FB7]  }
0x2f: {  	lr =	sadd.s32 s0, s3;
	s0 =	sld [smem:$0x3FAE]  }
0x30: {  	s3 =	sld [smem:$0x3FB1]  }
0x31: {  	[smem:$0x3FBA] =	sst s10  }
0x32: {  	s10 =	sld [smem:$0x3FB8];
	_ =	sdelay $0x3  }
0x33: {  	p0 =	seq.s32 s10, $0x1;
	s10 =	sld [smem:$0x3FBA];
	_ =	sdelay $0x3  }
0x34: {  	[smem:$0x3FBA] =	sst s10  }
0x35: {  	s10 =	sld [smem:$0x3FB9];
	_ =	sdelay $0x3  }
0x36: {  	p1 =	seq.s32 s10, $0x1;
	s10 =	sld [smem:$0x3FBA];
	_ =	sdelay $0x3  }
0x37: {  	[smem:$0x3FBA] =	sst s10  }
0x38: {  	s10 =	sld [smem:$0x3FBB]  }
0x39: {  	_ = 	snop;
	(pc) =	sbr.ind lr, $3  }
0x3a: {  	_ = 	snop  }
0x3b: {  	_ = 	snop  }
0x3c: {  	p2 =	seq.s32 s10, $0x1;
	s10 =	sld [smem:$0x3FBA]  }
0x3d: {  	_ =	shalt  }
0x3e: {  	_ =	shalt  }
0x3f: {  	_ =	shalt  }
0x40: {  	_ =	shalt  }
0x41: {  	_ =	shalt  }
0x42: {  	_ =	shalt  }
0x43: {  	_ =	shalt  }
0x44: {  	_ =	shalt  }
0x45: {  	_ =	shalt  }
0x46: {  	_ =	shalt  }
0x47: {  	_ =	shalt  }
0x48: {  	_ =	shalt  }
0x49: {  	_ =	shalt  }
0x4a: {  	_ =	shalt  }
0x4b: {  	_ =	shalt  }
0x4c: {  	_ =	shalt  }
0x4d: {  	_ =	shalt  }
0x4e: {  	_ =	shalt  }
0x4f: {  	_ =	shalt  }
0x50: {  	_ =	shalt  }
0x51: {  	_ =	shalt  }
0x52: {  	_ =	shalt  }
0x53: {  	_ =	shalt  }
0x54: {  	_ =	shalt  }
0x55: {  	_ =	shalt  }
0x56: {  	_ =	shalt  }
0x57: {  	_ =	shalt  }
0x58: {  	_ =	shalt  }
0x59: {  	_ =	shalt  }
0x5a: {  	_ =	shalt  }
0x5b: {  	_ =	shalt  }
0x5c: {  	_ =	shalt  }
0x5d: {  	_ =	shalt  }
0x5e: {  	_ =	shalt  }
0x5f: {  	_ =	shalt  }
0x60: {  	_ =	shalt  }
0x61: {  	_ =	shalt  }
0x62: {  	_ =	shalt  }
0x63: {  	_ =	shalt  }
0x64: {  	_ =	shalt  }
0x65: {  	_ =	shalt  }
0x66: {  	_ =	shalt  }
0x67: {  	_ =	shalt  }
0x68: {  	_ =	shalt  }
0x69: {  	_ =	shalt  }
0x6a: {  	_ =	shalt  }
0x6b: {  	_ =	shalt  }
0x6c: {  	_ =	shalt  }
0x6d: {  	_ =	shalt  }
0x6e: {  	_ =	shalt  }
0x6f: {  	_ =	shalt  }
0x70: {  	_ =	shalt  }
0x71: {  	_ =	shalt  }
0x72: {  	_ =	shalt  }
0x73: {  	_ =	shalt  }
0x74: {  	_ =	shalt  }
0x75: {  	_ =	shalt  }
0x76: {  	_ =	shalt  }
0x77: {  	_ =	shalt  }
0x78: {  	_ =	shalt  }
0x79: {  	_ =	shalt  }
0x7a: {  	_ =	shalt  }
0x7b: {  	_ =	shalt  }
0x7c: {  	_ =	shalt  }
0x7d: {  	_ =	shalt  }
0x7e: {  	_ =	shalt  }
0x7f: {  	_ =	shalt  }
0x80: {  	_ =	shalt  }
0x81: {  	_ =	shalt  }
0x82: {  	_ =	shalt  }
0x83: {  	_ =	shalt  }
0x84: {  	_ =	shalt  }
0x85: {  	_ =	shalt  }
0x86: {  	_ =	shalt  }
0x87: {  	_ =	shalt  }
.Lfunc_end0:
.L_simem_size_0:
called_computation.2_lowered:
.L_overlay_start_0:
0x88: {  	s2 =	sld [smem:$0x3FD9]  }
0x89: {  	s3 =	sld [smem:$0x3FFE];
	_ =	sdelay $0x1  }
0x8a: {  	s1 =	srdreg.scid  }
0x8b: {  	s0 =	sand.u32 $0x1, s1  }
0x8c: {  	s17 =	sshll.u32 s0, $0xA;
	s2 =	sadd.s32 s3, s2  }
0x8d: {  	s2 =	sadd.s32 s2, s17  }
0x8e: {  	[smem:$0x3FC6] =	sst s2  }
0x8f: {  	_ = 	snop  }
0x90: {  	s2 =	sld [smem:$0x3FD0];
	(tm) =	ssettm $0x1  }
0x91: {  	s18 =	sld [smem:$0x3FFB];
	_ =	sdelay $0x3  }
0x92: {  	_ =	strace s18  }
0x93: {  	s3 =	sld [smem:$0x3FFC];
	_ =	sdelay $0x3  }
0x94: {  	_ =	strace s3  }
0x95: {  	s3 =	sld [smem:$0x3FFD];
	_ =	sdelay $0x3  }
0x96: {  	_ =	strace s3  }
0x97: {  	_ =	strace $0x8FFFFFFF  }
0x98: {  	s19 =	sld [smem:$0x3FDB];
	_ =	sdelay $0x1  }
0x99: {  	s4 =	simm.s32 $_scs_section_size  }
0x9a: {  	s5 =	simm.s32 $_size__tile_overlayer_lowered;
	s6 =	simm.s32 $_tile_overlayer_lowered  }
0x9b: {  	s22 =	simm.s32 $0x1BFF;
	s21 =	sshll.u32 s6, $0x1;
	s3 =	sadd.s32 s4, s19  }
0x9c: {  	s7 =	simm.s32 $0x0;
	s20 =	sshll.u32 s5, $0x1;
	s5 =	sadd.s32 s21, s3  }
0x9d: {  	[timem:s7], [sflag:s22] =	dma.local [hbm:s5], s20  }
0x9e: {  	_ =	swait.ge [sflag:s22], s20  }
0x9f: {  	s4 =	ssub.s32 $0x0, s20;
	[sflag:s22] =	ssyncset.done $0x0  }
0xa0: {  	[sflag:s22] =	ssyncadd.s32 s4;
	_ =	sdelay $0x1  }
0xa1: {  	s23 =	simm.s32 $0x1B8B  }
0xa2: {  	_ =	swait.ge [sflag:s23], $0x1  }
0xa3: {  	[sflag:s23] =	ssyncset.done $0x0  }
0xa4: {  	s25 =	simm.s32 $0x1B8E;
	s24 =	sld [smem:$0x3FFE];
	[sflag:s23] =	ssyncadd.s32 $0xFFFFFFFF  }
0xa5: {  	s26 =	simm.s32 $execute0_lowered;
	[smem:$0x3FD2] =	sst s25  }
0xa6: {  	s5 =	sshll.u32 s26, $0x1;
	_ =	strace $0x8000004C;
	[dreg:$0x1] =	wrdreg $0xFFFFFFFF  }
0xa7: {  	s28 =	simm.s32 $_size_execute0_lowered;
	s3 =	sadd.s32 s3, s5;
	[dreg:$0x0] =	wrdreg $0x0  }
0xa8: {  	s5 =	sshll.u32 s28, $0x1;
	[dreg:$0x2] =	wrdreg s3  }
0xa9: {  	[dreg:$0x3] =	wrdreg s5  }
0xaa: {  	[dreg:$0x4] =	wrdreg $0xC0  }
0xab: {  	_ =	task [dreg:s7], $0x5FFFF  }
0xac: {  	[dreg:$0x1] =	wrdreg $0xFFFFFFFF  }
0xad: {  	[dreg:$0x0] =	wrdreg $0x60  }
0xae: {  	[dreg:$0x2] =	wrdreg s24  }
0xaf: {  	[dreg:$0x3] =	wrdreg s2  }
0xb0: {  	[dreg:$0x4] =	wrdreg $0x9  }
0xb1: {  	_ =	task.clear_ibuf [dreg:s7], $0x5FFFF;
	_ =	strace $0x9000004C  }
0xb2: {  	s29 =	simm.s32 $0x9;
	_ =	strace $0x8000004E  }
0xb3: {  	_ =	swait.ge [sflag:s29], $0x1  }
0xb4: {  	[sflag:s29] =	ssyncadd.s32 $0xFFFFFFFF  }
0xb5: {  	_ =	strace $0x9000004E  }
0xb6: {  	_ =	sfence  }
0xb7: {  	s30 =	sld [smem:$0x0];
	_ =	sdelay $0x2  }
0xb8: {  	s31 =	sshll.u32 s1, $0xD;
	s1 =	sshrl.u32 s1, $0x2  }
0xb9: {  	s3 =	sand.u32 $0x4000, s31;
	s1 =	sadd.s32 s1, s30  }
0xba: {  	s0 =	sor.u32 s3, s0;
	s1 =	sshll.u32 s1, $0x11  }
0xbb: {  	s0 =	sor.u32 s1, s0  }
0xbc: {  	s0 =	sadd.s32 $0x8F2B, s0  }
0xbd: {  	[sflag:s0] =	ssyncadd.remote.s32 $0x1  }
0xbe: {  	_ =	sfence.sel $0xFFFF  }
0xbf: {  	[dreg:$0x0] =	wrdreg $0xFFFFFFFF;
	(pc) =	sbr.abs _section_cstart, $3  }
0xc0: {  	[dreg:$0x1] =	wrdreg $0xFFFFFFFF  }
0xc1: {  	_ =	task.clear_ibuf [dreg:s7], $0x2FFFF;
	_ =	strace $0x9FFFFFFF  }
0xc2: {  	(tm) =	ssettm $0x7FFFFFFF  }
0xc3: {  	_ =	shalt  }
tec
execute0_lowered:
.L_overlay_start_1:
0x0: {  	(tag) =	ssettag $0x1  }
0x1: {  	s0 =	rddreg [dreg:$0x0]  }
0x2: {  	s9 =	rddreg [dreg:$0x1];
	s2 =	simm.s32 $0x0  }
0x3: {  	s1 =	srdreg.scid;
	s5 =	stileid.u32;
	s28 =	simm.s32 $0xA00  }
0x4: {  	s29 =	simm.s32 $0x400;
	s30 =	simm.s32 $0xC00;
	s31 =	simm.s32 $0x1  }
0x5: {  	s11 =	simm.s32 $0x600;
	[smem:$0x7FF] =	sst s2;
	s4 =	sadd.s32 $0x1000, s0  }
0x6: {  	s1 =	sand.u32 $0x1, s1;
	s6 =	sshll.u32 s5, $0x10;
	s5 =	sadd.s32 $0x3F1C00, s0  }
0x7: {  	s7 =	sadd.s32 $0x3D1C00, s0;
	s3 =	ssub.s32 $0x2, s1;
	s1 =	sshll.u32 s1, $0xF  }
0x8: {  	_ =	strace $0x8000004D;
	s8 =	sshrl.u32 s3, $0x1;
	s6 =	sor.u32 s1, s6  }
0x9: {  	s12 =	ssub.s32 s3, s8;
	s1 =	sshrl.u32 s6, $0x3;
	s21 =	sor.u32 $0x800, s6  }
0xa: {  	s22 =	sor.u32 $0xA00, s6;
	s23 =	sor.u32 $0xC00, s6;
	[dreg:$0xb] =	wrdreg s21  }
0xb: {  	s8 =	simm.s32 $0x3;
	s13 =	sadd.s32 s5, s1;
	[dreg:$0xc] =	wrdreg s22  }
0xc: {  	s14 =	sadd.s32 s7, s1;
	s15 =	sor.u32 $0x40, s1;
	[dreg:$0xd] =	wrdreg s23  }
0xd: {  	s17 =	sor.u32 $0x80, s1;
	s19 =	sor.u32 $0xC0, s1;
	[dreg:$0x3] =	wrdreg s13  }
0xe: {  	s1 =	sadd.s32 s1, s9;
	s0 =	smax.u32 s12, $0x1;
	[dreg:$0x4] =	wrdreg s14  }
0xf: {  	s12 =	simm.s32 $0xE00;
	s16 =	sadd.s32 s5, s15;
	[dreg:$0x12] =	wrdreg s0  }
0x10: {  	s21 =	simm.s32 $0x7;
	s3 =	sadd.s32 s7, s15;
	[dreg:$0x5] =	wrdreg s16  }
0x11: {  	s23 =	simm.s32 $0x8;
	s18 =	sadd.s32 s5, s17;
	[dreg:$0x6] =	wrdreg s3  }
0x12: {  	s20 =	sadd.s32 s5, s19;
	s24 =	sadd.s32 $0xF00, s1;
	[dreg:$0x7] =	wrdreg s18  }
0x13: {  	s25 =	sadd.s32 $0xF40, s1;
	s26 =	sadd.s32 $0xF80, s1;
	[dreg:$0x9] =	wrdreg s20  }
0x14: {  	s1 =	sadd.s32 $0xFC0, s1;
	s0 =	simm.s32 $0x80;
	[dreg:$0xe] =	wrdreg s24  }
0x15: {  	s13 =	simm.s32 $0x5;
	s14 =	simm.s32 $0x4;
	[dreg:$0xf] =	wrdreg s25  }
0x16: {  	s15 =	simm.s32 $0x6;
	s3 =	sadd.s32 s7, s17;
	[dreg:$0x10] =	wrdreg s26  }
0x17: {  	v0 =	vlaneseq.u32;
	s17 =	smov.u32 s9;
	s18 =	smov.u32 s6;
	[dreg:$0x11] =	wrdreg s1  }
0x18: {  	v0 =	vmul.u32 $0x10, v0;
	s25 =	simm.s32 $0x800;
	s26 =	simm.s32 $0x200;
	s24 =	simm.s32 $0x2  }
0x19: {  	s9 =	simm.s32 $0x11800;
	[dreg:$0x8] =	wrdreg s3;
	s3 =	sadd.s32 s7, s19  }
0x1a: {  	v0 =	vor.u32 $0xF, v0;
	s19 =	sor.u32 $0xE00, s6;
	s6 =	simm.s32 $0x0;
	[dreg:$0xa] =	wrdreg s3  }
.LBB2_1:
0x1b: {  	[dreg:$0x13] =	wrdreg s6  }
0x1c: {  	s1 =	rddreg [dreg:$0x3]  }
0x1d: {  	[tilespmem:s2], [sflag:$0x1] =	stream.linear.gather [hbm4b:s1+s2], $0x200, $0x38;
	[tilespmem:$0x13800] =	vst v63  }
0x1e: {  	s6 =	rddreg [dreg:$0x4]  }
0x1f: {  	[tilespmem:s25], [sflag:$0x1] =	stream.linear.gather [hbm4b:s6+s2], $0x200, $0x38;
	[tilespmem:$0x13800] =	vst v63  }
0x20: {  	s10 =	rddreg [dreg:$0x5]  }
0x21: {  	[tilespmem:s26], [sflag:$0x2] =	stream.linear.gather [hbm4b:s10+s2], $0x200, $0x38;
	[tilespmem:$0x13800] =	vst v63  }
0x22: {  	s16 =	rddreg [dreg:$0x6]  }
0x23: {  	[tilespmem:s28], [sflag:$0x2] =	stream.linear.gather [hbm4b:s16+s2], $0x200, $0x38;
	[tilespmem:$0x13800] =	vst v63  }
0x24: {  	s20 =	rddreg [dreg:$0x7]  }
0x25: {  	[tilespmem:s29], [sflag:$0x3] =	stream.linear.gather [hbm4b:s20+s2], $0x200, $0x38;
	[tilespmem:$0x13800] =	vst v63  }
0x26: {  	s22 =	rddreg [dreg:$0x8]  }
0x27: {  	[tilespmem:s30], [sflag:$0x3] =	stream.linear.gather [hbm4b:s22+s2], $0x200, $0x38;
	[tilespmem:$0x13800] =	vst v63  }
0x28: {  	_ =	swait.ge [sflag:s31], $0x200  }
0x29: {  	[sflag:s31] =	ssyncset.done $0x0  }
0x2a: {  	[sflag:s31] =	ssyncadd.s32 $0xFFFFFE00  }
0x2b: {  	_ =	swait.ge [sflag:s31], $0x200  }
0x2c: {  	[sflag:s31] =	ssyncset.done $0x0  }
0x2d: {  	s3 =	simm.s32 $0x1000;
	[sflag:s31] =	ssyncadd.s32 $0xFFFFFE00  }
0x2e: {  	[tilespmem:s3], [sflag:$0x5] =	stream.indirect.gather [hbm4b:s4+s0], $0x10, s2, s0, $0xb8;
	[tilespmem:$0x13800] =	vst v63  }
0x2f: {  	s6 =	simm.s32 $0x9000  }
0x30: {  	[tilespmem:s6], [sflag:$0x5] =	stream.indirect.gather [hbm4b:s4+s0], $0x10, s25, s0, $0xb8;
	[tilespmem:$0x13800] =	vst v63  }
0x31: {  	s10 =	simm.s32 $0x1800  }
0x32: {  	[tilespmem:s10], [sflag:$0x5] =	stream.indirect.gather [hbm4b:s4+s0], $0x10, s0, s0, $0xb8;
	[tilespmem:$0x13800] =	vst v63  }
0x33: {  	s16 =	simm.s32 $0x880;
	s3 =	simm.s32 $0x9800  }
0x34: {  	[tilespmem:s3], [sflag:$0x5] =	stream.indirect.gather [hbm4b:s4+s0], $0x10, s16, s0, $0xb8;
	[tilespmem:$0x13800] =	vst v63  }
0x35: {  	s20 =	simm.s32 $0x100;
	s22 =	simm.s32 $0x2000  }
0x36: {  	[tilespmem:s22], [sflag:$0x5] =	stream.indirect.gather [hbm4b:s4+s0], $0x10, s20, s0, $0xb8;
	[tilespmem:$0x13800] =	vst v63  }
0x37: {  	s6 =	simm.s32 $0xA000;
	s3 =	simm.s32 $0x900  }
0x38: {  	[tilespmem:s6], [sflag:$0x5] =	stream.indirect.gather [hbm4b:s4+s0], $0x10, s3, s0, $0xb8;
	[tilespmem:$0x13800] =	vst v63  }
0x39: {  	s10 =	simm.s32 $0x180;
	s16 =	simm.s32 $0x2800  }
0x3a: {  	[tilespmem:s16], [sflag:$0x5] =	stream.indirect.gather [hbm4b:s4+s0], $0x10, s10, s0, $0xb8;
	[tilespmem:$0x13800] =	vst v63  }
0x3b: {  	s20 =	simm.s32 $0x980;
	s22 =	simm.s32 $0xA800  }
0x3c: {  	[tilespmem:s22], [sflag:$0x5] =	stream.indirect.gather [hbm4b:s4+s0], $0x10, s20, s0, $0xb8;
	[tilespmem:$0x13800] =	vst v63  }
0x3d: {  	_ =	swait.ge [sflag:s24], $0x200  }
0x3e: {  	[sflag:s24] =	ssyncset.done $0x0  }
0x3f: {  	[sflag:s24] =	ssyncadd.s32 $0xFFFFFE00  }
0x40: {  	_ =	swait.ge [sflag:s24], $0x200  }
0x41: {  	[sflag:s24] =	ssyncset.done $0x0  }
0x42: {  	s3 =	simm.s32 $0x3000;
	[sflag:s24] =	ssyncadd.s32 $0xFFFFFE00  }
0x43: {  	[tilespmem:s3], [sflag:$0x6] =	stream.indirect.gather [hbm4b:s4+s0], $0x10, s26, s0, $0xb8;
	[tilespmem:$0x13800] =	vst v63  }
0x44: {  	s6 =	simm.s32 $0xB000  }
0x45: {  	[tilespmem:s6], [sflag:$0x6] =	stream.indirect.gather [hbm4b:s4+s0], $0x10, s28, s0, $0xb8;
	[tilespmem:$0x13800] =	vst v63  }
0x46: {  	s10 =	simm.s32 $0x280;
	s16 =	simm.s32 $0x3800  }
0x47: {  	[tilespmem:s16], [sflag:$0x6] =	stream.indirect.gather [hbm4b:s4+s0], $0x10, s10, s0, $0xb8;
	[tilespmem:$0x13800] =	vst v63  }
0x48: {  	s20 =	simm.s32 $0xA80;
	s22 =	simm.s32 $0xB800  }
0x49: {  	[tilespmem:s22], [sflag:$0x6] =	stream.indirect.gather [hbm4b:s4+s0], $0x10, s20, s0, $0xb8;
	[tilespmem:$0x13800] =	vst v63  }
0x4a: {  	s3 =	simm.s32 $0x300;
	s6 =	simm.s32 $0x4000  }
0x4b: {  	[tilespmem:s6], [sflag:$0x6] =	stream.indirect.gather [hbm4b:s4+s0], $0x10, s3, s0, $0xb8;
	[tilespmem:$0x13800] =	vst v63  }
0x4c: {  	s10 =	simm.s32 $0xB00;
	s16 =	simm.s32 $0xC000  }
0x4d: {  	[tilespmem:s16], [sflag:$0x6] =	stream.indirect.gather [hbm4b:s4+s0], $0x10, s10, s0, $0xb8;
	[tilespmem:$0x13800] =	vst v63  }
0x4e: {  	s20 =	simm.s32 $0x380;
	s22 =	simm.s32 $0x4800  }
0x4f: {  	[tilespmem:s22], [sflag:$0x6] =	stream.indirect.gather [hbm4b:s4+s0], $0x10, s20, s0, $0xb8;
	[tilespmem:$0x13800] =	vst v63  }
0x50: {  	s3 =	simm.s32 $0xB80;
	s6 =	simm.s32 $0xC800  }
0x51: {  	[tilespmem:s6], [sflag:$0x6] =	stream.indirect.gather [hbm4b:s4+s0], $0x10, s3, s0, $0xb8;
	[tilespmem:$0x13800] =	vst v63  }
0x52: {  	_ =	swait.ge [sflag:s8], $0x200  }
0x53: {  	[sflag:s8] =	ssyncset.done $0x0  }
0x54: {  	[sflag:s8] =	ssyncadd.s32 $0xFFFFFE00  }
0x55: {  	_ =	swait.ge [sflag:s8], $0x200  }
0x56: {  	[sflag:s8] =	ssyncset.done $0x0  }
0x57: {  	s10 =	simm.s32 $0x5000;
	[sflag:s8] =	ssyncadd.s32 $0xFFFFFE00  }
0x58: {  	[tilespmem:s10], [sflag:$0x7] =	stream.indirect.gather [hbm4b:s4+s0], $0x10, s29, s0, $0xb8;
	[tilespmem:$0x13800] =	vst v63  }
0x59: {  	s16 =	simm.s32 $0xD000  }
0x5a: {  	[tilespmem:s16], [sflag:$0x7] =	stream.indirect.gather [hbm4b:s4+s0], $0x10, s30, s0, $0xb8;
	[tilespmem:$0x13800] =	vst v63  }
0x5b: {  	s20 =	simm.s32 $0x480;
	s22 =	simm.s32 $0x5800  }
0x5c: {  	[tilespmem:s22], [sflag:$0x7] =	stream.indirect.gather [hbm4b:s4+s0], $0x10, s20, s0, $0xb8;
	[tilespmem:$0x13800] =	vst v63  }
0x5d: {  	s3 =	simm.s32 $0xC80;
	s6 =	simm.s32 $0xD800  }
0x5e: {  	[tilespmem:s6], [sflag:$0x7] =	stream.indirect.gather [hbm4b:s4+s0], $0x10, s3, s0, $0xb8;
	[tilespmem:$0x13800] =	vst v63  }
0x5f: {  	s10 =	simm.s32 $0x500;
	s16 =	simm.s32 $0x6000  }
0x60: {  	[tilespmem:s16], [sflag:$0x7] =	stream.indirect.gather [hbm4b:s4+s0], $0x10, s10, s0, $0xb8;
	[tilespmem:$0x13800] =	vst v63  }
0x61: {  	s20 =	simm.s32 $0xD00;
	s22 =	simm.s32 $0xE000  }
0x62: {  	[tilespmem:s22], [sflag:$0x7] =	stream.indirect.gather [hbm4b:s4+s0], $0x10, s20, s0, $0xb8;
	[tilespmem:$0x13800] =	vst v63  }
0x63: {  	s3 =	simm.s32 $0x580;
	s6 =	simm.s32 $0x6800  }
0x64: {  	[tilespmem:s6], [sflag:$0x7] =	stream.indirect.gather [hbm4b:s4+s0], $0x10, s3, s0, $0xb8;
	[tilespmem:$0x13800] =	vst v63  }
0x65: {  	s10 =	simm.s32 $0xD80;
	s16 =	simm.s32 $0xE800  }
0x66: {  	[tilespmem:s16], [sflag:$0x7] =	stream.indirect.gather [hbm4b:s4+s0], $0x10, s10, s0, $0xb8;
	[tilespmem:$0x13800] =	vst v63  }
0x67: {  	s20 =	rddreg [dreg:$0x9]  }
0x68: {  	[tilespmem:s11], [sflag:$0x4] =	stream.linear.gather [hbm4b:s20+s2], $0x200, $0x38;
	[tilespmem:$0x13800] =	vst v63  }
0x69: {  	s22 =	rddreg [dreg:$0xa];
	s10 =	simm.s32 $0x0  }
0x6a: {  	[tilespmem:s12], [sflag:$0x4] =	stream.linear.gather [hbm4b:s22+s2], $0x200, $0x38;
	[tilespmem:$0x13800] =	vst v63  }
.LBB2_2:
0x6b: {  	_ =	swait.ge [sflag:s13], $0x800  }
0x6c: {  	[sflag:s13] =	ssyncset.done $0x0  }
0x6d: {  	[sflag:s13] =	ssyncadd.s32 $0xFFFFF800  }
0x6e: {  	_ =	swait.ge [sflag:s13], $0x800  }
0x6f: {  	[sflag:s13] =	ssyncset.done $0x0  }
0x70: {  	[sflag:s13] =	ssyncadd.s32 $0xFFFFF800  }
0x71: {  	_ =	swait.ge [sflag:s13], $0x800  }
0x72: {  	[sflag:s13] =	ssyncset.done $0x0  }
0x73: {  	[sflag:s13] =	ssyncadd.s32 $0xFFFFF800  }
0x74: {  	_ =	swait.ge [sflag:s13], $0x800  }
0x75: {  	[sflag:s13] =	ssyncset.done $0x0  }
0x76: {  	[sflag:s13] =	ssyncadd.s32 $0xFFFFF800  }
0x77: {  	_ =	swait.ge [sflag:s13], $0x800  }
0x78: {  	[sflag:s13] =	ssyncset.done $0x0  }
0x79: {  	[sflag:s13] =	ssyncadd.s32 $0xFFFFF800  }
0x7a: {  	_ =	swait.ge [sflag:s13], $0x800  }
0x7b: {  	[sflag:s13] =	ssyncset.done $0x0  }
0x7c: {  	[sflag:s13] =	ssyncadd.s32 $0xFFFFF800  }
0x7d: {  	_ =	swait.ge [sflag:s13], $0x800  }
0x7e: {  	[sflag:s13] =	ssyncset.done $0x0  }
0x7f: {  	[sflag:s13] =	ssyncadd.s32 $0xFFFFF800  }
0x80: {  	_ =	swait.ge [sflag:s13], $0x800  }
0x81: {  	[sflag:s13] =	ssyncset.done $0x0  }
0x82: {  	[sflag:s13] =	ssyncadd.s32 $0xFFFFF800  }
0x83: {  	_ =	swait.ge [sflag:s14], $0x200  }
0x84: {  	[sflag:s14] =	ssyncset.done $0x0  }
0x85: {  	[sflag:s14] =	ssyncadd.s32 $0xFFFFFE00  }
0x86: {  	_ =	swait.ge [sflag:s14], $0x200  }
0x87: {  	[sflag:s14] =	ssyncset.done $0x0  }
0x88: {  	s1 =	simm.s32 $0x7000;
	[sflag:s14] =	ssyncadd.s32 $0xFFFFFE00  }
0x89: {  	[tilespmem:s1], [sflag:$0x8] =	stream.indirect.gather [hbm4b:s4+s0], $0x10, s11, s0, $0xb8;
	[tilespmem:$0x13800] =	vst v63  }
0x8a: {  	s20 =	simm.s32 $0xF000  }
0x8b: {  	[tilespmem:s20], [sflag:$0x8] =	stream.indirect.gather [hbm4b:s4+s0], $0x10, s12, s0, $0xb8;
	[tilespmem:$0x13800] =	vst v63  }
0x8c: {  	s22 =	simm.s32 $0x680;
	s3 =	simm.s32 $0x7800  }
0x8d: {  	[tilespmem:s3], [sflag:$0x8] =	stream.indirect.gather [hbm4b:s4+s0], $0x10, s22, s0, $0xb8;
	[tilespmem:$0x13800] =	vst v63  }
0x8e: {  	s6 =	simm.s32 $0xE80;
	s16 =	simm.s32 $0xF800  }
0x8f: {  	[tilespmem:s16], [sflag:$0x8] =	stream.indirect.gather [hbm4b:s4+s0], $0x10, s6, s0, $0xb8;
	[tilespmem:$0x13800] =	vst v63  }
0x90: {  	s20 =	simm.s32 $0x700;
	s22 =	simm.s32 $0x8000  }
0x91: {  	[tilespmem:s22], [sflag:$0x8] =	stream.indirect.gather [hbm4b:s4+s0], $0x10, s20, s0, $0xb8;
	[tilespmem:$0x13800] =	vst v63  }
0x92: {  	s6 =	simm.s32 $0xF00;
	s16 =	simm.s32 $0x10000  }
0x93: {  	[tilespmem:s16], [sflag:$0x8] =	stream.indirect.gather [hbm4b:s4+s0], $0x10, s6, s0, $0xb8;
	[tilespmem:$0x13800] =	vst v63  }
0x94: {  	s20 =	simm.s32 $0x780;
	s22 =	simm.s32 $0x8800  }
0x95: {  	[tilespmem:s22], [sflag:$0x8] =	stream.indirect.gather [hbm4b:s4+s0], $0x10, s20, s0, $0xb8;
	[tilespmem:$0x13800] =	vst v63  }
0x96: {  	s16 =	rddreg [dreg:$0xb];
	s20 =	sshll.u32 s10, $0xB  }
0x97: {  	s3 =	simm.s32 $0xF80;
	s6 =	simm.s32 $0x10800;
	s1 =	sadd.s32 s20, s16  }
0x98: {  	[tilespmem:s6], [sflag:$0x8] =	stream.indirect.gather [hbm4b:s4+s0], $0x10, s3, s0, $0xb8;
	[tilespmem:$0x13800] =	vst v63  }
0x99: {  	s1 =	sshrl.u32 s1, $0x3  }
0x9a: {  	s22 =	sadd.s32 s5, s1  }
0x9b: {  	[tilespmem:s2], [sflag:$0x1] =	stream.linear.gather [hbm4b:s22+s2], $0x200, $0x38;
	[tilespmem:$0x13800] =	vst v63  }
0x9c: {  	p0 =	seq.s32 s10, $0x0;
	s1 =	sadd.s32 s7, s1  }
0x9d: {  	[tilespmem:s25], [sflag:$0x1] =	stream.linear.gather [hbm4b:s1+s2], $0x200, $0x38;
	[tilespmem:$0x13800] =	vst v63  }
0x9e: {  	s1 =	simm.s32 @!p0 $0x9  }
0x9f: {  	_ =	swait.ge @!p0 [sflag:s1], $0x200  }
0xa0: {  	[sflag:s1] =	ssyncset.done @!p0 $0x0  }
0xa1: {  	s22 =	simm.s32 $0x0;
	[sflag:s1] =	ssyncadd.s32 @!p0 $0xFFFFFE00  }
0xa2: {  	v1 =	vld [tilespmem:s22+$0x1070]  }
0xa3: {  	v2 =	vld [tilespmem:s22+$0x9070];
	_ =	sdelay $0x1  }
0xa4: {  	v3 =	vld [tilespmem:s22+$0x1000]  }
0xa5: {  	v4 =	vld [tilespmem:s22+$0x9000]  }
0xa6: {  	v5 =	vld [tilespmem:s22+$0x1010]  }
0xa7: {  	v6 =	vld [tilespmem:s22+$0x9010];
	v1 =	vmul.bf16 v2, v1  }
0xa8: {  	v7 =	vld [tilespmem:s22+$0x1020]  }
0xa9: {  	v9 =	vld [tilespmem:s22+$0x9030];
	v8 =	vunpack.i.u.bf16.f32 v1;
	v1 =	vunpack.i.l.bf16.f32 v1  }
0xaa: {  	v10 =	vld [tilespmem:s22+$0x1040];
	v1 =	vadd.f32 v1, v8  }
0xab: {  	v59 =	vld [tilespmem:s22+$0x9040];
	v3 =	vmul.bf16 v4, v3  }
0xac: {  	v2 =	vld [tilespmem:s22+$0x9020];
	(xrf2) =	vadd.scan.msk.f32 $0xffff, v1  }
0xad: {  	v4 =	vld [tilespmem:s22+$0x1030];
	v58 =	vunpack.i.u.bf16.f32 v3;
	v3 =	vunpack.i.l.bf16.f32 v3  }
0xae: {  	v5 =	vmul.bf16 v6, v5;
	v6 =	vld [tilespmem:s22+$0x1060];
	v3 =	vadd.f32 v3, v58  }
0xaf: {  	v1 =	vld [tilespmem:s22+$0x1050]  }
0xb0: {  	v60 =	vunpack.i.u.bf16.f32 v5;
	v5 =	vunpack.i.l.bf16.f32 v5;
	(xrf2) =	vadd.scan.msk.f32 $0xffff, v3;
	v3 =	vld [tilespmem:s22+$0x9050]  }
0xb1: {  	v5 =	vadd.f32 v5, v60;
	v2 =	vmul.bf16 v2, v7;
	v7 =	vld [tilespmem:s22+$0x9060];
	_ =	sdelay $0x1  }
0xb2: {  	v4 =	vmul.bf16 v9, v4;
	v61 =	vunpack.i.u.bf16.f32 v2;
	v2 =	vunpack.i.l.bf16.f32 v2;
	(xrf2) =	vadd.scan.msk.f32 $0xffff, v5  }
0xb3: {  	v8 =	vmul.bf16 v59, v10;
	v2 =	vadd.f32 v2, v61  }
0xb4: {  	v62 =	vunpack.i.u.bf16.f32 v4;
	v4 =	vunpack.i.l.bf16.f32 v4;
	v1 =	vmul.bf16 v3, v1  }
0xb5: {  	v4 =	vadd.f32 v4, v62;
	v6 =	vmul.bf16 v7, v6;
	v7, _, _ =	vpop (xrf2);
	(xrf2) =	vadd.scan.msk.f32 $0xffff, v2  }
0xb6: {  	v3 =	vunpack.i.u.bf16.f32 v8;
	v8 =	vunpack.i.l.bf16.f32 v8;
	v5 =	vunpack.i.u.bf16.f32 v1  }
0xb7: {  	v3 =	vadd.f32 v8, v3;
	v63 =	vunpack.i.u.bf16.f32 v6  }
0xb8: {  	s1 =	simm.s32 $0x80;
	v6 =	vunpack.i.l.bf16.f32 v6;
	v1 =	vunpack.i.l.bf16.f32 v1;
	[tilespmem:s22+$0x11870] =	vst v7;
	(xrf2) =	vadd.scan.msk.f32 $0xffff, v4  }
0xb9: {  	s3 =	simm.s32 $0x0;
	s6 =	simm.s32 $0x400;
	v2 =	vadd.f32 v1, v5;
	v1 =	vadd.f32 v6, v63;
	v5, _, _ =	vpop (xrf2);
	v4 =	vld [tilespmem:s1+$0x1070]  }
.LBB2_3:
0xba: {  	p1 =	sne.s32 s6, $0x7E00;
	v6 =	vld [tilespmem:s1+$0x9070];
	[tilespmem:s22+$0x11800] =	vst v5  }
0xbb: {  	v5 =	vld [tilespmem:s1+$0x1000];
	(xrf2) =	vadd.scan.msk.f32 $0xffff, v3  }
0xbc: {  	v3 =	vld [tilespmem:s1+$0x9000];
	v7, _, _ =	vpop (xrf2)  }
0xbd: {  	v8 =	vld [tilespmem:s1+$0x1010];
	[tilespmem:s22+$0x11810] =	vst v7  }
0xbe: {  	v7 =	vld [tilespmem:s1+$0x9010];
	(xrf2) =	vadd.scan.msk.f32 $0xffff, v2  }
0xbf: {  	v2 =	vld [tilespmem:s1+$0x1020];
	v4 =	vmul.bf16 v6, v4;
	v6, _, _ =	vpop (xrf2)  }
0xc0: {  	v9 =	vld [tilespmem:s1+$0x9020];
	[tilespmem:s22+$0x11820] =	vst v6  }
0xc1: {  	v3 =	vmul.bf16 v3, v5;
	v5 =	vld [tilespmem:s1+$0x1030];
	v10 =	vunpack.i.u.bf16.f32 v4;
	v4 =	vunpack.i.l.bf16.f32 v4;
	(xrf2) =	vadd.scan.msk.f32 $0xffff, v1  }
0xc2: {  	v1 =	vld [tilespmem:s1+$0x9030];
	v4 =	vadd.f32 v4, v10;
	v6, _, _ =	vpop (xrf2)  }
0xc3: {  	v11 =	vunpack.i.u.bf16.f32 v3;
	v3 =	vunpack.i.l.bf16.f32 v3;
	v7 =	vmul.bf16 v7, v8;
	v8 =	vld [tilespmem:s1+$0x1040];
	[tilespmem:s22+$0x11830] =	vst v6  }
0xc4: {  	v3 =	vadd.f32 v3, v11;
	v6 =	vld [tilespmem:s1+$0x9040];
	(xrf2) =	vadd.scan.msk.f32 $0xffff, v4  }
0xc5: {  	v4 =	vunpack.i.u.bf16.f32 v7;
	v7 =	vunpack.i.l.bf16.f32 v7;
	v2 =	vmul.bf16 v9, v2;
	v9 =	vld [tilespmem:s1+$0x1050];
	v10, _, _ =	vpop (xrf2)  }
0xc6: {  	v4 =	vadd.f32 v7, v4;
	v7 =	vld [tilespmem:s1+$0x9050];
	[tilespmem:s22+$0x11840] =	vst v10  }
0xc7: {  	v10 =	vunpack.i.u.bf16.f32 v2;
	v2 =	vunpack.i.l.bf16.f32 v2;
	v1 =	vmul.bf16 v1, v5;
	v5 =	vld [tilespmem:s1+$0x1060];
	(xrf2) =	vadd.scan.msk.f32 $0xffff, v3  }
0xc8: {  	v2 =	vadd.f32 v2, v10;
	v10 =	vld [tilespmem:s1+$0x9060];
	v3, _, _ =	vpop (xrf2)  }
0xc9: {  	v11 =	vunpack.i.u.bf16.f32 v1;
	v1 =	vunpack.i.l.bf16.f32 v1;
	v12 =	vmul.bf16 v6, v8;
	[tilespmem:s22+$0x11850] =	vst v3  }
0xca: {  	v8 =	vadd.f32 v1, v11;
	(xrf2) =	vadd.scan.msk.f32 $0xffff, v4  }
0xcb: {  	v1 =	vunpack.i.u.bf16.f32 v12;
	v3 =	vunpack.i.l.bf16.f32 v12;
	v4 =	vmul.bf16 v7, v9;
	v6, _, _ =	vpop (xrf2)  }
0xcc: {  	v3 =	vadd.f32 v3, v1;
	[tilespmem:s22+$0x11860] =	vst v6;
	s22 =	smov.u32 s1  }
.Ltmp0:
0xcd: {  	v6 =	vunpack.i.u.bf16.f32 v4;
	v4 =	vunpack.i.l.bf16.f32 v4;
	v5 =	vmul.bf16 v10, v5;
	(xrf2) =	vadd.scan.msk.f32 $0xffff, v2;
	(pc) =	sbr.rel @p1 .LBB2_3-.Ltmp0, $4  }
0xce: {  	v2 =	vadd.f32 v4, v6;
	v1, _, _ =	vpop (xrf2)  }
0xcf: {  	v4 =	vunpack.i.u.bf16.f32 v5;
	v6 =	vunpack.i.l.bf16.f32 v5;
	[tilespmem:s22+$0x11870] =	vst v1  }
0xd0: {  	s1 =	sshra.s32 s6, $0x2;
	v1 =	vadd.f32 v6, v4;
	(xrf2) =	vadd.scan.msk.f32 $0xffff, v8  }
0xd1: {  	s6 =	sadd.s32 $0x200, s6;
	v4 =	vld [tilespmem:s1+$0x1070];
	v5, _, _ =	vpop (xrf2)  }
0xd2: {  	v6 =	vld [tilespmem:s1+$0x9070];
	[tilespmem:s22+$0x11800] =	vst v5  }
0xd3: {  	(xrf2) =	vadd.scan.msk.f32 $0xffff, v3;
	v5 =	vld [tilespmem:s1+$0x1000]  }
0xd4: {  	v7 =	vld [tilespmem:s1+$0x9000];
	v8, _, _ =	vpop (xrf2)  }
0xd5: {  	v9 =	vld [tilespmem:s1+$0x1010];
	[tilespmem:s22+$0x11810] =	vst v8  }
0xd6: {  	v3 =	vld [tilespmem:s1+$0x9010]  }
0xd7: {  	v8 =	vld [tilespmem:s1+$0x1020];
	v10, _, _ =	vpop (xrf2)  }
0xd8: {  	v11 =	vld [tilespmem:s1+$0x9020];
	[tilespmem:s22+$0x11820] =	vst v10  }
0xd9: {  	v10 =	vld [tilespmem:s1+$0x1030]  }
0xda: {  	v12 =	vld [tilespmem:s1+$0x9030];
	v13, _, _ =	vpop (xrf2)  }
0xdb: {  	v14 =	vld [tilespmem:s1+$0x1040];
	[tilespmem:s22+$0x11830] =	vst v13  }
0xdc: {  	v4 =	vmul.bf16 v6, v4;
	v13 =	vld [tilespmem:s1+$0x9040]  }
0xdd: {  	v5 =	vmul.bf16 v7, v5;
	v50 =	vld [tilespmem:s1+$0x1050];
	v51, _, _ =	vpop (xrf2)  }
0xde: {  	v16 =	vunpack.i.u.bf16.f32 v4;
	v4 =	vunpack.i.l.bf16.f32 v4;
	v15 =	vld [tilespmem:s1+$0x9050];
	[tilespmem:s22+$0x11840] =	vst v51  }
0xdf: {  	v52 =	vunpack.i.u.bf16.f32 v5;
	v5 =	vunpack.i.l.bf16.f32 v5;
	v3 =	vmul.bf16 v3, v9;
	v53 =	vld [tilespmem:s1+$0x1060]  }
0xe0: {  	v4 =	vadd.f32 v4, v16;
	v5 =	vadd.f32 v5, v52;
	v54 =	vmul.bf16 v11, v8;
	v55 =	vld [tilespmem:s1+$0x9060]  }
0xe1: {  	(xrf2) =	vadd.scan.msk.f32 $0xffff, v2;
	v56 =	vunpack.i.u.bf16.f32 v3;
	v3 =	vunpack.i.l.bf16.f32 v3;
	v2 =	vmul.bf16 v12, v10  }
0xe2: {  	(xrf2) =	vadd.scan.msk.f32 $0xffff, v1;
	v7 =	vunpack.i.l.bf16.f32 v54;
	v1 =	vadd.f32 v3, v56;
	v3 =	vunpack.i.u.bf16.f32 v54  }
0xe3: {  	(xrf2) =	vadd.scan.msk.f32 $0xffff, v4;
	v58 =	vunpack.i.u.bf16.f32 v2;
	v2 =	vunpack.i.l.bf16.f32 v2;
	v57 =	vmul.bf16 v13, v14  }
0xe4: {  	(xrf2) =	vadd.scan.msk.f32 $0xffff, v5;
	v3 =	vadd.f32 v7, v3;
	v2 =	vadd.f32 v2, v58;
	v59 =	vmul.bf16 v15, v50  }
0xe5: {  	(xrf2) =	vadd.scan.msk.f32 $0xffff, v1;
	v1 =	vunpack.i.u.bf16.f32 v57;
	v4 =	vunpack.i.l.bf16.f32 v57;
	v60 =	vmul.bf16 v55, v53  }
0xe6: {  	(xrf2) =	vadd.scan.msk.f32 $0xffff, v3;
	v61 =	vunpack.i.u.bf16.f32 v59;
	v5 =	vunpack.i.l.bf16.f32 v59;
	v1 =	vadd.f32 v4, v1  }
0xe7: {  	(xrf2) =	vadd.scan.msk.f32 $0xffff, v2;
	v3 =	vadd.f32 v5, v61;
	v62 =	vunpack.i.u.bf16.f32 v60;
	v63 =	vunpack.i.l.bf16.f32 v60  }
0xe8: {  	v2 =	vadd.f32 v63, v62;
	(xrf2) =	vadd.scan.msk.f32 $0xffff, v1  }
0xe9: {  	(xrf2) =	vadd.scan.msk.f32 $0xffff, v3  }
0xea: {  	(xrf2) =	vadd.scan.msk.f32 $0xffff, v2  }
0xeb: {  	v1, _, _ =	vpop (xrf2)  }
0xec: {  	[tilespmem:s22+$0x11850] =	vst v1;
	v2, _, _ =	vpop (xrf2)  }
0xed: {  	v1, _, _ =	vpop (xrf2);
	[tilespmem:s22+$0x11860] =	vst v2  }
0xee: {  	v2, _, _ =	vpop (xrf2);
	[tilespmem:s1+$0x11870] =	vst v1  }
0xef: {  	v1, _, _ =	vpop (xrf2);
	[tilespmem:s1+$0x11800] =	vst v2  }
0xf0: {  	v2, _, _ =	vpop (xrf2);
	[tilespmem:s1+$0x11810] =	vst v1  }
0xf1: {  	[tilespmem:s1+$0x11820] =	vst v2;
	v1, _, _ =	vpop (xrf2);
	v2 =	vor.u32 s3, v0  }
0xf2: {  	[tilespmem:s1+$0x11830] =	vst v1;
	v1, _, _ =	vpop (xrf2)  }
0xf3: {  	[tilespmem:s1+$0x11840] =	vst v1;
	v1, _, _ =	vpop (xrf2)  }
0xf4: {  	[tilespmem:s1+$0x11850] =	vst v1;
	v1, _, _ =	vpop (xrf2)  }
0xf5: {  	[tilespmem:s1+$0x11860] =	vst v1  }
0xf6: {  	s16 =	simm.s32 $0x100;
	v1 =	vld.idx.msk [tilespmem:v2+s9+$0x0], $0xffff  }
0xf7: {  	v2 =	vor.u32 s16, v0;
	_ =	sdelay $0x2  }
0xf8: {  	s1 =	simm.s32 $0x11000  }
0xf9: {  	[tilespmem:s1+$0x0] =	vst v1  }
0xfa: {  	s22 =	simm.s32 $0x200;
	v1 =	vld.idx.msk [tilespmem:v2+s9+$0x0], $0xffff  }
0xfb: {  	s3 =	simm.s32 $0x300;
	v2 =	vor.u32 s22, v0  }
.LBB2_5:
0xfc: {  	p1 =	sne.s32 s3, $0x1F00;
	_ =	sdelay $0x1  }
.Ltmp1:
0xfd: {  	s1 =	sadd.s32 $0x10, s1;
	(pc) =	sbr.rel @p1 .LBB2_5-.Ltmp1, $3  }
0xfe: {  	[tilespmem:s1+$0x0] =	vst v1  }
0xff: {  	v1 =	vld.idx.msk [tilespmem:v2+s9+$0x0], $0xffff;
	_ =	sdelay $0x1  }
0x100: {  	v2 =	vor.u32 s3, v0;
	s3 =	sadd.s32 $0x100, s3  }
0x101: {  	_ =	sdelay $0x1  }
0x102: {  	s1 =	sadd.s32 $0x10, s1  }
0x103: {  	[tilespmem:s1+$0x0] =	vst v1  }
0x104: {  	v1 =	vld.idx.msk [tilespmem:v2+s9+$0x0], $0xffff;
	_ =	sdelay $0x2  }
0x105: {  	s3 =	sor.u32 s18, s20  }
0x106: {  	s22 =	sshrl.u32 s3, $0x3;
	s1 =	sadd.s32 $0x10, s1  }
0x107: {  	s16 =	simm.s32 $0x11000;
	s6 =	sadd.s32 s17, s22;
	[tilespmem:s1+$0x0] =	vst v1  }
0x108: {  	[hbm4b:s6+s2] =	stream.linear.scatter [tilespmem:s16], [sflag:$0x9], $0x200, $0x38;
	[tilespmem:$0x13800] =	vst v63  }
0x109: {  	_ =	swait.ge [sflag:s15], $0x800  }
0x10a: {  	[sflag:s15] =	ssyncset.done $0x0  }
0x10b: {  	[sflag:s15] =	ssyncadd.s32 $0xFFFFF800  }
0x10c: {  	_ =	swait.ge [sflag:s15], $0x800  }
0x10d: {  	[sflag:s15] =	ssyncset.done $0x0  }
0x10e: {  	[sflag:s15] =	ssyncadd.s32 $0xFFFFF800  }
0x10f: {  	_ =	swait.ge [sflag:s15], $0x800  }
0x110: {  	[sflag:s15] =	ssyncset.done $0x0  }
0x111: {  	[sflag:s15] =	ssyncadd.s32 $0xFFFFF800  }
0x112: {  	_ =	swait.ge [sflag:s15], $0x800  }
0x113: {  	[sflag:s15] =	ssyncset.done $0x0  }
0x114: {  	[sflag:s15] =	ssyncadd.s32 $0xFFFFF800  }
0x115: {  	_ =	swait.ge [sflag:s15], $0x800  }
0x116: {  	[sflag:s15] =	ssyncset.done $0x0  }
0x117: {  	[sflag:s15] =	ssyncadd.s32 $0xFFFFF800  }
0x118: {  	_ =	swait.ge [sflag:s15], $0x800  }
0x119: {  	[sflag:s15] =	ssyncset.done $0x0  }
0x11a: {  	[sflag:s15] =	ssyncadd.s32 $0xFFFFF800  }
0x11b: {  	_ =	swait.ge [sflag:s15], $0x800  }
0x11c: {  	[sflag:s15] =	ssyncset.done $0x0  }
0x11d: {  	[sflag:s15] =	ssyncadd.s32 $0xFFFFF800  }
0x11e: {  	_ =	swait.ge [sflag:s15], $0x800  }
0x11f: {  	[sflag:s15] =	ssyncset.done $0x0  }
0x120: {  	[sflag:s15] =	ssyncadd.s32 $0xFFFFF800  }
0x121: {  	_ =	swait.ge [sflag:s31], $0x200  }
0x122: {  	[sflag:s31] =	ssyncset.done $0x0  }
0x123: {  	[sflag:s31] =	ssyncadd.s32 $0xFFFFFE00  }
0x124: {  	_ =	swait.ge [sflag:s31], $0x200  }
0x125: {  	[sflag:s31] =	ssyncset.done $0x0  }
0x126: {  	s6 =	simm.s32 $0x1000;
	[sflag:s31] =	ssyncadd.s32 $0xFFFFFE00  }
0x127: {  	[tilespmem:s6], [sflag:$0x5] =	stream.indirect.gather [hbm4b:s4+s0], $0x10, s2, s0, $0xb8;
	[tilespmem:$0x13800] =	vst v63  }
0x128: {  	s16 =	simm.s32 $0x9000  }
0x129: {  	[tilespmem:s16], [sflag:$0x5] =	stream.indirect.gather [hbm4b:s4+s0], $0x10, s25, s0, $0xb8;
	[tilespmem:$0x13800] =	vst v63  }
0x12a: {  	s3 =	simm.s32 $0x1800  }
0x12b: {  	[tilespmem:s3], [sflag:$0x5] =	stream.indirect.gather [hbm4b:s4+s0], $0x10, s0, s0, $0xb8;
	[tilespmem:$0x13800] =	vst v63  }
0x12c: {  	s6 =	simm.s32 $0x880;
	s16 =	simm.s32 $0x9800  }
0x12d: {  	[tilespmem:s16], [sflag:$0x5] =	stream.indirect.gather [hbm4b:s4+s0], $0x10, s6, s0, $0xb8;
	[tilespmem:$0x13800] =	vst v63  }
0x12e: {  	s6 =	simm.s32 $0x100;
	s16 =	simm.s32 $0x2000  }
0x12f: {  	[tilespmem:s16], [sflag:$0x5] =	stream.indirect.gather [hbm4b:s4+s0], $0x10, s6, s0, $0xb8;
	[tilespmem:$0x13800] =	vst v63  }
0x130: {  	s6 =	simm.s32 $0x900;
	s16 =	simm.s32 $0xA000  }
0x131: {  	[tilespmem:s16], [sflag:$0x5] =	stream.indirect.gather [hbm4b:s4+s0], $0x10, s6, s0, $0xb8;
	[tilespmem:$0x13800] =	vst v63  }
0x132: {  	s6 =	simm.s32 $0x180;
	s16 =	simm.s32 $0x2800  }
0x133: {  	[tilespmem:s16], [sflag:$0x5] =	stream.indirect.gather [hbm4b:s4+s0], $0x10, s6, s0, $0xb8;
	[tilespmem:$0x13800] =	vst v63  }
0x134: {  	s6 =	simm.s32 $0x980;
	s16 =	simm.s32 $0xA800  }
0x135: {  	[tilespmem:s16], [sflag:$0x5] =	stream.indirect.gather [hbm4b:s4+s0], $0x10, s6, s0, $0xb8;
	[tilespmem:$0x13800] =	vst v63  }
0x136: {  	s6 =	rddreg [dreg:$0xc]  }
0x137: {  	s1 =	sadd.s32 s20, s6  }
0x138: {  	s1 =	sshrl.u32 s1, $0x3  }
0x139: {  	s16 =	sadd.s32 s5, s1  }
0x13a: {  	[tilespmem:s26], [sflag:$0x2] =	stream.linear.gather [hbm4b:s16+s2], $0x200, $0x38;
	[tilespmem:$0x13800] =	vst v63  }
0x13b: {  	s1 =	sadd.s32 s7, s1  }
0x13c: {  	[tilespmem:s28], [sflag:$0x2] =	stream.linear.gather [hbm4b:s1+s2], $0x200, $0x38;
	[tilespmem:$0x13800] =	vst v63  }
0x13d: {  	s1 =	simm.s32 @!p0 $0xA  }
0x13e: {  	_ =	swait.ge @!p0 [sflag:s1], $0x200  }
0x13f: {  	[sflag:s1] =	ssyncset.done @!p0 $0x0  }
0x140: {  	s3 =	simm.s32 $0x0;
	[sflag:s1] =	ssyncadd.s32 @!p0 $0xFFFFFE00  }
0x141: {  	v1 =	vld [tilespmem:s3+$0x3070]  }
0x142: {  	v2 =	vld [tilespmem:s3+$0xB070];
	_ =	sdelay $0x1  }
0x143: {  	v3 =	vld [tilespmem:s3+$0x3000]  }
0x144: {  	v4 =	vld [tilespmem:s3+$0xB000]  }
0x145: {  	v5 =	vld [tilespmem:s3+$0x3010]  }
0x146: {  	v6 =	vld [tilespmem:s3+$0xB010];
	v1 =	vmul.bf16 v2, v1  }
0x147: {  	v7 =	vld [tilespmem:s3+$0x3020]  }
0x148: {  	v9 =	vld [tilespmem:s3+$0xB030];
	v8 =	vunpack.i.u.bf16.f32 v1;
	v1 =	vunpack.i.l.bf16.f32 v1  }
0x149: {  	v10 =	vld [tilespmem:s3+$0x3040];
	v1 =	vadd.f32 v1, v8  }
0x14a: {  	v59 =	vld [tilespmem:s3+$0xB040];
	v3 =	vmul.bf16 v4, v3  }
0x14b: {  	v2 =	vld [tilespmem:s3+$0xB020];
	(xrf2) =	vadd.scan.msk.f32 $0xffff, v1  }
0x14c: {  	v4 =	vld [tilespmem:s3+$0x3030];
	v58 =	vunpack.i.u.bf16.f32 v3;
	v3 =	vunpack.i.l.bf16.f32 v3  }
0x14d: {  	v5 =	vmul.bf16 v6, v5;
	v6 =	vld [tilespmem:s3+$0x3060];
	v3 =	vadd.f32 v3, v58  }
0x14e: {  	v1 =	vld [tilespmem:s3+$0x3050]  }
0x14f: {  	v60 =	vunpack.i.u.bf16.f32 v5;
	v5 =	vunpack.i.l.bf16.f32 v5;
	(xrf2) =	vadd.scan.msk.f32 $0xffff, v3;
	v3 =	vld [tilespmem:s3+$0xB050]  }
0x150: {  	v5 =	vadd.f32 v5, v60;
	v2 =	vmul.bf16 v2, v7;
	v7 =	vld [tilespmem:s3+$0xB060];
	_ =	sdelay $0x1  }
0x151: {  	v4 =	vmul.bf16 v9, v4;
	v61 =	vunpack.i.u.bf16.f32 v2;
	v2 =	vunpack.i.l.bf16.f32 v2;
	(xrf2) =	vadd.scan.msk.f32 $0xffff, v5  }
0x152: {  	v8 =	vmul.bf16 v59, v10;
	v2 =	vadd.f32 v2, v61  }
0x153: {  	v62 =	vunpack.i.u.bf16.f32 v4;
	v4 =	vunpack.i.l.bf16.f32 v4;
	v1 =	vmul.bf16 v3, v1  }
0x154: {  	v4 =	vadd.f32 v4, v62;
	v6 =	vmul.bf16 v7, v6;
	v7, _, _ =	vpop (xrf2);
	(xrf2) =	vadd.scan.msk.f32 $0xffff, v2  }
0x155: {  	v3 =	vunpack.i.u.bf16.f32 v8;
	v8 =	vunpack.i.l.bf16.f32 v8;
	v5 =	vunpack.i.u.bf16.f32 v1  }
0x156: {  	v3 =	vadd.f32 v8, v3;
	v63 =	vunpack.i.u.bf16.f32 v6  }
0x157: {  	s6 =	simm.s32 $0x80;
	v6 =	vunpack.i.l.bf16.f32 v6;
	v1 =	vunpack.i.l.bf16.f32 v1;
	[tilespmem:s3+$0x11870] =	vst v7;
	(xrf2) =	vadd.scan.msk.f32 $0xffff, v4  }
0x158: {  	s16 =	simm.s32 $0x400;
	s1 =	simm.s32 $0x0;
	v2 =	vadd.f32 v1, v5;
	v1 =	vadd.f32 v6, v63;
	v5, _, _ =	vpop (xrf2);
	v4 =	vld [tilespmem:s6+$0x3070]  }
.LBB2_7:
0x159: {  	p1 =	sne.s32 s16, $0x7E00;
	v6 =	vld [tilespmem:s6+$0xB070];
	[tilespmem:s3+$0x11800] =	vst v5  }
0x15a: {  	v5 =	vld [tilespmem:s6+$0x3000];
	(xrf2) =	vadd.scan.msk.f32 $0xffff, v3  }
0x15b: {  	v3 =	vld [tilespmem:s6+$0xB000];
	v7, _, _ =	vpop (xrf2)  }
0x15c: {  	v8 =	vld [tilespmem:s6+$0x3010];
	[tilespmem:s3+$0x11810] =	vst v7  }
0x15d: {  	v7 =	vld [tilespmem:s6+$0xB010];
	(xrf2) =	vadd.scan.msk.f32 $0xffff, v2  }
0x15e: {  	v2 =	vld [tilespmem:s6+$0x3020];
	v4 =	vmul.bf16 v6, v4;
	v6, _, _ =	vpop (xrf2)  }
0x15f: {  	v9 =	vld [tilespmem:s6+$0xB020];
	[tilespmem:s3+$0x11820] =	vst v6  }
0x160: {  	v3 =	vmul.bf16 v3, v5;
	v5 =	vld [tilespmem:s6+$0x3030];
	v10 =	vunpack.i.u.bf16.f32 v4;
	v4 =	vunpack.i.l.bf16.f32 v4;
	(xrf2) =	vadd.scan.msk.f32 $0xffff, v1  }
0x161: {  	v1 =	vld [tilespmem:s6+$0xB030];
	v4 =	vadd.f32 v4, v10;
	v6, _, _ =	vpop (xrf2)  }
0x162: {  	v11 =	vunpack.i.u.bf16.f32 v3;
	v3 =	vunpack.i.l.bf16.f32 v3;
	v7 =	vmul.bf16 v7, v8;
	v8 =	vld [tilespmem:s6+$0x3040];
	[tilespmem:s3+$0x11830] =	vst v6  }
0x163: {  	v3 =	vadd.f32 v3, v11;
	v6 =	vld [tilespmem:s6+$0xB040];
	(xrf2) =	vadd.scan.msk.f32 $0xffff, v4  }
0x164: {  	v4 =	vunpack.i.u.bf16.f32 v7;
	v7 =	vunpack.i.l.bf16.f32 v7;
	v2 =	vmul.bf16 v9, v2;
	v9 =	vld [tilespmem:s6+$0x3050];
	v10, _, _ =	vpop (xrf2)  }
0x165: {  	v4 =	vadd.f32 v7, v4;
	v7 =	vld [tilespmem:s6+$0xB050];
	[tilespmem:s3+$0x11840] =	vst v10  }
0x166: {  	v10 =	vunpack.i.u.bf16.f32 v2;
	v2 =	vunpack.i.l.bf16.f32 v2;
	v1 =	vmul.bf16 v1, v5;
	v5 =	vld [tilespmem:s6+$0x3060];
	(xrf2) =	vadd.scan.msk.f32 $0xffff, v3  }
0x167: {  	v2 =	vadd.f32 v2, v10;
	v10 =	vld [tilespmem:s6+$0xB060];
	v3, _, _ =	vpop (xrf2)  }
0x168: {  	v11 =	vunpack.i.u.bf16.f32 v1;
	v1 =	vunpack.i.l.bf16.f32 v1;
	v12 =	vmul.bf16 v6, v8;
	[tilespmem:s3+$0x11850] =	vst v3  }
0x169: {  	v8 =	vadd.f32 v1, v11;
	(xrf2) =	vadd.scan.msk.f32 $0xffff, v4  }
0x16a: {  	v1 =	vunpack.i.u.bf16.f32 v12;
	v3 =	vunpack.i.l.bf16.f32 v12;
	v4 =	vmul.bf16 v7, v9;
	v6, _, _ =	vpop (xrf2)  }
0x16b: {  	v3 =	vadd.f32 v3, v1;
	[tilespmem:s3+$0x11860] =	vst v6;
	s3 =	smov.u32 s6  }
.Ltmp2:
0x16c: {  	v6 =	vunpack.i.u.bf16.f32 v4;
	v4 =	vunpack.i.l.bf16.f32 v4;
	v5 =	vmul.bf16 v10, v5;
	(xrf2) =	vadd.scan.msk.f32 $0xffff, v2;
	(pc) =	sbr.rel @p1 .LBB2_7-.Ltmp2, $4  }
0x16d: {  	v2 =	vadd.f32 v4, v6;
	v1, _, _ =	vpop (xrf2)  }
0x16e: {  	v4 =	vunpack.i.u.bf16.f32 v5;
	v6 =	vunpack.i.l.bf16.f32 v5;
	[tilespmem:s3+$0x11870] =	vst v1  }
0x16f: {  	s6 =	sshra.s32 s16, $0x2;
	v1 =	vadd.f32 v6, v4;
	(xrf2) =	vadd.scan.msk.f32 $0xffff, v8  }
0x170: {  	s16 =	sadd.s32 $0x200, s16;
	v4 =	vld [tilespmem:s6+$0x3070];
	v5, _, _ =	vpop (xrf2)  }
0x171: {  	v6 =	vld [tilespmem:s6+$0xB070];
	[tilespmem:s3+$0x11800] =	vst v5  }
0x172: {  	(xrf2) =	vadd.scan.msk.f32 $0xffff, v3;
	v5 =	vld [tilespmem:s6+$0x3000]  }
0x173: {  	v7 =	vld [tilespmem:s6+$0xB000];
	v8, _, _ =	vpop (xrf2)  }
0x174: {  	v9 =	vld [tilespmem:s6+$0x3010];
	[tilespmem:s3+$0x11810] =	vst v8  }
0x175: {  	v3 =	vld [tilespmem:s6+$0xB010]  }
0x176: {  	v8 =	vld [tilespmem:s6+$0x3020];
	v10, _, _ =	vpop (xrf2)  }
0x177: {  	v11 =	vld [tilespmem:s6+$0xB020];
	[tilespmem:s3+$0x11820] =	vst v10  }
0x178: {  	v10 =	vld [tilespmem:s6+$0x3030]  }
0x179: {  	v12 =	vld [tilespmem:s6+$0xB030];
	v13, _, _ =	vpop (xrf2)  }
0x17a: {  	v14 =	vld [tilespmem:s6+$0x3040];
	[tilespmem:s3+$0x11830] =	vst v13  }
0x17b: {  	v4 =	vmul.bf16 v6, v4;
	v13 =	vld [tilespmem:s6+$0xB040]  }
0x17c: {  	v5 =	vmul.bf16 v7, v5;
	v50 =	vld [tilespmem:s6+$0x3050];
	v51, _, _ =	vpop (xrf2)  }
0x17d: {  	v16 =	vunpack.i.u.bf16.f32 v4;
	v4 =	vunpack.i.l.bf16.f32 v4;
	v15 =	vld [tilespmem:s6+$0xB050];
	[tilespmem:s3+$0x11840] =	vst v51  }
0x17e: {  	v52 =	vunpack.i.u.bf16.f32 v5;
	v5 =	vunpack.i.l.bf16.f32 v5;
	v3 =	vmul.bf16 v3, v9;
	v53 =	vld [tilespmem:s6+$0x3060]  }
0x17f: {  	v4 =	vadd.f32 v4, v16;
	v5 =	vadd.f32 v5, v52;
	v54 =	vmul.bf16 v11, v8;
	v55 =	vld [tilespmem:s6+$0xB060]  }
0x180: {  	(xrf2) =	vadd.scan.msk.f32 $0xffff, v2;
	v56 =	vunpack.i.u.bf16.f32 v3;
	v3 =	vunpack.i.l.bf16.f32 v3;
	v2 =	vmul.bf16 v12, v10  }
0x181: {  	(xrf2) =	vadd.scan.msk.f32 $0xffff, v1;
	v7 =	vunpack.i.l.bf16.f32 v54;
	v1 =	vadd.f32 v3, v56;
	v3 =	vunpack.i.u.bf16.f32 v54  }
0x182: {  	(xrf2) =	vadd.scan.msk.f32 $0xffff, v4;
	v58 =	vunpack.i.u.bf16.f32 v2;
	v2 =	vunpack.i.l.bf16.f32 v2;
	v57 =	vmul.bf16 v13, v14  }
0x183: {  	(xrf2) =	vadd.scan.msk.f32 $0xffff, v5;
	v3 =	vadd.f32 v7, v3;
	v2 =	vadd.f32 v2, v58;
	v59 =	vmul.bf16 v15, v50  }
0x184: {  	(xrf2) =	vadd.scan.msk.f32 $0xffff, v1;
	v1 =	vunpack.i.u.bf16.f32 v57;
	v4 =	vunpack.i.l.bf16.f32 v57;
	v60 =	vmul.bf16 v55, v53  }
0x185: {  	(xrf2) =	vadd.scan.msk.f32 $0xffff, v3;
	v61 =	vunpack.i.u.bf16.f32 v59;
	v5 =	vunpack.i.l.bf16.f32 v59;
	v1 =	vadd.f32 v4, v1  }
0x186: {  	(xrf2) =	vadd.scan.msk.f32 $0xffff, v2;
	v3 =	vadd.f32 v5, v61;
	v62 =	vunpack.i.u.bf16.f32 v60;
	v63 =	vunpack.i.l.bf16.f32 v60  }
0x187: {  	v2 =	vadd.f32 v63, v62;
	(xrf2) =	vadd.scan.msk.f32 $0xffff, v1  }
0x188: {  	(xrf2) =	vadd.scan.msk.f32 $0xffff, v3  }
0x189: {  	(xrf2) =	vadd.scan.msk.f32 $0xffff, v2  }
0x18a: {  	v1, _, _ =	vpop (xrf2)  }
0x18b: {  	[tilespmem:s3+$0x11850] =	vst v1;
	v2, _, _ =	vpop (xrf2)  }
0x18c: {  	v1, _, _ =	vpop (xrf2);
	[tilespmem:s3+$0x11860] =	vst v2  }
0x18d: {  	v2, _, _ =	vpop (xrf2);
	[tilespmem:s6+$0x11870] =	vst v1  }
0x18e: {  	v1, _, _ =	vpop (xrf2);
	[tilespmem:s6+$0x11800] =	vst v2  }
0x18f: {  	v2, _, _ =	vpop (xrf2);
	[tilespmem:s6+$0x11810] =	vst v1  }
0x190: {  	[tilespmem:s6+$0x11820] =	vst v2;
	v1, _, _ =	vpop (xrf2);
	v2 =	vor.u32 s1, v0  }
0x191: {  	[tilespmem:s6+$0x11830] =	vst v1;
	v1, _, _ =	vpop (xrf2)  }
0x192: {  	[tilespmem:s6+$0x11840] =	vst v1;
	v1, _, _ =	vpop (xrf2)  }
0x193: {  	[tilespmem:s6+$0x11850] =	vst v1;
	v1, _, _ =	vpop (xrf2)  }
0x194: {  	[tilespmem:s6+$0x11860] =	vst v1  }
0x195: {  	s6 =	simm.s32 $0x100;
	v1 =	vld.idx.msk [tilespmem:v2+s9+$0x0], $0xffff  }
0x196: {  	v2 =	vor.u32 s6, v0;
	_ =	sdelay $0x2  }
0x197: {  	s1 =	simm.s32 $0x11200  }
0x198: {  	[tilespmem:s1+$0x0] =	vst v1  }
0x199: {  	s16 =	simm.s32 $0x200;
	v1 =	vld.idx.msk [tilespmem:v2+s9+$0x0], $0xffff  }
0x19a: {  	s3 =	simm.s32 $0x300;
	v2 =	vor.u32 s16, v0  }
.LBB2_9:
0x19b: {  	p1 =	sne.s32 s3, $0x1F00;
	_ =	sdelay $0x1  }
.Ltmp3:
0x19c: {  	s1 =	sadd.s32 $0x10, s1;
	(pc) =	sbr.rel @p1 .LBB2_9-.Ltmp3, $3  }
0x19d: {  	[tilespmem:s1+$0x0] =	vst v1  }
0x19e: {  	v1 =	vld.idx.msk [tilespmem:v2+s9+$0x0], $0xffff;
	_ =	sdelay $0x1  }
0x19f: {  	v2 =	vor.u32 s3, v0;
	s3 =	sadd.s32 $0x100, s3  }
0x1a0: {  	_ =	sdelay $0x1  }
0x1a1: {  	s1 =	sadd.s32 $0x10, s1  }
0x1a2: {  	[tilespmem:s1+$0x0] =	vst v1  }
0x1a3: {  	v1 =	vld.idx.msk [tilespmem:v2+s9+$0x0], $0xffff;
	_ =	sdelay $0x3  }
0x1a4: {  	s22 =	sadd.s32 s22, s17;
	s1 =	sadd.s32 $0x10, s1  }
0x1a5: {  	s3 =	simm.s32 $0x11200;
	s6 =	sadd.s32 $0x40, s22;
	[tilespmem:s1+$0x0] =	vst v1  }
0x1a6: {  	[hbm4b:s6+s2] =	stream.linear.scatter [tilespmem:s3], [sflag:$0xA], $0x200, $0x38;
	[tilespmem:$0x13800] =	vst v63  }
0x1a7: {  	_ =	swait.ge [sflag:s21], $0x800  }
0x1a8: {  	[sflag:s21] =	ssyncset.done $0x0  }
0x1a9: {  	[sflag:s21] =	ssyncadd.s32 $0xFFFFF800  }
0x1aa: {  	_ =	swait.ge [sflag:s21], $0x800  }
0x1ab: {  	[sflag:s21] =	ssyncset.done $0x0  }
0x1ac: {  	[sflag:s21] =	ssyncadd.s32 $0xFFFFF800  }
0x1ad: {  	_ =	swait.ge [sflag:s21], $0x800  }
0x1ae: {  	[sflag:s21] =	ssyncset.done $0x0  }
0x1af: {  	[sflag:s21] =	ssyncadd.s32 $0xFFFFF800  }
0x1b0: {  	_ =	swait.ge [sflag:s21], $0x800  }
0x1b1: {  	[sflag:s21] =	ssyncset.done $0x0  }
0x1b2: {  	[sflag:s21] =	ssyncadd.s32 $0xFFFFF800  }
0x1b3: {  	_ =	swait.ge [sflag:s21], $0x800  }
0x1b4: {  	[sflag:s21] =	ssyncset.done $0x0  }
0x1b5: {  	[sflag:s21] =	ssyncadd.s32 $0xFFFFF800  }
0x1b6: {  	_ =	swait.ge [sflag:s21], $0x800  }
0x1b7: {  	[sflag:s21] =	ssyncset.done $0x0  }
0x1b8: {  	[sflag:s21] =	ssyncadd.s32 $0xFFFFF800  }
0x1b9: {  	_ =	swait.ge [sflag:s21], $0x800  }
0x1ba: {  	[sflag:s21] =	ssyncset.done $0x0  }
0x1bb: {  	[sflag:s21] =	ssyncadd.s32 $0xFFFFF800  }
0x1bc: {  	_ =	swait.ge [sflag:s21], $0x800  }
0x1bd: {  	[sflag:s21] =	ssyncset.done $0x0  }
0x1be: {  	[sflag:s21] =	ssyncadd.s32 $0xFFFFF800  }
0x1bf: {  	_ =	swait.ge [sflag:s24], $0x200  }
0x1c0: {  	[sflag:s24] =	ssyncset.done $0x0  }
0x1c1: {  	[sflag:s24] =	ssyncadd.s32 $0xFFFFFE00  }
0x1c2: {  	_ =	swait.ge [sflag:s24], $0x200  }
0x1c3: {  	[sflag:s24] =	ssyncset.done $0x0  }
0x1c4: {  	s16 =	simm.s32 $0x3000;
	[sflag:s24] =	ssyncadd.s32 $0xFFFFFE00  }
0x1c5: {  	[tilespmem:s16], [sflag:$0x6] =	stream.indirect.gather [hbm4b:s4+s0], $0x10, s26, s0, $0xb8;
	[tilespmem:$0x13800] =	vst v63  }
0x1c6: {  	s3 =	simm.s32 $0xB000  }
0x1c7: {  	[tilespmem:s3], [sflag:$0x6] =	stream.indirect.gather [hbm4b:s4+s0], $0x10, s28, s0, $0xb8;
	[tilespmem:$0x13800] =	vst v63  }
0x1c8: {  	s6 =	simm.s32 $0x280;
	s16 =	simm.s32 $0x3800  }
0x1c9: {  	[tilespmem:s16], [sflag:$0x6] =	stream.indirect.gather [hbm4b:s4+s0], $0x10, s6, s0, $0xb8;
	[tilespmem:$0x13800] =	vst v63  }
0x1ca: {  	s6 =	simm.s32 $0xA80;
	s16 =	simm.s32 $0xB800  }
0x1cb: {  	[tilespmem:s16], [sflag:$0x6] =	stream.indirect.gather [hbm4b:s4+s0], $0x10, s6, s0, $0xb8;
	[tilespmem:$0x13800] =	vst v63  }
0x1cc: {  	s6 =	simm.s32 $0x300;
	s16 =	simm.s32 $0x4000  }
0x1cd: {  	[tilespmem:s16], [sflag:$0x6] =	stream.indirect.gather [hbm4b:s4+s0], $0x10, s6, s0, $0xb8;
	[tilespmem:$0x13800] =	vst v63  }
0x1ce: {  	s6 =	simm.s32 $0xB00;
	s16 =	simm.s32 $0xC000  }
0x1cf: {  	[tilespmem:s16], [sflag:$0x6] =	stream.indirect.gather [hbm4b:s4+s0], $0x10, s6, s0, $0xb8;
	[tilespmem:$0x13800] =	vst v63  }
0x1d0: {  	s6 =	simm.s32 $0x380;
	s16 =	simm.s32 $0x4800  }
0x1d1: {  	[tilespmem:s16], [sflag:$0x6] =	stream.indirect.gather [hbm4b:s4+s0], $0x10, s6, s0, $0xb8;
	[tilespmem:$0x13800] =	vst v63  }
0x1d2: {  	s6 =	simm.s32 $0xB80;
	s16 =	simm.s32 $0xC800  }
0x1d3: {  	[tilespmem:s16], [sflag:$0x6] =	stream.indirect.gather [hbm4b:s4+s0], $0x10, s6, s0, $0xb8;
	[tilespmem:$0x13800] =	vst v63  }
0x1d4: {  	s6 =	rddreg [dreg:$0xd]  }
0x1d5: {  	s1 =	sadd.s32 s20, s6  }
0x1d6: {  	s1 =	sshrl.u32 s1, $0x3  }
0x1d7: {  	s16 =	sadd.s32 s5, s1  }
0x1d8: {  	[tilespmem:s29], [sflag:$0x3] =	stream.linear.gather [hbm4b:s16+s2], $0x200, $0x38;
	[tilespmem:$0x13800] =	vst v63  }
0x1d9: {  	s1 =	sadd.s32 s7, s1  }
0x1da: {  	[tilespmem:s30], [sflag:$0x3] =	stream.linear.gather [hbm4b:s1+s2], $0x200, $0x38;
	[tilespmem:$0x13800] =	vst v63  }
0x1db: {  	s1 =	simm.s32 @!p0 $0xB  }
0x1dc: {  	_ =	swait.ge @!p0 [sflag:s1], $0x200  }
0x1dd: {  	[sflag:s1] =	ssyncset.done @!p0 $0x0  }
0x1de: {  	s3 =	simm.s32 $0x0;
	[sflag:s1] =	ssyncadd.s32 @!p0 $0xFFFFFE00  }
0x1df: {  	v1 =	vld [tilespmem:s3+$0x5070]  }
0x1e0: {  	v2 =	vld [tilespmem:s3+$0xD070];
	_ =	sdelay $0x1  }
0x1e1: {  	v3 =	vld [tilespmem:s3+$0x5000]  }
0x1e2: {  	v4 =	vld [tilespmem:s3+$0xD000]  }
0x1e3: {  	v5 =	vld [tilespmem:s3+$0x5010]  }
0x1e4: {  	v6 =	vld [tilespmem:s3+$0xD010];
	v1 =	vmul.bf16 v2, v1  }
0x1e5: {  	v7 =	vld [tilespmem:s3+$0x5020]  }
0x1e6: {  	v9 =	vld [tilespmem:s3+$0xD030];
	v8 =	vunpack.i.u.bf16.f32 v1;
	v1 =	vunpack.i.l.bf16.f32 v1  }
0x1e7: {  	v10 =	vld [tilespmem:s3+$0x5040];
	v1 =	vadd.f32 v1, v8  }
0x1e8: {  	v59 =	vld [tilespmem:s3+$0xD040];
	v3 =	vmul.bf16 v4, v3  }
0x1e9: {  	v2 =	vld [tilespmem:s3+$0xD020];
	(xrf2) =	vadd.scan.msk.f32 $0xffff, v1  }
0x1ea: {  	v4 =	vld [tilespmem:s3+$0x5030];
	v58 =	vunpack.i.u.bf16.f32 v3;
	v3 =	vunpack.i.l.bf16.f32 v3  }
0x1eb: {  	v5 =	vmul.bf16 v6, v5;
	v6 =	vld [tilespmem:s3+$0x5060];
	v3 =	vadd.f32 v3, v58  }
0x1ec: {  	v1 =	vld [tilespmem:s3+$0x5050]  }
0x1ed: {  	v60 =	vunpack.i.u.bf16.f32 v5;
	v5 =	vunpack.i.l.bf16.f32 v5;
	(xrf2) =	vadd.scan.msk.f32 $0xffff, v3;
	v3 =	vld [tilespmem:s3+$0xD050]  }
0x1ee: {  	v5 =	vadd.f32 v5, v60;
	v2 =	vmul.bf16 v2, v7;
	v7 =	vld [tilespmem:s3+$0xD060];
	_ =	sdelay $0x1  }
0x1ef: {  	v4 =	vmul.bf16 v9, v4;
	v61 =	vunpack.i.u.bf16.f32 v2;
	v2 =	vunpack.i.l.bf16.f32 v2;
	(xrf2) =	vadd.scan.msk.f32 $0xffff, v5  }
0x1f0: {  	v8 =	vmul.bf16 v59, v10;
	v2 =	vadd.f32 v2, v61  }
0x1f1: {  	v62 =	vunpack.i.u.bf16.f32 v4;
	v4 =	vunpack.i.l.bf16.f32 v4;
	v1 =	vmul.bf16 v3, v1  }
0x1f2: {  	v4 =	vadd.f32 v4, v62;
	v6 =	vmul.bf16 v7, v6;
	v7, _, _ =	vpop (xrf2);
	(xrf2) =	vadd.scan.msk.f32 $0xffff, v2  }
0x1f3: {  	v3 =	vunpack.i.u.bf16.f32 v8;
	v8 =	vunpack.i.l.bf16.f32 v8;
	v5 =	vunpack.i.u.bf16.f32 v1  }
0x1f4: {  	v3 =	vadd.f32 v8, v3;
	v63 =	vunpack.i.u.bf16.f32 v6  }
0x1f5: {  	s6 =	simm.s32 $0x80;
	v6 =	vunpack.i.l.bf16.f32 v6;
	v1 =	vunpack.i.l.bf16.f32 v1;
	[tilespmem:s3+$0x11870] =	vst v7;
	(xrf2) =	vadd.scan.msk.f32 $0xffff, v4  }
0x1f6: {  	s16 =	simm.s32 $0x400;
	s1 =	simm.s32 $0x0;
	v2 =	vadd.f32 v1, v5;
	v1 =	vadd.f32 v6, v63;
	v5, _, _ =	vpop (xrf2);
	v4 =	vld [tilespmem:s6+$0x5070]  }
.LBB2_11:
0x1f7: {  	p1 =	sne.s32 s16, $0x7E00;
	v6 =	vld [tilespmem:s6+$0xD070];
	[tilespmem:s3+$0x11800] =	vst v5  }
0x1f8: {  	v5 =	vld [tilespmem:s6+$0x5000];
	(xrf2) =	vadd.scan.msk.f32 $0xffff, v3  }
0x1f9: {  	v3 =	vld [tilespmem:s6+$0xD000];
	v7, _, _ =	vpop (xrf2)  }
0x1fa: {  	v8 =	vld [tilespmem:s6+$0x5010];
	[tilespmem:s3+$0x11810] =	vst v7  }
0x1fb: {  	v7 =	vld [tilespmem:s6+$0xD010];
	(xrf2) =	vadd.scan.msk.f32 $0xffff, v2  }
0x1fc: {  	v2 =	vld [tilespmem:s6+$0x5020];
	v4 =	vmul.bf16 v6, v4;
	v6, _, _ =	vpop (xrf2)  }
0x1fd: {  	v9 =	vld [tilespmem:s6+$0xD020];
	[tilespmem:s3+$0x11820] =	vst v6  }
0x1fe: {  	v3 =	vmul.bf16 v3, v5;
	v5 =	vld [tilespmem:s6+$0x5030];
	v10 =	vunpack.i.u.bf16.f32 v4;
	v4 =	vunpack.i.l.bf16.f32 v4;
	(xrf2) =	vadd.scan.msk.f32 $0xffff, v1  }
0x1ff: {  	v1 =	vld [tilespmem:s6+$0xD030];
	v4 =	vadd.f32 v4, v10;
	v6, _, _ =	vpop (xrf2)  }
0x200: {  	v11 =	vunpack.i.u.bf16.f32 v3;
	v3 =	vunpack.i.l.bf16.f32 v3;
	v7 =	vmul.bf16 v7, v8;
	v8 =	vld [tilespmem:s6+$0x5040];
	[tilespmem:s3+$0x11830] =	vst v6  }
0x201: {  	v3 =	vadd.f32 v3, v11;
	v6 =	vld [tilespmem:s6+$0xD040];
	(xrf2) =	vadd.scan.msk.f32 $0xffff, v4  }
0x202: {  	v4 =	vunpack.i.u.bf16.f32 v7;
	v7 =	vunpack.i.l.bf16.f32 v7;
	v2 =	vmul.bf16 v9, v2;
	v9 =	vld [tilespmem:s6+$0x5050];
	v10, _, _ =	vpop (xrf2)  }
0x203: {  	v4 =	vadd.f32 v7, v4;
	v7 =	vld [tilespmem:s6+$0xD050];
	[tilespmem:s3+$0x11840] =	vst v10  }
0x204: {  	v10 =	vunpack.i.u.bf16.f32 v2;
	v2 =	vunpack.i.l.bf16.f32 v2;
	v1 =	vmul.bf16 v1, v5;
	v5 =	vld [tilespmem:s6+$0x5060];
	(xrf2) =	vadd.scan.msk.f32 $0xffff, v3  }
0x205: {  	v2 =	vadd.f32 v2, v10;
	v10 =	vld [tilespmem:s6+$0xD060];
	v3, _, _ =	vpop (xrf2)  }
0x206: {  	v11 =	vunpack.i.u.bf16.f32 v1;
	v1 =	vunpack.i.l.bf16.f32 v1;
	v12 =	vmul.bf16 v6, v8;
	[tilespmem:s3+$0x11850] =	vst v3  }
0x207: {  	v8 =	vadd.f32 v1, v11;
	(xrf2) =	vadd.scan.msk.f32 $0xffff, v4  }
0x208: {  	v1 =	vunpack.i.u.bf16.f32 v12;
	v3 =	vunpack.i.l.bf16.f32 v12;
	v4 =	vmul.bf16 v7, v9;
	v6, _, _ =	vpop (xrf2)  }
0x209: {  	v3 =	vadd.f32 v3, v1;
	[tilespmem:s3+$0x11860] =	vst v6;
	s3 =	smov.u32 s6  }
.Ltmp4:
0x20a: {  	v6 =	vunpack.i.u.bf16.f32 v4;
	v4 =	vunpack.i.l.bf16.f32 v4;
	v5 =	vmul.bf16 v10, v5;
	(xrf2) =	vadd.scan.msk.f32 $0xffff, v2;
	(pc) =	sbr.rel @p1 .LBB2_11-.Ltmp4, $4  }
0x20b: {  	v2 =	vadd.f32 v4, v6;
	v1, _, _ =	vpop (xrf2)  }
0x20c: {  	v4 =	vunpack.i.u.bf16.f32 v5;
	v6 =	vunpack.i.l.bf16.f32 v5;
	[tilespmem:s3+$0x11870] =	vst v1  }
0x20d: {  	s6 =	sshra.s32 s16, $0x2;
	v1 =	vadd.f32 v6, v4;
	(xrf2) =	vadd.scan.msk.f32 $0xffff, v8  }
0x20e: {  	s16 =	sadd.s32 $0x200, s16;
	v4 =	vld [tilespmem:s6+$0x5070];
	v5, _, _ =	vpop (xrf2)  }
0x20f: {  	v6 =	vld [tilespmem:s6+$0xD070];
	[tilespmem:s3+$0x11800] =	vst v5  }
0x210: {  	(xrf2) =	vadd.scan.msk.f32 $0xffff, v3;
	v5 =	vld [tilespmem:s6+$0x5000]  }
0x211: {  	v7 =	vld [tilespmem:s6+$0xD000];
	v8, _, _ =	vpop (xrf2)  }
0x212: {  	v9 =	vld [tilespmem:s6+$0x5010];
	[tilespmem:s3+$0x11810] =	vst v8  }
0x213: {  	v3 =	vld [tilespmem:s6+$0xD010]  }
0x214: {  	v8 =	vld [tilespmem:s6+$0x5020];
	v10, _, _ =	vpop (xrf2)  }
0x215: {  	v11 =	vld [tilespmem:s6+$0xD020];
	[tilespmem:s3+$0x11820] =	vst v10  }
0x216: {  	v10 =	vld [tilespmem:s6+$0x5030]  }
0x217: {  	v12 =	vld [tilespmem:s6+$0xD030];
	v13, _, _ =	vpop (xrf2)  }
0x218: {  	v14 =	vld [tilespmem:s6+$0x5040];
	[tilespmem:s3+$0x11830] =	vst v13  }
0x219: {  	v4 =	vmul.bf16 v6, v4;
	v13 =	vld [tilespmem:s6+$0xD040]  }
0x21a: {  	v5 =	vmul.bf16 v7, v5;
	v50 =	vld [tilespmem:s6+$0x5050];
	v51, _, _ =	vpop (xrf2)  }
0x21b: {  	v16 =	vunpack.i.u.bf16.f32 v4;
	v4 =	vunpack.i.l.bf16.f32 v4;
	v15 =	vld [tilespmem:s6+$0xD050];
	[tilespmem:s3+$0x11840] =	vst v51  }
0x21c: {  	v52 =	vunpack.i.u.bf16.f32 v5;
	v5 =	vunpack.i.l.bf16.f32 v5;
	v3 =	vmul.bf16 v3, v9;
	v53 =	vld [tilespmem:s6+$0x5060]  }
0x21d: {  	v4 =	vadd.f32 v4, v16;
	v5 =	vadd.f32 v5, v52;
	v54 =	vmul.bf16 v11, v8;
	v55 =	vld [tilespmem:s6+$0xD060]  }
0x21e: {  	(xrf2) =	vadd.scan.msk.f32 $0xffff, v2;
	v56 =	vunpack.i.u.bf16.f32 v3;
	v3 =	vunpack.i.l.bf16.f32 v3;
	v2 =	vmul.bf16 v12, v10  }
0x21f: {  	(xrf2) =	vadd.scan.msk.f32 $0xffff, v1;
	v7 =	vunpack.i.l.bf16.f32 v54;
	v1 =	vadd.f32 v3, v56;
	v3 =	vunpack.i.u.bf16.f32 v54  }
0x220: {  	(xrf2) =	vadd.scan.msk.f32 $0xffff, v4;
	v58 =	vunpack.i.u.bf16.f32 v2;
	v2 =	vunpack.i.l.bf16.f32 v2;
	v57 =	vmul.bf16 v13, v14  }
0x221: {  	(xrf2) =	vadd.scan.msk.f32 $0xffff, v5;
	v3 =	vadd.f32 v7, v3;
	v2 =	vadd.f32 v2, v58;
	v59 =	vmul.bf16 v15, v50  }
0x222: {  	(xrf2) =	vadd.scan.msk.f32 $0xffff, v1;
	v1 =	vunpack.i.u.bf16.f32 v57;
	v4 =	vunpack.i.l.bf16.f32 v57;
	v60 =	vmul.bf16 v55, v53  }
0x223: {  	(xrf2) =	vadd.scan.msk.f32 $0xffff, v3;
	v61 =	vunpack.i.u.bf16.f32 v59;
	v5 =	vunpack.i.l.bf16.f32 v59;
	v1 =	vadd.f32 v4, v1  }
0x224: {  	(xrf2) =	vadd.scan.msk.f32 $0xffff, v2;
	v3 =	vadd.f32 v5, v61;
	v62 =	vunpack.i.u.bf16.f32 v60;
	v63 =	vunpack.i.l.bf16.f32 v60  }
0x225: {  	v2 =	vadd.f32 v63, v62;
	(xrf2) =	vadd.scan.msk.f32 $0xffff, v1  }
0x226: {  	(xrf2) =	vadd.scan.msk.f32 $0xffff, v3  }
0x227: {  	(xrf2) =	vadd.scan.msk.f32 $0xffff, v2  }
0x228: {  	v1, _, _ =	vpop (xrf2)  }
0x229: {  	[tilespmem:s3+$0x11850] =	vst v1;
	v2, _, _ =	vpop (xrf2)  }
0x22a: {  	v1, _, _ =	vpop (xrf2);
	[tilespmem:s3+$0x11860] =	vst v2  }
0x22b: {  	v2, _, _ =	vpop (xrf2);
	[tilespmem:s6+$0x11870] =	vst v1  }
0x22c: {  	v1, _, _ =	vpop (xrf2);
	[tilespmem:s6+$0x11800] =	vst v2  }
0x22d: {  	v2, _, _ =	vpop (xrf2);
	[tilespmem:s6+$0x11810] =	vst v1  }
0x22e: {  	[tilespmem:s6+$0x11820] =	vst v2;
	v1, _, _ =	vpop (xrf2);
	v2 =	vor.u32 s1, v0  }
0x22f: {  	[tilespmem:s6+$0x11830] =	vst v1;
	v1, _, _ =	vpop (xrf2)  }
0x230: {  	[tilespmem:s6+$0x11840] =	vst v1;
	v1, _, _ =	vpop (xrf2)  }
0x231: {  	[tilespmem:s6+$0x11850] =	vst v1;
	v1, _, _ =	vpop (xrf2)  }
0x232: {  	[tilespmem:s6+$0x11860] =	vst v1  }
0x233: {  	s6 =	simm.s32 $0x100;
	v1 =	vld.idx.msk [tilespmem:v2+s9+$0x0], $0xffff  }
0x234: {  	v2 =	vor.u32 s6, v0;
	_ =	sdelay $0x2  }
0x235: {  	s1 =	simm.s32 $0x11400  }
0x236: {  	[tilespmem:s1+$0x0] =	vst v1  }
0x237: {  	s16 =	simm.s32 $0x200;
	v1 =	vld.idx.msk [tilespmem:v2+s9+$0x0], $0xffff  }
0x238: {  	s3 =	simm.s32 $0x300;
	v2 =	vor.u32 s16, v0  }
.LBB2_13:
0x239: {  	p1 =	sne.s32 s3, $0x1F00;
	_ =	sdelay $0x1  }
.Ltmp5:
0x23a: {  	s1 =	sadd.s32 $0x10, s1;
	(pc) =	sbr.rel @p1 .LBB2_13-.Ltmp5, $3  }
0x23b: {  	[tilespmem:s1+$0x0] =	vst v1  }
0x23c: {  	v1 =	vld.idx.msk [tilespmem:v2+s9+$0x0], $0xffff;
	_ =	sdelay $0x1  }
0x23d: {  	v2 =	vor.u32 s3, v0;
	s3 =	sadd.s32 $0x100, s3  }
0x23e: {  	_ =	sdelay $0x1  }
0x23f: {  	s1 =	sadd.s32 $0x10, s1  }
0x240: {  	[tilespmem:s1+$0x0] =	vst v1  }
0x241: {  	v1 =	vld.idx.msk [tilespmem:v2+s9+$0x0], $0xffff;
	_ =	sdelay $0x3  }
0x242: {  	s1 =	sadd.s32 $0x10, s1  }
0x243: {  	s6 =	sadd.s32 $0x80, s22;
	s3 =	simm.s32 $0x11400;
	[tilespmem:s1+$0x0] =	vst v1  }
0x244: {  	[hbm4b:s6+s2] =	stream.linear.scatter [tilespmem:s3], [sflag:$0xB], $0x200, $0x38;
	[tilespmem:$0x13800] =	vst v63  }
0x245: {  	_ =	swait.ge [sflag:s23], $0x800  }
0x246: {  	[sflag:s23] =	ssyncset.done $0x0  }
0x247: {  	[sflag:s23] =	ssyncadd.s32 $0xFFFFF800  }
0x248: {  	_ =	swait.ge [sflag:s23], $0x800  }
0x249: {  	[sflag:s23] =	ssyncset.done $0x0  }
0x24a: {  	[sflag:s23] =	ssyncadd.s32 $0xFFFFF800  }
0x24b: {  	_ =	swait.ge [sflag:s23], $0x800  }
0x24c: {  	[sflag:s23] =	ssyncset.done $0x0  }
0x24d: {  	[sflag:s23] =	ssyncadd.s32 $0xFFFFF800  }
0x24e: {  	_ =	swait.ge [sflag:s23], $0x800  }
0x24f: {  	[sflag:s23] =	ssyncset.done $0x0  }
0x250: {  	[sflag:s23] =	ssyncadd.s32 $0xFFFFF800  }
0x251: {  	_ =	swait.ge [sflag:s23], $0x800  }
0x252: {  	[sflag:s23] =	ssyncset.done $0x0  }
0x253: {  	[sflag:s23] =	ssyncadd.s32 $0xFFFFF800  }
0x254: {  	_ =	swait.ge [sflag:s23], $0x800  }
0x255: {  	[sflag:s23] =	ssyncset.done $0x0  }
0x256: {  	[sflag:s23] =	ssyncadd.s32 $0xFFFFF800  }
0x257: {  	_ =	swait.ge [sflag:s23], $0x800  }
0x258: {  	[sflag:s23] =	ssyncset.done $0x0  }
0x259: {  	[sflag:s23] =	ssyncadd.s32 $0xFFFFF800  }
0x25a: {  	_ =	swait.ge [sflag:s23], $0x800  }
0x25b: {  	[sflag:s23] =	ssyncset.done $0x0  }
0x25c: {  	[sflag:s23] =	ssyncadd.s32 $0xFFFFF800  }
0x25d: {  	_ =	swait.ge [sflag:s8], $0x200  }
0x25e: {  	[sflag:s8] =	ssyncset.done $0x0  }
0x25f: {  	[sflag:s8] =	ssyncadd.s32 $0xFFFFFE00  }
0x260: {  	_ =	swait.ge [sflag:s8], $0x200  }
0x261: {  	[sflag:s8] =	ssyncset.done $0x0  }
0x262: {  	s16 =	simm.s32 $0x5000;
	[sflag:s8] =	ssyncadd.s32 $0xFFFFFE00  }
0x263: {  	[tilespmem:s16], [sflag:$0x7] =	stream.indirect.gather [hbm4b:s4+s0], $0x10, s29, s0, $0xb8;
	[tilespmem:$0x13800] =	vst v63  }
0x264: {  	s3 =	simm.s32 $0xD000  }
0x265: {  	[tilespmem:s3], [sflag:$0x7] =	stream.indirect.gather [hbm4b:s4+s0], $0x10, s30, s0, $0xb8;
	[tilespmem:$0x13800] =	vst v63  }
0x266: {  	s6 =	simm.s32 $0x480;
	s16 =	simm.s32 $0x5800  }
0x267: {  	[tilespmem:s16], [sflag:$0x7] =	stream.indirect.gather [hbm4b:s4+s0], $0x10, s6, s0, $0xb8;
	[tilespmem:$0x13800] =	vst v63  }
0x268: {  	s6 =	simm.s32 $0xC80;
	s16 =	simm.s32 $0xD800  }
0x269: {  	[tilespmem:s16], [sflag:$0x7] =	stream.indirect.gather [hbm4b:s4+s0], $0x10, s6, s0, $0xb8;
	[tilespmem:$0x13800] =	vst v63  }
0x26a: {  	s6 =	simm.s32 $0x500;
	s16 =	simm.s32 $0x6000  }
0x26b: {  	[tilespmem:s16], [sflag:$0x7] =	stream.indirect.gather [hbm4b:s4+s0], $0x10, s6, s0, $0xb8;
	[tilespmem:$0x13800] =	vst v63  }
0x26c: {  	s6 =	simm.s32 $0xD00;
	s16 =	simm.s32 $0xE000  }
0x26d: {  	[tilespmem:s16], [sflag:$0x7] =	stream.indirect.gather [hbm4b:s4+s0], $0x10, s6, s0, $0xb8;
	[tilespmem:$0x13800] =	vst v63  }
0x26e: {  	s6 =	simm.s32 $0x580;
	s16 =	simm.s32 $0x6800  }
0x26f: {  	[tilespmem:s16], [sflag:$0x7] =	stream.indirect.gather [hbm4b:s4+s0], $0x10, s6, s0, $0xb8;
	[tilespmem:$0x13800] =	vst v63  }
0x270: {  	s16 =	sadd.s32 s20, s19  }
0x271: {  	s3 =	simm.s32 $0xD80;
	s6 =	simm.s32 $0xE800;
	s1 =	sshrl.u32 s16, $0x3  }
0x272: {  	[tilespmem:s6], [sflag:$0x7] =	stream.indirect.gather [hbm4b:s4+s0], $0x10, s3, s0, $0xb8;
	[tilespmem:$0x13800] =	vst v63  }
0x273: {  	s20 =	sadd.s32 s5, s1  }
0x274: {  	[tilespmem:s11], [sflag:$0x4] =	stream.linear.gather [hbm4b:s20+s2], $0x200, $0x38;
	[tilespmem:$0x13800] =	vst v63  }
0x275: {  	s1 =	sadd.s32 s7, s1  }
0x276: {  	[tilespmem:s12], [sflag:$0x4] =	stream.linear.gather [hbm4b:s1+s2], $0x200, $0x38;
	[tilespmem:$0x13800] =	vst v63  }
0x277: {  	s1 =	simm.s32 @!p0 $0xC  }
0x278: {  	_ =	swait.ge @!p0 [sflag:s1], $0x200  }
0x279: {  	[sflag:s1] =	ssyncset.done @!p0 $0x0  }
0x27a: {  	s3 =	simm.s32 $0x0;
	[sflag:s1] =	ssyncadd.s32 @!p0 $0xFFFFFE00  }
0x27b: {  	v1 =	vld [tilespmem:s3+$0x7070]  }
0x27c: {  	v2 =	vld [tilespmem:s3+$0xF070];
	_ =	sdelay $0x1  }
0x27d: {  	v3 =	vld [tilespmem:s3+$0x7000]  }
0x27e: {  	v4 =	vld [tilespmem:s3+$0xF000]  }
0x27f: {  	v5 =	vld [tilespmem:s3+$0x7010]  }
0x280: {  	v6 =	vld [tilespmem:s3+$0xF010];
	v1 =	vmul.bf16 v2, v1  }
0x281: {  	v7 =	vld [tilespmem:s3+$0x7020]  }
0x282: {  	v9 =	vld [tilespmem:s3+$0xF030];
	v8 =	vunpack.i.u.bf16.f32 v1;
	v1 =	vunpack.i.l.bf16.f32 v1  }
0x283: {  	v10 =	vld [tilespmem:s3+$0x7040];
	v1 =	vadd.f32 v1, v8  }
0x284: {  	v59 =	vld [tilespmem:s3+$0xF040];
	v3 =	vmul.bf16 v4, v3  }
0x285: {  	v2 =	vld [tilespmem:s3+$0xF020];
	(xrf2) =	vadd.scan.msk.f32 $0xffff, v1  }
0x286: {  	v4 =	vld [tilespmem:s3+$0x7030];
	v58 =	vunpack.i.u.bf16.f32 v3;
	v3 =	vunpack.i.l.bf16.f32 v3  }
0x287: {  	v5 =	vmul.bf16 v6, v5;
	v6 =	vld [tilespmem:s3+$0x7060];
	v3 =	vadd.f32 v3, v58  }
0x288: {  	v1 =	vld [tilespmem:s3+$0x7050]  }
0x289: {  	v60 =	vunpack.i.u.bf16.f32 v5;
	v5 =	vunpack.i.l.bf16.f32 v5;
	(xrf2) =	vadd.scan.msk.f32 $0xffff, v3;
	v3 =	vld [tilespmem:s3+$0xF050]  }
0x28a: {  	v5 =	vadd.f32 v5, v60;
	v2 =	vmul.bf16 v2, v7;
	v7 =	vld [tilespmem:s3+$0xF060];
	_ =	sdelay $0x1  }
0x28b: {  	v4 =	vmul.bf16 v9, v4;
	v61 =	vunpack.i.u.bf16.f32 v2;
	v2 =	vunpack.i.l.bf16.f32 v2;
	(xrf2) =	vadd.scan.msk.f32 $0xffff, v5  }
0x28c: {  	v8 =	vmul.bf16 v59, v10;
	v2 =	vadd.f32 v2, v61  }
0x28d: {  	v62 =	vunpack.i.u.bf16.f32 v4;
	v4 =	vunpack.i.l.bf16.f32 v4;
	v1 =	vmul.bf16 v3, v1  }
0x28e: {  	v4 =	vadd.f32 v4, v62;
	v6 =	vmul.bf16 v7, v6;
	v7, _, _ =	vpop (xrf2);
	(xrf2) =	vadd.scan.msk.f32 $0xffff, v2  }
0x28f: {  	v3 =	vunpack.i.u.bf16.f32 v8;
	v8 =	vunpack.i.l.bf16.f32 v8;
	v5 =	vunpack.i.u.bf16.f32 v1  }
0x290: {  	v3 =	vadd.f32 v8, v3;
	v63 =	vunpack.i.u.bf16.f32 v6  }
0x291: {  	s6 =	simm.s32 $0x80;
	v6 =	vunpack.i.l.bf16.f32 v6;
	v1 =	vunpack.i.l.bf16.f32 v1;
	[tilespmem:s3+$0x11870] =	vst v7;
	(xrf2) =	vadd.scan.msk.f32 $0xffff, v4  }
0x292: {  	s16 =	simm.s32 $0x400;
	s1 =	simm.s32 $0x0;
	v2 =	vadd.f32 v1, v5;
	v1 =	vadd.f32 v6, v63;
	v5, _, _ =	vpop (xrf2);
	v4 =	vld [tilespmem:s6+$0x7070]  }
.LBB2_15:
0x293: {  	p0 =	sne.s32 s16, $0x7E00;
	v6 =	vld [tilespmem:s6+$0xF070];
	[tilespmem:s3+$0x11800] =	vst v5  }
0x294: {  	v5 =	vld [tilespmem:s6+$0x7000];
	(xrf2) =	vadd.scan.msk.f32 $0xffff, v3  }
0x295: {  	v3 =	vld [tilespmem:s6+$0xF000];
	v7, _, _ =	vpop (xrf2)  }
0x296: {  	v8 =	vld [tilespmem:s6+$0x7010];
	[tilespmem:s3+$0x11810] =	vst v7  }
0x297: {  	v7 =	vld [tilespmem:s6+$0xF010];
	(xrf2) =	vadd.scan.msk.f32 $0xffff, v2  }
0x298: {  	v2 =	vld [tilespmem:s6+$0x7020];
	v4 =	vmul.bf16 v6, v4;
	v6, _, _ =	vpop (xrf2)  }
0x299: {  	v9 =	vld [tilespmem:s6+$0xF020];
	[tilespmem:s3+$0x11820] =	vst v6  }
0x29a: {  	v3 =	vmul.bf16 v3, v5;
	v5 =	vld [tilespmem:s6+$0x7030];
	v10 =	vunpack.i.u.bf16.f32 v4;
	v4 =	vunpack.i.l.bf16.f32 v4;
	(xrf2) =	vadd.scan.msk.f32 $0xffff, v1  }
0x29b: {  	v1 =	vld [tilespmem:s6+$0xF030];
	v4 =	vadd.f32 v4, v10;
	v6, _, _ =	vpop (xrf2)  }
0x29c: {  	v11 =	vunpack.i.u.bf16.f32 v3;
	v3 =	vunpack.i.l.bf16.f32 v3;
	v7 =	vmul.bf16 v7, v8;
	v8 =	vld [tilespmem:s6+$0x7040];
	[tilespmem:s3+$0x11830] =	vst v6  }
0x29d: {  	v3 =	vadd.f32 v3, v11;
	v6 =	vld [tilespmem:s6+$0xF040];
	(xrf2) =	vadd.scan.msk.f32 $0xffff, v4  }
0x29e: {  	v4 =	vunpack.i.u.bf16.f32 v7;
	v7 =	vunpack.i.l.bf16.f32 v7;
	v2 =	vmul.bf16 v9, v2;
	v9 =	vld [tilespmem:s6+$0x7050];
	v10, _, _ =	vpop (xrf2)  }
0x29f: {  	v4 =	vadd.f32 v7, v4;
	v7 =	vld [tilespmem:s6+$0xF050];
	[tilespmem:s3+$0x11840] =	vst v10  }
0x2a0: {  	v10 =	vunpack.i.u.bf16.f32 v2;
	v2 =	vunpack.i.l.bf16.f32 v2;
	v1 =	vmul.bf16 v1, v5;
	v5 =	vld [tilespmem:s6+$0x7060];
	(xrf2) =	vadd.scan.msk.f32 $0xffff, v3  }
0x2a1: {  	v2 =	vadd.f32 v2, v10;
	v10 =	vld [tilespmem:s6+$0xF060];
	v3, _, _ =	vpop (xrf2)  }
0x2a2: {  	v11 =	vunpack.i.u.bf16.f32 v1;
	v1 =	vunpack.i.l.bf16.f32 v1;
	v12 =	vmul.bf16 v6, v8;
	[tilespmem:s3+$0x11850] =	vst v3  }
0x2a3: {  	v8 =	vadd.f32 v1, v11;
	(xrf2) =	vadd.scan.msk.f32 $0xffff, v4  }
0x2a4: {  	v1 =	vunpack.i.u.bf16.f32 v12;
	v3 =	vunpack.i.l.bf16.f32 v12;
	v4 =	vmul.bf16 v7, v9;
	v6, _, _ =	vpop (xrf2)  }
0x2a5: {  	v3 =	vadd.f32 v3, v1;
	[tilespmem:s3+$0x11860] =	vst v6;
	s3 =	smov.u32 s6  }
.Ltmp6:
0x2a6: {  	v6 =	vunpack.i.u.bf16.f32 v4;
	v4 =	vunpack.i.l.bf16.f32 v4;
	v5 =	vmul.bf16 v10, v5;
	(xrf2) =	vadd.scan.msk.f32 $0xffff, v2;
	(pc) =	sbr.rel @p0 .LBB2_15-.Ltmp6, $4  }
0x2a7: {  	v2 =	vadd.f32 v4, v6;
	v1, _, _ =	vpop (xrf2)  }
0x2a8: {  	v4 =	vunpack.i.u.bf16.f32 v5;
	v6 =	vunpack.i.l.bf16.f32 v5;
	[tilespmem:s3+$0x11870] =	vst v1  }
0x2a9: {  	s6 =	sshra.s32 s16, $0x2;
	v1 =	vadd.f32 v6, v4;
	(xrf2) =	vadd.scan.msk.f32 $0xffff, v8  }
0x2aa: {  	s16 =	sadd.s32 $0x200, s16;
	v4 =	vld [tilespmem:s6+$0x7070];
	v5, _, _ =	vpop (xrf2)  }
0x2ab: {  	v6 =	vld [tilespmem:s6+$0xF070];
	[tilespmem:s3+$0x11800] =	vst v5  }
0x2ac: {  	(xrf2) =	vadd.scan.msk.f32 $0xffff, v3;
	v5 =	vld [tilespmem:s6+$0x7000]  }
0x2ad: {  	v7 =	vld [tilespmem:s6+$0xF000];
	v8, _, _ =	vpop (xrf2)  }
0x2ae: {  	v9 =	vld [tilespmem:s6+$0x7010];
	[tilespmem:s3+$0x11810] =	vst v8  }
0x2af: {  	v3 =	vld [tilespmem:s6+$0xF010]  }
0x2b0: {  	v8 =	vld [tilespmem:s6+$0x7020];
	v10, _, _ =	vpop (xrf2)  }
0x2b1: {  	v11 =	vld [tilespmem:s6+$0xF020];
	[tilespmem:s3+$0x11820] =	vst v10  }
0x2b2: {  	v10 =	vld [tilespmem:s6+$0x7030]  }
0x2b3: {  	v12 =	vld [tilespmem:s6+$0xF030];
	v13, _, _ =	vpop (xrf2)  }
0x2b4: {  	v14 =	vld [tilespmem:s6+$0x7040];
	[tilespmem:s3+$0x11830] =	vst v13  }
0x2b5: {  	v4 =	vmul.bf16 v6, v4;
	v13 =	vld [tilespmem:s6+$0xF040]  }
0x2b6: {  	v5 =	vmul.bf16 v7, v5;
	v50 =	vld [tilespmem:s6+$0x7050];
	v51, _, _ =	vpop (xrf2)  }
0x2b7: {  	v16 =	vunpack.i.u.bf16.f32 v4;
	v4 =	vunpack.i.l.bf16.f32 v4;
	v15 =	vld [tilespmem:s6+$0xF050];
	[tilespmem:s3+$0x11840] =	vst v51  }
0x2b8: {  	v52 =	vunpack.i.u.bf16.f32 v5;
	v5 =	vunpack.i.l.bf16.f32 v5;
	v3 =	vmul.bf16 v3, v9;
	v53 =	vld [tilespmem:s6+$0x7060]  }
0x2b9: {  	v4 =	vadd.f32 v4, v16;
	v5 =	vadd.f32 v5, v52;
	v54 =	vmul.bf16 v11, v8;
	v55 =	vld [tilespmem:s6+$0xF060]  }
0x2ba: {  	(xrf2) =	vadd.scan.msk.f32 $0xffff, v2;
	v56 =	vunpack.i.u.bf16.f32 v3;
	v3 =	vunpack.i.l.bf16.f32 v3;
	v2 =	vmul.bf16 v12, v10  }
0x2bb: {  	(xrf2) =	vadd.scan.msk.f32 $0xffff, v1;
	v7 =	vunpack.i.l.bf16.f32 v54;
	v1 =	vadd.f32 v3, v56;
	v3 =	vunpack.i.u.bf16.f32 v54  }
0x2bc: {  	(xrf2) =	vadd.scan.msk.f32 $0xffff, v4;
	v58 =	vunpack.i.u.bf16.f32 v2;
	v2 =	vunpack.i.l.bf16.f32 v2;
	v57 =	vmul.bf16 v13, v14  }
0x2bd: {  	(xrf2) =	vadd.scan.msk.f32 $0xffff, v5;
	v3 =	vadd.f32 v7, v3;
	v2 =	vadd.f32 v2, v58;
	v59 =	vmul.bf16 v15, v50  }
0x2be: {  	(xrf2) =	vadd.scan.msk.f32 $0xffff, v1;
	v1 =	vunpack.i.u.bf16.f32 v57;
	v4 =	vunpack.i.l.bf16.f32 v57;
	v60 =	vmul.bf16 v55, v53  }
0x2bf: {  	(xrf2) =	vadd.scan.msk.f32 $0xffff, v3;
	v61 =	vunpack.i.u.bf16.f32 v59;
	v5 =	vunpack.i.l.bf16.f32 v59;
	v1 =	vadd.f32 v4, v1  }
0x2c0: {  	(xrf2) =	vadd.scan.msk.f32 $0xffff, v2;
	v3 =	vadd.f32 v5, v61;
	v62 =	vunpack.i.u.bf16.f32 v60;
	v63 =	vunpack.i.l.bf16.f32 v60  }
0x2c1: {  	v2 =	vadd.f32 v63, v62;
	(xrf2) =	vadd.scan.msk.f32 $0xffff, v1  }
0x2c2: {  	(xrf2) =	vadd.scan.msk.f32 $0xffff, v3  }
0x2c3: {  	(xrf2) =	vadd.scan.msk.f32 $0xffff, v2  }
0x2c4: {  	v1, _, _ =	vpop (xrf2)  }
0x2c5: {  	[tilespmem:s3+$0x11850] =	vst v1;
	v2, _, _ =	vpop (xrf2)  }
0x2c6: {  	v1, _, _ =	vpop (xrf2);
	[tilespmem:s3+$0x11860] =	vst v2  }
0x2c7: {  	v2, _, _ =	vpop (xrf2);
	[tilespmem:s6+$0x11870] =	vst v1  }
0x2c8: {  	v1, _, _ =	vpop (xrf2);
	[tilespmem:s6+$0x11800] =	vst v2  }
0x2c9: {  	v2, _, _ =	vpop (xrf2);
	[tilespmem:s6+$0x11810] =	vst v1  }
0x2ca: {  	[tilespmem:s6+$0x11820] =	vst v2;
	v1, _, _ =	vpop (xrf2);
	v2 =	vor.u32 s1, v0  }
0x2cb: {  	[tilespmem:s6+$0x11830] =	vst v1;
	v1, _, _ =	vpop (xrf2)  }
0x2cc: {  	[tilespmem:s6+$0x11840] =	vst v1;
	v1, _, _ =	vpop (xrf2)  }
0x2cd: {  	[tilespmem:s6+$0x11850] =	vst v1;
	v1, _, _ =	vpop (xrf2)  }
0x2ce: {  	[tilespmem:s6+$0x11860] =	vst v1  }
0x2cf: {  	s16 =	simm.s32 $0x100;
	v1 =	vld.idx.msk [tilespmem:v2+s9+$0x0], $0xffff  }
0x2d0: {  	v2 =	vor.u32 s16, v0;
	_ =	sdelay $0x2  }
0x2d1: {  	s1 =	simm.s32 $0x11600  }
0x2d2: {  	[tilespmem:s1+$0x0] =	vst v1  }
0x2d3: {  	s20 =	simm.s32 $0x200;
	v1 =	vld.idx.msk [tilespmem:v2+s9+$0x0], $0xffff  }
0x2d4: {  	s3 =	simm.s32 $0x300;
	v2 =	vor.u32 s20, v0  }
.LBB2_17:
0x2d5: {  	p0 =	sne.s32 s3, $0x1F00;
	_ =	sdelay $0x1  }
.Ltmp7:
0x2d6: {  	s1 =	sadd.s32 $0x10, s1;
	(pc) =	sbr.rel @p0 .LBB2_17-.Ltmp7, $3  }
0x2d7: {  	[tilespmem:s1+$0x0] =	vst v1  }
0x2d8: {  	v1 =	vld.idx.msk [tilespmem:v2+s9+$0x0], $0xffff;
	_ =	sdelay $0x1  }
0x2d9: {  	v2 =	vor.u32 s3, v0;
	s3 =	sadd.s32 $0x100, s3  }
0x2da: {  	_ =	sdelay $0x1  }
0x2db: {  	s1 =	sadd.s32 $0x10, s1  }
0x2dc: {  	[tilespmem:s1+$0x0] =	vst v1  }
0x2dd: {  	s10 =	sadd.s32 $0x1, s10;
	v1 =	vld.idx.msk [tilespmem:v2+s9+$0x0], $0xffff  }
0x2de: {  	p0 =	sne.s32 s10, $0xF  }
.Ltmp8:
0x2df: {  	_ = 	snop;
	(pc) =	sbr.rel @p0 .LBB2_2-.Ltmp8, $4  }
0x2e0: {  	_ = 	snop  }
0x2e1: {  	s1 =	sadd.s32 $0x10, s1  }
0x2e2: {  	s22 =	sadd.s32 $0xC0, s22;
	s3 =	simm.s32 $0x11600;
	[tilespmem:s1+$0x0] =	vst v1  }
0x2e3: {  	[hbm4b:s22+s2] =	stream.linear.scatter [tilespmem:s3], [sflag:$0xC], $0x200, $0x38;
	[tilespmem:$0x13800] =	vst v63  }
0x2e4: {  	_ =	swait.ge [sflag:s13], $0x800  }
0x2e5: {  	[sflag:s13] =	ssyncset.done $0x0  }
0x2e6: {  	[sflag:s13] =	ssyncadd.s32 $0xFFFFF800  }
0x2e7: {  	_ =	swait.ge [sflag:s13], $0x800  }
0x2e8: {  	[sflag:s13] =	ssyncset.done $0x0  }
0x2e9: {  	[sflag:s13] =	ssyncadd.s32 $0xFFFFF800  }
0x2ea: {  	_ =	swait.ge [sflag:s13], $0x800  }
0x2eb: {  	[sflag:s13] =	ssyncset.done $0x0  }
0x2ec: {  	[sflag:s13] =	ssyncadd.s32 $0xFFFFF800  }
0x2ed: {  	_ =	swait.ge [sflag:s13], $0x800  }
0x2ee: {  	[sflag:s13] =	ssyncset.done $0x0  }
0x2ef: {  	[sflag:s13] =	ssyncadd.s32 $0xFFFFF800  }
0x2f0: {  	_ =	swait.ge [sflag:s13], $0x800  }
0x2f1: {  	[sflag:s13] =	ssyncset.done $0x0  }
0x2f2: {  	[sflag:s13] =	ssyncadd.s32 $0xFFFFF800  }
0x2f3: {  	_ =	swait.ge [sflag:s13], $0x800  }
0x2f4: {  	[sflag:s13] =	ssyncset.done $0x0  }
0x2f5: {  	[sflag:s13] =	ssyncadd.s32 $0xFFFFF800  }
0x2f6: {  	_ =	swait.ge [sflag:s13], $0x800  }
0x2f7: {  	[sflag:s13] =	ssyncset.done $0x0  }
0x2f8: {  	[sflag:s13] =	ssyncadd.s32 $0xFFFFF800  }
0x2f9: {  	_ =	swait.ge [sflag:s13], $0x800  }
0x2fa: {  	[sflag:s13] =	ssyncset.done $0x0  }
0x2fb: {  	[sflag:s13] =	ssyncadd.s32 $0xFFFFF800  }
0x2fc: {  	_ =	swait.ge [sflag:s14], $0x200  }
0x2fd: {  	[sflag:s14] =	ssyncset.done $0x0  }
0x2fe: {  	[sflag:s14] =	ssyncadd.s32 $0xFFFFFE00  }
0x2ff: {  	_ =	swait.ge [sflag:s14], $0x200  }
0x300: {  	[sflag:s14] =	ssyncset.done $0x0  }
0x301: {  	s1 =	simm.s32 $0x7000;
	[sflag:s14] =	ssyncadd.s32 $0xFFFFFE00  }
0x302: {  	[tilespmem:s1], [sflag:$0x8] =	stream.indirect.gather [hbm4b:s4+s0], $0x10, s11, s0, $0xb8;
	[tilespmem:$0x13800] =	vst v63  }
0x303: {  	s3 =	simm.s32 $0xF000  }
0x304: {  	[tilespmem:s3], [sflag:$0x8] =	stream.indirect.gather [hbm4b:s4+s0], $0x10, s12, s0, $0xb8;
	[tilespmem:$0x13800] =	vst v63  }
0x305: {  	s6 =	simm.s32 $0x680;
	s3 =	simm.s32 $0x7800  }
0x306: {  	[tilespmem:s3], [sflag:$0x8] =	stream.indirect.gather [hbm4b:s4+s0], $0x10, s6, s0, $0xb8;
	[tilespmem:$0x13800] =	vst v63  }
0x307: {  	s10 =	simm.s32 $0xE80;
	s16 =	simm.s32 $0xF800  }
0x308: {  	[tilespmem:s16], [sflag:$0x8] =	stream.indirect.gather [hbm4b:s4+s0], $0x10, s10, s0, $0xb8;
	[tilespmem:$0x13800] =	vst v63  }
0x309: {  	s20 =	simm.s32 $0x700;
	s22 =	simm.s32 $0x8000  }
0x30a: {  	[tilespmem:s22], [sflag:$0x8] =	stream.indirect.gather [hbm4b:s4+s0], $0x10, s20, s0, $0xb8;
	[tilespmem:$0x13800] =	vst v63  }
0x30b: {  	s3 =	simm.s32 $0xF00;
	s6 =	simm.s32 $0x10000  }
0x30c: {  	[tilespmem:s6], [sflag:$0x8] =	stream.indirect.gather [hbm4b:s4+s0], $0x10, s3, s0, $0xb8;
	[tilespmem:$0x13800] =	vst v63  }
0x30d: {  	s10 =	simm.s32 $0x780;
	s16 =	simm.s32 $0x8800  }
0x30e: {  	[tilespmem:s16], [sflag:$0x8] =	stream.indirect.gather [hbm4b:s4+s0], $0x10, s10, s0, $0xb8;
	[tilespmem:$0x13800] =	vst v63  }
0x30f: {  	s20 =	simm.s32 $0xF80;
	s22 =	simm.s32 $0x10800;
	s16 =	simm.s32 $0x9  }
0x310: {  	[tilespmem:s22], [sflag:$0x8] =	stream.indirect.gather [hbm4b:s4+s0], $0x10, s20, s0, $0xb8;
	[tilespmem:$0x13800] =	vst v63  }
0x311: {  	_ =	swait.ge [sflag:s16], $0x200  }
0x312: {  	[sflag:s16] =	ssyncset.done $0x0  }
0x313: {  	s3 =	simm.s32 $0x0;
	[sflag:s16] =	ssyncadd.s32 $0xFFFFFE00  }
0x314: {  	v1 =	vld [tilespmem:s3+$0x1070]  }
0x315: {  	v2 =	vld [tilespmem:s3+$0x9070];
	_ =	sdelay $0x1  }
0x316: {  	v3 =	vld [tilespmem:s3+$0x1000]  }
0x317: {  	v4 =	vld [tilespmem:s3+$0x9000]  }
0x318: {  	v5 =	vld [tilespmem:s3+$0x1010]  }
0x319: {  	v6 =	vld [tilespmem:s3+$0x9010];
	v1 =	vmul.bf16 v2, v1  }
0x31a: {  	v7 =	vld [tilespmem:s3+$0x1020]  }
0x31b: {  	v9 =	vld [tilespmem:s3+$0x9030];
	v8 =	vunpack.i.u.bf16.f32 v1;
	v1 =	vunpack.i.l.bf16.f32 v1  }
0x31c: {  	v10 =	vld [tilespmem:s3+$0x1040];
	v1 =	vadd.f32 v1, v8  }
0x31d: {  	v59 =	vld [tilespmem:s3+$0x9040];
	v3 =	vmul.bf16 v4, v3  }
0x31e: {  	v2 =	vld [tilespmem:s3+$0x9020];
	(xrf2) =	vadd.scan.msk.f32 $0xffff, v1  }
0x31f: {  	v4 =	vld [tilespmem:s3+$0x1030];
	v58 =	vunpack.i.u.bf16.f32 v3;
	v3 =	vunpack.i.l.bf16.f32 v3  }
0x320: {  	v5 =	vmul.bf16 v6, v5;
	v6 =	vld [tilespmem:s3+$0x1060];
	v3 =	vadd.f32 v3, v58  }
0x321: {  	v1 =	vld [tilespmem:s3+$0x1050]  }
0x322: {  	v60 =	vunpack.i.u.bf16.f32 v5;
	v5 =	vunpack.i.l.bf16.f32 v5;
	(xrf2) =	vadd.scan.msk.f32 $0xffff, v3;
	v3 =	vld [tilespmem:s3+$0x9050]  }
0x323: {  	v5 =	vadd.f32 v5, v60;
	v2 =	vmul.bf16 v2, v7;
	v7 =	vld [tilespmem:s3+$0x9060];
	_ =	sdelay $0x1  }
0x324: {  	v4 =	vmul.bf16 v9, v4;
	v61 =	vunpack.i.u.bf16.f32 v2;
	v2 =	vunpack.i.l.bf16.f32 v2;
	(xrf2) =	vadd.scan.msk.f32 $0xffff, v5  }
0x325: {  	v8 =	vmul.bf16 v59, v10;
	v2 =	vadd.f32 v2, v61  }
0x326: {  	v62 =	vunpack.i.u.bf16.f32 v4;
	v4 =	vunpack.i.l.bf16.f32 v4;
	v1 =	vmul.bf16 v3, v1  }
0x327: {  	v4 =	vadd.f32 v4, v62;
	v6 =	vmul.bf16 v7, v6;
	v7, _, _ =	vpop (xrf2);
	(xrf2) =	vadd.scan.msk.f32 $0xffff, v2  }
0x328: {  	v3 =	vunpack.i.u.bf16.f32 v8;
	v8 =	vunpack.i.l.bf16.f32 v8;
	v5 =	vunpack.i.u.bf16.f32 v1  }
0x329: {  	v3 =	vadd.f32 v8, v3;
	v63 =	vunpack.i.u.bf16.f32 v6  }
0x32a: {  	s6 =	simm.s32 $0x80;
	v6 =	vunpack.i.l.bf16.f32 v6;
	v1 =	vunpack.i.l.bf16.f32 v1;
	[tilespmem:s3+$0x11870] =	vst v7;
	(xrf2) =	vadd.scan.msk.f32 $0xffff, v4  }
0x32b: {  	s1 =	simm.s32 $0x0;
	s10 =	simm.s32 $0x400;
	v2 =	vadd.f32 v1, v5;
	v1 =	vadd.f32 v6, v63;
	v5, _, _ =	vpop (xrf2);
	v4 =	vld [tilespmem:s6+$0x1070]  }
.LBB2_20:
0x32c: {  	p0 =	sne.s32 s10, $0x7E00;
	v6 =	vld [tilespmem:s6+$0x9070];
	[tilespmem:s3+$0x11800] =	vst v5  }
0x32d: {  	v5 =	vld [tilespmem:s6+$0x1000];
	(xrf2) =	vadd.scan.msk.f32 $0xffff, v3  }
0x32e: {  	v3 =	vld [tilespmem:s6+$0x9000];
	v7, _, _ =	vpop (xrf2)  }
0x32f: {  	v8 =	vld [tilespmem:s6+$0x1010];
	[tilespmem:s3+$0x11810] =	vst v7  }
0x330: {  	v7 =	vld [tilespmem:s6+$0x9010];
	(xrf2) =	vadd.scan.msk.f32 $0xffff, v2  }
0x331: {  	v2 =	vld [tilespmem:s6+$0x1020];
	v4 =	vmul.bf16 v6, v4;
	v6, _, _ =	vpop (xrf2)  }
0x332: {  	v9 =	vld [tilespmem:s6+$0x9020];
	[tilespmem:s3+$0x11820] =	vst v6  }
0x333: {  	v3 =	vmul.bf16 v3, v5;
	v5 =	vld [tilespmem:s6+$0x1030];
	v10 =	vunpack.i.u.bf16.f32 v4;
	v4 =	vunpack.i.l.bf16.f32 v4;
	(xrf2) =	vadd.scan.msk.f32 $0xffff, v1  }
0x334: {  	v1 =	vld [tilespmem:s6+$0x9030];
	v4 =	vadd.f32 v4, v10;
	v6, _, _ =	vpop (xrf2)  }
0x335: {  	v11 =	vunpack.i.u.bf16.f32 v3;
	v3 =	vunpack.i.l.bf16.f32 v3;
	v7 =	vmul.bf16 v7, v8;
	v8 =	vld [tilespmem:s6+$0x1040];
	[tilespmem:s3+$0x11830] =	vst v6  }
0x336: {  	v3 =	vadd.f32 v3, v11;
	v6 =	vld [tilespmem:s6+$0x9040];
	(xrf2) =	vadd.scan.msk.f32 $0xffff, v4  }
0x337: {  	v4 =	vunpack.i.u.bf16.f32 v7;
	v7 =	vunpack.i.l.bf16.f32 v7;
	v2 =	vmul.bf16 v9, v2;
	v9 =	vld [tilespmem:s6+$0x1050];
	v10, _, _ =	vpop (xrf2)  }
0x338: {  	v4 =	vadd.f32 v7, v4;
	v7 =	vld [tilespmem:s6+$0x9050];
	[tilespmem:s3+$0x11840] =	vst v10  }
0x339: {  	v10 =	vunpack.i.u.bf16.f32 v2;
	v2 =	vunpack.i.l.bf16.f32 v2;
	v1 =	vmul.bf16 v1, v5;
	v5 =	vld [tilespmem:s6+$0x1060];
	(xrf2) =	vadd.scan.msk.f32 $0xffff, v3  }
0x33a: {  	v2 =	vadd.f32 v2, v10;
	v10 =	vld [tilespmem:s6+$0x9060];
	v3, _, _ =	vpop (xrf2)  }
0x33b: {  	v11 =	vunpack.i.u.bf16.f32 v1;
	v1 =	vunpack.i.l.bf16.f32 v1;
	v12 =	vmul.bf16 v6, v8;
	[tilespmem:s3+$0x11850] =	vst v3  }
0x33c: {  	v8 =	vadd.f32 v1, v11;
	(xrf2) =	vadd.scan.msk.f32 $0xffff, v4  }
0x33d: {  	v1 =	vunpack.i.u.bf16.f32 v12;
	v3 =	vunpack.i.l.bf16.f32 v12;
	v4 =	vmul.bf16 v7, v9;
	v6, _, _ =	vpop (xrf2)  }
0x33e: {  	v3 =	vadd.f32 v3, v1;
	[tilespmem:s3+$0x11860] =	vst v6;
	s3 =	smov.u32 s6  }
.Ltmp9:
0x33f: {  	v6 =	vunpack.i.u.bf16.f32 v4;
	v4 =	vunpack.i.l.bf16.f32 v4;
	v5 =	vmul.bf16 v10, v5;
	(xrf2) =	vadd.scan.msk.f32 $0xffff, v2;
	(pc) =	sbr.rel @p0 .LBB2_20-.Ltmp9, $4  }
0x340: {  	v2 =	vadd.f32 v4, v6;
	v1, _, _ =	vpop (xrf2)  }
0x341: {  	v4 =	vunpack.i.u.bf16.f32 v5;
	v6 =	vunpack.i.l.bf16.f32 v5;
	[tilespmem:s3+$0x11870] =	vst v1  }
0x342: {  	s6 =	sshra.s32 s10, $0x2;
	v1 =	vadd.f32 v6, v4;
	(xrf2) =	vadd.scan.msk.f32 $0xffff, v8  }
0x343: {  	s10 =	sadd.s32 $0x200, s10;
	v4 =	vld [tilespmem:s6+$0x1070];
	v5, _, _ =	vpop (xrf2)  }
0x344: {  	v6 =	vld [tilespmem:s6+$0x9070];
	[tilespmem:s3+$0x11800] =	vst v5  }
0x345: {  	(xrf2) =	vadd.scan.msk.f32 $0xffff, v3;
	v5 =	vld [tilespmem:s6+$0x1000]  }
0x346: {  	v7 =	vld [tilespmem:s6+$0x9000];
	v8, _, _ =	vpop (xrf2)  }
0x347: {  	v9 =	vld [tilespmem:s6+$0x1010];
	[tilespmem:s3+$0x11810] =	vst v8  }
0x348: {  	v3 =	vld [tilespmem:s6+$0x9010]  }
0x349: {  	v8 =	vld [tilespmem:s6+$0x1020];
	v10, _, _ =	vpop (xrf2)  }
0x34a: {  	v11 =	vld [tilespmem:s6+$0x9020];
	[tilespmem:s3+$0x11820] =	vst v10  }
0x34b: {  	v10 =	vld [tilespmem:s6+$0x1030]  }
0x34c: {  	v12 =	vld [tilespmem:s6+$0x9030];
	v13, _, _ =	vpop (xrf2)  }
0x34d: {  	v14 =	vld [tilespmem:s6+$0x1040];
	[tilespmem:s3+$0x11830] =	vst v13  }
0x34e: {  	v4 =	vmul.bf16 v6, v4;
	v13 =	vld [tilespmem:s6+$0x9040]  }
0x34f: {  	v5 =	vmul.bf16 v7, v5;
	v50 =	vld [tilespmem:s6+$0x1050];
	v51, _, _ =	vpop (xrf2)  }
0x350: {  	v16 =	vunpack.i.u.bf16.f32 v4;
	v4 =	vunpack.i.l.bf16.f32 v4;
	v15 =	vld [tilespmem:s6+$0x9050];
	[tilespmem:s3+$0x11840] =	vst v51  }
0x351: {  	v52 =	vunpack.i.u.bf16.f32 v5;
	v5 =	vunpack.i.l.bf16.f32 v5;
	v3 =	vmul.bf16 v3, v9;
	v53 =	vld [tilespmem:s6+$0x1060]  }
0x352: {  	v4 =	vadd.f32 v4, v16;
	v5 =	vadd.f32 v5, v52;
	v54 =	vmul.bf16 v11, v8;
	v55 =	vld [tilespmem:s6+$0x9060]  }
0x353: {  	(xrf2) =	vadd.scan.msk.f32 $0xffff, v2;
	v56 =	vunpack.i.u.bf16.f32 v3;
	v3 =	vunpack.i.l.bf16.f32 v3;
	v2 =	vmul.bf16 v12, v10  }
0x354: {  	(xrf2) =	vadd.scan.msk.f32 $0xffff, v1;
	v7 =	vunpack.i.l.bf16.f32 v54;
	v1 =	vadd.f32 v3, v56;
	v3 =	vunpack.i.u.bf16.f32 v54  }
0x355: {  	(xrf2) =	vadd.scan.msk.f32 $0xffff, v4;
	v58 =	vunpack.i.u.bf16.f32 v2;
	v2 =	vunpack.i.l.bf16.f32 v2;
	v57 =	vmul.bf16 v13, v14  }
0x356: {  	(xrf2) =	vadd.scan.msk.f32 $0xffff, v5;
	v3 =	vadd.f32 v7, v3;
	v2 =	vadd.f32 v2, v58;
	v59 =	vmul.bf16 v15, v50  }
0x357: {  	(xrf2) =	vadd.scan.msk.f32 $0xffff, v1;
	v1 =	vunpack.i.u.bf16.f32 v57;
	v4 =	vunpack.i.l.bf16.f32 v57;
	v60 =	vmul.bf16 v55, v53  }
0x358: {  	(xrf2) =	vadd.scan.msk.f32 $0xffff, v3;
	v61 =	vunpack.i.u.bf16.f32 v59;
	v5 =	vunpack.i.l.bf16.f32 v59;
	v1 =	vadd.f32 v4, v1  }
0x359: {  	(xrf2) =	vadd.scan.msk.f32 $0xffff, v2;
	v3 =	vadd.f32 v5, v61;
	v62 =	vunpack.i.u.bf16.f32 v60;
	v63 =	vunpack.i.l.bf16.f32 v60  }
0x35a: {  	v2 =	vadd.f32 v63, v62;
	(xrf2) =	vadd.scan.msk.f32 $0xffff, v1  }
0x35b: {  	(xrf2) =	vadd.scan.msk.f32 $0xffff, v3  }
0x35c: {  	(xrf2) =	vadd.scan.msk.f32 $0xffff, v2  }
0x35d: {  	v1, _, _ =	vpop (xrf2)  }
0x35e: {  	[tilespmem:s3+$0x11850] =	vst v1;
	v2, _, _ =	vpop (xrf2)  }
0x35f: {  	v1, _, _ =	vpop (xrf2);
	[tilespmem:s3+$0x11860] =	vst v2  }
0x360: {  	v2, _, _ =	vpop (xrf2);
	[tilespmem:s6+$0x11870] =	vst v1  }
0x361: {  	v1, _, _ =	vpop (xrf2);
	[tilespmem:s6+$0x11800] =	vst v2  }
0x362: {  	v2, _, _ =	vpop (xrf2);
	[tilespmem:s6+$0x11810] =	vst v1  }
0x363: {  	[tilespmem:s6+$0x11820] =	vst v2;
	v1, _, _ =	vpop (xrf2);
	v2 =	vor.u32 s1, v0  }
0x364: {  	[tilespmem:s6+$0x11830] =	vst v1;
	v1, _, _ =	vpop (xrf2)  }
0x365: {  	[tilespmem:s6+$0x11840] =	vst v1;
	v1, _, _ =	vpop (xrf2)  }
0x366: {  	[tilespmem:s6+$0x11850] =	vst v1;
	v1, _, _ =	vpop (xrf2)  }
0x367: {  	[tilespmem:s6+$0x11860] =	vst v1  }
0x368: {  	s20 =	simm.s32 $0x100;
	v1 =	vld.idx.msk [tilespmem:v2+s9+$0x0], $0xffff  }
0x369: {  	v2 =	vor.u32 s20, v0;
	_ =	sdelay $0x2  }
0x36a: {  	s1 =	simm.s32 $0x11000  }
0x36b: {  	[tilespmem:s1+$0x0] =	vst v1  }
0x36c: {  	s22 =	simm.s32 $0x200;
	v1 =	vld.idx.msk [tilespmem:v2+s9+$0x0], $0xffff  }
0x36d: {  	s3 =	simm.s32 $0x300;
	s20 =	simm.s32 $0xA;
	v2 =	vor.u32 s22, v0  }
.LBB2_22:
0x36e: {  	p0 =	sne.s32 s3, $0x1F00;
	_ =	sdelay $0x1  }
.Ltmp10:
0x36f: {  	s1 =	sadd.s32 $0x10, s1;
	(pc) =	sbr.rel @p0 .LBB2_22-.Ltmp10, $3  }
0x370: {  	[tilespmem:s1+$0x0] =	vst v1  }
0x371: {  	v1 =	vld.idx.msk [tilespmem:v2+s9+$0x0], $0xffff;
	_ =	sdelay $0x1  }
0x372: {  	v2 =	vor.u32 s3, v0;
	s3 =	sadd.s32 $0x100, s3  }
0x373: {  	_ =	sdelay $0x1  }
0x374: {  	s1 =	sadd.s32 $0x10, s1  }
0x375: {  	[tilespmem:s1+$0x0] =	vst v1  }
0x376: {  	v1 =	vld.idx.msk [tilespmem:v2+s9+$0x0], $0xffff;
	_ =	sdelay $0x3  }
0x377: {  	s1 =	sadd.s32 $0x10, s1  }
0x378: {  	s10 =	simm.s32 $0x0;
	s22 =	rddreg [dreg:$0xe];
	s3 =	simm.s32 $0x11000;
	[tilespmem:s1+$0x0] =	vst v1  }
0x379: {  	[hbm4b:s22+s10] =	stream.linear.scatter [tilespmem:s3], [sflag:$0x9], $0x200, $0x38;
	[tilespmem:$0x13800] =	vst v63  }
0x37a: {  	_ =	swait.ge [sflag:s15], $0x800  }
0x37b: {  	[sflag:s15] =	ssyncset.done $0x0  }
0x37c: {  	[sflag:s15] =	ssyncadd.s32 $0xFFFFF800  }
0x37d: {  	_ =	swait.ge [sflag:s15], $0x800  }
0x37e: {  	[sflag:s15] =	ssyncset.done $0x0  }
0x37f: {  	[sflag:s15] =	ssyncadd.s32 $0xFFFFF800  }
0x380: {  	_ =	swait.ge [sflag:s15], $0x800  }
0x381: {  	[sflag:s15] =	ssyncset.done $0x0  }
0x382: {  	[sflag:s15] =	ssyncadd.s32 $0xFFFFF800  }
0x383: {  	_ =	swait.ge [sflag:s15], $0x800  }
0x384: {  	[sflag:s15] =	ssyncset.done $0x0  }
0x385: {  	[sflag:s15] =	ssyncadd.s32 $0xFFFFF800  }
0x386: {  	_ =	swait.ge [sflag:s15], $0x800  }
0x387: {  	[sflag:s15] =	ssyncset.done $0x0  }
0x388: {  	[sflag:s15] =	ssyncadd.s32 $0xFFFFF800  }
0x389: {  	_ =	swait.ge [sflag:s15], $0x800  }
0x38a: {  	[sflag:s15] =	ssyncset.done $0x0  }
0x38b: {  	[sflag:s15] =	ssyncadd.s32 $0xFFFFF800  }
0x38c: {  	_ =	swait.ge [sflag:s15], $0x800  }
0x38d: {  	[sflag:s15] =	ssyncset.done $0x0  }
0x38e: {  	[sflag:s15] =	ssyncadd.s32 $0xFFFFF800  }
0x38f: {  	_ =	swait.ge [sflag:s15], $0x800  }
0x390: {  	[sflag:s15] =	ssyncset.done $0x0  }
0x391: {  	[sflag:s15] =	ssyncadd.s32 $0xFFFFF800  }
0x392: {  	_ =	swait.ge [sflag:s20], $0x200  }
0x393: {  	[sflag:s20] =	ssyncset.done $0x0  }
0x394: {  	s3 =	simm.s32 $0x0;
	[sflag:s20] =	ssyncadd.s32 $0xFFFFFE00  }
0x395: {  	v1 =	vld [tilespmem:s3+$0x3070]  }
0x396: {  	v2 =	vld [tilespmem:s3+$0xB070];
	_ =	sdelay $0x1  }
0x397: {  	v3 =	vld [tilespmem:s3+$0x3000]  }
0x398: {  	v4 =	vld [tilespmem:s3+$0xB000]  }
0x399: {  	v5 =	vld [tilespmem:s3+$0x3010]  }
0x39a: {  	v6 =	vld [tilespmem:s3+$0xB010];
	v1 =	vmul.bf16 v2, v1  }
0x39b: {  	v7 =	vld [tilespmem:s3+$0x3020]  }
0x39c: {  	v9 =	vld [tilespmem:s3+$0xB030];
	v8 =	vunpack.i.u.bf16.f32 v1;
	v1 =	vunpack.i.l.bf16.f32 v1  }
0x39d: {  	v10 =	vld [tilespmem:s3+$0x3040];
	v1 =	vadd.f32 v1, v8  }
0x39e: {  	v59 =	vld [tilespmem:s3+$0xB040];
	v3 =	vmul.bf16 v4, v3  }
0x39f: {  	v2 =	vld [tilespmem:s3+$0xB020];
	(xrf2) =	vadd.scan.msk.f32 $0xffff, v1  }
0x3a0: {  	v4 =	vld [tilespmem:s3+$0x3030];
	v58 =	vunpack.i.u.bf16.f32 v3;
	v3 =	vunpack.i.l.bf16.f32 v3  }
0x3a1: {  	v5 =	vmul.bf16 v6, v5;
	v6 =	vld [tilespmem:s3+$0x3060];
	v3 =	vadd.f32 v3, v58  }
0x3a2: {  	v1 =	vld [tilespmem:s3+$0x3050]  }
0x3a3: {  	v60 =	vunpack.i.u.bf16.f32 v5;
	v5 =	vunpack.i.l.bf16.f32 v5;
	(xrf2) =	vadd.scan.msk.f32 $0xffff, v3;
	v3 =	vld [tilespmem:s3+$0xB050]  }
0x3a4: {  	v5 =	vadd.f32 v5, v60;
	v2 =	vmul.bf16 v2, v7;
	v7 =	vld [tilespmem:s3+$0xB060];
	_ =	sdelay $0x1  }
0x3a5: {  	v4 =	vmul.bf16 v9, v4;
	v61 =	vunpack.i.u.bf16.f32 v2;
	v2 =	vunpack.i.l.bf16.f32 v2;
	(xrf2) =	vadd.scan.msk.f32 $0xffff, v5  }
0x3a6: {  	v8 =	vmul.bf16 v59, v10;
	v2 =	vadd.f32 v2, v61  }
0x3a7: {  	v62 =	vunpack.i.u.bf16.f32 v4;
	v4 =	vunpack.i.l.bf16.f32 v4;
	v1 =	vmul.bf16 v3, v1  }
0x3a8: {  	v4 =	vadd.f32 v4, v62;
	v6 =	vmul.bf16 v7, v6;
	v7, _, _ =	vpop (xrf2);
	(xrf2) =	vadd.scan.msk.f32 $0xffff, v2  }
0x3a9: {  	v3 =	vunpack.i.u.bf16.f32 v8;
	v8 =	vunpack.i.l.bf16.f32 v8;
	v5 =	vunpack.i.u.bf16.f32 v1  }
0x3aa: {  	v3 =	vadd.f32 v8, v3;
	v63 =	vunpack.i.u.bf16.f32 v6  }
0x3ab: {  	s1 =	simm.s32 $0x80;
	v6 =	vunpack.i.l.bf16.f32 v6;
	v1 =	vunpack.i.l.bf16.f32 v1;
	[tilespmem:s3+$0x11870] =	vst v7;
	(xrf2) =	vadd.scan.msk.f32 $0xffff, v4  }
0x3ac: {  	s6 =	simm.s32 $0x400;
	s22 =	simm.s32 $0xB;
	v2 =	vadd.f32 v1, v5;
	v1 =	vadd.f32 v6, v63;
	v5, _, _ =	vpop (xrf2);
	v4 =	vld [tilespmem:s1+$0x3070]  }
.LBB2_24:
0x3ad: {  	p0 =	sne.s32 s6, $0x7E00;
	v6 =	vld [tilespmem:s1+$0xB070];
	[tilespmem:s3+$0x11800] =	vst v5  }
0x3ae: {  	v5 =	vld [tilespmem:s1+$0x3000];
	(xrf2) =	vadd.scan.msk.f32 $0xffff, v3  }
0x3af: {  	v3 =	vld [tilespmem:s1+$0xB000];
	v7, _, _ =	vpop (xrf2)  }
0x3b0: {  	v8 =	vld [tilespmem:s1+$0x3010];
	[tilespmem:s3+$0x11810] =	vst v7  }
0x3b1: {  	v7 =	vld [tilespmem:s1+$0xB010];
	(xrf2) =	vadd.scan.msk.f32 $0xffff, v2  }
0x3b2: {  	v2 =	vld [tilespmem:s1+$0x3020];
	v4 =	vmul.bf16 v6, v4;
	v6, _, _ =	vpop (xrf2)  }
0x3b3: {  	v9 =	vld [tilespmem:s1+$0xB020];
	[tilespmem:s3+$0x11820] =	vst v6  }
0x3b4: {  	v3 =	vmul.bf16 v3, v5;
	v5 =	vld [tilespmem:s1+$0x3030];
	v10 =	vunpack.i.u.bf16.f32 v4;
	v4 =	vunpack.i.l.bf16.f32 v4;
	(xrf2) =	vadd.scan.msk.f32 $0xffff, v1  }
0x3b5: {  	v1 =	vld [tilespmem:s1+$0xB030];
	v4 =	vadd.f32 v4, v10;
	v6, _, _ =	vpop (xrf2)  }
0x3b6: {  	v11 =	vunpack.i.u.bf16.f32 v3;
	v3 =	vunpack.i.l.bf16.f32 v3;
	v7 =	vmul.bf16 v7, v8;
	v8 =	vld [tilespmem:s1+$0x3040];
	[tilespmem:s3+$0x11830] =	vst v6  }
0x3b7: {  	v3 =	vadd.f32 v3, v11;
	v6 =	vld [tilespmem:s1+$0xB040];
	(xrf2) =	vadd.scan.msk.f32 $0xffff, v4  }
0x3b8: {  	v4 =	vunpack.i.u.bf16.f32 v7;
	v7 =	vunpack.i.l.bf16.f32 v7;
	v2 =	vmul.bf16 v9, v2;
	v9 =	vld [tilespmem:s1+$0x3050];
	v10, _, _ =	vpop (xrf2)  }
0x3b9: {  	v4 =	vadd.f32 v7, v4;
	v7 =	vld [tilespmem:s1+$0xB050];
	[tilespmem:s3+$0x11840] =	vst v10  }
0x3ba: {  	v10 =	vunpack.i.u.bf16.f32 v2;
	v2 =	vunpack.i.l.bf16.f32 v2;
	v1 =	vmul.bf16 v1, v5;
	v5 =	vld [tilespmem:s1+$0x3060];
	(xrf2) =	vadd.scan.msk.f32 $0xffff, v3  }
0x3bb: {  	v2 =	vadd.f32 v2, v10;
	v10 =	vld [tilespmem:s1+$0xB060];
	v3, _, _ =	vpop (xrf2)  }
0x3bc: {  	v11 =	vunpack.i.u.bf16.f32 v1;
	v1 =	vunpack.i.l.bf16.f32 v1;
	v12 =	vmul.bf16 v6, v8;
	[tilespmem:s3+$0x11850] =	vst v3  }
0x3bd: {  	v8 =	vadd.f32 v1, v11;
	(xrf2) =	vadd.scan.msk.f32 $0xffff, v4  }
0x3be: {  	v1 =	vunpack.i.u.bf16.f32 v12;
	v3 =	vunpack.i.l.bf16.f32 v12;
	v4 =	vmul.bf16 v7, v9;
	v6, _, _ =	vpop (xrf2)  }
0x3bf: {  	v3 =	vadd.f32 v3, v1;
	[tilespmem:s3+$0x11860] =	vst v6;
	s3 =	smov.u32 s1  }
.Ltmp11:
0x3c0: {  	v6 =	vunpack.i.u.bf16.f32 v4;
	v4 =	vunpack.i.l.bf16.f32 v4;
	v5 =	vmul.bf16 v10, v5;
	(xrf2) =	vadd.scan.msk.f32 $0xffff, v2;
	(pc) =	sbr.rel @p0 .LBB2_24-.Ltmp11, $4  }
0x3c1: {  	v2 =	vadd.f32 v4, v6;
	v1, _, _ =	vpop (xrf2)  }
0x3c2: {  	v4 =	vunpack.i.u.bf16.f32 v5;
	v6 =	vunpack.i.l.bf16.f32 v5;
	[tilespmem:s3+$0x11870] =	vst v1  }
0x3c3: {  	s1 =	sshra.s32 s6, $0x2;
	v1 =	vadd.f32 v6, v4;
	(xrf2) =	vadd.scan.msk.f32 $0xffff, v8  }
0x3c4: {  	s6 =	sadd.s32 $0x200, s6;
	v4 =	vld [tilespmem:s1+$0x3070];
	v5, _, _ =	vpop (xrf2)  }
0x3c5: {  	v6 =	vld [tilespmem:s1+$0xB070];
	[tilespmem:s3+$0x11800] =	vst v5  }
0x3c6: {  	(xrf2) =	vadd.scan.msk.f32 $0xffff, v3;
	v5 =	vld [tilespmem:s1+$0x3000]  }
0x3c7: {  	v7 =	vld [tilespmem:s1+$0xB000];
	v8, _, _ =	vpop (xrf2)  }
0x3c8: {  	v9 =	vld [tilespmem:s1+$0x3010];
	[tilespmem:s3+$0x11810] =	vst v8  }
0x3c9: {  	v3 =	vld [tilespmem:s1+$0xB010]  }
0x3ca: {  	v8 =	vld [tilespmem:s1+$0x3020];
	v10, _, _ =	vpop (xrf2)  }
0x3cb: {  	v11 =	vld [tilespmem:s1+$0xB020];
	[tilespmem:s3+$0x11820] =	vst v10  }
0x3cc: {  	v10 =	vld [tilespmem:s1+$0x3030]  }
0x3cd: {  	v12 =	vld [tilespmem:s1+$0xB030];
	v13, _, _ =	vpop (xrf2)  }
0x3ce: {  	v14 =	vld [tilespmem:s1+$0x3040];
	[tilespmem:s3+$0x11830] =	vst v13  }
0x3cf: {  	v4 =	vmul.bf16 v6, v4;
	v13 =	vld [tilespmem:s1+$0xB040]  }
0x3d0: {  	v5 =	vmul.bf16 v7, v5;
	v50 =	vld [tilespmem:s1+$0x3050];
	v51, _, _ =	vpop (xrf2)  }
0x3d1: {  	v16 =	vunpack.i.u.bf16.f32 v4;
	v4 =	vunpack.i.l.bf16.f32 v4;
	v15 =	vld [tilespmem:s1+$0xB050];
	[tilespmem:s3+$0x11840] =	vst v51  }
0x3d2: {  	v52 =	vunpack.i.u.bf16.f32 v5;
	v5 =	vunpack.i.l.bf16.f32 v5;
	v3 =	vmul.bf16 v3, v9;
	v53 =	vld [tilespmem:s1+$0x3060]  }
0x3d3: {  	v4 =	vadd.f32 v4, v16;
	v5 =	vadd.f32 v5, v52;
	v54 =	vmul.bf16 v11, v8;
	v55 =	vld [tilespmem:s1+$0xB060]  }
0x3d4: {  	(xrf2) =	vadd.scan.msk.f32 $0xffff, v2;
	v56 =	vunpack.i.u.bf16.f32 v3;
	v3 =	vunpack.i.l.bf16.f32 v3;
	v2 =	vmul.bf16 v12, v10  }
0x3d5: {  	(xrf2) =	vadd.scan.msk.f32 $0xffff, v1;
	v7 =	vunpack.i.l.bf16.f32 v54;
	v1 =	vadd.f32 v3, v56;
	v3 =	vunpack.i.u.bf16.f32 v54  }
0x3d6: {  	(xrf2) =	vadd.scan.msk.f32 $0xffff, v4;
	v58 =	vunpack.i.u.bf16.f32 v2;
	v2 =	vunpack.i.l.bf16.f32 v2;
	v57 =	vmul.bf16 v13, v14  }
0x3d7: {  	(xrf2) =	vadd.scan.msk.f32 $0xffff, v5;
	v3 =	vadd.f32 v7, v3;
	v2 =	vadd.f32 v2, v58;
	v59 =	vmul.bf16 v15, v50  }
0x3d8: {  	(xrf2) =	vadd.scan.msk.f32 $0xffff, v1;
	v1 =	vunpack.i.u.bf16.f32 v57;
	v4 =	vunpack.i.l.bf16.f32 v57;
	v60 =	vmul.bf16 v55, v53  }
0x3d9: {  	(xrf2) =	vadd.scan.msk.f32 $0xffff, v3;
	v61 =	vunpack.i.u.bf16.f32 v59;
	v5 =	vunpack.i.l.bf16.f32 v59;
	v1 =	vadd.f32 v4, v1  }
0x3da: {  	(xrf2) =	vadd.scan.msk.f32 $0xffff, v2;
	v3 =	vadd.f32 v5, v61;
	v62 =	vunpack.i.u.bf16.f32 v60;
	v63 =	vunpack.i.l.bf16.f32 v60  }
0x3db: {  	v2 =	vadd.f32 v63, v62;
	(xrf2) =	vadd.scan.msk.f32 $0xffff, v1  }
0x3dc: {  	(xrf2) =	vadd.scan.msk.f32 $0xffff, v3  }
0x3dd: {  	(xrf2) =	vadd.scan.msk.f32 $0xffff, v2  }
0x3de: {  	v1, _, _ =	vpop (xrf2)  }
0x3df: {  	[tilespmem:s3+$0x11850] =	vst v1;
	v2, _, _ =	vpop (xrf2)  }
0x3e0: {  	v1, _, _ =	vpop (xrf2);
	[tilespmem:s3+$0x11860] =	vst v2  }
0x3e1: {  	v2, _, _ =	vpop (xrf2);
	[tilespmem:s1+$0x11870] =	vst v1  }
0x3e2: {  	v1, _, _ =	vpop (xrf2);
	[tilespmem:s1+$0x11800] =	vst v2  }
0x3e3: {  	v2, _, _ =	vpop (xrf2);
	[tilespmem:s1+$0x11810] =	vst v1  }
0x3e4: {  	[tilespmem:s1+$0x11820] =	vst v2;
	v1, _, _ =	vpop (xrf2);
	v2 =	vor.u32 s10, v0  }
0x3e5: {  	[tilespmem:s1+$0x11830] =	vst v1;
	v1, _, _ =	vpop (xrf2)  }
0x3e6: {  	[tilespmem:s1+$0x11840] =	vst v1;
	v1, _, _ =	vpop (xrf2)  }
0x3e7: {  	[tilespmem:s1+$0x11850] =	vst v1;
	v1, _, _ =	vpop (xrf2)  }
0x3e8: {  	[tilespmem:s1+$0x11860] =	vst v1  }
0x3e9: {  	s6 =	simm.s32 $0x100;
	v1 =	vld.idx.msk [tilespmem:v2+s9+$0x0], $0xffff  }
0x3ea: {  	v2 =	vor.u32 s6, v0;
	_ =	sdelay $0x2  }
0x3eb: {  	s1 =	simm.s32 $0x11200  }
0x3ec: {  	[tilespmem:s1+$0x0] =	vst v1  }
0x3ed: {  	s10 =	simm.s32 $0x200;
	v1 =	vld.idx.msk [tilespmem:v2+s9+$0x0], $0xffff  }
0x3ee: {  	s3 =	simm.s32 $0x300;
	v2 =	vor.u32 s10, v0  }
.LBB2_26:
0x3ef: {  	p0 =	sne.s32 s3, $0x1F00;
	_ =	sdelay $0x1  }
.Ltmp12:
0x3f0: {  	s1 =	sadd.s32 $0x10, s1;
	(pc) =	sbr.rel @p0 .LBB2_26-.Ltmp12, $3  }
0x3f1: {  	[tilespmem:s1+$0x0] =	vst v1  }
0x3f2: {  	v1 =	vld.idx.msk [tilespmem:v2+s9+$0x0], $0xffff;
	_ =	sdelay $0x1  }
0x3f3: {  	v2 =	vor.u32 s3, v0;
	s3 =	sadd.s32 $0x100, s3  }
0x3f4: {  	_ =	sdelay $0x1  }
0x3f5: {  	s1 =	sadd.s32 $0x10, s1  }
0x3f6: {  	[tilespmem:s1+$0x0] =	vst v1  }
0x3f7: {  	v1 =	vld.idx.msk [tilespmem:v2+s9+$0x0], $0xffff;
	_ =	sdelay $0x3  }
0x3f8: {  	s1 =	sadd.s32 $0x10, s1  }
0x3f9: {  	s10 =	simm.s32 $0x0;
	s6 =	rddreg [dreg:$0xf];
	s3 =	simm.s32 $0x11200;
	[tilespmem:s1+$0x0] =	vst v1  }
0x3fa: {  	[hbm4b:s6+s10] =	stream.linear.scatter [tilespmem:s3], [sflag:$0xA], $0x200, $0x38;
	[tilespmem:$0x13800] =	vst v63  }
0x3fb: {  	_ =	swait.ge [sflag:s21], $0x800  }
0x3fc: {  	[sflag:s21] =	ssyncset.done $0x0  }
0x3fd: {  	[sflag:s21] =	ssyncadd.s32 $0xFFFFF800  }
0x3fe: {  	_ =	swait.ge [sflag:s21], $0x800  }
0x3ff: {  	[sflag:s21] =	ssyncset.done $0x0  }
0x400: {  	[sflag:s21] =	ssyncadd.s32 $0xFFFFF800  }
0x401: {  	_ =	swait.ge [sflag:s21], $0x800  }
0x402: {  	[sflag:s21] =	ssyncset.done $0x0  }
0x403: {  	[sflag:s21] =	ssyncadd.s32 $0xFFFFF800  }
0x404: {  	_ =	swait.ge [sflag:s21], $0x800  }
0x405: {  	[sflag:s21] =	ssyncset.done $0x0  }
0x406: {  	[sflag:s21] =	ssyncadd.s32 $0xFFFFF800  }
0x407: {  	_ =	swait.ge [sflag:s21], $0x800  }
0x408: {  	[sflag:s21] =	ssyncset.done $0x0  }
0x409: {  	[sflag:s21] =	ssyncadd.s32 $0xFFFFF800  }
0x40a: {  	_ =	swait.ge [sflag:s21], $0x800  }
0x40b: {  	[sflag:s21] =	ssyncset.done $0x0  }
0x40c: {  	[sflag:s21] =	ssyncadd.s32 $0xFFFFF800  }
0x40d: {  	_ =	swait.ge [sflag:s21], $0x800  }
0x40e: {  	[sflag:s21] =	ssyncset.done $0x0  }
0x40f: {  	[sflag:s21] =	ssyncadd.s32 $0xFFFFF800  }
0x410: {  	_ =	swait.ge [sflag:s21], $0x800  }
0x411: {  	[sflag:s21] =	ssyncset.done $0x0  }
0x412: {  	[sflag:s21] =	ssyncadd.s32 $0xFFFFF800  }
0x413: {  	_ =	swait.ge [sflag:s22], $0x200  }
0x414: {  	[sflag:s22] =	ssyncset.done $0x0  }
0x415: {  	s3 =	simm.s32 $0x0;
	[sflag:s22] =	ssyncadd.s32 $0xFFFFFE00  }
0x416: {  	v1 =	vld [tilespmem:s3+$0x5070]  }
0x417: {  	v2 =	vld [tilespmem:s3+$0xD070];
	_ =	sdelay $0x1  }
0x418: {  	v3 =	vld [tilespmem:s3+$0x5000]  }
0x419: {  	v4 =	vld [tilespmem:s3+$0xD000]  }
0x41a: {  	v5 =	vld [tilespmem:s3+$0x5010]  }
0x41b: {  	v6 =	vld [tilespmem:s3+$0xD010];
	v1 =	vmul.bf16 v2, v1  }
0x41c: {  	v7 =	vld [tilespmem:s3+$0x5020]  }
0x41d: {  	v9 =	vld [tilespmem:s3+$0xD030];
	v8 =	vunpack.i.u.bf16.f32 v1;
	v1 =	vunpack.i.l.bf16.f32 v1  }
0x41e: {  	v10 =	vld [tilespmem:s3+$0x5040];
	v1 =	vadd.f32 v1, v8  }
0x41f: {  	v59 =	vld [tilespmem:s3+$0xD040];
	v3 =	vmul.bf16 v4, v3  }
0x420: {  	v2 =	vld [tilespmem:s3+$0xD020];
	(xrf2) =	vadd.scan.msk.f32 $0xffff, v1  }
0x421: {  	v4 =	vld [tilespmem:s3+$0x5030];
	v58 =	vunpack.i.u.bf16.f32 v3;
	v3 =	vunpack.i.l.bf16.f32 v3  }
0x422: {  	v5 =	vmul.bf16 v6, v5;
	v6 =	vld [tilespmem:s3+$0x5060];
	v3 =	vadd.f32 v3, v58  }
0x423: {  	v1 =	vld [tilespmem:s3+$0x5050]  }
0x424: {  	v60 =	vunpack.i.u.bf16.f32 v5;
	v5 =	vunpack.i.l.bf16.f32 v5;
	(xrf2) =	vadd.scan.msk.f32 $0xffff, v3;
	v3 =	vld [tilespmem:s3+$0xD050]  }
0x425: {  	v5 =	vadd.f32 v5, v60;
	v2 =	vmul.bf16 v2, v7;
	v7 =	vld [tilespmem:s3+$0xD060];
	_ =	sdelay $0x1  }
0x426: {  	v4 =	vmul.bf16 v9, v4;
	v61 =	vunpack.i.u.bf16.f32 v2;
	v2 =	vunpack.i.l.bf16.f32 v2;
	(xrf2) =	vadd.scan.msk.f32 $0xffff, v5  }
0x427: {  	v8 =	vmul.bf16 v59, v10;
	v2 =	vadd.f32 v2, v61  }
0x428: {  	v62 =	vunpack.i.u.bf16.f32 v4;
	v4 =	vunpack.i.l.bf16.f32 v4;
	v1 =	vmul.bf16 v3, v1  }
0x429: {  	v4 =	vadd.f32 v4, v62;
	v6 =	vmul.bf16 v7, v6;
	v7, _, _ =	vpop (xrf2);
	(xrf2) =	vadd.scan.msk.f32 $0xffff, v2  }
0x42a: {  	v3 =	vunpack.i.u.bf16.f32 v8;
	v8 =	vunpack.i.l.bf16.f32 v8;
	v5 =	vunpack.i.u.bf16.f32 v1  }
0x42b: {  	v3 =	vadd.f32 v8, v3;
	v63 =	vunpack.i.u.bf16.f32 v6  }
0x42c: {  	s1 =	simm.s32 $0x80;
	v6 =	vunpack.i.l.bf16.f32 v6;
	v1 =	vunpack.i.l.bf16.f32 v1;
	[tilespmem:s3+$0x11870] =	vst v7;
	(xrf2) =	vadd.scan.msk.f32 $0xffff, v4  }
0x42d: {  	s6 =	simm.s32 $0x400;
	v2 =	vadd.f32 v1, v5;
	v1 =	vadd.f32 v6, v63;
	v5, _, _ =	vpop (xrf2);
	v4 =	vld [tilespmem:s1+$0x5070]  }
.LBB2_28:
0x42e: {  	p0 =	sne.s32 s6, $0x7E00;
	v6 =	vld [tilespmem:s1+$0xD070];
	[tilespmem:s3+$0x11800] =	vst v5  }
0x42f: {  	v5 =	vld [tilespmem:s1+$0x5000];
	(xrf2) =	vadd.scan.msk.f32 $0xffff, v3  }
0x430: {  	v3 =	vld [tilespmem:s1+$0xD000];
	v7, _, _ =	vpop (xrf2)  }
0x431: {  	v8 =	vld [tilespmem:s1+$0x5010];
	[tilespmem:s3+$0x11810] =	vst v7  }
0x432: {  	v7 =	vld [tilespmem:s1+$0xD010];
	(xrf2) =	vadd.scan.msk.f32 $0xffff, v2  }
0x433: {  	v2 =	vld [tilespmem:s1+$0x5020];
	v4 =	vmul.bf16 v6, v4;
	v6, _, _ =	vpop (xrf2)  }
0x434: {  	v9 =	vld [tilespmem:s1+$0xD020];
	[tilespmem:s3+$0x11820] =	vst v6  }
0x435: {  	v3 =	vmul.bf16 v3, v5;
	v5 =	vld [tilespmem:s1+$0x5030];
	v10 =	vunpack.i.u.bf16.f32 v4;
	v4 =	vunpack.i.l.bf16.f32 v4;
	(xrf2) =	vadd.scan.msk.f32 $0xffff, v1  }
0x436: {  	v1 =	vld [tilespmem:s1+$0xD030];
	v4 =	vadd.f32 v4, v10;
	v6, _, _ =	vpop (xrf2)  }
0x437: {  	v11 =	vunpack.i.u.bf16.f32 v3;
	v3 =	vunpack.i.l.bf16.f32 v3;
	v7 =	vmul.bf16 v7, v8;
	v8 =	vld [tilespmem:s1+$0x5040];
	[tilespmem:s3+$0x11830] =	vst v6  }
0x438: {  	v3 =	vadd.f32 v3, v11;
	v6 =	vld [tilespmem:s1+$0xD040];
	(xrf2) =	vadd.scan.msk.f32 $0xffff, v4  }
0x439: {  	v4 =	vunpack.i.u.bf16.f32 v7;
	v7 =	vunpack.i.l.bf16.f32 v7;
	v2 =	vmul.bf16 v9, v2;
	v9 =	vld [tilespmem:s1+$0x5050];
	v10, _, _ =	vpop (xrf2)  }
0x43a: {  	v4 =	vadd.f32 v7, v4;
	v7 =	vld [tilespmem:s1+$0xD050];
	[tilespmem:s3+$0x11840] =	vst v10  }
0x43b: {  	v10 =	vunpack.i.u.bf16.f32 v2;
	v2 =	vunpack.i.l.bf16.f32 v2;
	v1 =	vmul.bf16 v1, v5;
	v5 =	vld [tilespmem:s1+$0x5060];
	(xrf2) =	vadd.scan.msk.f32 $0xffff, v3  }
0x43c: {  	v2 =	vadd.f32 v2, v10;
	v10 =	vld [tilespmem:s1+$0xD060];
	v3, _, _ =	vpop (xrf2)  }
0x43d: {  	v11 =	vunpack.i.u.bf16.f32 v1;
	v1 =	vunpack.i.l.bf16.f32 v1;
	v12 =	vmul.bf16 v6, v8;
	[tilespmem:s3+$0x11850] =	vst v3  }
0x43e: {  	v8 =	vadd.f32 v1, v11;
	(xrf2) =	vadd.scan.msk.f32 $0xffff, v4  }
0x43f: {  	v1 =	vunpack.i.u.bf16.f32 v12;
	v3 =	vunpack.i.l.bf16.f32 v12;
	v4 =	vmul.bf16 v7, v9;
	v6, _, _ =	vpop (xrf2)  }
0x440: {  	v3 =	vadd.f32 v3, v1;
	[tilespmem:s3+$0x11860] =	vst v6;
	s3 =	smov.u32 s1  }
.Ltmp13:
0x441: {  	v6 =	vunpack.i.u.bf16.f32 v4;
	v4 =	vunpack.i.l.bf16.f32 v4;
	v5 =	vmul.bf16 v10, v5;
	(xrf2) =	vadd.scan.msk.f32 $0xffff, v2;
	(pc) =	sbr.rel @p0 .LBB2_28-.Ltmp13, $4  }
0x442: {  	v2 =	vadd.f32 v4, v6;
	v1, _, _ =	vpop (xrf2)  }
0x443: {  	v4 =	vunpack.i.u.bf16.f32 v5;
	v6 =	vunpack.i.l.bf16.f32 v5;
	[tilespmem:s3+$0x11870] =	vst v1  }
0x444: {  	s1 =	sshra.s32 s6, $0x2;
	v1 =	vadd.f32 v6, v4;
	(xrf2) =	vadd.scan.msk.f32 $0xffff, v8  }
0x445: {  	s6 =	sadd.s32 $0x200, s6;
	v4 =	vld [tilespmem:s1+$0x5070];
	v5, _, _ =	vpop (xrf2)  }
0x446: {  	v6 =	vld [tilespmem:s1+$0xD070];
	[tilespmem:s3+$0x11800] =	vst v5  }
0x447: {  	(xrf2) =	vadd.scan.msk.f32 $0xffff, v3;
	v5 =	vld [tilespmem:s1+$0x5000]  }
0x448: {  	v7 =	vld [tilespmem:s1+$0xD000];
	v8, _, _ =	vpop (xrf2)  }
0x449: {  	v9 =	vld [tilespmem:s1+$0x5010];
	[tilespmem:s3+$0x11810] =	vst v8  }
0x44a: {  	v3 =	vld [tilespmem:s1+$0xD010]  }
0x44b: {  	v8 =	vld [tilespmem:s1+$0x5020];
	v10, _, _ =	vpop (xrf2)  }
0x44c: {  	v11 =	vld [tilespmem:s1+$0xD020];
	[tilespmem:s3+$0x11820] =	vst v10  }
0x44d: {  	v10 =	vld [tilespmem:s1+$0x5030]  }
0x44e: {  	v12 =	vld [tilespmem:s1+$0xD030];
	v13, _, _ =	vpop (xrf2)  }
0x44f: {  	v14 =	vld [tilespmem:s1+$0x5040];
	[tilespmem:s3+$0x11830] =	vst v13  }
0x450: {  	v4 =	vmul.bf16 v6, v4;
	v13 =	vld [tilespmem:s1+$0xD040]  }
0x451: {  	v5 =	vmul.bf16 v7, v5;
	v50 =	vld [tilespmem:s1+$0x5050];
	v51, _, _ =	vpop (xrf2)  }
0x452: {  	v16 =	vunpack.i.u.bf16.f32 v4;
	v4 =	vunpack.i.l.bf16.f32 v4;
	v15 =	vld [tilespmem:s1+$0xD050];
	[tilespmem:s3+$0x11840] =	vst v51  }
0x453: {  	v52 =	vunpack.i.u.bf16.f32 v5;
	v5 =	vunpack.i.l.bf16.f32 v5;
	v3 =	vmul.bf16 v3, v9;
	v53 =	vld [tilespmem:s1+$0x5060]  }
0x454: {  	v4 =	vadd.f32 v4, v16;
	v5 =	vadd.f32 v5, v52;
	v54 =	vmul.bf16 v11, v8;
	v55 =	vld [tilespmem:s1+$0xD060]  }
0x455: {  	(xrf2) =	vadd.scan.msk.f32 $0xffff, v2;
	v56 =	vunpack.i.u.bf16.f32 v3;
	v3 =	vunpack.i.l.bf16.f32 v3;
	v2 =	vmul.bf16 v12, v10  }
0x456: {  	(xrf2) =	vadd.scan.msk.f32 $0xffff, v1;
	v7 =	vunpack.i.l.bf16.f32 v54;
	v1 =	vadd.f32 v3, v56;
	v3 =	vunpack.i.u.bf16.f32 v54  }
0x457: {  	(xrf2) =	vadd.scan.msk.f32 $0xffff, v4;
	v58 =	vunpack.i.u.bf16.f32 v2;
	v2 =	vunpack.i.l.bf16.f32 v2;
	v57 =	vmul.bf16 v13, v14  }
0x458: {  	(xrf2) =	vadd.scan.msk.f32 $0xffff, v5;
	v3 =	vadd.f32 v7, v3;
	v2 =	vadd.f32 v2, v58;
	v59 =	vmul.bf16 v15, v50  }
0x459: {  	(xrf2) =	vadd.scan.msk.f32 $0xffff, v1;
	v1 =	vunpack.i.u.bf16.f32 v57;
	v4 =	vunpack.i.l.bf16.f32 v57;
	v60 =	vmul.bf16 v55, v53  }
0x45a: {  	(xrf2) =	vadd.scan.msk.f32 $0xffff, v3;
	v61 =	vunpack.i.u.bf16.f32 v59;
	v5 =	vunpack.i.l.bf16.f32 v59;
	v1 =	vadd.f32 v4, v1  }
0x45b: {  	(xrf2) =	vadd.scan.msk.f32 $0xffff, v2;
	v3 =	vadd.f32 v5, v61;
	v62 =	vunpack.i.u.bf16.f32 v60;
	v63 =	vunpack.i.l.bf16.f32 v60  }
0x45c: {  	v2 =	vadd.f32 v63, v62;
	(xrf2) =	vadd.scan.msk.f32 $0xffff, v1  }
0x45d: {  	(xrf2) =	vadd.scan.msk.f32 $0xffff, v3  }
0x45e: {  	(xrf2) =	vadd.scan.msk.f32 $0xffff, v2  }
0x45f: {  	v1, _, _ =	vpop (xrf2)  }
0x460: {  	[tilespmem:s3+$0x11850] =	vst v1;
	v2, _, _ =	vpop (xrf2)  }
0x461: {  	v1, _, _ =	vpop (xrf2);
	[tilespmem:s3+$0x11860] =	vst v2  }
0x462: {  	v2, _, _ =	vpop (xrf2);
	[tilespmem:s1+$0x11870] =	vst v1  }
0x463: {  	v1, _, _ =	vpop (xrf2);
	[tilespmem:s1+$0x11800] =	vst v2  }
0x464: {  	v2, _, _ =	vpop (xrf2);
	[tilespmem:s1+$0x11810] =	vst v1  }
0x465: {  	[tilespmem:s1+$0x11820] =	vst v2;
	v1, _, _ =	vpop (xrf2);
	v2 =	vor.u32 s10, v0  }
0x466: {  	[tilespmem:s1+$0x11830] =	vst v1;
	v1, _, _ =	vpop (xrf2)  }
0x467: {  	[tilespmem:s1+$0x11840] =	vst v1;
	v1, _, _ =	vpop (xrf2)  }
0x468: {  	[tilespmem:s1+$0x11850] =	vst v1;
	v1, _, _ =	vpop (xrf2)  }
0x469: {  	[tilespmem:s1+$0x11860] =	vst v1  }
0x46a: {  	s6 =	simm.s32 $0x100;
	v1 =	vld.idx.msk [tilespmem:v2+s9+$0x0], $0xffff  }
0x46b: {  	v2 =	vor.u32 s6, v0;
	_ =	sdelay $0x2  }
0x46c: {  	s1 =	simm.s32 $0x11400  }
0x46d: {  	[tilespmem:s1+$0x0] =	vst v1  }
0x46e: {  	s10 =	simm.s32 $0x200;
	v1 =	vld.idx.msk [tilespmem:v2+s9+$0x0], $0xffff  }
0x46f: {  	s3 =	simm.s32 $0x300;
	v2 =	vor.u32 s10, v0  }
.LBB2_30:
0x470: {  	p0 =	sne.s32 s3, $0x1F00;
	_ =	sdelay $0x1  }
.Ltmp14:
0x471: {  	s1 =	sadd.s32 $0x10, s1;
	(pc) =	sbr.rel @p0 .LBB2_30-.Ltmp14, $3  }
0x472: {  	[tilespmem:s1+$0x0] =	vst v1  }
0x473: {  	v1 =	vld.idx.msk [tilespmem:v2+s9+$0x0], $0xffff;
	_ =	sdelay $0x1  }
0x474: {  	v2 =	vor.u32 s3, v0;
	s3 =	sadd.s32 $0x100, s3  }
0x475: {  	_ =	sdelay $0x1  }
0x476: {  	s1 =	sadd.s32 $0x10, s1  }
0x477: {  	[tilespmem:s1+$0x0] =	vst v1  }
0x478: {  	v1 =	vld.idx.msk [tilespmem:v2+s9+$0x0], $0xffff;
	_ =	sdelay $0x3  }
0x479: {  	s1 =	sadd.s32 $0x10, s1  }
0x47a: {  	s10 =	simm.s32 $0x0;
	s6 =	rddreg [dreg:$0x10];
	s3 =	simm.s32 $0x11400;
	[tilespmem:s1+$0x0] =	vst v1  }
0x47b: {  	[hbm4b:s6+s10] =	stream.linear.scatter [tilespmem:s3], [sflag:$0xB], $0x200, $0x38;
	[tilespmem:$0x13800] =	vst v63  }
0x47c: {  	_ =	swait.ge [sflag:s23], $0x800  }
0x47d: {  	[sflag:s23] =	ssyncset.done $0x0  }
0x47e: {  	[sflag:s23] =	ssyncadd.s32 $0xFFFFF800  }
0x47f: {  	_ =	swait.ge [sflag:s23], $0x800  }
0x480: {  	[sflag:s23] =	ssyncset.done $0x0  }
0x481: {  	[sflag:s23] =	ssyncadd.s32 $0xFFFFF800  }
0x482: {  	_ =	swait.ge [sflag:s23], $0x800  }
0x483: {  	[sflag:s23] =	ssyncset.done $0x0  }
0x484: {  	[sflag:s23] =	ssyncadd.s32 $0xFFFFF800  }
0x485: {  	_ =	swait.ge [sflag:s23], $0x800  }
0x486: {  	[sflag:s23] =	ssyncset.done $0x0  }
0x487: {  	[sflag:s23] =	ssyncadd.s32 $0xFFFFF800  }
0x488: {  	_ =	swait.ge [sflag:s23], $0x800  }
0x489: {  	[sflag:s23] =	ssyncset.done $0x0  }
0x48a: {  	[sflag:s23] =	ssyncadd.s32 $0xFFFFF800  }
0x48b: {  	_ =	swait.ge [sflag:s23], $0x800  }
0x48c: {  	[sflag:s23] =	ssyncset.done $0x0  }
0x48d: {  	[sflag:s23] =	ssyncadd.s32 $0xFFFFF800  }
0x48e: {  	_ =	swait.ge [sflag:s23], $0x800  }
0x48f: {  	[sflag:s23] =	ssyncset.done $0x0  }
0x490: {  	[sflag:s23] =	ssyncadd.s32 $0xFFFFF800  }
0x491: {  	_ =	swait.ge [sflag:s23], $0x800  }
0x492: {  	[sflag:s23] =	ssyncset.done $0x0  }
0x493: {  	s6 =	simm.s32 $0xC;
	[sflag:s23] =	ssyncadd.s32 $0xFFFFF800  }
0x494: {  	_ =	swait.ge [sflag:s6], $0x200  }
0x495: {  	[sflag:s6] =	ssyncset.done $0x0  }
0x496: {  	s3 =	simm.s32 $0x0;
	[sflag:s6] =	ssyncadd.s32 $0xFFFFFE00  }
0x497: {  	v1 =	vld [tilespmem:s3+$0x7070]  }
0x498: {  	v2 =	vld [tilespmem:s3+$0xF070];
	_ =	sdelay $0x1  }
0x499: {  	v3 =	vld [tilespmem:s3+$0x7000]  }
0x49a: {  	v4 =	vld [tilespmem:s3+$0xF000]  }
0x49b: {  	v5 =	vld [tilespmem:s3+$0x7010]  }
0x49c: {  	v6 =	vld [tilespmem:s3+$0xF010];
	v1 =	vmul.bf16 v2, v1  }
0x49d: {  	v7 =	vld [tilespmem:s3+$0x7020]  }
0x49e: {  	v9 =	vld [tilespmem:s3+$0xF030];
	v8 =	vunpack.i.u.bf16.f32 v1;
	v1 =	vunpack.i.l.bf16.f32 v1  }
0x49f: {  	v10 =	vld [tilespmem:s3+$0x7040];
	v1 =	vadd.f32 v1, v8  }
0x4a0: {  	v59 =	vld [tilespmem:s3+$0xF040];
	v3 =	vmul.bf16 v4, v3  }
0x4a1: {  	v2 =	vld [tilespmem:s3+$0xF020];
	(xrf2) =	vadd.scan.msk.f32 $0xffff, v1  }
0x4a2: {  	v4 =	vld [tilespmem:s3+$0x7030];
	v58 =	vunpack.i.u.bf16.f32 v3;
	v3 =	vunpack.i.l.bf16.f32 v3  }
0x4a3: {  	v5 =	vmul.bf16 v6, v5;
	v6 =	vld [tilespmem:s3+$0x7060];
	v3 =	vadd.f32 v3, v58  }
0x4a4: {  	v1 =	vld [tilespmem:s3+$0x7050]  }
0x4a5: {  	v60 =	vunpack.i.u.bf16.f32 v5;
	v5 =	vunpack.i.l.bf16.f32 v5;
	(xrf2) =	vadd.scan.msk.f32 $0xffff, v3;
	v3 =	vld [tilespmem:s3+$0xF050]  }
0x4a6: {  	v5 =	vadd.f32 v5, v60;
	v2 =	vmul.bf16 v2, v7;
	v7 =	vld [tilespmem:s3+$0xF060];
	_ =	sdelay $0x1  }
0x4a7: {  	v4 =	vmul.bf16 v9, v4;
	v61 =	vunpack.i.u.bf16.f32 v2;
	v2 =	vunpack.i.l.bf16.f32 v2;
	(xrf2) =	vadd.scan.msk.f32 $0xffff, v5  }
0x4a8: {  	v8 =	vmul.bf16 v59, v10;
	v2 =	vadd.f32 v2, v61  }
0x4a9: {  	v62 =	vunpack.i.u.bf16.f32 v4;
	v4 =	vunpack.i.l.bf16.f32 v4;
	v1 =	vmul.bf16 v3, v1  }
0x4aa: {  	v4 =	vadd.f32 v4, v62;
	v6 =	vmul.bf16 v7, v6;
	v7, _, _ =	vpop (xrf2);
	(xrf2) =	vadd.scan.msk.f32 $0xffff, v2  }
0x4ab: {  	v3 =	vunpack.i.u.bf16.f32 v8;
	v8 =	vunpack.i.l.bf16.f32 v8;
	v5 =	vunpack.i.u.bf16.f32 v1  }
0x4ac: {  	v3 =	vadd.f32 v8, v3;
	v63 =	vunpack.i.u.bf16.f32 v6  }
0x4ad: {  	s1 =	simm.s32 $0x80;
	v6 =	vunpack.i.l.bf16.f32 v6;
	v1 =	vunpack.i.l.bf16.f32 v1;
	[tilespmem:s3+$0x11870] =	vst v7;
	(xrf2) =	vadd.scan.msk.f32 $0xffff, v4  }
0x4ae: {  	s6 =	simm.s32 $0x400;
	v2 =	vadd.f32 v1, v5;
	v1 =	vadd.f32 v6, v63;
	v5, _, _ =	vpop (xrf2);
	v4 =	vld [tilespmem:s1+$0x7070]  }
.LBB2_32:
0x4af: {  	p0 =	sne.s32 s6, $0x7E00;
	v6 =	vld [tilespmem:s1+$0xF070];
	[tilespmem:s3+$0x11800] =	vst v5  }
0x4b0: {  	v5 =	vld [tilespmem:s1+$0x7000];
	(xrf2) =	vadd.scan.msk.f32 $0xffff, v3  }
0x4b1: {  	v3 =	vld [tilespmem:s1+$0xF000];
	v7, _, _ =	vpop (xrf2)  }
0x4b2: {  	v8 =	vld [tilespmem:s1+$0x7010];
	[tilespmem:s3+$0x11810] =	vst v7  }
0x4b3: {  	v7 =	vld [tilespmem:s1+$0xF010];
	(xrf2) =	vadd.scan.msk.f32 $0xffff, v2  }
0x4b4: {  	v2 =	vld [tilespmem:s1+$0x7020];
	v4 =	vmul.bf16 v6, v4;
	v6, _, _ =	vpop (xrf2)  }
0x4b5: {  	v9 =	vld [tilespmem:s1+$0xF020];
	[tilespmem:s3+$0x11820] =	vst v6  }
0x4b6: {  	v3 =	vmul.bf16 v3, v5;
	v5 =	vld [tilespmem:s1+$0x7030];
	v10 =	vunpack.i.u.bf16.f32 v4;
	v4 =	vunpack.i.l.bf16.f32 v4;
	(xrf2) =	vadd.scan.msk.f32 $0xffff, v1  }
0x4b7: {  	v1 =	vld [tilespmem:s1+$0xF030];
	v4 =	vadd.f32 v4, v10;
	v6, _, _ =	vpop (xrf2)  }
0x4b8: {  	v11 =	vunpack.i.u.bf16.f32 v3;
	v3 =	vunpack.i.l.bf16.f32 v3;
	v7 =	vmul.bf16 v7, v8;
	v8 =	vld [tilespmem:s1+$0x7040];
	[tilespmem:s3+$0x11830] =	vst v6  }
0x4b9: {  	v3 =	vadd.f32 v3, v11;
	v6 =	vld [tilespmem:s1+$0xF040];
	(xrf2) =	vadd.scan.msk.f32 $0xffff, v4  }
0x4ba: {  	v4 =	vunpack.i.u.bf16.f32 v7;
	v7 =	vunpack.i.l.bf16.f32 v7;
	v2 =	vmul.bf16 v9, v2;
	v9 =	vld [tilespmem:s1+$0x7050];
	v10, _, _ =	vpop (xrf2)  }
0x4bb: {  	v4 =	vadd.f32 v7, v4;
	v7 =	vld [tilespmem:s1+$0xF050];
	[tilespmem:s3+$0x11840] =	vst v10  }
0x4bc: {  	v10 =	vunpack.i.u.bf16.f32 v2;
	v2 =	vunpack.i.l.bf16.f32 v2;
	v1 =	vmul.bf16 v1, v5;
	v5 =	vld [tilespmem:s1+$0x7060];
	(xrf2) =	vadd.scan.msk.f32 $0xffff, v3  }
0x4bd: {  	v2 =	vadd.f32 v2, v10;
	v10 =	vld [tilespmem:s1+$0xF060];
	v3, _, _ =	vpop (xrf2)  }
0x4be: {  	v11 =	vunpack.i.u.bf16.f32 v1;
	v1 =	vunpack.i.l.bf16.f32 v1;
	v12 =	vmul.bf16 v6, v8;
	[tilespmem:s3+$0x11850] =	vst v3  }
0x4bf: {  	v8 =	vadd.f32 v1, v11;
	(xrf2) =	vadd.scan.msk.f32 $0xffff, v4  }
0x4c0: {  	v1 =	vunpack.i.u.bf16.f32 v12;
	v3 =	vunpack.i.l.bf16.f32 v12;
	v4 =	vmul.bf16 v7, v9;
	v6, _, _ =	vpop (xrf2)  }
0x4c1: {  	v3 =	vadd.f32 v3, v1;
	[tilespmem:s3+$0x11860] =	vst v6;
	s3 =	smov.u32 s1  }
.Ltmp15:
0x4c2: {  	v6 =	vunpack.i.u.bf16.f32 v4;
	v4 =	vunpack.i.l.bf16.f32 v4;
	v5 =	vmul.bf16 v10, v5;
	(xrf2) =	vadd.scan.msk.f32 $0xffff, v2;
	(pc) =	sbr.rel @p0 .LBB2_32-.Ltmp15, $4  }
0x4c3: {  	v2 =	vadd.f32 v4, v6;
	v1, _, _ =	vpop (xrf2)  }
0x4c4: {  	v4 =	vunpack.i.u.bf16.f32 v5;
	v6 =	vunpack.i.l.bf16.f32 v5;
	[tilespmem:s3+$0x11870] =	vst v1  }
0x4c5: {  	s1 =	sshra.s32 s6, $0x2;
	v1 =	vadd.f32 v6, v4;
	(xrf2) =	vadd.scan.msk.f32 $0xffff, v8  }
0x4c6: {  	s6 =	sadd.s32 $0x200, s6;
	v4 =	vld [tilespmem:s1+$0x7070];
	v5, _, _ =	vpop (xrf2)  }
0x4c7: {  	v6 =	vld [tilespmem:s1+$0xF070];
	[tilespmem:s3+$0x11800] =	vst v5  }
0x4c8: {  	(xrf2) =	vadd.scan.msk.f32 $0xffff, v3;
	v5 =	vld [tilespmem:s1+$0x7000]  }
0x4c9: {  	v7 =	vld [tilespmem:s1+$0xF000];
	v8, _, _ =	vpop (xrf2)  }
0x4ca: {  	v9 =	vld [tilespmem:s1+$0x7010];
	[tilespmem:s3+$0x11810] =	vst v8  }
0x4cb: {  	v3 =	vld [tilespmem:s1+$0xF010]  }
0x4cc: {  	v8 =	vld [tilespmem:s1+$0x7020];
	v10, _, _ =	vpop (xrf2)  }
0x4cd: {  	v11 =	vld [tilespmem:s1+$0xF020];
	[tilespmem:s3+$0x11820] =	vst v10  }
0x4ce: {  	v10 =	vld [tilespmem:s1+$0x7030]  }
0x4cf: {  	v12 =	vld [tilespmem:s1+$0xF030];
	v13, _, _ =	vpop (xrf2)  }
0x4d0: {  	v14 =	vld [tilespmem:s1+$0x7040];
	[tilespmem:s3+$0x11830] =	vst v13  }
0x4d1: {  	v4 =	vmul.bf16 v6, v4;
	v13 =	vld [tilespmem:s1+$0xF040]  }
0x4d2: {  	v5 =	vmul.bf16 v7, v5;
	v50 =	vld [tilespmem:s1+$0x7050];
	v51, _, _ =	vpop (xrf2)  }
0x4d3: {  	v16 =	vunpack.i.u.bf16.f32 v4;
	v4 =	vunpack.i.l.bf16.f32 v4;
	v15 =	vld [tilespmem:s1+$0xF050];
	[tilespmem:s3+$0x11840] =	vst v51  }
0x4d4: {  	v52 =	vunpack.i.u.bf16.f32 v5;
	v5 =	vunpack.i.l.bf16.f32 v5;
	v3 =	vmul.bf16 v3, v9;
	v53 =	vld [tilespmem:s1+$0x7060]  }
0x4d5: {  	v4 =	vadd.f32 v4, v16;
	v5 =	vadd.f32 v5, v52;
	v54 =	vmul.bf16 v11, v8;
	v55 =	vld [tilespmem:s1+$0xF060]  }
0x4d6: {  	(xrf2) =	vadd.scan.msk.f32 $0xffff, v2;
	v56 =	vunpack.i.u.bf16.f32 v3;
	v3 =	vunpack.i.l.bf16.f32 v3;
	v2 =	vmul.bf16 v12, v10  }
0x4d7: {  	(xrf2) =	vadd.scan.msk.f32 $0xffff, v1;
	v7 =	vunpack.i.l.bf16.f32 v54;
	v1 =	vadd.f32 v3, v56;
	v3 =	vunpack.i.u.bf16.f32 v54  }
0x4d8: {  	(xrf2) =	vadd.scan.msk.f32 $0xffff, v4;
	v58 =	vunpack.i.u.bf16.f32 v2;
	v2 =	vunpack.i.l.bf16.f32 v2;
	v57 =	vmul.bf16 v13, v14  }
0x4d9: {  	(xrf2) =	vadd.scan.msk.f32 $0xffff, v5;
	v3 =	vadd.f32 v7, v3;
	v2 =	vadd.f32 v2, v58;
	v59 =	vmul.bf16 v15, v50  }
0x4da: {  	(xrf2) =	vadd.scan.msk.f32 $0xffff, v1;
	v1 =	vunpack.i.u.bf16.f32 v57;
	v4 =	vunpack.i.l.bf16.f32 v57;
	v60 =	vmul.bf16 v55, v53  }
0x4db: {  	(xrf2) =	vadd.scan.msk.f32 $0xffff, v3;
	v61 =	vunpack.i.u.bf16.f32 v59;
	v5 =	vunpack.i.l.bf16.f32 v59;
	v1 =	vadd.f32 v4, v1  }
0x4dc: {  	(xrf2) =	vadd.scan.msk.f32 $0xffff, v2;
	v3 =	vadd.f32 v5, v61;
	v62 =	vunpack.i.u.bf16.f32 v60;
	v63 =	vunpack.i.l.bf16.f32 v60  }
0x4dd: {  	v2 =	vadd.f32 v63, v62;
	(xrf2) =	vadd.scan.msk.f32 $0xffff, v1  }
0x4de: {  	(xrf2) =	vadd.scan.msk.f32 $0xffff, v3  }
0x4df: {  	(xrf2) =	vadd.scan.msk.f32 $0xffff, v2  }
0x4e0: {  	v1, _, _ =	vpop (xrf2)  }
0x4e1: {  	[tilespmem:s3+$0x11850] =	vst v1;
	v2, _, _ =	vpop (xrf2)  }
0x4e2: {  	v1, _, _ =	vpop (xrf2);
	[tilespmem:s3+$0x11860] =	vst v2  }
0x4e3: {  	v2, _, _ =	vpop (xrf2);
	[tilespmem:s1+$0x11870] =	vst v1  }
0x4e4: {  	v1, _, _ =	vpop (xrf2);
	[tilespmem:s1+$0x11800] =	vst v2  }
0x4e5: {  	v2, _, _ =	vpop (xrf2);
	[tilespmem:s1+$0x11810] =	vst v1  }
0x4e6: {  	[tilespmem:s1+$0x11820] =	vst v2;
	v1, _, _ =	vpop (xrf2);
	v2 =	vor.u32 s10, v0  }
0x4e7: {  	[tilespmem:s1+$0x11830] =	vst v1;
	v1, _, _ =	vpop (xrf2)  }
0x4e8: {  	[tilespmem:s1+$0x11840] =	vst v1;
	v1, _, _ =	vpop (xrf2)  }
0x4e9: {  	[tilespmem:s1+$0x11850] =	vst v1;
	v1, _, _ =	vpop (xrf2)  }
0x4ea: {  	[tilespmem:s1+$0x11860] =	vst v1  }
0x4eb: {  	s6 =	simm.s32 $0x100;
	v1 =	vld.idx.msk [tilespmem:v2+s9+$0x0], $0xffff  }
0x4ec: {  	v2 =	vor.u32 s6, v0;
	_ =	sdelay $0x2  }
0x4ed: {  	s1 =	simm.s32 $0x11600  }
0x4ee: {  	[tilespmem:s1+$0x0] =	vst v1  }
0x4ef: {  	s10 =	simm.s32 $0x200;
	v1 =	vld.idx.msk [tilespmem:v2+s9+$0x0], $0xffff  }
0x4f0: {  	s3 =	simm.s32 $0x300;
	v2 =	vor.u32 s10, v0  }
.LBB2_34:
0x4f1: {  	p0 =	sne.s32 s3, $0x1F00;
	_ =	sdelay $0x1  }
.Ltmp16:
0x4f2: {  	s1 =	sadd.s32 $0x10, s1;
	(pc) =	sbr.rel @p0 .LBB2_34-.Ltmp16, $3  }
0x4f3: {  	[tilespmem:s1+$0x0] =	vst v1  }
0x4f4: {  	v1 =	vld.idx.msk [tilespmem:v2+s9+$0x0], $0xffff;
	_ =	sdelay $0x1  }
0x4f5: {  	v2 =	vor.u32 s3, v0;
	s3 =	sadd.s32 $0x100, s3  }
0x4f6: {  	_ =	sdelay $0x1  }
0x4f7: {  	s1 =	sadd.s32 $0x10, s1  }
0x4f8: {  	[tilespmem:s1+$0x0] =	vst v1  }
0x4f9: {  	v1 =	vld.idx.msk [tilespmem:v2+s9+$0x0], $0xffff;
	_ =	sdelay $0x3  }
0x4fa: {  	s1 =	sadd.s32 $0x10, s1  }
0x4fb: {  	s10 =	rddreg [dreg:$0x11];
	s3 =	simm.s32 $0x11600;
	[tilespmem:s1+$0x0] =	vst v1  }
0x4fc: {  	[hbm4b:s10+s2] =	stream.linear.scatter [tilespmem:s3], [sflag:$0xC], $0x200, $0x38;
	[tilespmem:$0x13800] =	vst v63  }
0x4fd: {  	_ =	swait.ge [sflag:s16], $0x200  }
0x4fe: {  	[sflag:s16] =	ssyncset.done $0x0  }
0x4ff: {  	[sflag:s16] =	ssyncadd.s32 $0xFFFFFE00  }
0x500: {  	_ =	swait.ge [sflag:s20], $0x200  }
0x501: {  	[sflag:s20] =	ssyncset.done $0x0  }
0x502: {  	[sflag:s20] =	ssyncadd.s32 $0xFFFFFE00  }
0x503: {  	_ =	swait.ge [sflag:s22], $0x200  }
0x504: {  	[sflag:s22] =	ssyncset.done $0x0  }
0x505: {  	s20 =	simm.s32 $0xC;
	[sflag:s22] =	ssyncadd.s32 $0xFFFFFE00  }
0x506: {  	_ =	swait.ge [sflag:s20], $0x200  }
0x507: {  	s6 =	rddreg [dreg:$0x13]  }
0x508: {  	s22 =	rddreg [dreg:$0x12];
	s6 =	sadd.s32 $0x1, s6  }
0x509: {  	p0 =	sne.s32 s6, s22  }
.Ltmp17:
0x50a: {  	_ = 	snop;
	(pc) =	sbr.rel @p0 .LBB2_1-.Ltmp17, $3  }
0x50b: {  	_ =	sdelay $0x1  }
0x50c: {  	[sflag:s20] =	ssyncset.done $0x0  }
0x50d: {  	[sflag:s20] =	ssyncadd.s32 $0xFFFFFE00  }
0x50e: {  	_ =	sfence.sel $0x180000  }
0x50f: {  	[bflag:$0x0] =	sbarrier.arrive $0xFFFF  }
0x510: {  	_ =	strace $0x9000004D  }
0x511: {  	s0 =	stileid.u32;
	[bflag:$0x2] =	sbarrier.arrive $0xFFFF  }
0x512: {  	p0 =	sne.s32 s0, $0x0;
	s0 =	rddreg [dreg:$0x2]  }
0x513: {  	s0 =	sadd.s32 @!p0 $0x100000, s0  }
0x514: {  	[sflag:s0] =	ssyncadd.tile.s32 @!p0 $0x1;
	_ =	shalt  }
.Lfunc_end2:
_tile_overlayer_lowered:
.L_overlay_start_2:
0x515: {  	(tag) =	ssettag $0x2  }
0x516: {  	s0 =	rddreg [dreg:$0x0];
	s2 =	stileid.u32  }
0x517: {  	s1 =	rddreg [dreg:$0x1];
	p0 =	sne.s32 s2, $0x0  }
0x518: {  	s3 =	rddreg [dreg:$0x2];
	[bflag:$0x3] =	sbarrier.arrive $0xFFFF;
	s2 =	simm.s32 @!p0 $0x1C0D  }
0x519: {  	[timem:s3], [sflag:s2] =	dma.local @!p0 [hbm:s0], s1  }
0x51a: {  	s0 =	simm.s32 @!p0 $0xD  }
0x51b: {  	_ =	swait.ge @!p0 [sflag:s0], s1  }
0x51c: {  	s1 =	ssub.s32 @!p0 $0x0, s1;
	[sflag:s0] =	ssyncset.done @!p0 $0x0  }
0x51d: {  	[sflag:s0] =	ssyncadd.s32 @!p0 s1  }
0x51e: {  	[bflag:$0x3] =	sbarrier.arrive $0xFFFF  }
0x51f: {  	_ =	shalt  }

// kernel: sparse-core-data-format-call.1.cloned.1.call-start
scs
called_computation.1_lowered:
.L_overlay_start_0:
0x0: {  	s1 =	sld [smem:$0x3FD9]  }
0x1: {  	s2 =	sld [smem:$0x3FFE];
	_ =	sdelay $0x1  }
0x2: {  	s3 =	srdreg.scid  }
0x3: {  	s0 =	sand.u32 $0x1, s3  }
0x4: {  	s17 =	sshll.u32 s0, $0xA;
	s1 =	sadd.s32 s2, s1  }
0x5: {  	s1 =	sadd.s32 s1, s17  }
0x6: {  	[smem:$0x3FC6] =	sst s1  }
0x7: {  	_ = 	snop  }
0x8: {  	(tm) =	ssettm $0x1  }
0x9: {  	s18 =	sld [smem:$0x3FFB];
	_ =	sdelay $0x3  }
0xa: {  	_ =	strace s18  }
0xb: {  	s1 =	sld [smem:$0x3FFC];
	_ =	sdelay $0x3  }
0xc: {  	_ =	strace s1  }
0xd: {  	s1 =	sld [smem:$0x3FFD];
	_ =	sdelay $0x3  }
0xe: {  	_ =	strace s1  }
0xf: {  	_ =	strace $0x8FFFFFFF  }
0x10: {  	s19 =	sld [smem:$0x3FDB];
	_ =	sdelay $0x1  }
0x11: {  	s20 =	simm.s32 $_scs_section_size  }
0x12: {  	s4 =	simm.s32 $_size__tile_overlayer_lowered;
	s5 =	simm.s32 $_tile_overlayer_lowered  }
0x13: {  	s23 =	simm.s32 $0x1BFF;
	s22 =	sshll.u32 s5, $0x1;
	s1 =	sadd.s32 s20, s19  }
0x14: {  	s6 =	simm.s32 $0x0;
	s21 =	sshll.u32 s4, $0x1;
	s4 =	sadd.s32 s22, s1  }
0x15: {  	[timem:s6], [sflag:s23] =	dma.local [hbm:s4], s21  }
0x16: {  	_ =	swait.ge [sflag:s23], s21  }
0x17: {  	s2 =	ssub.s32 $0x0, s21;
	[sflag:s23] =	ssyncset.done $0x0  }
0x18: {  	[sflag:s23] =	ssyncadd.s32 s2;
	_ =	sdelay $0x1  }
0x19: {  	s24 =	simm.s32 $0x1B8B  }
0x1a: {  	_ =	swait.ge [sflag:s24], $0x1  }
0x1b: {  	[sflag:s24] =	ssyncset.done $0x0  }
0x1c: {  	s26 =	simm.s32 $0x1B8E;
	s25 =	sld [smem:$0x3FFE];
	[sflag:s24] =	ssyncadd.s32 $0xFFFFFFFF  }
0x1d: {  	s27 =	simm.s32 $execute0_lowered;
	[smem:$0x3FD2] =	sst s26  }
0x1e: {  	s4 =	sshll.u32 s27, $0x1;
	_ =	strace $0x80000046;
	[dreg:$0x1] =	wrdreg $0xFFFFFFFF  }
0x1f: {  	s28 =	simm.s32 $_size_execute0_lowered;
	s1 =	sadd.s32 s1, s4;
	[dreg:$0x0] =	wrdreg $0x0  }
0x20: {  	s4 =	sshll.u32 s28, $0x1;
	[dreg:$0x2] =	wrdreg s1  }
0x21: {  	[dreg:$0x3] =	wrdreg s4  }
0x22: {  	[dreg:$0x4] =	wrdreg $0xC0  }
0x23: {  	_ =	task [dreg:s6], $0x5FFFF  }
0x24: {  	[dreg:$0x1] =	wrdreg $0xFFFFFFFF  }
0x25: {  	[dreg:$0x0] =	wrdreg $0x60  }
0x26: {  	[dreg:$0x2] =	wrdreg s25  }
0x27: {  	[dreg:$0x3] =	wrdreg $0x9  }
0x28: {  	_ =	task.clear_ibuf [dreg:s6], $0x4FFFF;
	_ =	strace $0x90000046  }
0x29: {  	s29 =	simm.s32 $0x9;
	_ =	strace $0x80000048  }
0x2a: {  	_ =	swait.ge [sflag:s29], $0x1  }
0x2b: {  	[sflag:s29] =	ssyncadd.s32 $0xFFFFFFFF  }
0x2c: {  	_ =	strace $0x90000048  }
0x2d: {  	_ =	sfence  }
0x2e: {  	s30 =	sld [smem:$0x0];
	_ =	sdelay $0x2  }
0x2f: {  	s31 =	sshll.u32 s3, $0xD;
	s3 =	sshrl.u32 s3, $0x2  }
0x30: {  	s2 =	sand.u32 $0x4000, s31;
	s1 =	sadd.s32 s3, s30  }
0x31: {  	s0 =	sor.u32 s2, s0;
	s1 =	sshll.u32 s1, $0x11  }
0x32: {  	s0 =	sor.u32 s1, s0  }
0x33: {  	s0 =	sadd.s32 $0x8F2B, s0  }
0x34: {  	[sflag:s0] =	ssyncadd.remote.s32 $0x1  }
0x35: {  	_ =	sfence.sel $0xFFFF  }
0x36: {  	[dreg:$0x0] =	wrdreg $0xFFFFFFFF;
	(pc) =	sbr.abs _section_cstart, $3  }
0x37: {  	[dreg:$0x1] =	wrdreg $0xFFFFFFFF  }
0x38: {  	_ =	task.clear_ibuf [dreg:s6], $0x2FFFF;
	_ =	strace $0x9FFFFFFF  }
0x39: {  	(tm) =	ssettm $0x7FFFFFFF  }
tec
execute0_lowered:
.L_overlay_start_1:
0x0: {  	(tag) =	ssettag $0x1  }
0x1: {  	s0 =	srdreg.scid  }
0x2: {  	s5 =	rddreg [dreg:$0x0];
	s1 =	stileid.u32;
	s4 =	simm.s32 $0x1  }
0x3: {  	s6 =	simm.s32 $0x2;
	s15 =	simm.s32 $0x0;
	p0 =	por $0x0, $0x0  }
0x4: {  	s8 =	simm.s32 $0x80;
	s14 =	simm.s32 $0x0;
	s2 =	sshll.u32 s0, $0x4  }
0x5: {  	s9 =	simm.s32 $0x0;
	s10 =	simm.s32 $0x0;
	s2 =	sand.u32 $0x10, s2  }
.Ltmp0:
0x6: {  	s12 =	simm.s32 $0x0;
	s3 =	sor.u32 s1, s2;
	(pc) =	sbr.rel .LBB1_1-.Ltmp0, $4  }
0x7: {  	s0 =	rddreg [dreg:$0x1];
	_ =	strace $0x80000047;
	s3 =	sshll.u32 s3, $0x7  }
0x8: {  	s13 =	simm.s32 $0x0;
	[sflag:s4] =	ssyncpa.u1 $0x0;
	s7 =	ssub.s32 $0xF4200, s3  }
0x9: {  	s2 =	sadd.s32 $0x1000, s5;
	[sflag:s6] =	ssyncpa.u1 $0x0;
	s6 =	sshrl.u32 s7, $0xC  }
0xa: {  	s5 =	sadd.s32 $0x1E9600, s5;
	s11 =	smov.u32 s3;
	s7 =	sadd.s32 $0x2, s6  }
.LBB1_5:
0xb: {  	p1 =	slt.u32 s13, $0x2  }
0xc: {  	s17 =	smov.u32 s15;
	p2 =	sgt.s32 @!p1 s15, $0xF41C0;
	s16 =	sshra.s32 @!p1 s15, $0x1F  }
0xd: {  	p3 =	sgt.s32 @!p1 s14, $0x60;
	s18 =	sshra.s32 @!p1 s14, $0x1F;
	p2 =	por !p2, p1  }
0xe: {  	s15 =	sand.u32 @!p1 s16, s15;
	p3 =	por !p3, p1;
	s16 =	smov.u32 s14  }
0xf: {  	s14 =	sand.u32 @!p1 s18, s14;
	s17 =	simm.s32 @p2 $0xF41C0;
	s16 =	simm.s32 @p3 $0x60  }
0x10: {  	s15 =	ssub.s32 @!p1 s17, s15;
	s14 =	ssub.s32 @!p1 s16, s14  }
0x11: {  	s18 =	smov.u32 s12;
	s16 =	sadd.s32 @!p1 $0xFFF0BE40, s15;
	s17 =	sadd.s32 @!p1 $0xFFFFFFA0, s14  }
0x12: {  	s15 =	ssub.s32 @!p1 $0xF4240, s15;
	p2 =	sgt.s32 @!p1 s16, $0x7F;
	p3 =	sgt.s32 @!p1 s17, $0x1F  }
0x13: {  	s14 =	ssub.s32 @!p1 $0x80, s14;
	p2 =	por !p2, p1;
	p3 =	por !p3, p1  }
0x14: {  	s16 =	sadd.s32 $0x1000, s11;
	s15 =	simm.s32 @!p2 $0x0;
	s14 =	simm.s32 @!p3 $0x0  }
0x15: {  	p2 =	sgt.s32 s16, $0xF423F;
	s14 =	smul.u32 @!p1 s14, s15;
	s15 =	sadd.s32 $0x20, s12  }
0x16: {  	s18 =	smov.u32 @p2 s15  }
0x17: {  	s16 =	smov.u32 @p2 s3;
	p2 =	sgt.s32 s18, $0x1F  }
0x18: {  	p0 =	por !p0, !p0;
	s18 =	simm.s32 @p2 $0x0;
	p2 =	sne.s32 s13, s7  }
.Ltmp1:
0x19: {  	s17 =	simm.s32 @!p1 $0x2;
	s14 =	sshrl.u32 @!p1 s14, $0x1;
	(pc) =	sbr.rel @!p2 .LBB1_6-.Ltmp1, $4  }
0x1a: {  	s15 =	smov.u32 s9;
	s9 =	smov.u32 s11;
	s14 =	sand.u32 @!p1 $0x3FFFFFFF, s14  }
0x1b: {  	s11 =	smov.u32 s16;
	s13 =	sadd.s32 $0x1, s13;
	_ =	swait.ge @!p1 [sflag:s17], s14  }
0x1c: {  	s19 =	ssub.s32 @!p1 $0x0, s14;
	s14 =	smov.u32 s10;
	[sflag:s17] =	ssyncset.done @!p1 $0x0  }
0x1d: {  	s10 =	smov.u32 s12;
	s12 =	smov.u32 s18;
	[sflag:s17] =	ssyncadd.s32 @!p1 s19  }
.LBB1_1:
0x1e: {  	p1 =	sgt.u32 s13, s6  }
0x1f: {  	s16 =	sshrl.u32 @!p1 s12, $0x3  }
0x20: {  	s17 =	sshll.u32 @!p1 s11, $0x3;
	s16 =	smul.u32 @!p1 $0x7A1400, s16  }
0x21: {  	s18 =	sshll.u32 @!p1 s12, $0x7;
	s17 =	sand.u32 @!p1 $0xFFFFFC00, s17  }
0x22: {  	s16 =	sadd.s32 @!p1 s16, s17;
	s17 =	sand.u32 @!p1 $0x300, s18;
	s18 =	sshll.u32 @!p1 s11, $0x1  }
0x23: {  	s16 =	sor.u32 @!p1 s17, s16;
	s17 =	sand.u32 @!p1 $0xFE, s18  }
0x24: {  	s18 =	sand.u32 @!p1 $0x1, s12;
	s16 =	sor.u32 @!p1 s17, s16  }
0x25: {  	s17 =	sor.u32 @!p1 s18, s16  }
0x26: {  	s18 =	smulhi.u32 @!p1 $0x218D6287, s17;
	_ =	sdelay $0x1  }
0x27: {  	s16 =	smulhi.u32 @!p1 $0x218D6287, s16;
	s18 =	sshrl.u32 @!p1 s18, $0x11  }
0x28: {  	s18 =	smul.u32 @!p1 $0xF4280, s18  }
0x29: {  	s16 =	sshrl.u32 @!p1 s16, $0x11  }
0x2a: {  	s16 =	sand.u32 @!p1 $0x1F, s16;
	s17 =	ssub.s32 @!p1 s17, s18  }
0x2b: {  	s16 =	smul.u32 @!p1 $0xF428, s16;
	s18 =	sshrl.u32 @!p1 s17, $0x4  }
0x2c: {  	s19 =	sxor.u32 @!p1 $0xFFFFFFFF, s13;
	s17 =	sshll.u32 @!p1 s17, $0x11;
	s18 =	sadd.s32 @!p1 s2, s18  }
0x2d: {  	s17 =	sand.u32 @!p1 $0x1C0000, s17;
	s16 =	sadd.s32 @!p1 s16, s18;
	s18 =	sshll.u32 @!p1 s19, $0xB  }
0x2e: {  	s17 =	sor.u32 @!p1 $0x200, s17;
	s19 =	simm.s32 @!p1 $0x3D0A00;
	s18 =	sand.u32 @!p1 $0x800, s18  }
0x2f: {  	[tilespmem:s18], [sflag:$0x1] =	stream.strided.gather @!p1 [hbm4b:s16+s17], $0x800, s19, s17, $0x38;
	[tilespmem:$0x2080] =	vst v63  }
0x30: {  	p1 =	seq.s32 s13, $0x0  }
0x31: {  	p2 =	sge.u32 @!p1 s13, s7  }
0x32: {  	p1 =	por p1, p2  }
.Ltmp2:
0x33: {  	_ = 	snop;
	(pc) =	sbr.rel @p1 .LBB1_5-.Ltmp2, $1  }
0x34: {  	_ =	sdelay $0x3  }
0x35: {  	s16 =	simm.s32 $0x1  }
0x36: {  	_ =	swait.ge [sflag:s4], $0x800;
	s16 =	simm.s32 @!p0 $0x0  }
0x37: {  	[sflag:s4] =	ssyncset.done $0x0;
	s16 =	sshll.u32 s16, $0xB  }
0x38: {  	[sflag:s4] =	ssyncadd.s32 $0xFFFFF800;
	s16 =	sor.u32 $0x40, s16  }
0x39: {  	v0 =	vld [tilespmem:s16+$0x20]  }
0x3a: {  	v1 =	vld [tilespmem:s16+$0x30]  }
0x3b: {  	v2 =	vld [tilespmem:s16+$0xFFFFFFD0]  }
0x3c: {  	v5 =	vld [tilespmem:s16+$0x0]  }
0x3d: {  	v6 =	vld [tilespmem:s16+$0x10]  }
0x3e: {  	s17 =	sand.u32 $0x1, s13;
	v3 =	vld [tilespmem:s16+$0xFFFFFFE0]  }
0x3f: {  	s17 =	smul.u32 $0x2100, s17;
	v4 =	vld [tilespmem:s16+$0xFFFFFFF0]  }
0x40: {  	s18 =	simm.s32 $0x0;
	v1 =	vperm.xlane.i2c.b16 v1  }
0x41: {  	s19 =	sand.u32 $0x1C, s18;
	s17 =	sshrl.u32 s17, $0x2;
	v8 =	vld [tilespmem:s16+$0xFFFFFFC0];
	s20 =	sadd.s32 $0x80, s16;
	v7 =	vperm.xlane.i2c.b16 v0;
	v0 =	vperm.xlane.i2c.b16 v2  }
0x42: {  	s30 =	sand.u32 $0x20, s18;
	s31 =	sshrl.u32 s19, $0x1;
	s16 =	sor.u32 $0x1000, s17;
	v11 =	vld [tilespmem:s20+$0x30];
	v10 =	vperm.xlane.i2c.b16 v5;
	v13 =	vperm.xlane.i2c.b16 v6  }
0x43: {  	s17 =	sshrl.u32 s30, $0x1;
	s18 =	sadd.s32 s31, s16;
	v2 =	vld [tilespmem:s20+$0x20];
	v3 =	vperm.xlane.i2c.b16 v3;
	v9 =	vcombine.low v7, v1  }
0x44: {  	v12 =	vld [tilespmem:s20+$0xFFFFFFD0];
	s17 =	sadd.s32 s17, s18;
	v4 =	vperm.xlane.i2c.b16 v4;
	v14 =	vcombine.low v10, v13  }
0x45: {  	v1 =	vcombine.high v7, v1;
	v7 =	vld [tilespmem:s20+$0xFFFFFFE0];
	[tilespmem:s17+$0x630 ss:$0x21] =	vst.msk $0xffff, v9  }
0x46: {  	v6 =	vld [tilespmem:s20+$0xFFFFFFF0];
	v5 =	vperm.xlane.i2c.b16 v8;
	v9 =	vcombine.low v3, v4;
	[tilespmem:s17+$0x420 ss:$0x21] =	vst.msk $0xffff, v14  }
0x47: {  	s18 =	simm.s32 $0x4;
	v8 =	vperm.xlane.i2c.b16 v11;
	[tilespmem:s17+$0x631 ss:$0x21] =	vst.msk $0xffff, v1;
	v1 =	vcombine.high v3, v4;
	v4 =	vld [tilespmem:s20+$0x0]  }
0x48: {  	s19 =	simm.s32 $0x2;
	s22 =	sand.u32 $0x1C, s18;
	v10 =	vcombine.high v10, v13;
	v3 =	vld [tilespmem:s20+$0x10];
	[tilespmem:s17+$0x210 ss:$0x21] =	vst.msk $0xffff, v9;
	v9 =	vperm.xlane.i2c.b16 v2  }
0x49: {  	s21 =	sand.u32 $0x20, s18;
	s22 =	sshrl.u32 s22, $0x1;
	v11 =	vcombine.low v5, v0;
	v2 =	vld [tilespmem:s20+$0xFFFFFFC0];
	s20 =	sadd.s32 $0x80, s20;
	[tilespmem:s17+$0x211 ss:$0x21] =	vst.msk $0xffff, v1;
	v1 =	vperm.xlane.i2c.b16 v12  }
.LBB1_3:
0x4a: {  	v12 =	vld [tilespmem:s20+$0x20];
	s22 =	sadd.s32 s22, s16;
	s21 =	sshrl.u32 s21, $0x1;
	v13 =	vperm.xlane.i2c.b16 v7;
	v7 =	vcombine.low v9, v8;
	[tilespmem:s17+$0x421 ss:$0x21] =	vst.msk $0xffff, v10  }
0x4b: {  	s19 =	sadd.s32 $0x2, s19;
	v14 =	vld [tilespmem:s20+$0x30];
	s21 =	sadd.s32 s21, s22;
	v10 =	vperm.xlane.i2c.b16 v6;
	v6 =	vcombine.high v9, v8;
	[tilespmem:s17+$0x0 ss:$0x21] =	vst.msk $0xffff, v11  }
0x4c: {  	p1 =	slt.u32 s19, $0x1E;
	v11 =	vld [tilespmem:s20+$0xFFFFFFD0];
	v8 =	vperm.xlane.i2c.b16 v4;
	[tilespmem:s21+$0x630 ss:$0x21] =	vst.msk $0xffff, v7;
	v4 =	vcombine.high v5, v0;
	v0 =	vmov v1  }
.Ltmp3:
0x4d: {  	v7 =	vld [tilespmem:s20+$0xFFFFFFE0];
	v1 =	vcombine.low v13, v10;
	v3 =	vperm.xlane.i2c.b16 v3;
	[tilespmem:s21+$0x631 ss:$0x21] =	vst.msk $0xffff, v6;
	(pc) =	sbr.rel @p1 .LBB1_3-.Ltmp3, $4  }
0x4e: {  	v6 =	vld [tilespmem:s20+$0xFFFFFFF0];
	v5 =	vperm.xlane.i2c.b16 v2;
	v2 =	vcombine.high v13, v10;
	[tilespmem:s17+$0x1 ss:$0x21] =	vst.msk $0xffff, v4;
	s17 =	smov.u32 s21  }
0x4f: {  	s18 =	sadd.s32 $0x4, s18;
	v4 =	vld [tilespmem:s20+$0x0];
	[tilespmem:s17+$0x210 ss:$0x21] =	vst.msk $0xffff, v1;
	v13 =	vcombine.low v8, v3;
	v10 =	vcombine.high v8, v3  }
0x50: {  	s22 =	sand.u32 $0x1C, s18;
	v9 =	vperm.xlane.i2c.b16 v12;
	v3 =	vld [tilespmem:s20+$0x10];
	v8 =	vperm.xlane.i2c.b16 v14;
	[tilespmem:s17+$0x211 ss:$0x21] =	vst.msk $0xffff, v2  }
0x51: {  	s22 =	sshrl.u32 s22, $0x1;
	s21 =	sand.u32 $0x20, s18;
	v2 =	vld [tilespmem:s20+$0xFFFFFFC0];
	v1 =	vperm.xlane.i2c.b16 v11;
	s20 =	sadd.s32 $0x80, s20;
	v11 =	vcombine.low v5, v0;
	[tilespmem:s17+$0x420 ss:$0x21] =	vst.msk $0xffff, v13  }
0x52: {  	s18 =	sadd.s32 s22, s16;
	s19 =	sshll.u32 s9, $0x7;
	s20 =	sshll.u32 s10, $0x3  }
0x53: {  	s21 =	sshrl.u32 s21, $0x1;
	s24 =	sshll.u32 s10, $0x1;
	p1 =	sgt.s32 s9, $0xF41C0  }
0x54: {  	s22 =	smov.u32 s9;
	s26 =	sshra.s32 s9, $0x1F;
	s23 =	sand.u32 $0xFFFFFC00, s19  }
0x55: {  	s20 =	sand.u32 $0xFFFFFC00, s20;
	s19 =	sand.u32 $0x300, s19;
	s25 =	sand.u32 $0x80, s24  }
0x56: {  	s18 =	sadd.s32 s21, s18;
	s22 =	simm.s32 @!p1 $0xF41C0;
	p1 =	sgt.s32 s10, $0x60  }
0x57: {  	s21 =	smov.u32 s10;
	s20 =	sadd.s32 s20, s23;
	s23 =	sshra.s32 s10, $0x1F  }
0x58: {  	s21 =	simm.s32 @!p1 $0x60;
	s19 =	sor.u32 s19, s20;
	s20 =	sand.u32 s26, s9  }
0x59: {  	v7 =	vperm.xlane.i2c.b16 v7;
	[tilespmem:s17+$0x421 ss:$0x21] =	vst.msk $0xffff, v10;
	v0 =	vcombine.high v5, v0;
	s23 =	sand.u32 s23, s10;
	s19 =	sor.u32 s25, s19;
	s20 =	ssub.s32 s22, s20  }
0x5a: {  	v57 =	vcombine.low v9, v8;
	v6 =	vperm.xlane.i2c.b16 v6;
	[tilespmem:s17+$0x0 ss:$0x21] =	vst.msk $0xffff, v11;
	s21 =	ssub.s32 s21, s23;
	s19 =	sshrl.u32 s19, $0x7;
	s22 =	sadd.s32 $0xFFF0BE40, s20  }
0x5b: {  	v58 =	vcombine.high v9, v8;
	v4 =	vperm.xlane.i2c.b16 v4;
	[tilespmem:s17+$0x1 ss:$0x21] =	vst.msk $0xffff, v0;
	s23 =	sadd.s32 $0xFFFFFFA0, s21;
	s20 =	ssub.s32 $0xF4240, s20;
	s21 =	ssub.s32 $0x80, s21  }
0x5c: {  	[tilespmem:s18+$0x630 ss:$0x21] =	vst.msk $0xffff, v57;
	v59 =	vcombine.low v7, v6;
	v3 =	vperm.xlane.i2c.b16 v3;
	s27 =	smulhi.u32 $0x218DEF5, s19;
	p1 =	sgt.s32 s22, $0x7F;
	p2 =	sgt.s32 s23, $0x1F  }
0x5d: {  	[tilespmem:s18+$0x631 ss:$0x21] =	vst.msk $0xffff, v58;
	v60 =	vcombine.high v7, v6;
	s20 =	simm.s32 @p1 $0x0;
	s21 =	simm.s32 @p2 $0x0  }
0x5e: {  	v2 =	vperm.xlane.i2c.b16 v2;
	[tilespmem:s18+$0x210 ss:$0x21] =	vst.msk $0xffff, v59;
	v61 =	vcombine.low v4, v3;
	s17 =	sshrl.u32 s27, $0xD;
	s20 =	smul.u32 s21, s20  }
0x5f: {  	v3 =	vcombine.high v4, v3;
	[tilespmem:s18+$0x211 ss:$0x21] =	vst.msk $0xffff, v60;
	s17 =	smul.u32 $0xF4240, s17  }
.Ltmp4:
0x60: {  	s28 =	sshrl.u32 s10, $0x3;
	s29 =	sand.u32 $0x7, s10;
	v62 =	vcombine.low v2, v1;
	[tilespmem:s18+$0x420 ss:$0x21] =	vst.msk $0xffff, v61;
	(pc) =	sbr.rel .LBB1_5-.Ltmp4, $4  }
0x61: {  	v63 =	vcombine.high v2, v1;
	[tilespmem:s18+$0x421 ss:$0x21] =	vst.msk $0xffff, v3;
	s21 =	sshll.u32 s29, $0x12;
	s17 =	ssub.s32 s19, s17;
	s19 =	sand.u32 $0x7, s28  }
0x62: {  	[tilespmem:s18+$0x0 ss:$0x21] =	vst.msk $0xffff, v62;
	s20 =	sshrl.u32 s20, $0x1;
	s17 =	sshll.u32 s17, $0x3;
	s19 =	sadd.s32 s5, s19  }
0x63: {  	[tilespmem:s18+$0x1 ss:$0x21] =	vst.msk $0xffff, v63;
	s31 =	sor.u32 $0x20, s21;
	s30 =	sand.u32 $0x3FFFFFFF, s20;
	s17 =	sadd.s32 s17, s19  }
0x64: {  	[hbm4b:s17+s31] =	stream.strided.scatter [tilespmem:s16], [sflag:$0x2], s30, s8, s31, $0x10;
	[tilespmem:$0x2080] =	vst v63  }
.LBB1_6:
0x65: {  	_ =	sfence.sel $0x180000  }
0x66: {  	s2 =	simm.s32 $0x1;
	[bflag:$0x0] =	sbarrier.arrive $0xFFFF  }
0x67: {  	s31 =	simm.s32 $0x2;
	[sflag:s2] =	ssyncpa.u1 $0x1  }
0x68: {  	[sflag:s31] =	ssyncpa.u1 $0x1  }
0x69: {  	p0 =	sne.s32 s1, $0x0;
	_ =	strace $0x90000047  }
0x6a: {  	s0 =	sadd.s32 @!p0 $0x100000, s0;
	[bflag:$0x2] =	sbarrier.arrive $0xFFFF  }
0x6b: {  	[sflag:s0] =	ssyncadd.tile.s32 @!p0 $0x1;
	_ =	shalt  }
.Lfunc_end1:
_tile_overlayer_lowered:
.L_overlay_start_2:
0x6c: {  	(tag) =	ssettag $0x2  }
0x6d: {  	s0 =	rddreg [dreg:$0x0];
	s2 =	stileid.u32  }
0x6e: {  	s1 =	rddreg [dreg:$0x1];
	p0 =	sne.s32 s2, $0x0  }
0x6f: {  	s3 =	rddreg [dreg:$0x2];
	[bflag:$0x3] =	sbarrier.arrive $0xFFFF;
	s2 =	simm.s32 @!p0 $0x1C01  }
0x70: {  	[timem:s3], [sflag:s2] =	dma.local @!p0 [hbm:s0], s1  }
0x71: {  	s0 =	simm.s32 @!p0 $0x1  }
0x72: {  	_ =	swait.ge @!p0 [sflag:s0], s1  }
0x73: {  	s1 =	ssub.s32 @!p0 $0x0, s1;
	[sflag:s0] =	ssyncset.done @!p0 $0x0  }
0x74: {  	[sflag:s0] =	ssyncadd.s32 @!p0 s1  }
0x75: {  	[bflag:$0x3] =	sbarrier.arrive $0xFFFF  }
0x76: {  	_ =	shalt  }

// kernel: sparse-core-data-format-call.cloned.1.call-start
scs
called_computation_lowered:
.L_overlay_start_0:
0x0: {  	s1 =	sld [smem:$0x3FD9]  }
0x1: {  	s2 =	sld [smem:$0x3FFE];
	_ =	sdelay $0x1  }
0x2: {  	s3 =	srdreg.scid  }
0x3: {  	s0 =	sand.u32 $0x1, s3  }
0x4: {  	s17 =	sshll.u32 s0, $0xA;
	s1 =	sadd.s32 s2, s1  }
0x5: {  	s1 =	sadd.s32 s1, s17  }
0x6: {  	[smem:$0x3FC6] =	sst s1  }
0x7: {  	_ = 	snop  }
0x8: {  	(tm) =	ssettm $0x1  }
0x9: {  	s18 =	sld [smem:$0x3FFB];
	_ =	sdelay $0x3  }
0xa: {  	_ =	strace s18  }
0xb: {  	s1 =	sld [smem:$0x3FFC];
	_ =	sdelay $0x3  }
0xc: {  	_ =	strace s1  }
0xd: {  	s1 =	sld [smem:$0x3FFD];
	_ =	sdelay $0x3  }
0xe: {  	_ =	strace s1  }
0xf: {  	_ =	strace $0x8FFFFFFF  }
0x10: {  	s19 =	sld [smem:$0x3FDB];
	_ =	sdelay $0x1  }
0x11: {  	s20 =	simm.s32 $_scs_section_size  }
0x12: {  	s4 =	simm.s32 $_size__tile_overlayer_lowered;
	s5 =	simm.s32 $_tile_overlayer_lowered  }
0x13: {  	s23 =	simm.s32 $0x1BFF;
	s22 =	sshll.u32 s5, $0x1;
	s1 =	sadd.s32 s20, s19  }
0x14: {  	s6 =	simm.s32 $0x0;
	s21 =	sshll.u32 s4, $0x1;
	s4 =	sadd.s32 s22, s1  }
0x15: {  	[timem:s6], [sflag:s23] =	dma.local [hbm:s4], s21  }
0x16: {  	_ =	swait.ge [sflag:s23], s21  }
0x17: {  	s2 =	ssub.s32 $0x0, s21;
	[sflag:s23] =	ssyncset.done $0x0  }
0x18: {  	[sflag:s23] =	ssyncadd.s32 s2;
	_ =	sdelay $0x1  }
0x19: {  	s24 =	simm.s32 $0x1B8B  }
0x1a: {  	_ =	swait.ge [sflag:s24], $0x1  }
0x1b: {  	[sflag:s24] =	ssyncset.done $0x0  }
0x1c: {  	s26 =	simm.s32 $0x1B8E;
	s25 =	sld [smem:$0x3FFE];
	[sflag:s24] =	ssyncadd.s32 $0xFFFFFFFF  }
0x1d: {  	s27 =	simm.s32 $execute0_lowered;
	[smem:$0x3FD2] =	sst s26  }
0x1e: {  	s4 =	sshll.u32 s27, $0x1;
	_ =	strace $0x80000049;
	[dreg:$0x1] =	wrdreg $0xFFFFFFFF  }
0x1f: {  	s28 =	simm.s32 $_size_execute0_lowered;
	s1 =	sadd.s32 s1, s4;
	[dreg:$0x0] =	wrdreg $0x0  }
0x20: {  	s4 =	sshll.u32 s28, $0x1;
	[dreg:$0x2] =	wrdreg s1  }
0x21: {  	[dreg:$0x3] =	wrdreg s4  }
0x22: {  	[dreg:$0x4] =	wrdreg $0xC0  }
0x23: {  	_ =	task [dreg:s6], $0x5FFFF  }
0x24: {  	[dreg:$0x1] =	wrdreg $0xFFFFFFFF  }
0x25: {  	[dreg:$0x0] =	wrdreg $0x60  }
0x26: {  	[dreg:$0x2] =	wrdreg s25  }
0x27: {  	[dreg:$0x3] =	wrdreg $0x9  }
0x28: {  	_ =	task.clear_ibuf [dreg:s6], $0x4FFFF;
	_ =	strace $0x90000049  }
0x29: {  	s29 =	simm.s32 $0x9;
	_ =	strace $0x8000004B  }
0x2a: {  	_ =	swait.ge [sflag:s29], $0x1  }
0x2b: {  	[sflag:s29] =	ssyncadd.s32 $0xFFFFFFFF  }
0x2c: {  	_ =	strace $0x9000004B  }
0x2d: {  	_ =	sfence  }
0x2e: {  	s30 =	sld [smem:$0x0];
	_ =	sdelay $0x2  }
0x2f: {  	s31 =	sshll.u32 s3, $0xD;
	s3 =	sshrl.u32 s3, $0x2  }
0x30: {  	s2 =	sand.u32 $0x4000, s31;
	s1 =	sadd.s32 s3, s30  }
0x31: {  	s0 =	sor.u32 s2, s0;
	s1 =	sshll.u32 s1, $0x11  }
0x32: {  	s0 =	sor.u32 s1, s0  }
0x33: {  	s0 =	sadd.s32 $0x8F2B, s0  }
0x34: {  	[sflag:s0] =	ssyncadd.remote.s32 $0x1  }
0x35: {  	_ =	sfence.sel $0xFFFF  }
0x36: {  	[dreg:$0x0] =	wrdreg $0xFFFFFFFF;
	(pc) =	sbr.abs _section_cstart, $3  }
0x37: {  	[dreg:$0x1] =	wrdreg $0xFFFFFFFF  }
0x38: {  	_ =	task.clear_ibuf [dreg:s6], $0x2FFFF;
	_ =	strace $0x9FFFFFFF  }
0x39: {  	(tm) =	ssettm $0x7FFFFFFF  }
tec
execute0_lowered:
.L_overlay_start_1:
0x0: {  	(tag) =	ssettag $0x1  }
0x1: {  	s0 =	srdreg.scid  }
0x2: {  	s5 =	rddreg [dreg:$0x0];
	s1 =	stileid.u32;
	s4 =	simm.s32 $0x1  }
0x3: {  	s6 =	simm.s32 $0x2;
	s8 =	simm.s32 $0x0;
	s2 =	sshll.u32 s0, $0x4  }
0x4: {  	s9 =	simm.s32 $0x0;
	s13 =	simm.s32 $0x0;
	s2 =	sand.u32 $0x10, s2  }
.Ltmp0:
0x5: {  	s10 =	simm.s32 $0x0;
	s3 =	sor.u32 s1, s2;
	(pc) =	sbr.rel .LBB1_1-.Ltmp0, $4  }
0x6: {  	s0 =	rddreg [dreg:$0x1];
	_ =	strace $0x8000004A;
	s3 =	sshll.u32 s3, $0x4  }
0x7: {  	s12 =	simm.s32 $0x0;
	[sflag:s4] =	ssyncpa.u1 $0x0;
	s7 =	ssub.s32 $0x3D00, s3  }
0x8: {  	s2 =	sadd.s32 $0x1E9600, s5;
	[sflag:s6] =	ssyncpa.u1 $0x0;
	s6 =	sshrl.u32 s7, $0x9  }
0x9: {  	s5 =	sadd.s32 $0x1000, s5;
	s11 =	smov.u32 s3;
	s7 =	sadd.s32 $0x2, s6  }
.LBB1_7:
0xa: {  	s15 =	sshll.u32 s12, $0xF  }
0xb: {  	s15 =	sand.u32 $0x8000, s15  }
0xc: {  	s16 =	sshll.u32 s10, $0x7;
	s15 =	sshrl.u32 s15, $0x1  }
0xd: {  	s16 =	sadd.s32 s5, s16;
	s15 =	sor.u32 $0x8000, s15  }
0xe: {  	[hbm4b:s16+s8] =	stream.linear.scatter [tilespmem:s15], [sflag:$0x2], s14, $0x38;
	[tilespmem:$0x10000] =	vst v63  }
.LBB1_8:
0xf: {  	p0 =	slt.u32 s12, $0x2  }
0x10: {  	p1 =	sgt.s32 @!p0 s13, $0x3CF9  }
0x11: {  	s14 =	smov.u32 s13;
	s15 =	sshra.s32 @!p0 s13, $0x1F;
	p1 =	por !p1, p0  }
0x12: {  	s13 =	sand.u32 @!p0 s15, s13;
	s14 =	simm.s32 @p1 $0x3CF9  }
0x13: {  	s13 =	ssub.s32 @!p0 s14, s13  }
0x14: {  	s13 =	sadd.s32 @!p0 $0xFFFFC307, s13  }
0x15: {  	s14 =	sshll.u32 @!p0 s13, $0xC  }
0x16: {  	p1 =	sgt.s32 @!p0 s13, $0xF;
	s13 =	ssub.s32 @!p0 $0x10000, s14  }
0x17: {  	s15 =	sadd.s32 $0x200, s11;
	p1 =	por !p1, p0;
	s13 =	sshrl.u32 @!p0 s13, $0x2  }
0x18: {  	s13 =	simm.s32 @!p1 $0x0;
	p1 =	sgt.s32 s15, $0x3D08  }
0x19: {  	s15 =	smov.u32 @p1 s3;
	p1 =	sne.s32 s12, s7  }
.Ltmp1:
0x1a: {  	_ = 	snop;
	(pc) =	sbr.rel @!p1 .LBB1_9-.Ltmp1, $4  }
0x1b: {  	s14 =	simm.s32 @!p0 $0x2  }
0x1c: {  	s9 =	sadd.s32 $0x8000, s9;
	_ =	swait.ge @!p0 [sflag:s14], s13;
	s16 =	ssub.s32 @!p0 $0x0, s13  }
0x1d: {  	s13 =	smov.u32 s10;
	s12 =	sadd.s32 $0x1, s12;
	[sflag:s14] =	ssyncset.done @!p0 $0x0  }
0x1e: {  	s10 =	smov.u32 s11;
	s11 =	smov.u32 s15;
	[sflag:s14] =	ssyncadd.s32 @!p0 s16  }
.LBB1_1:
0x1f: {  	p0 =	sgt.u32 s12, s6  }
0x20: {  	p1 =	sgt.s32 @!p0 s11, $0x3CF9  }
0x21: {  	s14 =	smov.u32 s11;
	s15 =	sshra.s32 @!p0 s11, $0x1F;
	p1 =	por !p1, p0  }
0x22: {  	s15 =	sand.u32 @!p0 s15, s11;
	s14 =	simm.s32 @p1 $0x3CF9  }
0x23: {  	s14 =	ssub.s32 @!p0 s14, s15  }
0x24: {  	s14 =	sadd.s32 @!p0 $0xFFFFC307, s14  }
0x25: {  	s16 =	sshll.u32 @!p0 s11, $0x7;
	s17 =	simm.s32 @!p0 $0x0;
	s15 =	sshll.u32 @!p0 s14, $0xC  }
0x26: {  	p1 =	sgt.s32 @!p0 s14, $0xF;
	s14 =	ssub.s32 @!p0 $0x10000, s15;
	s15 =	sxor.u32 @!p0 $0xFFFFFFFF, s12  }
0x27: {  	p1 =	por !p1, p0;
	s14 =	sshrl.u32 @!p0 s14, $0x2;
	s15 =	sshll.u32 @!p0 s15, $0xE  }
0x28: {  	s16 =	sadd.s32 @!p0 s2, s16;
	s14 =	simm.s32 @!p1 $0x0;
	s15 =	sand.u32 @!p0 $0x4000, s15  }
0x29: {  	[tilespmem:s15], [sflag:$0x1] =	stream.linear.gather @!p0 [hbm4b:s16+s17], s14, $0x38;
	[tilespmem:$0x10000] =	vst v63  }
0x2a: {  	p0 =	seq.s32 s12, $0x0  }
0x2b: {  	p1 =	sge.u32 @!p0 s12, s7  }
0x2c: {  	p0 =	por p0, p1  }
.Ltmp2:
0x2d: {  	_ = 	snop;
	(pc) =	sbr.rel @p0 .LBB1_8-.Ltmp2, $1  }
0x2e: {  	_ =	sdelay $0x3  }
0x2f: {  	p0 =	sgt.s32 s10, $0x3CF9;
	s14 =	smov.u32 s10;
	s15 =	sshra.s32 s10, $0x1F  }
0x30: {  	s14 =	simm.s32 @!p0 $0x3CF9;
	s15 =	sand.u32 s15, s10  }
0x31: {  	s14 =	ssub.s32 s14, s15  }
0x32: {  	s16 =	sadd.s32 $0x10, s10;
	s14 =	sadd.s32 $0xFFFFC307, s14  }
0x33: {  	p1 =	slt.s32 s16, $0x3D09;
	s30 =	sshll.u32 s14, $0xC  }
0x34: {  	s16 =	simm.s32 @!p1 $0x3D09;
	s15 =	ssub.s32 $0x10000, s30  }
0x35: {  	p0 =	sgt.s32 s14, $0xF;
	s14 =	sshrl.u32 s15, $0x2;
	s15 =	ssub.s32 s16, s10  }
0x36: {  	s14 =	simm.s32 @p0 $0x0;
	p0 =	slt.s32 s15, $0x1  }
.Ltmp3:
0x37: {  	_ = 	snop;
	(pc) =	sbr.rel @p0 .LBB1_7-.Ltmp3, $4  }
0x38: {  	_ = 	snop  }
0x39: {  	_ =	swait.ge [sflag:s4], s14  }
0x3a: {  	s31 =	ssub.s32 $0x0, s14;
	[sflag:s4] =	ssyncset.done $0x0  }
0x3b: {  	[sflag:s4] =	ssyncadd.s32 s31  }
0x3c: {  	s16 =	sshrl.u32 s9, $0x1  }
0x3d: {  	s17 =	sand.u32 $0x4000, s16  }
0x3e: {  	s18 =	simm.s32 $0x0;
	s16 =	sor.u32 $0x200, s17;
	s17 =	sor.u32 $0x8080, s17  }
.LBB1_4:
0x3f: {  	v0 =	vld [tilespmem:s16+$0xFFFFFE70]  }
0x40: {  	v1 =	vld [tilespmem:s16+$0x70]  }
0x41: {  	v2 =	vld [tilespmem:s16+$0x0]  }
0x42: {  	v3 =	vld [tilespmem:s16+$0xFFFFFE10]  }
0x43: {  	v4 =	vld [tilespmem:s16+$0x10]  }
0x44: {  	v5 =	vld [tilespmem:s16+$0xFFFFFE20]  }
0x45: {  	v7 =	vld [tilespmem:s16+$0x20]  }
0x46: {  	v11 =	vld [tilespmem:s16+$0x30];
	v6 =	vunpack.i.l.s16.s32 v0;
	v8 =	vunpack.i.u.s16.s32 v0;
	v9 =	vunpack.i.u.s16.s32 v1  }
0x47: {  	v10 =	vunpack.i.l.s16.s32 v1;
	v0 =	vunpack.i.u.s16.s32 v2;
	v1 =	vunpack.i.l.s16.s32 v2;
	v2 =	vld [tilespmem:s16+$0xFFFFFE30]  }
0x48: {  	v8 =	vpack.i.b32.b16 v9, v8;
	v9 =	vunpack.i.u.s16.s32 v3;
	v3 =	vunpack.i.l.s16.s32 v3  }
0x49: {  	v12 =	vld [tilespmem:s16+$0xFFFFFE40];
	v6 =	vpack.i.b32.b16 v10, v6;
	[tilespmem:s17+$0x70] =	vst v8;
	v8 =	vunpack.i.u.s16.s32 v4;
	v4 =	vunpack.i.l.s16.s32 v4  }
0x4a: {  	v13 =	vld [tilespmem:s16+$0x40];
	v10 =	vunpack.i.u.s16.s32 v5;
	v5 =	vunpack.i.l.s16.s32 v5;
	[tilespmem:s17+$0xFFFFFFF0] =	vst v6;
	v3 =	vpack.i.b32.b16 v4, v3  }
0x4b: {  	v6 =	vunpack.i.l.s16.s32 v7;
	v4 =	vld [tilespmem:s16+$0xFFFFFE50];
	[tilespmem:s17+$0xFFFFFF90] =	vst v3;
	v3 =	vpack.i.b32.b16 v8, v9;
	v8 =	vunpack.i.u.s16.s32 v7  }
0x4c: {  	v7 =	vunpack.i.l.s16.s32 v11;
	[tilespmem:s17+$0x10] =	vst v3;
	v3 =	vpack.i.b32.b16 v6, v5;
	v9 =	vunpack.i.u.s16.s32 v2;
	v6 =	vld [tilespmem:s16+$0x50]  }
0x4d: {  	v5 =	vunpack.i.l.s16.s32 v2;
	v2 =	vld [tilespmem:s16+$0xFFFFFE60];
	[tilespmem:s17+$0xFFFFFFA0] =	vst v3;
	v3 =	vpack.i.b32.b16 v8, v10;
	v10 =	vunpack.i.u.s16.s32 v11  }
0x4e: {  	s21 =	simm.s32 $0x0;
	v11 =	vpack.i.b32.b16 v7, v5;
	v7 =	vunpack.i.u.s16.s32 v12;
	v8 =	vunpack.i.l.s16.s32 v12;
	[tilespmem:s17+$0x20] =	vst v3;
	v3 =	vld [tilespmem:s16+$0x60]  }
0x4f: {  	s22 =	sadd.s32 $0x80, s16;
	s20 =	smov.u32 s17;
	s19 =	smov.u32 s17;
	v5 =	vld [tilespmem:s16+$0xFFFFFE00];
	[tilespmem:s17+$0xFFFFFFB0] =	vst v11;
	v10 =	vpack.i.b32.b16 v10, v9;
	v9 =	vunpack.i.u.s16.s32 v13;
	v11 =	vunpack.i.l.s16.s32 v13  }
.LBB1_5:
0x50: {  	v12 =	vld [tilespmem:s22+$0xFFFFFE70];
	[tilespmem:s20+$0x30] =	vst v10;
	v8 =	vpack.i.b32.b16 v11, v8;
	v10 =	vunpack.i.u.s16.s32 v4;
	v4 =	vunpack.i.l.s16.s32 v4  }
0x51: {  	s21 =	sadd.s32 $0x2, s21;
	v7 =	vpack.i.b32.b16 v9, v7;
	v11 =	vld [tilespmem:s22+$0x70];
	[tilespmem:s20+$0xFFFFFFC0] =	vst v8;
	v8 =	vunpack.i.u.s16.s32 v6;
	v6 =	vunpack.i.l.s16.s32 v6  }
0x52: {  	p0 =	slt.u32 s21, $0x6;
	v9 =	vld [tilespmem:s22+$0x0];
	[tilespmem:s20+$0x40] =	vst v7;
	v4 =	vpack.i.b32.b16 v6, v4;
	v6 =	vunpack.i.u.s16.s32 v2;
	v2 =	vunpack.i.l.s16.s32 v2  }
0x53: {  	v7 =	vld [tilespmem:s22+$0xFFFFFE10];
	[tilespmem:s20+$0xFFFFFFD0] =	vst v4;
	v4 =	vpack.i.b32.b16 v8, v10;
	v8 =	vunpack.i.u.s16.s32 v3;
	v3 =	vunpack.i.l.s16.s32 v3  }
0x54: {  	v10 =	vld [tilespmem:s22+$0x10];
	v13 =	vunpack.i.u.s16.s32 v5;
	v5 =	vunpack.i.l.s16.s32 v5;
	[tilespmem:s20+$0x50] =	vst v4;
	v2 =	vpack.i.b32.b16 v3, v2  }
0x55: {  	v3 =	vld [tilespmem:s22+$0xFFFFFE20];
	v4 =	vunpack.i.l.s16.s32 v12;
	v1 =	vpack.i.b32.b16 v1, v5;
	v5 =	vpack.i.b32.b16 v0, v13;
	[tilespmem:s20+$0xFFFFFFE0] =	vst v2  }
0x56: {  	v12 =	vunpack.i.u.s16.s32 v12;
	v2 =	vld [tilespmem:s22+$0x20];
	v13 =	vunpack.i.u.s16.s32 v11;
	v11 =	vunpack.i.l.s16.s32 v11;
	[tilespmem:s20+$0xFFFFFF80] =	vst v1  }
0x57: {  	s20 =	sadd.s32 $0x100, s20;
	v0 =	vunpack.i.u.s16.s32 v9;
	v1 =	vunpack.i.l.s16.s32 v9;
	v9 =	vld [tilespmem:s22+$0xFFFFFE30];
	v12 =	vpack.i.b32.b16 v13, v12;
	[tilespmem:s19+$0x0] =	vst v5  }
0x58: {  	v6 =	vpack.i.b32.b16 v8, v6;
	v5 =	vunpack.i.u.s16.s32 v7;
	v7 =	vunpack.i.l.s16.s32 v7;
	v13 =	vld [tilespmem:s22+$0x30];
	[tilespmem:s20+$0x70] =	vst v12  }
0x59: {  	v4 =	vpack.i.b32.b16 v11, v4;
	v8 =	vunpack.i.u.s16.s32 v10;
	v10 =	vunpack.i.l.s16.s32 v10;
	v12 =	vld [tilespmem:s22+$0xFFFFFE40];
	[tilespmem:s19+$0x60] =	vst v6;
	s19 =	smov.u32 s20  }
0x5a: {  	v6 =	vpack.i.b32.b16 v10, v7;
	v7 =	vunpack.i.u.s16.s32 v3;
	v3 =	vunpack.i.l.s16.s32 v3;
	v11 =	vld [tilespmem:s22+$0x40];
	[tilespmem:s20+$0xFFFFFFF0] =	vst v4  }
.Ltmp4:
0x5b: {  	v5 =	vpack.i.b32.b16 v8, v5;
	[tilespmem:s20+$0xFFFFFF90] =	vst v6;
	v8 =	vunpack.i.u.s16.s32 v2;
	v2 =	vunpack.i.l.s16.s32 v2;
	v4 =	vld [tilespmem:s22+$0xFFFFFE50];
	(pc) =	sbr.rel @p0 .LBB1_5-.Ltmp4, $4  }
0x5c: {  	[tilespmem:s20+$0x10] =	vst v5;
	v2 =	vpack.i.b32.b16 v2, v3;
	v10 =	vunpack.i.u.s16.s32 v9;
	v3 =	vunpack.i.l.s16.s32 v9;
	v6 =	vld [tilespmem:s22+$0x50]  }
0x5d: {  	v5 =	vpack.i.b32.b16 v8, v7;
	[tilespmem:s20+$0xFFFFFFA0] =	vst v2;
	v9 =	vunpack.i.u.s16.s32 v13;
	v7 =	vunpack.i.l.s16.s32 v13;
	v2 =	vld [tilespmem:s22+$0xFFFFFE60]  }
0x5e: {  	[tilespmem:s20+$0x20] =	vst v5;
	v13 =	vpack.i.b32.b16 v7, v3;
	v7 =	vunpack.i.u.s16.s32 v12;
	v8 =	vunpack.i.l.s16.s32 v12;
	v3 =	vld [tilespmem:s22+$0x60]  }
0x5f: {  	v10 =	vpack.i.b32.b16 v9, v10;
	v5 =	vld [tilespmem:s22+$0xFFFFFE00];
	[tilespmem:s20+$0xFFFFFFB0] =	vst v13;
	v9 =	vunpack.i.u.s16.s32 v11;
	v11 =	vunpack.i.l.s16.s32 v11;
	s22 =	sadd.s32 $0x80, s22  }
0x60: {  	[tilespmem:s20+$0x30] =	vst v10;
	v8 =	vpack.i.b32.b16 v11, v8  }
0x61: {  	v51 =	vunpack.i.l.s16.s32 v4;
	v7 =	vpack.i.b32.b16 v9, v7;
	[tilespmem:s20+$0xFFFFFFC0] =	vst v8;
	v52 =	vunpack.i.l.s16.s32 v6  }
0x62: {  	v53 =	vunpack.i.u.s16.s32 v4;
	s18 =	sadd.s32 $0x1, s18;
	v54 =	vunpack.i.u.s16.s32 v6;
	[tilespmem:s20+$0x40] =	vst v7;
	v55 =	vpack.i.b32.b16 v52, v51  }
0x63: {  	p0 =	sne.s32 s18, s15;
	v56 =	vunpack.i.l.s16.s32 v2;
	v4 =	vpack.i.b32.b16 v54, v53;
	[tilespmem:s20+$0xFFFFFFD0] =	vst v55;
	v57 =	vunpack.i.l.s16.s32 v3  }
.Ltmp5:
0x64: {  	[tilespmem:s20+$0x50] =	vst v4;
	v58 =	vunpack.i.l.s16.s32 v5;
	v59 =	vpack.i.b32.b16 v57, v56;
	(pc) =	sbr.rel @p0 .LBB1_4-.Ltmp5, $4  }
.Ltmp6:
0x65: {  	v61 =	vunpack.i.u.s16.s32 v2;
	v62 =	vunpack.i.u.s16.s32 v3;
	v1 =	vpack.i.b32.b16 v1, v58;
	[tilespmem:s20+$0xFFFFFFE0] =	vst v59;
	(pc) =	sbr.rel @!p0 .LBB1_7-.Ltmp6, $4  }
0x66: {  	v60 =	vunpack.i.u.s16.s32 v5;
	v63 =	vpack.i.b32.b16 v62, v61;
	[tilespmem:s20+$0xFFFFFF80] =	vst v1  }
0x67: {  	v0 =	vpack.i.b32.b16 v0, v60;
	[tilespmem:s19+$0x60] =	vst v63  }
0x68: {  	s16 =	sadd.s32 $0x400, s16;
	s17 =	sadd.s32 $0x400, s17;
	[tilespmem:s19+$0x0] =	vst v0  }
0x69: {  	_ = 	snop  }
.LBB1_9:
0x6a: {  	_ =	sfence.sel $0x180000  }
0x6b: {  	s2 =	simm.s32 $0x1;
	[bflag:$0x0] =	sbarrier.arrive $0xFFFF  }
0x6c: {  	s31 =	simm.s32 $0x2;
	[sflag:s2] =	ssyncpa.u1 $0x1  }
0x6d: {  	[sflag:s31] =	ssyncpa.u1 $0x1  }
0x6e: {  	p0 =	sne.s32 s1, $0x0;
	_ =	strace $0x9000004A  }
0x6f: {  	s0 =	sadd.s32 @!p0 $0x100000, s0;
	[bflag:$0x2] =	sbarrier.arrive $0xFFFF  }
0x70: {  	[sflag:s0] =	ssyncadd.tile.s32 @!p0 $0x1;
	_ =	shalt  }
.Lfunc_end1:
_tile_overlayer_lowered:
.L_overlay_start_2:
0x71: {  	(tag) =	ssettag $0x2  }
0x72: {  	s0 =	rddreg [dreg:$0x0];
	s2 =	stileid.u32  }
0x73: {  	s1 =	rddreg [dreg:$0x1];
	p0 =	sne.s32 s2, $0x0  }
0x74: {  	s3 =	rddreg [dreg:$0x2];
	[bflag:$0x3] =	sbarrier.arrive $0xFFFF;
	s2 =	simm.s32 @!p0 $0x1C01  }
0x75: {  	[timem:s3], [sflag:s2] =	dma.local @!p0 [hbm:s0], s1  }
0x76: {  	s0 =	simm.s32 @!p0 $0x1  }
0x77: {  	_ =	swait.ge @!p0 [sflag:s0], s1  }
0x78: {  	s1 =	ssub.s32 @!p0 $0x0, s1;
	[sflag:s0] =	ssyncset.done @!p0 $0x0  }
0x79: {  	[sflag:s0] =	ssyncadd.s32 @!p0 s1  }
0x7a: {  	[bflag:$0x3] =	sbarrier.arrive $0xFFFF  }
0x7b: {  	_ =	shalt  }

</sc_bundles>
